<compile_context>
chip_gen: v7x
topology: tpu7x:2x2x1
jax: 0.10.2.dev20260603
libtpu: 0.0.44.dev20260713+nightly
codegen_flags: <defaults>
</compile_context>

<pallas_src>
import functools

import jax
import jax.numpy as jnp
from jax import lax
from jax.experimental import pallas as pl
from jax.experimental.pallas import tpu as pltpu
from jax.experimental.pallas import tpu_sc as plsc

N = 10000
NPAD = 10240
NROW = 10240
E = 160000
EPAD = 163840
ER = EPAD // 128
EW = EPAD // 32
LR = EW // 128
PER = EPAD // 16
PLR = PER // 128
ZR = 10240 // 16
F = 256
V = 512
B = 16
NB = 10
BN = N // NB
f32 = jnp.float32
i32 = jnp.int32


def _mesh():
    return plsc.VectorSubcoreMesh(core_axis_name="c", subcore_axis_name="s")



def _tc_seg(x, xb3):
    def body(x_ref, b_ref, ssum_ref, scnt_ref):
        i = pl.program_id(0)
        ids = b_ref[0, 0, :]
        oh = (ids[:, None] == lax.broadcasted_iota(i32, (BN, B), 1)).astype(f32)
        ps = lax.dot_general(oh, x_ref[...], (((0,), (0,)), ((), ())))
        pc = jnp.broadcast_to(jnp.sum(oh, axis=0)[:, None], (B, F))

        @pl.when(i == 0)
        def _():
            ssum_ref[...] = ps
            scnt_ref[...] = pc

        @pl.when(i > 0)
        def _():
            ssum_ref[...] = ssum_ref[...] + ps
            scnt_ref[...] = scnt_ref[...] + pc

    return pl.pallas_call(
        body,
        grid=(NB,),
        in_specs=[pl.BlockSpec((BN, F), lambda i: (i, 0)),
                  pl.BlockSpec((1, 1, BN), lambda i: (i, 0, 0))],
        out_specs=[pl.BlockSpec((B, F), lambda i: (0, 0)),
                   pl.BlockSpec((B, F), lambda i: (0, 0))],
        out_shape=[jax.ShapeDtypeStruct((B, F), f32)] * 2,
    )(x, xb3)


def _tc_small(ssum, scnt, wctx3, emb, wz, bz2):
    def body(ss_ref, sc_ref, wc_ref, emb_ref, wz_ref, bz_ref, zt_ref, ctx_ref):
        mean = ss_ref[...] / jnp.maximum(sc_ref[...], 1.0)
        for l in range(3):
            ctx_ref[l] = jnp.dot(mean, wc_ref[l])
        zt_ref[...] = jnp.dot(emb_ref[...], wz_ref[...]) + bz_ref[...]

    return pl.pallas_call(
        body,
        out_shape=[jax.ShapeDtypeStruct((V, V), f32),
                   jax.ShapeDtypeStruct((3, B, F), f32)],
    )(ssum, scnt, wctx3, emb, wz, bz2)


def _tc_p(yh, wre):
    def body(y_ref, w_ref, out_ref, hs_ref):
        yfull = jnp.concatenate([y_ref[0], y_ref[1]], axis=-1)
        r = jnp.dot(yfull, w_ref[0])
        for t in range(5):
            out_ref[0, :, t, :] = r[:, t * 128:(t + 1) * 128]
        hs_ref[0] = r[:, :128]

    return pl.pallas_call(
        body,
        grid=(2, NB),
        in_specs=[pl.BlockSpec((2, BN, 128), lambda c, i: (0, i, 0)),
                  pl.BlockSpec((1, F, 640), lambda c, i: (c, 0, 0))],
        out_specs=[pl.BlockSpec((1, BN, 5, 128), lambda c, i: (c, i, 0, 0)),
                   pl.BlockSpec((1, BN, 128), lambda c, i: (c, i, 0))],
        out_shape=[jax.ShapeDtypeStruct((2, N, 5, 128), f32),
                   jax.ShapeDtypeStruct((2, N, 128), f32)],
    )(yh, wre)


def _tc_comb(hs, aggh, deg, yb3, ctx, ag2, final):
    def body(p_ref, a_ref, d_ref, b_ref, ctx_ref, ag_ref, y_ref, al_ref):
        dc = jnp.maximum(d_ref[0, :, :1] + d_ref[1, :, :1], 1.0)
        s0 = p_ref[0] + a_ref[0] / dc
        s1 = p_ref[1] + a_ref[1] / dc
        ids = b_ref[0, 0, :]
        oh = (ids[:, None] == lax.broadcasted_iota(i32, (BN, B), 1)).astype(f32)
        cy = jnp.dot(oh, ctx_ref[...])
        cy0 = cy[:, :128]
        cy1 = cy[:, 128:]
        ag = ag_ref[0]
        g = (lax.dot_general(s0 + cy0, ag[:128], (((1,), (0,)), ((), ()))) +
             lax.dot_general(s1 + cy1, ag[128:], (((1,), (0,)), ((), ()))))
        alpha = jax.nn.sigmoid(g)
        o0 = jax.nn.relu(s0 + alpha[:, None] * cy0)
        o1 = jax.nn.relu(s1 + alpha[:, None] * cy1)
        if final:
            y_ref[:, :128] = o0
            y_ref[:, 128:] = o1
        else:
            y_ref[0] = o0
            y_ref[1] = o1
        al_ref[0, 0, :] = alpha

    if final:
        y_spec = pl.BlockSpec((BN, F), lambda i: (i, 0))
        y_shape = jax.ShapeDtypeStruct((N, F), f32)
    else:
        y_spec = pl.BlockSpec((2, BN, 128), lambda i: (0, i, 0))
        y_shape = jax.ShapeDtypeStruct((2, N, 128), f32)
    return pl.pallas_call(
        body,
        grid=(NB,),
        in_specs=[pl.BlockSpec((2, BN, 128), lambda i: (0, i, 0)),
                  pl.BlockSpec((2, BN, 128), lambda i: (0, i, 0)),
                  pl.BlockSpec((2, BN, 128), lambda i: (0, i, 0)),
                  pl.BlockSpec((1, 1, BN), lambda i: (i, 0, 0)),
                  pl.BlockSpec((B, F), lambda i: (0, 0)),
                  pl.BlockSpec((1, F), lambda i: (0, 0))],
        out_specs=[y_spec, pl.BlockSpec((1, 1, BN), lambda i: (i, 0, 0))],
        out_shape=[y_shape, jax.ShapeDtypeStruct((NB, 1, BN), f32)],
    )(hs, aggh, deg, yb3, ctx, ag2)


def _tc_out(y, wz, bz2, wgcat, bg128):
    def body(y_ref, wz_ref, bz_ref, wg_ref, bg_ref, ys_ref, yt_ref):
        yb = y_ref[...]
        ys_ref[...] = jnp.dot(yb, wz_ref[...]) + bz_ref[...]
        yt_ref[...] = jnp.dot(yb, wg_ref[...]) + bg_ref[...]

    return pl.pallas_call(
        body,
        grid=(NB,),
        in_specs=[pl.BlockSpec((BN, F), lambda i: (i, 0)),
                  pl.BlockSpec((F, V), lambda i: (0, 0)),
                  pl.BlockSpec((1, V), lambda i: (0, 0)),
                  pl.BlockSpec((F, 128), lambda i: (0, 0)),
                  pl.BlockSpec((1, 128), lambda i: (0, 0))],
        out_specs=[pl.BlockSpec((BN, V), lambda i: (i, 0)),
                   pl.BlockSpec((BN, 128), lambda i: (i, 0))],
        out_shape=[jax.ShapeDtypeStruct((N, V), f32),
                   jax.ShapeDtypeStruct((N, 128), f32)],
    )(y, wz, bz2, wgcat, bg128)



def _tc_gidx(src2d, typ2d, dst2d):
    def body(s_ref, t_ref, d_ref, g_ref, dc_ref):
        g2 = s_ref[...] * 5 + t_ref[...] + 1
        g_ref[0] = g2
        g_ref[1] = g2 + 5 * N
        dc_ref[...] = jnp.minimum(d_ref[...], N - 1)

    return pl.pallas_call(
        body,
        out_shape=[jax.ShapeDtypeStruct((2, ER, 128), i32),
                   jax.ShapeDtypeStruct((ER, 128), i32)],
    )(src2d, typ2d, dst2d)



def _sc_y0(emb2, typad):
    per = NPAD // 16

    @functools.partial(
        pl.kernel,
        out_type=jax.ShapeDtypeStruct((2, NPAD, 128), f32),
        mesh=_mesh(),
        scratch_types=[pltpu.VMEM((per,), i32),
                       pltpu.VMEM((per,), i32),
                       pltpu.VMEM((per, 128), f32),
                       pltpu.SemaphoreType.DMA])
    def k(emb_hbm, ty_hbm, out_hbm, tyv, idxv, rows, sem):
        c = lax.axis_index("c")
        s = lax.axis_index("s")
        base = s * per
        pltpu.sync_copy(ty_hbm.at[pl.ds(base, per)], tyv)

        def gb(i, _):
            v = tyv[pl.ds(i * 16, 16)]
            idxv[pl.ds(i * 16, 16)] = v * 2 + c
            return 0

        lax.fori_loop(0, per // 16, gb, 0)
        pltpu.async_copy(emb_hbm.at[idxv], rows, sem).wait()
        pltpu.sync_copy(rows, out_hbm.at[c, pl.ds(base, per)])

    return k(emb2, typad)


def _sc_embeds(zt, ty):
    @functools.partial(
        pl.kernel,
        out_type=jax.ShapeDtypeStruct((N, V), f32),
        mesh=_mesh(),
        scratch_types=[pltpu.VMEM((320,), i32),
                       pltpu.VMEM((160, V), f32),
                       pltpu.SemaphoreType.DMA])
    def k(zt_hbm, ty_hbm, out_hbm, tyv, rows, sem):
        c = lax.axis_index("c")
        s = lax.axis_index("s")
        wid = s * 2 + c
        base = wid * 320

        @pl.when(wid < 31)
        def _():
            pltpu.sync_copy(ty_hbm.at[pl.ds(base, 320)], tyv)
            for j in range(2):
                pltpu.async_copy(zt_hbm.at[tyv.at[pl.ds(j * 160, 160)]],
                                 rows, sem).wait()
                pltpu.sync_copy(rows, out_hbm.at[pl.ds(base + j * 160, 160)])

        @pl.when(wid == 31)
        def _():
            pltpu.sync_copy(ty_hbm.at[pl.ds(base, 80)], tyv.at[pl.ds(0, 80)])
            pltpu.async_copy(zt_hbm.at[tyv.at[pl.ds(0, 80)]],
                             rows.at[pl.ds(0, 80)], sem).wait()
            pltpu.sync_copy(rows.at[pl.ds(0, 80)], out_hbm.at[pl.ds(base, 80)])

    return k(zt, ty)


def _sc_deg(dst2d, ones128, zeros640):
    @functools.partial(
        pl.kernel,
        out_type=jax.ShapeDtypeStruct((2, NROW, 128), f32),
        mesh=_mesh(),
        scratch_types=[pltpu.VMEM((LR, 128), i32),
                       pltpu.VMEM((128, 128), f32),
                       pltpu.VMEM_SHARED((NROW, 128), f32),
                       pltpu.SemaphoreType.DMA])
    def k(d_hbm, ones_hbm, z_hbm, deg_hbm, dstv, onesv, deg_s, sem):
        c = lax.axis_index("c")
        s = lax.axis_index("s")
        wid = s * 2 + c
        pltpu.sync_copy(d_hbm.at[pl.ds(wid * LR, LR)], dstv)
        pltpu.sync_copy(ones_hbm, onesv)
        pltpu.sync_copy(z_hbm, deg_s.at[pl.ds(s * ZR, ZR)])
        plsc.subcore_barrier()

        def db(j, _):
            pltpu.sync_copy(onesv, deg_s.at[dstv.at[j]], add=True)
            return 0

        lax.fori_loop(0, LR, db, 0)
        plsc.subcore_barrier()
        pltpu.sync_copy(deg_s.at[pl.ds(s * ZR, ZR)],
                        deg_hbm.at[c, pl.ds(s * ZR, ZR)])

    return k(dst2d, ones128, zeros640)


def _sc_agg(pflat, gcs, dst2d, zeros640):
    G = 8
    K = 2
    NG = PLR // G

    @functools.partial(
        pl.kernel,
        out_type=jax.ShapeDtypeStruct((2, NROW, 128), f32),
        mesh=_mesh(),
        scratch_types=[pltpu.VMEM((G, 128), i32),
                       pltpu.VMEM((G, 128), i32),
                       pltpu.VMEM((K * 128, 128), f32),
                       pltpu.VMEM_SHARED((NROW, 128), f32),
                       pltpu.SemaphoreType.DMA])
    def k(p_hbm, g_hbm, d_hbm, z_hbm, out_hbm, gvb, dvb, rows, agg_s, sem):
        c = lax.axis_index("c")
        s = lax.axis_index("s")
        pltpu.sync_copy(z_hbm, agg_s.at[pl.ds(s * ZR, ZR)])
        plsc.subcore_barrier()

        def group(g, _):
            base = s * PLR + g * G
            pltpu.sync_copy(g_hbm.at[c, pl.ds(base, G)], gvb)
            pltpu.sync_copy(d_hbm.at[pl.ds(base, G)], dvb)
            for k0 in range(K):
                pltpu.async_copy(p_hbm.at[gvb.at[k0]],
                                 rows.at[pl.ds(k0 * 128, 128)], sem)
            for j in range(G):
                b = (j % K) * 128
                pltpu.make_async_copy(p_hbm.at[gvb.at[j]],
                                      rows.at[pl.ds(b, 128)], sem).wait()
                pltpu.sync_copy(rows.at[pl.ds(b, 128)],
                                agg_s.at[dvb.at[j]], add=True)
                if j + K < G:
                    pltpu.async_copy(p_hbm.at[gvb.at[j + K]],
                                     rows.at[pl.ds(b, 128)], sem)
            return 0

        lax.fori_loop(0, NG, group, 0)
        plsc.subcore_barrier()
        pltpu.sync_copy(agg_s.at[pl.ds(s * ZR, ZR)],
                        out_hbm.at[c, pl.ds(s * ZR, ZR)])

    return k(pflat, gcs, dst2d, zeros640)


def _sc_edge(ytab, ilist):
    K = 3

    @functools.partial(
        pl.kernel,
        out_type=jax.ShapeDtypeStruct((EPAD, 16), f32),
        mesh=_mesh(),
        scratch_types=[pltpu.VMEM((LR * 256,), i32),
                       pltpu.VMEM((K * 256, 128), f32),
                       pltpu.VMEM((128, 16), f32),
                       pltpu.SemaphoreType.DMA])
    def k(yt_hbm, i_hbm, out_hbm, iv, rows, outv, sem):
        c = lax.axis_index("c")
        s = lax.axis_index("s")
        wid = s * 2 + c
        pltpu.sync_copy(i_hbm.at[pl.ds(wid * LR * 256, LR * 256)], iv)
        for k0 in range(K):
            pltpu.async_copy(yt_hbm.at[iv.at[pl.ds(k0 * 256, 256)]],
                             rows.at[pl.ds(k0 * 256, 256)], sem)

        def ch(j, _):
            b = (j % K) * 256
            pltpu.make_async_copy(yt_hbm.at[iv.at[pl.ds(j * 256, 256)]],
                                  rows.at[pl.ds(b, 256)], sem).wait()

            def ab(r, _):
                outv[r, :] = (rows[b + r, pl.ds(0, 16)] +
                              rows[b + 128 + r, pl.ds(16, 16)])
                return 0

            lax.fori_loop(0, 128, ab, 0)

            @pl.when(j + K < LR)
            def _():
                pltpu.async_copy(yt_hbm.at[iv.at[pl.ds((j + K) * 256, 256)]],
                                 rows.at[pl.ds(b, 256)], sem)

            pltpu.sync_copy(outv, out_hbm.at[pl.ds(wid * EW + j * 128, 128)])
            return 0

        lax.fori_loop(0, LR, ch, 0)

    return k(ytab, ilist)



def _wcat(w_self, w_msg):
    wc = jnp.concatenate([w_self[None], w_msg], axis=0)
    wre = wc.reshape(5, F, 2, 128)
    wre = jnp.transpose(wre, (2, 1, 0, 3))
    return wre.reshape(2, F, 640)


def kernel(x, x_batch, tgt_y, tgt_edge_index, tgt_edge_type, tgt_y_batch,
           embed_table,
           gcn1_W_self, gcn1_W_msg, gcn1_W_ctx, gcn1_a_gate,
           gcn2_W_self, gcn2_W_msg, gcn2_W_ctx, gcn2_a_gate,
           gcn3_W_self, gcn3_W_msg, gcn3_W_ctx, gcn3_a_gate,
           lin_z_W, lin_z_b, lin_g_W, lin_g_b):
    src = tgt_edge_index[0].astype(i32)
    dst = tgt_edge_index[1].astype(i32)
    src2d = jnp.pad(src, (0, EPAD - E)).reshape(ER, 128)
    dst2d = jnp.pad(dst, (0, EPAD - E), constant_values=N).reshape(ER, 128)
    typ2d = jnp.pad(tgt_edge_type.astype(i32), (0, EPAD - E)).reshape(ER, 128)
    ty = tgt_y.astype(i32)
    typad = jnp.pad(ty, (0, NPAD - N))
    xb3 = x_batch.astype(i32).reshape(NB, 1, BN)
    yb3 = tgt_y_batch.astype(i32).reshape(NB, 1, BN)
    emb2 = embed_table.reshape(2 * V, 128)
    wctx3 = jnp.stack([gcn1_W_ctx, gcn2_W_ctx, gcn3_W_ctx])
    wre = [_wcat(gcn1_W_self, gcn1_W_msg), _wcat(gcn2_W_self, gcn2_W_msg),
           _wcat(gcn3_W_self, gcn3_W_msg)]
    ag2 = [gcn1_a_gate.reshape(1, F), gcn2_a_gate.reshape(1, F),
           gcn3_a_gate.reshape(1, F)]
    bz2 = lin_z_b.reshape(1, V)
    wgcat = jnp.concatenate(
        [lin_g_W[:F], jnp.zeros((F, 11), f32),
         lin_g_W[F:], jnp.zeros((F, 107), f32)], axis=1)
    bg128 = jnp.pad(lin_g_b, (0, 128 - 5)).reshape(1, 128)
    ones128 = jnp.ones((128, 128), f32)
    zeros640 = jnp.zeros((ZR, 128), f32)

    ssum, scnt = _tc_seg(x, xb3)
    zt, ctxs = _tc_small(ssum, scnt, wctx3, embed_table, lin_z_W, bz2)
    embeds = _sc_embeds(zt, ty)
    y0h = _sc_y0(emb2, typad)
    gcs, dstc = _tc_gidx(src2d, typ2d, dst2d)
    deg = _sc_deg(dst2d, ones128, zeros640)

    yh = y0h
    alphas = []
    for l in range(3):
        p, hs = _tc_p(yh, wre[l])
        aggh = _sc_agg(p.reshape(10 * N, 128), gcs, dst2d, zeros640)
        final = l == 2
        yh, al = _tc_comb(hs, aggh, deg, yb3, ctxs[l], ag2[l], final)
        alphas.append(al.reshape(N))
    y = yh

    y_score, ytab = _tc_out(y, lin_z_W, bz2, wgcat, bg128)
    ilist = jnp.concatenate([src2d[:, None, :], dstc[:, None, :]],
                            axis=1).reshape(ER * 256)
    esum = _sc_edge(ytab, ilist)
    y_edge = esum[:E, :5]

    return (y, tgt_edge_index, tgt_edge_type, y_score, y_edge, embeds,
            alphas[0], alphas[1], alphas[2])

# --- scband reference (transcript-rebuilt; emitter-appended) ---
"""Pipeline reference for scband-decoder-single-eval-42992622633757 (READ-ONLY COPY).

The authoritative reference and input builder live on the scoring server;
editing this copy changes nothing except your own understanding.
"""

import jax, jax.numpy as jnp
import numpy as np

N_X = 10000
N_Y = 10000
E = 160000
F_SIZE = 256
H_SIZE = 256
EMB_SIZE = 256
VOCAB_SIZE = 512
BATCH = 16
NUM_SLT_EDGE_TYPES = 4
NUM_SRT_EDGE_TYPES = 5


def _glorot(key, shape):
    fan_in = shape[-2] if len(shape) >= 2 else shape[0]
    return jax.random.normal(key, shape, dtype=jnp.float32) / np.sqrt(fan_in)


def setup_inputs(seed: int = 0):
    key = jax.random.key(seed)
    ks = jax.random.split(key, 24)
    inp = {}
    inp['x'] = jax.random.normal(ks[0], (N_X, F_SIZE), dtype=jnp.float32)
    inp['x_batch'] = jnp.sort(jax.random.randint(ks[1], (N_X,), 0, BATCH))
    inp['tgt_y'] = jax.random.randint(ks[2], (N_Y,), 0, VOCAB_SIZE)
    inp['tgt_edge_index'] = jax.random.randint(ks[3], (2, E), 0, N_Y)
    inp['tgt_edge_type'] = jax.random.randint(ks[4], (E,), 0, NUM_SLT_EDGE_TYPES)
    inp['tgt_y_batch'] = jnp.sort(jax.random.randint(ks[5], (N_Y,), 0, BATCH))
    inp['embed_table'] = _glorot(ks[6], (VOCAB_SIZE, EMB_SIZE))
    dims = [(EMB_SIZE, H_SIZE), (H_SIZE, H_SIZE), (H_SIZE, EMB_SIZE)]
    for li in range(3):
        din, dout = dims[li]
        base = 7 + 4 * li
        inp['gcn%d_W_self' % (li + 1)] = _glorot(ks[base + 0], (din, dout))
        inp['gcn%d_W_msg' % (li + 1)] = _glorot(ks[base + 1], (NUM_SLT_EDGE_TYPES, din, dout))
        inp['gcn%d_W_ctx' % (li + 1)] = _glorot(ks[base + 2], (F_SIZE, dout))
        inp['gcn%d_a_gate' % (li + 1)] = jax.random.normal(ks[base + 3], (dout,), dtype=jnp.float32) / np.sqrt(dout)
    inp['lin_z_W'] = _glorot(ks[19], (EMB_SIZE, VOCAB_SIZE))
    inp['lin_z_b'] = jnp.zeros((VOCAB_SIZE,), dtype=jnp.float32)
    inp['lin_g_W'] = _glorot(ks[20], (2 * EMB_SIZE, NUM_SRT_EDGE_TYPES))
    inp['lin_g_b'] = jnp.zeros((NUM_SRT_EDGE_TYPES,), dtype=jnp.float32)
    return inp


def _gcn_dec_layer(x, y, edge_index, edge_type, x_batch, y_batch, W_self, W_msg, W_ctx, a_gate):
    # decoder GCN layer: edge-type-conditioned message passing over the SLT graph
    # plus gated context attention over the encoder node features x (per batch element)
    h_self = y @ W_self
    msg_all = jnp.einsum('ni,tio->tno', y, W_msg)  # [T, N_Y, dout]
    src = edge_index[0]
    dst = edge_index[1]
    m = msg_all[edge_type, src]  # [E, dout]
    agg = jnp.zeros((y.shape[0], W_self.shape[1]), dtype=y.dtype).at[dst].add(m)
    deg = jnp.zeros((y.shape[0],), dtype=y.dtype).at[dst].add(1.0)
    agg = agg / jnp.clip(deg, 1.0)[:, None]
    ctx_sum = jax.ops.segment_sum(x, x_batch, num_segments=BATCH)
    ctx_cnt = jax.ops.segment_sum(jnp.ones((x.shape[0],), dtype=x.dtype), x_batch, num_segments=BATCH)
    ctx = (ctx_sum / jnp.clip(ctx_cnt, 1.0)[:, None]) @ W_ctx  # [BATCH, dout]
    ctx_y = ctx[y_batch]  # [N_Y, dout]
    alpha = jax.nn.sigmoid((h_self + agg + ctx_y) @ a_gate)  # [N_Y] attention/gate values
    out = jax.nn.relu(h_self + agg + alpha[:, None] * ctx_y)
    return out, alpha


def reference(x, x_batch, tgt_y, tgt_edge_index, tgt_edge_type, tgt_y_batch,
              embed_table,
              gcn1_W_self, gcn1_W_msg, gcn1_W_ctx, gcn1_a_gate,
              gcn2_W_self, gcn2_W_msg, gcn2_W_ctx, gcn2_a_gate,
              gcn3_W_self, gcn3_W_msg, gcn3_W_ctx, gcn3_a_gate,
              lin_z_W, lin_z_b, lin_g_W, lin_g_b):
    # training-branch forward of DecoderSingleEval
    y = embed_table[tgt_y]                      # self.embeds(tgt_y)
    embeds = y @ lin_z_W + lin_z_b              # self.lin_z_out(y)
    y, gcn1_alpha = _gcn_dec_layer(x, y, tgt_edge_index, tgt_edge_type, x_batch, tgt_y_batch,
                                   gcn1_W_self, gcn1_W_msg, gcn1_W_ctx, gcn1_a_gate)
    y, gcn2_alpha = _gcn_dec_layer(x, y, tgt_edge_index, tgt_edge_type, x_batch, tgt_y_batch,
                                   gcn2_W_self, gcn2_W_msg, gcn2_W_ctx, gcn2_a_gate)
    y, gcn3_alpha = _gcn_dec_layer(x, y, tgt_edge_index, tgt_edge_type, x_batch, tgt_y_batch,
                                   gcn3_W_self, gcn3_W_msg, gcn3_W_ctx, gcn3_a_gate)
    y_score = y @ lin_z_W + lin_z_b
    edge_feat = y[tgt_edge_index]               # [2, E, EMB]
    edge_feat = jnp.transpose(edge_feat, (1, 0, 2)).reshape(tgt_edge_index.shape[1], 2 * EMB_SIZE)
    y_edge_rel_score = edge_feat @ lin_g_W + lin_g_b
    return (y, tgt_edge_index, tgt_edge_type, y_score, y_edge_rel_score, embeds,
            gcn1_alpha, gcn2_alpha, gcn3_alpha)

if __name__ == "__main__":
    import jax
    _d = setup_inputs()
    print(jax.jit(kernel)(*tuple(_d.values())))

</pallas_src>

<mosaic_0001>
#map = affine_map<(d0, d1) -> (0, 0)>
#map1 = affine_map<(d0, d1) -> (0, 0, 0)>
module attributes {stable_mosaic.version = 14 : i64} {
  func.func @k(%arg0: i32, %arg1: i32, %arg2: memref<100000x128xf32, #tpu.memory_space<hbm>>, %arg3: memref<2x1280x128xi32, #tpu.memory_space<hbm>>, %arg4: memref<1280x128xi32, #tpu.memory_space<hbm>>, %arg5: memref<640x128xf32, #tpu.memory_space<hbm>>, %arg6: memref<2x10240x128xf32, #tpu.memory_space<hbm>>, %arg7: memref<8x128xi32, #tpu.memory_space<vmem>>, %arg8: memref<8x128xi32, #tpu.memory_space<vmem>>, %arg9: memref<256x128xf32, #tpu.memory_space<vmem>>, %arg10: memref<10240x128xf32, #tpu.memory_space<vmem_shared>>, %arg11: memref<!tpu.dma_semaphore, #tpu.memory_space<semaphore_mem>>) attributes {dimension_semantics = [#tpu.dimension_semantics<core_parallel>, #tpu.dimension_semantics<subcore_parallel>], iteration_bounds = array<i64: 2, 16>, scalar_prefetch = 0 : i64, scratch_operands = 5 : i64, tpu.core_type = #tpu.core_type<sc_vector_subcore>, window_params = [{transform_indices = #map}, {transform_indices = #map1}, {transform_indices = #map}, {transform_indices = #map}, {transform_indices = #map1}]} {
    %mul3A = arith.constant 640 : i32
    %mul3A_0 = arith.muli %arg1, %mul3A : i32
    "tpu.region"() ({
      %run_scoped3A = tpu.sem_alloc : memref<!tpu.dma_semaphore, #tpu.memory_space<semaphore_mem>>
      %dma_start3A = arith.constant 0 : i32
      %dma_start3A_12 = tpu.memref_slice %arg10[%mul3A_0, %dma_start3A] : memref<10240x128xf32, #tpu.memory_space<vmem_shared>> -> memref<640x128xf32, #tpu.memory_space<vmem_shared>>
      tpu.enqueue_dma source(%arg5 : memref<640x128xf32, #tpu.memory_space<hbm>>) target(%dma_start3A_12 : memref<640x128xf32, #tpu.memory_space<vmem_shared>>) target_semaphore(%run_scoped3A : memref<!tpu.dma_semaphore, #tpu.memory_space<semaphore_mem>>)
      %dma_wait3A = arith.constant 0 : i32
      %dma_wait3A_13 = tpu.memref_slice %arg10[%mul3A_0, %dma_wait3A] : memref<10240x128xf32, #tpu.memory_space<vmem_shared>> -> memref<640x128xf32, #tpu.memory_space<vmem_shared>>
      tpu.wait_dma2 semaphore(%run_scoped3A : memref<!tpu.dma_semaphore, #tpu.memory_space<semaphore_mem>>) src(%arg5 : memref<640x128xf32, #tpu.memory_space<hbm>>) dst(%dma_wait3A_13 : memref<640x128xf32, #tpu.memory_space<vmem_shared>>)
      tpu.yield
    }) : () -> ()
    %barrier3A = arith.constant 0 : index
    tpu.barrier barrier_id(%barrier3A)
    %scan3A = arith.constant 0 : i32
    %scan3A_1 = arith.constant 0 : i32
    %scan3A_2 = arith.constant 10 : i32
    %scan3A_3 = arith.addi %scan3A_1, %scan3A_2 : i32
    %scan3A_4 = arith.constant 1 : i32
    %scan3A_5 = scf.for %scan3A_12 = %scan3A_1 to %scan3A_3 step %scan3A_4 iter_args(%scan3A_13 = %scan3A) -> (i32)  : i32 {
      %mul3A_14 = arith.constant 80 : i32
      %mul3A_15 = arith.muli %arg1, %mul3A_14 : i32
      %mul3A_16 = arith.constant 8 : i32
      %mul3A_17 = arith.muli %scan3A_12, %mul3A_16 : i32
      %add3A = arith.addi %mul3A_15, %mul3A_17 : i32
      "tpu.region"() ({
        %run_scoped3A_184 = tpu.sem_alloc : memref<!tpu.dma_semaphore, #tpu.memory_space<semaphore_mem>>
        %dma_start3A_185 = arith.constant 0 : i32
        %dma_start3A_186 = tpu.memref_slice %arg3[%arg0, %add3A, %dma_start3A_185] : memref<2x1280x128xi32, #tpu.memory_space<hbm>> -> memref<1x8x128xi32, #tpu.memory_space<hbm>>
        %dma_start3A_187 = tpu.memref_squeeze %dma_start3A_186 : memref<1x8x128xi32, #tpu.memory_space<hbm>> -> memref<8x128xi32, #tpu.memory_space<hbm>>
        %dma_start3A_188 = arith.constant 0 : i32
        %dma_start3A_189 = tpu.memref_slice %arg3[%arg0, %add3A, %dma_start3A_188] : memref<2x1280x128xi32, #tpu.memory_space<hbm>> -> memref<1x8x128xi32, #tpu.memory_space<hbm>>
        %dma_start3A_190 = tpu.memref_squeeze %dma_start3A_189 : memref<1x8x128xi32, #tpu.memory_space<hbm>> -> memref<8x128xi32, #tpu.memory_space<hbm>>
        tpu.enqueue_dma source(%dma_start3A_190 : memref<8x128xi32, #tpu.memory_space<hbm>>) target(%arg7 : memref<8x128xi32, #tpu.memory_space<vmem>>) target_semaphore(%run_scoped3A_184 : memref<!tpu.dma_semaphore, #tpu.memory_space<semaphore_mem>>)
        %dma_wait3A_191 = arith.constant 0 : i32
        %dma_wait3A_192 = tpu.memref_slice %arg3[%arg0, %add3A, %dma_wait3A_191] : memref<2x1280x128xi32, #tpu.memory_space<hbm>> -> memref<1x8x128xi32, #tpu.memory_space<hbm>>
        %dma_wait3A_193 = tpu.memref_squeeze %dma_wait3A_192 : memref<1x8x128xi32, #tpu.memory_space<hbm>> -> memref<8x128xi32, #tpu.memory_space<hbm>>
        %dma_wait3A_194 = arith.constant 0 : i32
        %dma_wait3A_195 = tpu.memref_slice %arg3[%arg0, %add3A, %dma_wait3A_194] : memref<2x1280x128xi32, #tpu.memory_space<hbm>> -> memref<1x8x128xi32, #tpu.memory_space<hbm>>
        %dma_wait3A_196 = tpu.memref_squeeze %dma_wait3A_195 : memref<1x8x128xi32, #tpu.memory_space<hbm>> -> memref<8x128xi32, #tpu.memory_space<hbm>>
        tpu.wait_dma2 semaphore(%run_scoped3A_184 : memref<!tpu.dma_semaphore, #tpu.memory_space<semaphore_mem>>) src(%dma_wait3A_196 : memref<8x128xi32, #tpu.memory_space<hbm>>) dst(%arg7 : memref<8x128xi32, #tpu.memory_space<vmem>>)
        tpu.yield
      }) : () -> ()
      "tpu.region"() ({
        %run_scoped3A_184 = tpu.sem_alloc : memref<!tpu.dma_semaphore, #tpu.memory_space<semaphore_mem>>
        %dma_start3A_185 = arith.constant 0 : i32
        %dma_start3A_186 = tpu.memref_slice %arg4[%add3A, %dma_start3A_185] : memref<1280x128xi32, #tpu.memory_space<hbm>> -> memref<8x128xi32, #tpu.memory_space<hbm>>
        %dma_start3A_187 = arith.constant 0 : i32
        %dma_start3A_188 = tpu.memref_slice %arg4[%add3A, %dma_start3A_187] : memref<1280x128xi32, #tpu.memory_space<hbm>> -> memref<8x128xi32, #tpu.memory_space<hbm>>
        tpu.enqueue_dma source(%dma_start3A_188 : memref<8x128xi32, #tpu.memory_space<hbm>>) target(%arg8 : memref<8x128xi32, #tpu.memory_space<vmem>>) target_semaphore(%run_scoped3A_184 : memref<!tpu.dma_semaphore, #tpu.memory_space<semaphore_mem>>)
        %dma_wait3A_189 = arith.constant 0 : i32
        %dma_wait3A_190 = tpu.memref_slice %arg4[%add3A, %dma_wait3A_189] : memref<1280x128xi32, #tpu.memory_space<hbm>> -> memref<8x128xi32, #tpu.memory_space<hbm>>
        %dma_wait3A_191 = arith.constant 0 : i32
        %dma_wait3A_192 = tpu.memref_slice %arg4[%add3A, %dma_wait3A_191] : memref<1280x128xi32, #tpu.memory_space<hbm>> -> memref<8x128xi32, #tpu.memory_space<hbm>>
        tpu.wait_dma2 semaphore(%run_scoped3A_184 : memref<!tpu.dma_semaphore, #tpu.memory_space<semaphore_mem>>) src(%dma_wait3A_192 : memref<8x128xi32, #tpu.memory_space<hbm>>) dst(%arg8 : memref<8x128xi32, #tpu.memory_space<vmem>>)
        tpu.yield
      }) : () -> ()
      %dma_start3A = arith.constant 0 : i32
      %dma_start3A_18 = arith.constant 0 : i32
      %dma_start3A_19 = arith.constant 0 : i32
      %dma_start3A_20 = tpu.memref_slice %arg9[%dma_start3A_18, %dma_start3A_19] : memref<256x128xf32, #tpu.memory_space<vmem>> -> memref<128x128xf32, #tpu.memory_space<vmem>>
      %dma_start3A_21 = arith.constant 0 : i32
      %dma_start3A_22 = tpu.memref_slice %arg7[%dma_start3A, %dma_start3A_21] : memref<8x128xi32, #tpu.memory_space<vmem>> -> memref<1x128xi32, #tpu.memory_space<vmem>>
      %dma_start3A_23 = tpu.memref_squeeze %dma_start3A_22 : memref<1x128xi32, #tpu.memory_space<vmem>> -> memref<128xi32, #tpu.memory_space<vmem>>
      %dma_start3A_24 = arith.constant 0 : i32
      %dma_start3A_25 = arith.constant 0 : i32
      %dma_start3A_26 = tpu.memref_slice %arg2[%dma_start3A_24, %dma_start3A_25] : memref<100000x128xf32, #tpu.memory_space<hbm>> -> memref<100000x128xf32, #tpu.memory_space<hbm>>
      tpu.enqueue_indirect_dma source(%dma_start3A_26 : memref<100000x128xf32, #tpu.memory_space<hbm>>) target(%dma_start3A_20 : memref<128x128xf32, #tpu.memory_space<vmem>>) offsets(%dma_start3A_23 : memref<128xi32, #tpu.memory_space<vmem>>) semaphore(%arg11 : memref<!tpu.dma_semaphore, #tpu.memory_space<semaphore_mem>>)
      %dma_start3A_27 = arith.constant 1 : i32
      %dma_start3A_28 = arith.constant 128 : i32
      %dma_start3A_29 = arith.constant 0 : i32
      %dma_start3A_30 = tpu.memref_slice %arg9[%dma_start3A_28, %dma_start3A_29] : memref<256x128xf32, #tpu.memory_space<vmem>> -> memref<128x128xf32, #tpu.memory_space<vmem>>
      %dma_start3A_31 = arith.constant 0 : i32
      %dma_start3A_32 = tpu.memref_slice %arg7[%dma_start3A_27, %dma_start3A_31] : memref<8x128xi32, #tpu.memory_space<vmem>> -> memref<1x128xi32, #tpu.memory_space<vmem>>
      %dma_start3A_33 = tpu.memref_squeeze %dma_start3A_32 : memref<1x128xi32, #tpu.memory_space<vmem>> -> memref<128xi32, #tpu.memory_space<vmem>>
      %dma_start3A_34 = arith.constant 0 : i32
      %dma_start3A_35 = arith.constant 0 : i32
      %dma_start3A_36 = tpu.memref_slice %arg2[%dma_start3A_34, %dma_start3A_35] : memref<100000x128xf32, #tpu.memory_space<hbm>> -> memref<100000x128xf32, #tpu.memory_space<hbm>>
      tpu.enqueue_indirect_dma source(%dma_start3A_36 : memref<100000x128xf32, #tpu.memory_space<hbm>>) target(%dma_start3A_30 : memref<128x128xf32, #tpu.memory_space<vmem>>) offsets(%dma_start3A_33 : memref<128xi32, #tpu.memory_space<vmem>>) semaphore(%arg11 : memref<!tpu.dma_semaphore, #tpu.memory_space<semaphore_mem>>)
      %dma_wait3A = arith.constant 0 : i32
      %dma_wait3A_37 = arith.constant 0 : i32
      %dma_wait3A_38 = arith.constant 0 : i32
      %dma_wait3A_39 = tpu.memref_slice %arg9[%dma_wait3A_37, %dma_wait3A_38] : memref<256x128xf32, #tpu.memory_space<vmem>> -> memref<128x128xf32, #tpu.memory_space<vmem>>
      %dma_wait3A_40 = arith.constant 0 : i32
      %dma_wait3A_41 = tpu.memref_slice %arg7[%dma_wait3A, %dma_wait3A_40] : memref<8x128xi32, #tpu.memory_space<vmem>> -> memref<1x128xi32, #tpu.memory_space<vmem>>
      %dma_wait3A_42 = tpu.memref_squeeze %dma_wait3A_41 : memref<1x128xi32, #tpu.memory_space<vmem>> -> memref<128xi32, #tpu.memory_space<vmem>>
      %dma_wait3A_43 = arith.constant 0 : i32
      %dma_wait3A_44 = arith.constant 0 : i32
      %dma_wait3A_45 = tpu.memref_slice %arg2[%dma_wait3A_43, %dma_wait3A_44] : memref<100000x128xf32, #tpu.memory_space<hbm>> -> memref<100000x128xf32, #tpu.memory_space<hbm>>
      tpu.wait_indirect_dma semaphore(%arg11 : memref<!tpu.dma_semaphore, #tpu.memory_space<semaphore_mem>>) src(%dma_wait3A_45 : memref<100000x128xf32, #tpu.memory_space<hbm>>) dst(%dma_wait3A_39 : memref<128x128xf32, #tpu.memory_space<vmem>>)
      %run_scoped3A = arith.constant 0 : i32
      "tpu.region"() ({
        %run_scoped3A_184 = tpu.sem_alloc : memref<!tpu.dma_semaphore, #tpu.memory_space<semaphore_mem>>
        %dma_start3A_185 = arith.constant 0 : i32
        %dma_start3A_186 = arith.constant 0 : i32
        %dma_start3A_187 = tpu.memref_slice %arg9[%dma_start3A_185, %dma_start3A_186] : memref<256x128xf32, #tpu.memory_space<vmem>> -> memref<128x128xf32, #tpu.memory_space<vmem>>
        %dma_start3A_188 = arith.constant 0 : i32
        %dma_start3A_189 = tpu.memref_slice %arg8[%run_scoped3A, %dma_start3A_188] : memref<8x128xi32, #tpu.memory_space<vmem>> -> memref<1x128xi32, #tpu.memory_space<vmem>>
        %dma_start3A_190 = tpu.memref_squeeze %dma_start3A_189 : memref<1x128xi32, #tpu.memory_space<vmem>> -> memref<128xi32, #tpu.memory_space<vmem>>
        %dma_start3A_191 = arith.constant 0 : i32
        %dma_start3A_192 = arith.constant 0 : i32
        %dma_start3A_193 = tpu.memref_slice %arg10[%dma_start3A_191, %dma_start3A_192] : memref<10240x128xf32, #tpu.memory_space<vmem_shared>> -> memref<10240x128xf32, #tpu.memory_space<vmem_shared>>
        tpu.enqueue_indirect_dma source(%dma_start3A_187 : memref<128x128xf32, #tpu.memory_space<vmem>>) target(%dma_start3A_193 : memref<10240x128xf32, #tpu.memory_space<vmem_shared>>) offsets(%dma_start3A_190 : memref<128xi32, #tpu.memory_space<vmem>>) semaphore(%run_scoped3A_184 : memref<!tpu.dma_semaphore, #tpu.memory_space<semaphore_mem>>) {add = true}
        %dma_wait3A_194 = arith.constant 0 : i32
        %dma_wait3A_195 = arith.constant 0 : i32
        %dma_wait3A_196 = tpu.memref_slice %arg9[%dma_wait3A_194, %dma_wait3A_195] : memref<256x128xf32, #tpu.memory_space<vmem>> -> memref<128x128xf32, #tpu.memory_space<vmem>>
        %dma_wait3A_197 = arith.constant 0 : i32
        %dma_wait3A_198 = tpu.memref_slice %arg8[%run_scoped3A, %dma_wait3A_197] : memref<8x128xi32, #tpu.memory_space<vmem>> -> memref<1x128xi32, #tpu.memory_space<vmem>>
        %dma_wait3A_199 = tpu.memref_squeeze %dma_wait3A_198 : memref<1x128xi32, #tpu.memory_space<vmem>> -> memref<128xi32, #tpu.memory_space<vmem>>
        %dma_wait3A_200 = arith.constant 0 : i32
        %dma_wait3A_201 = arith.constant 0 : i32
        %dma_wait3A_202 = tpu.memref_slice %arg10[%dma_wait3A_200, %dma_wait3A_201] : memref<10240x128xf32, #tpu.memory_space<vmem_shared>> -> memref<10240x128xf32, #tpu.memory_space<vmem_shared>>
        tpu.wait_indirect_dma semaphore(%run_scoped3A_184 : memref<!tpu.dma_semaphore, #tpu.memory_space<semaphore_mem>>) src(%dma_wait3A_196 : memref<128x128xf32, #tpu.memory_space<vmem>>) dst(%dma_wait3A_202 : memref<10240x128xf32, #tpu.memory_space<vmem_shared>>)
        tpu.yield
      }) : () -> ()
      %dma_start3A_46 = arith.constant 2 : i32
      %dma_start3A_47 = arith.constant 0 : i32
      %dma_start3A_48 = arith.constant 0 : i32
      %dma_start3A_49 = tpu.memref_slice %arg9[%dma_start3A_47, %dma_start3A_48] : memref<256x128xf32, #tpu.memory_space<vmem>> -> memref<128x128xf32, #tpu.memory_space<vmem>>
      %dma_start3A_50 = arith.constant 0 : i32
      %dma_start3A_51 = tpu.memref_slice %arg7[%dma_start3A_46, %dma_start3A_50] : memref<8x128xi32, #tpu.memory_space<vmem>> -> memref<1x128xi32, #tpu.memory_space<vmem>>
      %dma_start3A_52 = tpu.memref_squeeze %dma_start3A_51 : memref<1x128xi32, #tpu.memory_space<vmem>> -> memref<128xi32, #tpu.memory_space<vmem>>
      %dma_start3A_53 = arith.constant 0 : i32
      %dma_start3A_54 = arith.constant 0 : i32
      %dma_start3A_55 = tpu.memref_slice %arg2[%dma_start3A_53, %dma_start3A_54] : memref<100000x128xf32, #tpu.memory_space<hbm>> -> memref<100000x128xf32, #tpu.memory_space<hbm>>
      tpu.enqueue_indirect_dma source(%dma_start3A_55 : memref<100000x128xf32, #tpu.memory_space<hbm>>) target(%dma_start3A_49 : memref<128x128xf32, #tpu.memory_space<vmem>>) offsets(%dma_start3A_52 : memref<128xi32, #tpu.memory_space<vmem>>) semaphore(%arg11 : memref<!tpu.dma_semaphore, #tpu.memory_space<semaphore_mem>>)
      %dma_wait3A_56 = arith.constant 1 : i32
      %dma_wait3A_57 = arith.constant 128 : i32
      %dma_wait3A_58 = arith.constant 0 : i32
      %dma_wait3A_59 = tpu.memref_slice %arg9[%dma_wait3A_57, %dma_wait3A_58] : memref<256x128xf32, #tpu.memory_space<vmem>> -> memref<128x128xf32, #tpu.memory_space<vmem>>
      %dma_wait3A_60 = arith.constant 0 : i32
      %dma_wait3A_61 = tpu.memref_slice %arg7[%dma_wait3A_56, %dma_wait3A_60] : memref<8x128xi32, #tpu.memory_space<vmem>> -> memref<1x128xi32, #tpu.memory_space<vmem>>
      %dma_wait3A_62 = tpu.memref_squeeze %dma_wait3A_61 : memref<1x128xi32, #tpu.memory_space<vmem>> -> memref<128xi32, #tpu.memory_space<vmem>>
      %dma_wait3A_63 = arith.constant 0 : i32
      %dma_wait3A_64 = arith.constant 0 : i32
      %dma_wait3A_65 = tpu.memref_slice %arg2[%dma_wait3A_63, %dma_wait3A_64] : memref<100000x128xf32, #tpu.memory_space<hbm>> -> memref<100000x128xf32, #tpu.memory_space<hbm>>
      tpu.wait_indirect_dma semaphore(%arg11 : memref<!tpu.dma_semaphore, #tpu.memory_space<semaphore_mem>>) src(%dma_wait3A_65 : memref<100000x128xf32, #tpu.memory_space<hbm>>) dst(%dma_wait3A_59 : memref<128x128xf32, #tpu.memory_space<vmem>>)
      %run_scoped3A_66 = arith.constant 1 : i32
      "tpu.region"() ({
        %run_scoped3A_184 = tpu.sem_alloc : memref<!tpu.dma_semaphore, #tpu.memory_space<semaphore_mem>>
        %dma_start3A_185 = arith.constant 128 : i32
        %dma_start3A_186 = arith.constant 0 : i32
        %dma_start3A_187 = tpu.memref_slice %arg9[%dma_start3A_185, %dma_start3A_186] : memref<256x128xf32, #tpu.memory_space<vmem>> -> memref<128x128xf32, #tpu.memory_space<vmem>>
        %dma_start3A_188 = arith.constant 0 : i32
        %dma_start3A_189 = tpu.memref_slice %arg8[%run_scoped3A_66, %dma_start3A_188] : memref<8x128xi32, #tpu.memory_space<vmem>> -> memref<1x128xi32, #tpu.memory_space<vmem>>
        %dma_start3A_190 = tpu.memref_squeeze %dma_start3A_189 : memref<1x128xi32, #tpu.memory_space<vmem>> -> memref<128xi32, #tpu.memory_space<vmem>>
        %dma_start3A_191 = arith.constant 0 : i32
        %dma_start3A_192 = arith.constant 0 : i32
        %dma_start3A_193 = tpu.memref_slice %arg10[%dma_start3A_191, %dma_start3A_192] : memref<10240x128xf32, #tpu.memory_space<vmem_shared>> -> memref<10240x128xf32, #tpu.memory_space<vmem_shared>>
        tpu.enqueue_indirect_dma source(%dma_start3A_187 : memref<128x128xf32, #tpu.memory_space<vmem>>) target(%dma_start3A_193 : memref<10240x128xf32, #tpu.memory_space<vmem_shared>>) offsets(%dma_start3A_190 : memref<128xi32, #tpu.memory_space<vmem>>) semaphore(%run_scoped3A_184 : memref<!tpu.dma_semaphore, #tpu.memory_space<semaphore_mem>>) {add = true}
        %dma_wait3A_194 = arith.constant 128 : i32
        %dma_wait3A_195 = arith.constant 0 : i32
        %dma_wait3A_196 = tpu.memref_slice %arg9[%dma_wait3A_194, %dma_wait3A_195] : memref<256x128xf32, #tpu.memory_space<vmem>> -> memref<128x128xf32, #tpu.memory_space<vmem>>
        %dma_wait3A_197 = arith.constant 0 : i32
        %dma_wait3A_198 = tpu.memref_slice %arg8[%run_scoped3A_66, %dma_wait3A_197] : memref<8x128xi32, #tpu.memory_space<vmem>> -> memref<1x128xi32, #tpu.memory_space<vmem>>
        %dma_wait3A_199 = tpu.memref_squeeze %dma_wait3A_198 : memref<1x128xi32, #tpu.memory_space<vmem>> -> memref<128xi32, #tpu.memory_space<vmem>>
        %dma_wait3A_200 = arith.constant 0 : i32
        %dma_wait3A_201 = arith.constant 0 : i32
        %dma_wait3A_202 = tpu.memref_slice %arg10[%dma_wait3A_200, %dma_wait3A_201] : memref<10240x128xf32, #tpu.memory_space<vmem_shared>> -> memref<10240x128xf32, #tpu.memory_space<vmem_shared>>
        tpu.wait_indirect_dma semaphore(%run_scoped3A_184 : memref<!tpu.dma_semaphore, #tpu.memory_space<semaphore_mem>>) src(%dma_wait3A_196 : memref<128x128xf32, #tpu.memory_space<vmem>>) dst(%dma_wait3A_202 : memref<10240x128xf32, #tpu.memory_space<vmem_shared>>)
        tpu.yield
      }) : () -> ()
      %dma_start3A_67 = arith.constant 3 : i32
      %dma_start3A_68 = arith.constant 128 : i32
      %dma_start3A_69 = arith.constant 0 : i32
      %dma_start3A_70 = tpu.memref_slice %arg9[%dma_start3A_68, %dma_start3A_69] : memref<256x128xf32, #tpu.memory_space<vmem>> -> memref<128x128xf32, #tpu.memory_space<vmem>>
      %dma_start3A_71 = arith.constant 0 : i32
      %dma_start3A_72 = tpu.memref_slice %arg7[%dma_start3A_67, %dma_start3A_71] : memref<8x128xi32, #tpu.memory_space<vmem>> -> memref<1x128xi32, #tpu.memory_space<vmem>>
      %dma_start3A_73 = tpu.memref_squeeze %dma_start3A_72 : memref<1x128xi32, #tpu.memory_space<vmem>> -> memref<128xi32, #tpu.memory_space<vmem>>
      %dma_start3A_74 = arith.constant 0 : i32
      %dma_start3A_75 = arith.constant 0 : i32
      %dma_start3A_76 = tpu.memref_slice %arg2[%dma_start3A_74, %dma_start3A_75] : memref<100000x128xf32, #tpu.memory_space<hbm>> -> memref<100000x128xf32, #tpu.memory_space<hbm>>
      tpu.enqueue_indirect_dma source(%dma_start3A_76 : memref<100000x128xf32, #tpu.memory_space<hbm>>) target(%dma_start3A_70 : memref<128x128xf32, #tpu.memory_space<vmem>>) offsets(%dma_start3A_73 : memref<128xi32, #tpu.memory_space<vmem>>) semaphore(%arg11 : memref<!tpu.dma_semaphore, #tpu.memory_space<semaphore_mem>>)
      %dma_wait3A_77 = arith.constant 2 : i32
      %dma_wait3A_78 = arith.constant 0 : i32
      %dma_wait3A_79 = arith.constant 0 : i32
      %dma_wait3A_80 = tpu.memref_slice %arg9[%dma_wait3A_78, %dma_wait3A_79] : memref<256x128xf32, #tpu.memory_space<vmem>> -> memref<128x128xf32, #tpu.memory_space<vmem>>
      %dma_wait3A_81 = arith.constant 0 : i32
      %dma_wait3A_82 = tpu.memref_slice %arg7[%dma_wait3A_77, %dma_wait3A_81] : memref<8x128xi32, #tpu.memory_space<vmem>> -> memref<1x128xi32, #tpu.memory_space<vmem>>
      %dma_wait3A_83 = tpu.memref_squeeze %dma_wait3A_82 : memref<1x128xi32, #tpu.memory_space<vmem>> -> memref<128xi32, #tpu.memory_space<vmem>>
      %dma_wait3A_84 = arith.constant 0 : i32
      %dma_wait3A_85 = arith.constant 0 : i32
      %dma_wait3A_86 = tpu.memref_slice %arg2[%dma_wait3A_84, %dma_wait3A_85] : memref<100000x128xf32, #tpu.memory_space<hbm>> -> memref<100000x128xf32, #tpu.memory_space<hbm>>
      tpu.wait_indirect_dma semaphore(%arg11 : memref<!tpu.dma_semaphore, #tpu.memory_space<semaphore_mem>>) src(%dma_wait3A_86 : memref<100000x128xf32, #tpu.memory_space<hbm>>) dst(%dma_wait3A_80 : memref<128x128xf32, #tpu.memory_space<vmem>>)
      %run_scoped3A_87 = arith.constant 2 : i32
      "tpu.region"() ({
        %run_scoped3A_184 = tpu.sem_alloc : memref<!tpu.dma_semaphore, #tpu.memory_space<semaphore_mem>>
        %dma_start3A_185 = arith.constant 0 : i32
        %dma_start3A_186 = arith.constant 0 : i32
        %dma_start3A_187 = tpu.memref_slice %arg9[%dma_start3A_185, %dma_start3A_186] : memref<256x128xf32, #tpu.memory_space<vmem>> -> memref<128x128xf32, #tpu.memory_space<vmem>>
        %dma_start3A_188 = arith.constant 0 : i32
        %dma_start3A_189 = tpu.memref_slice %arg8[%run_scoped3A_87, %dma_start3A_188] : memref<8x128xi32, #tpu.memory_space<vmem>> -> memref<1x128xi32, #tpu.memory_space<vmem>>
        %dma_start3A_190 = tpu.memref_squeeze %dma_start3A_189 : memref<1x128xi32, #tpu.memory_space<vmem>> -> memref<128xi32, #tpu.memory_space<vmem>>
        %dma_start3A_191 = arith.constant 0 : i32
        %dma_start3A_192 = arith.constant 0 : i32
        %dma_start3A_193 = tpu.memref_slice %arg10[%dma_start3A_191, %dma_start3A_192] : memref<10240x128xf32, #tpu.memory_space<vmem_shared>> -> memref<10240x128xf32, #tpu.memory_space<vmem_shared>>
        tpu.enqueue_indirect_dma source(%dma_start3A_187 : memref<128x128xf32, #tpu.memory_space<vmem>>) target(%dma_start3A_193 : memref<10240x128xf32, #tpu.memory_space<vmem_shared>>) offsets(%dma_start3A_190 : memref<128xi32, #tpu.memory_space<vmem>>) semaphore(%run_scoped3A_184 : memref<!tpu.dma_semaphore, #tpu.memory_space<semaphore_mem>>) {add = true}
        %dma_wait3A_194 = arith.constant 0 : i32
        %dma_wait3A_195 = arith.constant 0 : i32
        %dma_wait3A_196 = tpu.memref_slice %arg9[%dma_wait3A_194, %dma_wait3A_195] : memref<256x128xf32, #tpu.memory_space<vmem>> -> memref<128x128xf32, #tpu.memory_space<vmem>>
        %dma_wait3A_197 = arith.constant 0 : i32
        %dma_wait3A_198 = tpu.memref_slice %arg8[%run_scoped3A_87, %dma_wait3A_197] : memref<8x128xi32, #tpu.memory_space<vmem>> -> memref<1x128xi32, #tpu.memory_space<vmem>>
        %dma_wait3A_199 = tpu.memref_squeeze %dma_wait3A_198 : memref<1x128xi32, #tpu.memory_space<vmem>> -> memref<128xi32, #tpu.memory_space<vmem>>
        %dma_wait3A_200 = arith.constant 0 : i32
        %dma_wait3A_201 = arith.constant 0 : i32
        %dma_wait3A_202 = tpu.memref_slice %arg10[%dma_wait3A_200, %dma_wait3A_201] : memref<10240x128xf32, #tpu.memory_space<vmem_shared>> -> memref<10240x128xf32, #tpu.memory_space<vmem_shared>>
        tpu.wait_indirect_dma semaphore(%run_scoped3A_184 : memref<!tpu.dma_semaphore, #tpu.memory_space<semaphore_mem>>) src(%dma_wait3A_196 : memref<128x128xf32, #tpu.memory_space<vmem>>) dst(%dma_wait3A_202 : memref<10240x128xf32, #tpu.memory_space<vmem_shared>>)
        tpu.yield
      }) : () -> ()
      %dma_start3A_88 = arith.constant 4 : i32
      %dma_start3A_89 = arith.constant 0 : i32
      %dma_start3A_90 = arith.constant 0 : i32
      %dma_start3A_91 = tpu.memref_slice %arg9[%dma_start3A_89, %dma_start3A_90] : memref<256x128xf32, #tpu.memory_space<vmem>> -> memref<128x128xf32, #tpu.memory_space<vmem>>
      %dma_start3A_92 = arith.constant 0 : i32
      %dma_start3A_93 = tpu.memref_slice %arg7[%dma_start3A_88, %dma_start3A_92] : memref<8x128xi32, #tpu.memory_space<vmem>> -> memref<1x128xi32, #tpu.memory_space<vmem>>
      %dma_start3A_94 = tpu.memref_squeeze %dma_start3A_93 : memref<1x128xi32, #tpu.memory_space<vmem>> -> memref<128xi32, #tpu.memory_space<vmem>>
      %dma_start3A_95 = arith.constant 0 : i32
      %dma_start3A_96 = arith.constant 0 : i32
      %dma_start3A_97 = tpu.memref_slice %arg2[%dma_start3A_95, %dma_start3A_96] : memref<100000x128xf32, #tpu.memory_space<hbm>> -> memref<100000x128xf32, #tpu.memory_space<hbm>>
      tpu.enqueue_indirect_dma source(%dma_start3A_97 : memref<100000x128xf32, #tpu.memory_space<hbm>>) target(%dma_start3A_91 : memref<128x128xf32, #tpu.memory_space<vmem>>) offsets(%dma_start3A_94 : memref<128xi32, #tpu.memory_space<vmem>>) semaphore(%arg11 : memref<!tpu.dma_semaphore, #tpu.memory_space<semaphore_mem>>)
      %dma_wait3A_98 = arith.constant 3 : i32
      %dma_wait3A_99 = arith.constant 128 : i32
      %dma_wait3A_100 = arith.constant 0 : i32
      %dma_wait3A_101 = tpu.memref_slice %arg9[%dma_wait3A_99, %dma_wait3A_100] : memref<256x128xf32, #tpu.memory_space<vmem>> -> memref<128x128xf32, #tpu.memory_space<vmem>>
      %dma_wait3A_102 = arith.constant 0 : i32
      %dma_wait3A_103 = tpu.memref_slice %arg7[%dma_wait3A_98, %dma_wait3A_102] : memref<8x128xi32, #tpu.memory_space<vmem>> -> memref<1x128xi32, #tpu.memory_space<vmem>>
      %dma_wait3A_104 = tpu.memref_squeeze %dma_wait3A_103 : memref<1x128xi32, #tpu.memory_space<vmem>> -> memref<128xi32, #tpu.memory_space<vmem>>
      %dma_wait3A_105 = arith.constant 0 : i32
      %dma_wait3A_106 = arith.constant 0 : i32
      %dma_wait3A_107 = tpu.memref_slice %arg2[%dma_wait3A_105, %dma_wait3A_106] : memref<100000x128xf32, #tpu.memory_space<hbm>> -> memref<100000x128xf32, #tpu.memory_space<hbm>>
      tpu.wait_indirect_dma semaphore(%arg11 : memref<!tpu.dma_semaphore, #tpu.memory_space<semaphore_mem>>) src(%dma_wait3A_107 : memref<100000x128xf32, #tpu.memory_space<hbm>>) dst(%dma_wait3A_101 : memref<128x128xf32, #tpu.memory_space<vmem>>)
      %run_scoped3A_108 = arith.constant 3 : i32
      "tpu.region"() ({
        %run_scoped3A_184 = tpu.sem_alloc : memref<!tpu.dma_semaphore, #tpu.memory_space<semaphore_mem>>
        %dma_start3A_185 = arith.constant 128 : i32
        %dma_start3A_186 = arith.constant 0 : i32
        %dma_start3A_187 = tpu.memref_slice %arg9[%dma_start3A_185, %dma_start3A_186] : memref<256x128xf32, #tpu.memory_space<vmem>> -> memref<128x128xf32, #tpu.memory_space<vmem>>
        %dma_start3A_188 = arith.constant 0 : i32
        %dma_start3A_189 = tpu.memref_slice %arg8[%run_scoped3A_108, %dma_start3A_188] : memref<8x128xi32, #tpu.memory_space<vmem>> -> memref<1x128xi32, #tpu.memory_space<vmem>>
        %dma_start3A_190 = tpu.memref_squeeze %dma_start3A_189 : memref<1x128xi32, #tpu.memory_space<vmem>> -> memref<128xi32, #tpu.memory_space<vmem>>
        %dma_start3A_191 = arith.constant 0 : i32
        %dma_start3A_192 = arith.constant 0 : i32
        %dma_start3A_193 = tpu.memref_slice %arg10[%dma_start3A_191, %dma_start3A_192] : memref<10240x128xf32, #tpu.memory_space<vmem_shared>> -> memref<10240x128xf32, #tpu.memory_space<vmem_shared>>
        tpu.enqueue_indirect_dma source(%dma_start3A_187 : memref<128x128xf32, #tpu.memory_space<vmem>>) target(%dma_start3A_193 : memref<10240x128xf32, #tpu.memory_space<vmem_shared>>) offsets(%dma_start3A_190 : memref<128xi32, #tpu.memory_space<vmem>>) semaphore(%run_scoped3A_184 : memref<!tpu.dma_semaphore, #tpu.memory_space<semaphore_mem>>) {add = true}
        %dma_wait3A_194 = arith.constant 128 : i32
        %dma_wait3A_195 = arith.constant 0 : i32
        %dma_wait3A_196 = tpu.memref_slice %arg9[%dma_wait3A_194, %dma_wait3A_195] : memref<256x128xf32, #tpu.memory_space<vmem>> -> memref<128x128xf32, #tpu.memory_space<vmem>>
        %dma_wait3A_197 = arith.constant 0 : i32
        %dma_wait3A_198 = tpu.memref_slice %arg8[%run_scoped3A_108, %dma_wait3A_197] : memref<8x128xi32, #tpu.memory_space<vmem>> -> memref<1x128xi32, #tpu.memory_space<vmem>>
        %dma_wait3A_199 = tpu.memref_squeeze %dma_wait3A_198 : memref<1x128xi32, #tpu.memory_space<vmem>> -> memref<128xi32, #tpu.memory_space<vmem>>
        %dma_wait3A_200 = arith.constant 0 : i32
        %dma_wait3A_201 = arith.constant 0 : i32
        %dma_wait3A_202 = tpu.memref_slice %arg10[%dma_wait3A_200, %dma_wait3A_201] : memref<10240x128xf32, #tpu.memory_space<vmem_shared>> -> memref<10240x128xf32, #tpu.memory_space<vmem_shared>>
        tpu.wait_indirect_dma semaphore(%run_scoped3A_184 : memref<!tpu.dma_semaphore, #tpu.memory_space<semaphore_mem>>) src(%dma_wait3A_196 : memref<128x128xf32, #tpu.memory_space<vmem>>) dst(%dma_wait3A_202 : memref<10240x128xf32, #tpu.memory_space<vmem_shared>>)
        tpu.yield
      }) : () -> ()
      %dma_start3A_109 = arith.constant 5 : i32
      %dma_start3A_110 = arith.constant 128 : i32
      %dma_start3A_111 = arith.constant 0 : i32
      %dma_start3A_112 = tpu.memref_slice %arg9[%dma_start3A_110, %dma_start3A_111] : memref<256x128xf32, #tpu.memory_space<vmem>> -> memref<128x128xf32, #tpu.memory_space<vmem>>
      %dma_start3A_113 = arith.constant 0 : i32
      %dma_start3A_114 = tpu.memref_slice %arg7[%dma_start3A_109, %dma_start3A_113] : memref<8x128xi32, #tpu.memory_space<vmem>> -> memref<1x128xi32, #tpu.memory_space<vmem>>
      %dma_start3A_115 = tpu.memref_squeeze %dma_start3A_114 : memref<1x128xi32, #tpu.memory_space<vmem>> -> memref<128xi32, #tpu.memory_space<vmem>>
      %dma_start3A_116 = arith.constant 0 : i32
      %dma_start3A_117 = arith.constant 0 : i32
      %dma_start3A_118 = tpu.memref_slice %arg2[%dma_start3A_116, %dma_start3A_117] : memref<100000x128xf32, #tpu.memory_space<hbm>> -> memref<100000x128xf32, #tpu.memory_space<hbm>>
      tpu.enqueue_indirect_dma source(%dma_start3A_118 : memref<100000x128xf32, #tpu.memory_space<hbm>>) target(%dma_start3A_112 : memref<128x128xf32, #tpu.memory_space<vmem>>) offsets(%dma_start3A_115 : memref<128xi32, #tpu.memory_space<vmem>>) semaphore(%arg11 : memref<!tpu.dma_semaphore, #tpu.memory_space<semaphore_mem>>)
      %dma_wait3A_119 = arith.constant 4 : i32
      %dma_wait3A_120 = arith.constant 0 : i32
      %dma_wait3A_121 = arith.constant 0 : i32
      %dma_wait3A_122 = tpu.memref_slice %arg9[%dma_wait3A_120, %dma_wait3A_121] : memref<256x128xf32, #tpu.memory_space<vmem>> -> memref<128x128xf32, #tpu.memory_space<vmem>>
      %dma_wait3A_123 = arith.constant 0 : i32
      %dma_wait3A_124 = tpu.memref_slice %arg7[%dma_wait3A_119, %dma_wait3A_123] : memref<8x128xi32, #tpu.memory_space<vmem>> -> memref<1x128xi32, #tpu.memory_space<vmem>>
      %dma_wait3A_125 = tpu.memref_squeeze %dma_wait3A_124 : memref<1x128xi32, #tpu.memory_space<vmem>> -> memref<128xi32, #tpu.memory_space<vmem>>
      %dma_wait3A_126 = arith.constant 0 : i32
      %dma_wait3A_127 = arith.constant 0 : i32
      %dma_wait3A_128 = tpu.memref_slice %arg2[%dma_wait3A_126, %dma_wait3A_127] : memref<100000x128xf32, #tpu.memory_space<hbm>> -> memref<100000x128xf32, #tpu.memory_space<hbm>>
      tpu.wait_indirect_dma semaphore(%arg11 : memref<!tpu.dma_semaphore, #tpu.memory_space<semaphore_mem>>) src(%dma_wait3A_128 : memref<100000x128xf32, #tpu.memory_space<hbm>>) dst(%dma_wait3A_122 : memref<128x128xf32, #tpu.memory_space<vmem>>)
      %run_scoped3A_129 = arith.constant 4 : i32
      "tpu.region"() ({
        %run_scoped3A_184 = tpu.sem_alloc : memref<!tpu.dma_semaphore, #tpu.memory_space<semaphore_mem>>
        %dma_start3A_185 = arith.constant 0 : i32
        %dma_start3A_186 = arith.constant 0 : i32
        %dma_start3A_187 = tpu.memref_slice %arg9[%dma_start3A_185, %dma_start3A_186] : memref<256x128xf32, #tpu.memory_space<vmem>> -> memref<128x128xf32, #tpu.memory_space<vmem>>
        %dma_start3A_188 = arith.constant 0 : i32
        %dma_start3A_189 = tpu.memref_slice %arg8[%run_scoped3A_129, %dma_start3A_188] : memref<8x128xi32, #tpu.memory_space<vmem>> -> memref<1x128xi32, #tpu.memory_space<vmem>>
        %dma_start3A_190 = tpu.memref_squeeze %dma_start3A_189 : memref<1x128xi32, #tpu.memory_space<vmem>> -> memref<128xi32, #tpu.memory_space<vmem>>
        %dma_start3A_191 = arith.constant 0 : i32
        %dma_start3A_192 = arith.constant 0 : i32
        %dma_start3A_193 = tpu.memref_slice %arg10[%dma_start3A_191, %dma_start3A_192] : memref<10240x128xf32, #tpu.memory_space<vmem_shared>> -> memref<10240x128xf32, #tpu.memory_space<vmem_shared>>
        tpu.enqueue_indirect_dma source(%dma_start3A_187 : memref<128x128xf32, #tpu.memory_space<vmem>>) target(%dma_start3A_193 : memref<10240x128xf32, #tpu.memory_space<vmem_shared>>) offsets(%dma_start3A_190 : memref<128xi32, #tpu.memory_space<vmem>>) semaphore(%run_scoped3A_184 : memref<!tpu.dma_semaphore, #tpu.memory_space<semaphore_mem>>) {add = true}
        %dma_wait3A_194 = arith.constant 0 : i32
        %dma_wait3A_195 = arith.constant 0 : i32
        %dma_wait3A_196 = tpu.memref_slice %arg9[%dma_wait3A_194, %dma_wait3A_195] : memref<256x128xf32, #tpu.memory_space<vmem>> -> memref<128x128xf32, #tpu.memory_space<vmem>>
        %dma_wait3A_197 = arith.constant 0 : i32
        %dma_wait3A_198 = tpu.memref_slice %arg8[%run_scoped3A_129, %dma_wait3A_197] : memref<8x128xi32, #tpu.memory_space<vmem>> -> memref<1x128xi32, #tpu.memory_space<vmem>>
        %dma_wait3A_199 = tpu.memref_squeeze %dma_wait3A_198 : memref<1x128xi32, #tpu.memory_space<vmem>> -> memref<128xi32, #tpu.memory_space<vmem>>
        %dma_wait3A_200 = arith.constant 0 : i32
        %dma_wait3A_201 = arith.constant 0 : i32
        %dma_wait3A_202 = tpu.memref_slice %arg10[%dma_wait3A_200, %dma_wait3A_201] : memref<10240x128xf32, #tpu.memory_space<vmem_shared>> -> memref<10240x128xf32, #tpu.memory_space<vmem_shared>>
        tpu.wait_indirect_dma semaphore(%run_scoped3A_184 : memref<!tpu.dma_semaphore, #tpu.memory_space<semaphore_mem>>) src(%dma_wait3A_196 : memref<128x128xf32, #tpu.memory_space<vmem>>) dst(%dma_wait3A_202 : memref<10240x128xf32, #tpu.memory_space<vmem_shared>>)
        tpu.yield
      }) : () -> ()
      %dma_start3A_130 = arith.constant 6 : i32
      %dma_start3A_131 = arith.constant 0 : i32
      %dma_start3A_132 = arith.constant 0 : i32
      %dma_start3A_133 = tpu.memref_slice %arg9[%dma_start3A_131, %dma_start3A_132] : memref<256x128xf32, #tpu.memory_space<vmem>> -> memref<128x128xf32, #tpu.memory_space<vmem>>
      %dma_start3A_134 = arith.constant 0 : i32
      %dma_start3A_135 = tpu.memref_slice %arg7[%dma_start3A_130, %dma_start3A_134] : memref<8x128xi32, #tpu.memory_space<vmem>> -> memref<1x128xi32, #tpu.memory_space<vmem>>
      %dma_start3A_136 = tpu.memref_squeeze %dma_start3A_135 : memref<1x128xi32, #tpu.memory_space<vmem>> -> memref<128xi32, #tpu.memory_space<vmem>>
      %dma_start3A_137 = arith.constant 0 : i32
      %dma_start3A_138 = arith.constant 0 : i32
      %dma_start3A_139 = tpu.memref_slice %arg2[%dma_start3A_137, %dma_start3A_138] : memref<100000x128xf32, #tpu.memory_space<hbm>> -> memref<100000x128xf32, #tpu.memory_space<hbm>>
      tpu.enqueue_indirect_dma source(%dma_start3A_139 : memref<100000x128xf32, #tpu.memory_space<hbm>>) target(%dma_start3A_133 : memref<128x128xf32, #tpu.memory_space<vmem>>) offsets(%dma_start3A_136 : memref<128xi32, #tpu.memory_space<vmem>>) semaphore(%arg11 : memref<!tpu.dma_semaphore, #tpu.memory_space<semaphore_mem>>)
      %dma_wait3A_140 = arith.constant 5 : i32
      %dma_wait3A_141 = arith.constant 128 : i32
      %dma_wait3A_142 = arith.constant 0 : i32
      %dma_wait3A_143 = tpu.memref_slice %arg9[%dma_wait3A_141, %dma_wait3A_142] : memref<256x128xf32, #tpu.memory_space<vmem>> -> memref<128x128xf32, #tpu.memory_space<vmem>>
      %dma_wait3A_144 = arith.constant 0 : i32
      %dma_wait3A_145 = tpu.memref_slice %arg7[%dma_wait3A_140, %dma_wait3A_144] : memref<8x128xi32, #tpu.memory_space<vmem>> -> memref<1x128xi32, #tpu.memory_space<vmem>>
      %dma_wait3A_146 = tpu.memref_squeeze %dma_wait3A_145 : memref<1x128xi32, #tpu.memory_space<vmem>> -> memref<128xi32, #tpu.memory_space<vmem>>
      %dma_wait3A_147 = arith.constant 0 : i32
      %dma_wait3A_148 = arith.constant 0 : i32
      %dma_wait3A_149 = tpu.memref_slice %arg2[%dma_wait3A_147, %dma_wait3A_148] : memref<100000x128xf32, #tpu.memory_space<hbm>> -> memref<100000x128xf32, #tpu.memory_space<hbm>>
      tpu.wait_indirect_dma semaphore(%arg11 : memref<!tpu.dma_semaphore, #tpu.memory_space<semaphore_mem>>) src(%dma_wait3A_149 : memref<100000x128xf32, #tpu.memory_space<hbm>>) dst(%dma_wait3A_143 : memref<128x128xf32, #tpu.memory_space<vmem>>)
      %run_scoped3A_150 = arith.constant 5 : i32
      "tpu.region"() ({
        %run_scoped3A_184 = tpu.sem_alloc : memref<!tpu.dma_semaphore, #tpu.memory_space<semaphore_mem>>
        %dma_start3A_185 = arith.constant 128 : i32
        %dma_start3A_186 = arith.constant 0 : i32
        %dma_start3A_187 = tpu.memref_slice %arg9[%dma_start3A_185, %dma_start3A_186] : memref<256x128xf32, #tpu.memory_space<vmem>> -> memref<128x128xf32, #tpu.memory_space<vmem>>
        %dma_start3A_188 = arith.constant 0 : i32
        %dma_start3A_189 = tpu.memref_slice %arg8[%run_scoped3A_150, %dma_start3A_188] : memref<8x128xi32, #tpu.memory_space<vmem>> -> memref<1x128xi32, #tpu.memory_space<vmem>>
        %dma_start3A_190 = tpu.memref_squeeze %dma_start3A_189 : memref<1x128xi32, #tpu.memory_space<vmem>> -> memref<128xi32, #tpu.memory_space<vmem>>
        %dma_start3A_191 = arith.constant 0 : i32
        %dma_start3A_192 = arith.constant 0 : i32
        %dma_start3A_193 = tpu.memref_slice %arg10[%dma_start3A_191, %dma_start3A_192] : memref<10240x128xf32, #tpu.memory_space<vmem_shared>> -> memref<10240x128xf32, #tpu.memory_space<vmem_shared>>
        tpu.enqueue_indirect_dma source(%dma_start3A_187 : memref<128x128xf32, #tpu.memory_space<vmem>>) target(%dma_start3A_193 : memref<10240x128xf32, #tpu.memory_space<vmem_shared>>) offsets(%dma_start3A_190 : memref<128xi32, #tpu.memory_space<vmem>>) semaphore(%run_scoped3A_184 : memref<!tpu.dma_semaphore, #tpu.memory_space<semaphore_mem>>) {add = true}
        %dma_wait3A_194 = arith.constant 128 : i32
        %dma_wait3A_195 = arith.constant 0 : i32
        %dma_wait3A_196 = tpu.memref_slice %arg9[%dma_wait3A_194, %dma_wait3A_195] : memref<256x128xf32, #tpu.memory_space<vmem>> -> memref<128x128xf32, #tpu.memory_space<vmem>>
        %dma_wait3A_197 = arith.constant 0 : i32
        %dma_wait3A_198 = tpu.memref_slice %arg8[%run_scoped3A_150, %dma_wait3A_197] : memref<8x128xi32, #tpu.memory_space<vmem>> -> memref<1x128xi32, #tpu.memory_space<vmem>>
        %dma_wait3A_199 = tpu.memref_squeeze %dma_wait3A_198 : memref<1x128xi32, #tpu.memory_space<vmem>> -> memref<128xi32, #tpu.memory_space<vmem>>
        %dma_wait3A_200 = arith.constant 0 : i32
        %dma_wait3A_201 = arith.constant 0 : i32
        %dma_wait3A_202 = tpu.memref_slice %arg10[%dma_wait3A_200, %dma_wait3A_201] : memref<10240x128xf32, #tpu.memory_space<vmem_shared>> -> memref<10240x128xf32, #tpu.memory_space<vmem_shared>>
        tpu.wait_indirect_dma semaphore(%run_scoped3A_184 : memref<!tpu.dma_semaphore, #tpu.memory_space<semaphore_mem>>) src(%dma_wait3A_196 : memref<128x128xf32, #tpu.memory_space<vmem>>) dst(%dma_wait3A_202 : memref<10240x128xf32, #tpu.memory_space<vmem_shared>>)
        tpu.yield
      }) : () -> ()
      %dma_start3A_151 = arith.constant 7 : i32
      %dma_start3A_152 = arith.constant 128 : i32
      %dma_start3A_153 = arith.constant 0 : i32
      %dma_start3A_154 = tpu.memref_slice %arg9[%dma_start3A_152, %dma_start3A_153] : memref<256x128xf32, #tpu.memory_space<vmem>> -> memref<128x128xf32, #tpu.memory_space<vmem>>
      %dma_start3A_155 = arith.constant 0 : i32
      %dma_start3A_156 = tpu.memref_slice %arg7[%dma_start3A_151, %dma_start3A_155] : memref<8x128xi32, #tpu.memory_space<vmem>> -> memref<1x128xi32, #tpu.memory_space<vmem>>
      %dma_start3A_157 = tpu.memref_squeeze %dma_start3A_156 : memref<1x128xi32, #tpu.memory_space<vmem>> -> memref<128xi32, #tpu.memory_space<vmem>>
      %dma_start3A_158 = arith.constant 0 : i32
      %dma_start3A_159 = arith.constant 0 : i32
      %dma_start3A_160 = tpu.memref_slice %arg2[%dma_start3A_158, %dma_start3A_159] : memref<100000x128xf32, #tpu.memory_space<hbm>> -> memref<100000x128xf32, #tpu.memory_space<hbm>>
      tpu.enqueue_indirect_dma source(%dma_start3A_160 : memref<100000x128xf32, #tpu.memory_space<hbm>>) target(%dma_start3A_154 : memref<128x128xf32, #tpu.memory_space<vmem>>) offsets(%dma_start3A_157 : memref<128xi32, #tpu.memory_space<vmem>>) semaphore(%arg11 : memref<!tpu.dma_semaphore, #tpu.memory_space<semaphore_mem>>)
      %dma_wait3A_161 = arith.constant 6 : i32
      %dma_wait3A_162 = arith.constant 0 : i32
      %dma_wait3A_163 = arith.constant 0 : i32
      %dma_wait3A_164 = tpu.memref_slice %arg9[%dma_wait3A_162, %dma_wait3A_163] : memref<256x128xf32, #tpu.memory_space<vmem>> -> memref<128x128xf32, #tpu.memory_space<vmem>>
      %dma_wait3A_165 = arith.constant 0 : i32
      %dma_wait3A_166 = tpu.memref_slice %arg7[%dma_wait3A_161, %dma_wait3A_165] : memref<8x128xi32, #tpu.memory_space<vmem>> -> memref<1x128xi32, #tpu.memory_space<vmem>>
      %dma_wait3A_167 = tpu.memref_squeeze %dma_wait3A_166 : memref<1x128xi32, #tpu.memory_space<vmem>> -> memref<128xi32, #tpu.memory_space<vmem>>
      %dma_wait3A_168 = arith.constant 0 : i32
      %dma_wait3A_169 = arith.constant 0 : i32
      %dma_wait3A_170 = tpu.memref_slice %arg2[%dma_wait3A_168, %dma_wait3A_169] : memref<100000x128xf32, #tpu.memory_space<hbm>> -> memref<100000x128xf32, #tpu.memory_space<hbm>>
      tpu.wait_indirect_dma semaphore(%arg11 : memref<!tpu.dma_semaphore, #tpu.memory_space<semaphore_mem>>) src(%dma_wait3A_170 : memref<100000x128xf32, #tpu.memory_space<hbm>>) dst(%dma_wait3A_164 : memref<128x128xf32, #tpu.memory_space<vmem>>)
      %run_scoped3A_171 = arith.constant 6 : i32
      "tpu.region"() ({
        %run_scoped3A_184 = tpu.sem_alloc : memref<!tpu.dma_semaphore, #tpu.memory_space<semaphore_mem>>
        %dma_start3A_185 = arith.constant 0 : i32
        %dma_start3A_186 = arith.constant 0 : i32
        %dma_start3A_187 = tpu.memref_slice %arg9[%dma_start3A_185, %dma_start3A_186] : memref<256x128xf32, #tpu.memory_space<vmem>> -> memref<128x128xf32, #tpu.memory_space<vmem>>
        %dma_start3A_188 = arith.constant 0 : i32
        %dma_start3A_189 = tpu.memref_slice %arg8[%run_scoped3A_171, %dma_start3A_188] : memref<8x128xi32, #tpu.memory_space<vmem>> -> memref<1x128xi32, #tpu.memory_space<vmem>>
        %dma_start3A_190 = tpu.memref_squeeze %dma_start3A_189 : memref<1x128xi32, #tpu.memory_space<vmem>> -> memref<128xi32, #tpu.memory_space<vmem>>
        %dma_start3A_191 = arith.constant 0 : i32
        %dma_start3A_192 = arith.constant 0 : i32
        %dma_start3A_193 = tpu.memref_slice %arg10[%dma_start3A_191, %dma_start3A_192] : memref<10240x128xf32, #tpu.memory_space<vmem_shared>> -> memref<10240x128xf32, #tpu.memory_space<vmem_shared>>
        tpu.enqueue_indirect_dma source(%dma_start3A_187 : memref<128x128xf32, #tpu.memory_space<vmem>>) target(%dma_start3A_193 : memref<10240x128xf32, #tpu.memory_space<vmem_shared>>) offsets(%dma_start3A_190 : memref<128xi32, #tpu.memory_space<vmem>>) semaphore(%run_scoped3A_184 : memref<!tpu.dma_semaphore, #tpu.memory_space<semaphore_mem>>) {add = true}
        %dma_wait3A_194 = arith.constant 0 : i32
        %dma_wait3A_195 = arith.constant 0 : i32
        %dma_wait3A_196 = tpu.memref_slice %arg9[%dma_wait3A_194, %dma_wait3A_195] : memref<256x128xf32, #tpu.memory_space<vmem>> -> memref<128x128xf32, #tpu.memory_space<vmem>>
        %dma_wait3A_197 = arith.constant 0 : i32
        %dma_wait3A_198 = tpu.memref_slice %arg8[%run_scoped3A_171, %dma_wait3A_197] : memref<8x128xi32, #tpu.memory_space<vmem>> -> memref<1x128xi32, #tpu.memory_space<vmem>>
        %dma_wait3A_199 = tpu.memref_squeeze %dma_wait3A_198 : memref<1x128xi32, #tpu.memory_space<vmem>> -> memref<128xi32, #tpu.memory_space<vmem>>
        %dma_wait3A_200 = arith.constant 0 : i32
        %dma_wait3A_201 = arith.constant 0 : i32
        %dma_wait3A_202 = tpu.memref_slice %arg10[%dma_wait3A_200, %dma_wait3A_201] : memref<10240x128xf32, #tpu.memory_space<vmem_shared>> -> memref<10240x128xf32, #tpu.memory_space<vmem_shared>>
        tpu.wait_indirect_dma semaphore(%run_scoped3A_184 : memref<!tpu.dma_semaphore, #tpu.memory_space<semaphore_mem>>) src(%dma_wait3A_196 : memref<128x128xf32, #tpu.memory_space<vmem>>) dst(%dma_wait3A_202 : memref<10240x128xf32, #tpu.memory_space<vmem_shared>>)
        tpu.yield
      }) : () -> ()
      %dma_wait3A_172 = arith.constant 7 : i32
      %dma_wait3A_173 = arith.constant 128 : i32
      %dma_wait3A_174 = arith.constant 0 : i32
      %dma_wait3A_175 = tpu.memref_slice %arg9[%dma_wait3A_173, %dma_wait3A_174] : memref<256x128xf32, #tpu.memory_space<vmem>> -> memref<128x128xf32, #tpu.memory_space<vmem>>
      %dma_wait3A_176 = arith.constant 0 : i32
      %dma_wait3A_177 = tpu.memref_slice %arg7[%dma_wait3A_172, %dma_wait3A_176] : memref<8x128xi32, #tpu.memory_space<vmem>> -> memref<1x128xi32, #tpu.memory_space<vmem>>
      %dma_wait3A_178 = tpu.memref_squeeze %dma_wait3A_177 : memref<1x128xi32, #tpu.memory_space<vmem>> -> memref<128xi32, #tpu.memory_space<vmem>>
      %dma_wait3A_179 = arith.constant 0 : i32
      %dma_wait3A_180 = arith.constant 0 : i32
      %dma_wait3A_181 = tpu.memref_slice %arg2[%dma_wait3A_179, %dma_wait3A_180] : memref<100000x128xf32, #tpu.memory_space<hbm>> -> memref<100000x128xf32, #tpu.memory_space<hbm>>
      tpu.wait_indirect_dma semaphore(%arg11 : memref<!tpu.dma_semaphore, #tpu.memory_space<semaphore_mem>>) src(%dma_wait3A_181 : memref<100000x128xf32, #tpu.memory_space<hbm>>) dst(%dma_wait3A_175 : memref<128x128xf32, #tpu.memory_space<vmem>>)
      %run_scoped3A_182 = arith.constant 7 : i32
      "tpu.region"() ({
        %run_scoped3A_184 = tpu.sem_alloc : memref<!tpu.dma_semaphore, #tpu.memory_space<semaphore_mem>>
        %dma_start3A_185 = arith.constant 128 : i32
        %dma_start3A_186 = arith.constant 0 : i32
        %dma_start3A_187 = tpu.memref_slice %arg9[%dma_start3A_185, %dma_start3A_186] : memref<256x128xf32, #tpu.memory_space<vmem>> -> memref<128x128xf32, #tpu.memory_space<vmem>>
        %dma_start3A_188 = arith.constant 0 : i32
        %dma_start3A_189 = tpu.memref_slice %arg8[%run_scoped3A_182, %dma_start3A_188] : memref<8x128xi32, #tpu.memory_space<vmem>> -> memref<1x128xi32, #tpu.memory_space<vmem>>
        %dma_start3A_190 = tpu.memref_squeeze %dma_start3A_189 : memref<1x128xi32, #tpu.memory_space<vmem>> -> memref<128xi32, #tpu.memory_space<vmem>>
        %dma_start3A_191 = arith.constant 0 : i32
        %dma_start3A_192 = arith.constant 0 : i32
        %dma_start3A_193 = tpu.memref_slice %arg10[%dma_start3A_191, %dma_start3A_192] : memref<10240x128xf32, #tpu.memory_space<vmem_shared>> -> memref<10240x128xf32, #tpu.memory_space<vmem_shared>>
        tpu.enqueue_indirect_dma source(%dma_start3A_187 : memref<128x128xf32, #tpu.memory_space<vmem>>) target(%dma_start3A_193 : memref<10240x128xf32, #tpu.memory_space<vmem_shared>>) offsets(%dma_start3A_190 : memref<128xi32, #tpu.memory_space<vmem>>) semaphore(%run_scoped3A_184 : memref<!tpu.dma_semaphore, #tpu.memory_space<semaphore_mem>>) {add = true}
        %dma_wait3A_194 = arith.constant 128 : i32
        %dma_wait3A_195 = arith.constant 0 : i32
        %dma_wait3A_196 = tpu.memref_slice %arg9[%dma_wait3A_194, %dma_wait3A_195] : memref<256x128xf32, #tpu.memory_space<vmem>> -> memref<128x128xf32, #tpu.memory_space<vmem>>
        %dma_wait3A_197 = arith.constant 0 : i32
        %dma_wait3A_198 = tpu.memref_slice %arg8[%run_scoped3A_182, %dma_wait3A_197] : memref<8x128xi32, #tpu.memory_space<vmem>> -> memref<1x128xi32, #tpu.memory_space<vmem>>
        %dma_wait3A_199 = tpu.memref_squeeze %dma_wait3A_198 : memref<1x128xi32, #tpu.memory_space<vmem>> -> memref<128xi32, #tpu.memory_space<vmem>>
        %dma_wait3A_200 = arith.constant 0 : i32
        %dma_wait3A_201 = arith.constant 0 : i32
        %dma_wait3A_202 = tpu.memref_slice %arg10[%dma_wait3A_200, %dma_wait3A_201] : memref<10240x128xf32, #tpu.memory_space<vmem_shared>> -> memref<10240x128xf32, #tpu.memory_space<vmem_shared>>
        tpu.wait_indirect_dma semaphore(%run_scoped3A_184 : memref<!tpu.dma_semaphore, #tpu.memory_space<semaphore_mem>>) src(%dma_wait3A_196 : memref<128x128xf32, #tpu.memory_space<vmem>>) dst(%dma_wait3A_202 : memref<10240x128xf32, #tpu.memory_space<vmem_shared>>)
        tpu.yield
      }) : () -> ()
      %scan3A_183 = arith.constant 0 : i32
      scf.yield %scan3A_183 : i32
    }
    %scan3A_6 = arith.constant 10 : i32
    %barrier3A_7 = arith.constant 0 : index
    tpu.barrier barrier_id(%barrier3A_7)
    %mul3A_8 = arith.constant 640 : i32
    %mul3A_9 = arith.muli %arg1, %mul3A_8 : i32
    %mul3A_10 = arith.constant 640 : i32
    %mul3A_11 = arith.muli %arg1, %mul3A_10 : i32
    "tpu.region"() ({
      %run_scoped3A = tpu.sem_alloc : memref<!tpu.dma_semaphore, #tpu.memory_space<semaphore_mem>>
      %dma_start3A = arith.constant 0 : i32
      %dma_start3A_12 = tpu.memref_slice %arg6[%arg0, %mul3A_11, %dma_start3A] : memref<2x10240x128xf32, #tpu.memory_space<hbm>> -> memref<1x640x128xf32, #tpu.memory_space<hbm>>
      %dma_start3A_13 = tpu.memref_squeeze %dma_start3A_12 : memref<1x640x128xf32, #tpu.memory_space<hbm>> -> memref<640x128xf32, #tpu.memory_space<hbm>>
      %dma_start3A_14 = arith.constant 0 : i32
      %dma_start3A_15 = tpu.memref_slice %arg10[%mul3A_9, %dma_start3A_14] : memref<10240x128xf32, #tpu.memory_space<vmem_shared>> -> memref<640x128xf32, #tpu.memory_space<vmem_shared>>
      tpu.enqueue_dma source(%dma_start3A_15 : memref<640x128xf32, #tpu.memory_space<vmem_shared>>) target(%dma_start3A_13 : memref<640x128xf32, #tpu.memory_space<hbm>>) target_semaphore(%run_scoped3A : memref<!tpu.dma_semaphore, #tpu.memory_space<semaphore_mem>>)
      %dma_wait3A = arith.constant 0 : i32
      %dma_wait3A_16 = tpu.memref_slice %arg6[%arg0, %mul3A_11, %dma_wait3A] : memref<2x10240x128xf32, #tpu.memory_space<hbm>> -> memref<1x640x128xf32, #tpu.memory_space<hbm>>
      %dma_wait3A_17 = tpu.memref_squeeze %dma_wait3A_16 : memref<1x640x128xf32, #tpu.memory_space<hbm>> -> memref<640x128xf32, #tpu.memory_space<hbm>>
      %dma_wait3A_18 = arith.constant 0 : i32
      %dma_wait3A_19 = tpu.memref_slice %arg10[%mul3A_9, %dma_wait3A_18] : memref<10240x128xf32, #tpu.memory_space<vmem_shared>> -> memref<640x128xf32, #tpu.memory_space<vmem_shared>>
      tpu.wait_dma2 semaphore(%run_scoped3A : memref<!tpu.dma_semaphore, #tpu.memory_space<semaphore_mem>>) src(%dma_wait3A_19 : memref<640x128xf32, #tpu.memory_space<vmem_shared>>) dst(%dma_wait3A_17 : memref<640x128xf32, #tpu.memory_space<hbm>>)
      tpu.yield
    }) : () -> ()
    return
  }
}

#map = affine_map<(d0, d1) -> (0, 0)>
#map1 = affine_map<(d0, d1) -> (0, 0, 0)>
module attributes {stable_mosaic.version = 14 : i64} {
  func.func @k(%arg0: i32, %arg1: i32, %arg2: memref<1280x128xi32, #tpu.memory_space<hbm>>, %arg3: memref<128x128xf32, #tpu.memory_space<hbm>>, %arg4: memref<640x128xf32, #tpu.memory_space<hbm>>, %arg5: memref<2x10240x128xf32, #tpu.memory_space<hbm>>, %arg6: memref<40x128xi32, #tpu.memory_space<vmem>>, %arg7: memref<128x128xf32, #tpu.memory_space<vmem>>, %arg8: memref<10240x128xf32, #tpu.memory_space<vmem_shared>>, %arg9: memref<!tpu.dma_semaphore, #tpu.memory_space<semaphore_mem>>) attributes {dimension_semantics = [#tpu.dimension_semantics<core_parallel>, #tpu.dimension_semantics<subcore_parallel>], iteration_bounds = array<i64: 2, 16>, scalar_prefetch = 0 : i64, scratch_operands = 4 : i64, tpu.core_type = #tpu.core_type<sc_vector_subcore>, window_params = [{transform_indices = #map}, {transform_indices = #map}, {transform_indices = #map}, {transform_indices = #map1}]} {
    %mul3A = arith.constant 2 : i32
    %mul3A_0 = arith.muli %arg1, %mul3A : i32
    %add3A = arith.addi %mul3A_0, %arg0 : i32
    %mul3A_1 = arith.constant 40 : i32
    %mul3A_2 = arith.muli %add3A, %mul3A_1 : i32
    "tpu.region"() ({
      %run_scoped3A = tpu.sem_alloc : memref<!tpu.dma_semaphore, #tpu.memory_space<semaphore_mem>>
      %dma_start3A = arith.constant 0 : i32
      %dma_start3A_16 = tpu.memref_slice %arg2[%mul3A_2, %dma_start3A] : memref<1280x128xi32, #tpu.memory_space<hbm>> -> memref<40x128xi32, #tpu.memory_space<hbm>>
      %dma_start3A_17 = arith.constant 0 : i32
      %dma_start3A_18 = tpu.memref_slice %arg2[%mul3A_2, %dma_start3A_17] : memref<1280x128xi32, #tpu.memory_space<hbm>> -> memref<40x128xi32, #tpu.memory_space<hbm>>
      tpu.enqueue_dma source(%dma_start3A_18 : memref<40x128xi32, #tpu.memory_space<hbm>>) target(%arg6 : memref<40x128xi32, #tpu.memory_space<vmem>>) target_semaphore(%run_scoped3A : memref<!tpu.dma_semaphore, #tpu.memory_space<semaphore_mem>>)
      %dma_wait3A = arith.constant 0 : i32
      %dma_wait3A_19 = tpu.memref_slice %arg2[%mul3A_2, %dma_wait3A] : memref<1280x128xi32, #tpu.memory_space<hbm>> -> memref<40x128xi32, #tpu.memory_space<hbm>>
      %dma_wait3A_20 = arith.constant 0 : i32
      %dma_wait3A_21 = tpu.memref_slice %arg2[%mul3A_2, %dma_wait3A_20] : memref<1280x128xi32, #tpu.memory_space<hbm>> -> memref<40x128xi32, #tpu.memory_space<hbm>>
      tpu.wait_dma2 semaphore(%run_scoped3A : memref<!tpu.dma_semaphore, #tpu.memory_space<semaphore_mem>>) src(%dma_wait3A_21 : memref<40x128xi32, #tpu.memory_space<hbm>>) dst(%arg6 : memref<40x128xi32, #tpu.memory_space<vmem>>)
      tpu.yield
    }) : () -> ()
    "tpu.region"() ({
      %run_scoped3A = tpu.sem_alloc : memref<!tpu.dma_semaphore, #tpu.memory_space<semaphore_mem>>
      tpu.enqueue_dma source(%arg3 : memref<128x128xf32, #tpu.memory_space<hbm>>) target(%arg7 : memref<128x128xf32, #tpu.memory_space<vmem>>) target_semaphore(%run_scoped3A : memref<!tpu.dma_semaphore, #tpu.memory_space<semaphore_mem>>)
      tpu.wait_dma2 semaphore(%run_scoped3A : memref<!tpu.dma_semaphore, #tpu.memory_space<semaphore_mem>>) src(%arg3 : memref<128x128xf32, #tpu.memory_space<hbm>>) dst(%arg7 : memref<128x128xf32, #tpu.memory_space<vmem>>)
      tpu.yield
    }) : () -> ()
    %mul3A_3 = arith.constant 640 : i32
    %mul3A_4 = arith.muli %arg1, %mul3A_3 : i32
    "tpu.region"() ({
      %run_scoped3A = tpu.sem_alloc : memref<!tpu.dma_semaphore, #tpu.memory_space<semaphore_mem>>
      %dma_start3A = arith.constant 0 : i32
      %dma_start3A_16 = tpu.memref_slice %arg8[%mul3A_4, %dma_start3A] : memref<10240x128xf32, #tpu.memory_space<vmem_shared>> -> memref<640x128xf32, #tpu.memory_space<vmem_shared>>
      tpu.enqueue_dma source(%arg4 : memref<640x128xf32, #tpu.memory_space<hbm>>) target(%dma_start3A_16 : memref<640x128xf32, #tpu.memory_space<vmem_shared>>) target_semaphore(%run_scoped3A : memref<!tpu.dma_semaphore, #tpu.memory_space<semaphore_mem>>)
      %dma_wait3A = arith.constant 0 : i32
      %dma_wait3A_17 = tpu.memref_slice %arg8[%mul3A_4, %dma_wait3A] : memref<10240x128xf32, #tpu.memory_space<vmem_shared>> -> memref<640x128xf32, #tpu.memory_space<vmem_shared>>
      tpu.wait_dma2 semaphore(%run_scoped3A : memref<!tpu.dma_semaphore, #tpu.memory_space<semaphore_mem>>) src(%arg4 : memref<640x128xf32, #tpu.memory_space<hbm>>) dst(%dma_wait3A_17 : memref<640x128xf32, #tpu.memory_space<vmem_shared>>)
      tpu.yield
    }) : () -> ()
    %barrier3A = arith.constant 0 : index
    tpu.barrier barrier_id(%barrier3A)
    %scan3A = arith.constant 0 : i32
    %scan3A_5 = arith.constant 0 : i32
    %scan3A_6 = arith.constant 40 : i32
    %scan3A_7 = arith.addi %scan3A_5, %scan3A_6 : i32
    %scan3A_8 = arith.constant 1 : i32
    %scan3A_9 = scf.for %scan3A_16 = %scan3A_5 to %scan3A_7 step %scan3A_8 iter_args(%scan3A_17 = %scan3A) -> (i32)  : i32 {
      "tpu.region"() ({
        %run_scoped3A = tpu.sem_alloc : memref<!tpu.dma_semaphore, #tpu.memory_space<semaphore_mem>>
        %dma_start3A = arith.constant 0 : i32
        %dma_start3A_19 = tpu.memref_slice %arg6[%scan3A_16, %dma_start3A] : memref<40x128xi32, #tpu.memory_space<vmem>> -> memref<1x128xi32, #tpu.memory_space<vmem>>
        %dma_start3A_20 = tpu.memref_squeeze %dma_start3A_19 : memref<1x128xi32, #tpu.memory_space<vmem>> -> memref<128xi32, #tpu.memory_space<vmem>>
        %dma_start3A_21 = arith.constant 0 : i32
        %dma_start3A_22 = arith.constant 0 : i32
        %dma_start3A_23 = tpu.memref_slice %arg8[%dma_start3A_21, %dma_start3A_22] : memref<10240x128xf32, #tpu.memory_space<vmem_shared>> -> memref<10240x128xf32, #tpu.memory_space<vmem_shared>>
        tpu.enqueue_indirect_dma source(%arg7 : memref<128x128xf32, #tpu.memory_space<vmem>>) target(%dma_start3A_23 : memref<10240x128xf32, #tpu.memory_space<vmem_shared>>) offsets(%dma_start3A_20 : memref<128xi32, #tpu.memory_space<vmem>>) semaphore(%run_scoped3A : memref<!tpu.dma_semaphore, #tpu.memory_space<semaphore_mem>>) {add = true}
        %dma_wait3A = arith.constant 0 : i32
        %dma_wait3A_24 = tpu.memref_slice %arg6[%scan3A_16, %dma_wait3A] : memref<40x128xi32, #tpu.memory_space<vmem>> -> memref<1x128xi32, #tpu.memory_space<vmem>>
        %dma_wait3A_25 = tpu.memref_squeeze %dma_wait3A_24 : memref<1x128xi32, #tpu.memory_space<vmem>> -> memref<128xi32, #tpu.memory_space<vmem>>
        %dma_wait3A_26 = arith.constant 0 : i32
        %dma_wait3A_27 = arith.constant 0 : i32
        %dma_wait3A_28 = tpu.memref_slice %arg8[%dma_wait3A_26, %dma_wait3A_27] : memref<10240x128xf32, #tpu.memory_space<vmem_shared>> -> memref<10240x128xf32, #tpu.memory_space<vmem_shared>>
        tpu.wait_indirect_dma semaphore(%run_scoped3A : memref<!tpu.dma_semaphore, #tpu.memory_space<semaphore_mem>>) src(%arg7 : memref<128x128xf32, #tpu.memory_space<vmem>>) dst(%dma_wait3A_28 : memref<10240x128xf32, #tpu.memory_space<vmem_shared>>)
        tpu.yield
      }) : () -> ()
      %scan3A_18 = arith.constant 0 : i32
      scf.yield %scan3A_18 : i32
    }
    %scan3A_10 = arith.constant 40 : i32
    %barrier3A_11 = arith.constant 0 : index
    tpu.barrier barrier_id(%barrier3A_11)
    %mul3A_12 = arith.constant 640 : i32
    %mul3A_13 = arith.muli %arg1, %mul3A_12 : i32
    %mul3A_14 = arith.constant 640 : i32
    %mul3A_15 = arith.muli %arg1, %mul3A_14 : i32
    "tpu.region"() ({
      %run_scoped3A = tpu.sem_alloc : memref<!tpu.dma_semaphore, #tpu.memory_space<semaphore_mem>>
      %dma_start3A = arith.constant 0 : i32
      %dma_start3A_16 = tpu.memref_slice %arg5[%arg0, %mul3A_15, %dma_start3A] : memref<2x10240x128xf32, #tpu.memory_space<hbm>> -> memref<1x640x128xf32, #tpu.memory_space<hbm>>
      %dma_start3A_17 = tpu.memref_squeeze %dma_start3A_16 : memref<1x640x128xf32, #tpu.memory_space<hbm>> -> memref<640x128xf32, #tpu.memory_space<hbm>>
      %dma_start3A_18 = arith.constant 0 : i32
      %dma_start3A_19 = tpu.memref_slice %arg8[%mul3A_13, %dma_start3A_18] : memref<10240x128xf32, #tpu.memory_space<vmem_shared>> -> memref<640x128xf32, #tpu.memory_space<vmem_shared>>
      tpu.enqueue_dma source(%dma_start3A_19 : memref<640x128xf32, #tpu.memory_space<vmem_shared>>) target(%dma_start3A_17 : memref<640x128xf32, #tpu.memory_space<hbm>>) target_semaphore(%run_scoped3A : memref<!tpu.dma_semaphore, #tpu.memory_space<semaphore_mem>>)
      %dma_wait3A = arith.constant 0 : i32
      %dma_wait3A_20 = tpu.memref_slice %arg5[%arg0, %mul3A_15, %dma_wait3A] : memref<2x10240x128xf32, #tpu.memory_space<hbm>> -> memref<1x640x128xf32, #tpu.memory_space<hbm>>
      %dma_wait3A_21 = tpu.memref_squeeze %dma_wait3A_20 : memref<1x640x128xf32, #tpu.memory_space<hbm>> -> memref<640x128xf32, #tpu.memory_space<hbm>>
      %dma_wait3A_22 = arith.constant 0 : i32
      %dma_wait3A_23 = tpu.memref_slice %arg8[%mul3A_13, %dma_wait3A_22] : memref<10240x128xf32, #tpu.memory_space<vmem_shared>> -> memref<640x128xf32, #tpu.memory_space<vmem_shared>>
      tpu.wait_dma2 semaphore(%run_scoped3A : memref<!tpu.dma_semaphore, #tpu.memory_space<semaphore_mem>>) src(%dma_wait3A_23 : memref<640x128xf32, #tpu.memory_space<vmem_shared>>) dst(%dma_wait3A_21 : memref<640x128xf32, #tpu.memory_space<hbm>>)
      tpu.yield
    }) : () -> ()
    return
  }
}

#map = affine_map<(d0, d1) -> (0, 0)>
#map1 = affine_map<(d0, d1) -> (0)>
#map2 = affine_map<(d0, d1) -> (0, 0, 0)>
module attributes {stable_mosaic.version = 14 : i64} {
  func.func @k(%arg0: i32, %arg1: i32, %arg2: memref<1024x128xf32, #tpu.memory_space<hbm>>, %arg3: memref<10240xi32, #tpu.memory_space<hbm>>, %arg4: memref<2x10240x128xf32, #tpu.memory_space<hbm>>, %arg5: memref<640xi32, #tpu.memory_space<vmem>>, %arg6: memref<640xi32, #tpu.memory_space<vmem>>, %arg7: memref<640x128xf32, #tpu.memory_space<vmem>>, %arg8: memref<!tpu.dma_semaphore, #tpu.memory_space<semaphore_mem>>) attributes {dimension_semantics = [#tpu.dimension_semantics<core_parallel>, #tpu.dimension_semantics<subcore_parallel>], iteration_bounds = array<i64: 2, 16>, scalar_prefetch = 0 : i64, scratch_operands = 4 : i64, tpu.core_type = #tpu.core_type<sc_vector_subcore>, window_params = [{transform_indices = #map}, {transform_indices = #map1}, {transform_indices = #map2}]} {
    %mul3A = arith.constant 640 : i32
    %mul3A_0 = arith.muli %arg1, %mul3A : i32
    "tpu.region"() ({
      %run_scoped3A = tpu.sem_alloc : memref<!tpu.dma_semaphore, #tpu.memory_space<semaphore_mem>>
      %dma_start3A_11 = tpu.memref_slice %arg3[%mul3A_0] : memref<10240xi32, #tpu.memory_space<hbm>> -> memref<640xi32, #tpu.memory_space<hbm>>
      %dma_start3A_12 = tpu.memref_slice %arg3[%mul3A_0] : memref<10240xi32, #tpu.memory_space<hbm>> -> memref<640xi32, #tpu.memory_space<hbm>>
      tpu.enqueue_dma source(%dma_start3A_12 : memref<640xi32, #tpu.memory_space<hbm>>) target(%arg5 : memref<640xi32, #tpu.memory_space<vmem>>) target_semaphore(%run_scoped3A : memref<!tpu.dma_semaphore, #tpu.memory_space<semaphore_mem>>)
      %dma_wait3A_13 = tpu.memref_slice %arg3[%mul3A_0] : memref<10240xi32, #tpu.memory_space<hbm>> -> memref<640xi32, #tpu.memory_space<hbm>>
      %dma_wait3A_14 = tpu.memref_slice %arg3[%mul3A_0] : memref<10240xi32, #tpu.memory_space<hbm>> -> memref<640xi32, #tpu.memory_space<hbm>>
      tpu.wait_dma2 semaphore(%run_scoped3A : memref<!tpu.dma_semaphore, #tpu.memory_space<semaphore_mem>>) src(%dma_wait3A_14 : memref<640xi32, #tpu.memory_space<hbm>>) dst(%arg5 : memref<640xi32, #tpu.memory_space<vmem>>)
      tpu.yield
    }) : () -> ()
    %scan3A = arith.constant 0 : i32
    %scan3A_1 = arith.constant 0 : i32
    %scan3A_2 = arith.constant 40 : i32
    %scan3A_3 = arith.addi %scan3A_1, %scan3A_2 : i32
    %scan3A_4 = arith.constant 1 : i32
    %scan3A_5 = scf.for %scan3A_11 = %scan3A_1 to %scan3A_3 step %scan3A_4 iter_args(%scan3A_12 = %scan3A) -> (i32)  : i32 {
      %mul3A_13 = arith.constant 16 : i32
      %mul3A_14 = arith.muli %scan3A_11, %mul3A_13 : i32
      %get3A = arith.index_cast %mul3A_14 : i32 to index
      %get3A_15 = tpu.vector_load %arg5[%get3A] {strides = array<i32>} : memref<640xi32, #tpu.memory_space<vmem>>, vector<16xi32>,
      %get3A_16 = vector.shape_cast %get3A_15 : vector<16xi32> to vector<16xi32>
      %mul3A_17 = arith.constant 2 : i32
      %mul3A_18 = vector.broadcast %mul3A_17 : i32 to vector<16xi32>
      %mul3A_19 = arith.muli %get3A_16, %mul3A_18 : vector<16xi32>
      %add3A = vector.broadcast %arg0 : i32 to vector<16xi32>
      %add3A_20 = arith.addi %mul3A_19, %add3A : vector<16xi32>
      %mul3A_21 = arith.constant 16 : i32
      %mul3A_22 = arith.muli %scan3A_11, %mul3A_21 : i32
      %swap3A = arith.index_cast %mul3A_22 : i32 to index
      %swap3A_23 = tpu.vector_load %arg6[%swap3A] {strides = array<i32>} : memref<640xi32, #tpu.memory_space<vmem>>, vector<16xi32>,
      %swap3A_24 = vector.shape_cast %swap3A_23 : vector<16xi32> to vector<16xi32>
      %swap3A_25 = vector.shape_cast %add3A_20 : vector<16xi32> to vector<16xi32>
      tpu.vector_store %arg6[%swap3A], %swap3A_25 {strides = array<i32>} : memref<640xi32, #tpu.memory_space<vmem>>, vector<16xi32>,
      %scan3A_26 = arith.constant 0 : i32
      scf.yield %scan3A_26 : i32
    }
    %scan3A_6 = arith.constant 40 : i32
    %dma_start3A = arith.constant 0 : i32
    %dma_start3A_7 = arith.constant 0 : i32
    %dma_start3A_8 = tpu.memref_slice %arg2[%dma_start3A, %dma_start3A_7] : memref<1024x128xf32, #tpu.memory_space<hbm>> -> memref<1024x128xf32, #tpu.memory_space<hbm>>
    tpu.enqueue_indirect_dma source(%dma_start3A_8 : memref<1024x128xf32, #tpu.memory_space<hbm>>) target(%arg7 : memref<640x128xf32, #tpu.memory_space<vmem>>) offsets(%arg6 : memref<640xi32, #tpu.memory_space<vmem>>) semaphore(%arg8 : memref<!tpu.dma_semaphore, #tpu.memory_space<semaphore_mem>>)
    %dma_wait3A = arith.constant 0 : i32
    %dma_wait3A_9 = arith.constant 0 : i32
    %dma_wait3A_10 = tpu.memref_slice %arg2[%dma_wait3A, %dma_wait3A_9] : memref<1024x128xf32, #tpu.memory_space<hbm>> -> memref<1024x128xf32, #tpu.memory_space<hbm>>
    tpu.wait_indirect_dma semaphore(%arg8 : memref<!tpu.dma_semaphore, #tpu.memory_space<semaphore_mem>>) src(%dma_wait3A_10 : memref<1024x128xf32, #tpu.memory_space<hbm>>) dst(%arg7 : memref<640x128xf32, #tpu.memory_space<vmem>>)
    "tpu.region"() ({
      %run_scoped3A = tpu.sem_alloc : memref<!tpu.dma_semaphore, #tpu.memory_space<semaphore_mem>>
      %dma_start3A_11 = arith.constant 0 : i32
      %dma_start3A_12 = tpu.memref_slice %arg4[%arg0, %mul3A_0, %dma_start3A_11] : memref<2x10240x128xf32, #tpu.memory_space<hbm>> -> memref<1x640x128xf32, #tpu.memory_space<hbm>>
      %dma_start3A_13 = tpu.memref_squeeze %dma_start3A_12 : memref<1x640x128xf32, #tpu.memory_space<hbm>> -> memref<640x128xf32, #tpu.memory_space<hbm>>
      %dma_start3A_14 = arith.constant 0 : i32
      %dma_start3A_15 = tpu.memref_slice %arg4[%arg0, %mul3A_0, %dma_start3A_14] : memref<2x10240x128xf32, #tpu.memory_space<hbm>> -> memref<1x640x128xf32, #tpu.memory_space<hbm>>
      %dma_start3A_16 = tpu.memref_squeeze %dma_start3A_15 : memref<1x640x128xf32, #tpu.memory_space<hbm>> -> memref<640x128xf32, #tpu.memory_space<hbm>>
      tpu.enqueue_dma source(%arg7 : memref<640x128xf32, #tpu.memory_space<vmem>>) target(%dma_start3A_16 : memref<640x128xf32, #tpu.memory_space<hbm>>) target_semaphore(%run_scoped3A : memref<!tpu.dma_semaphore, #tpu.memory_space<semaphore_mem>>)
      %dma_wait3A_17 = arith.constant 0 : i32
      %dma_wait3A_18 = tpu.memref_slice %arg4[%arg0, %mul3A_0, %dma_wait3A_17] : memref<2x10240x128xf32, #tpu.memory_space<hbm>> -> memref<1x640x128xf32, #tpu.memory_space<hbm>>
      %dma_wait3A_19 = tpu.memref_squeeze %dma_wait3A_18 : memref<1x640x128xf32, #tpu.memory_space<hbm>> -> memref<640x128xf32, #tpu.memory_space<hbm>>
      %dma_wait3A_20 = arith.constant 0 : i32
      %dma_wait3A_21 = tpu.memref_slice %arg4[%arg0, %mul3A_0, %dma_wait3A_20] : memref<2x10240x128xf32, #tpu.memory_space<hbm>> -> memref<1x640x128xf32, #tpu.memory_space<hbm>>
      %dma_wait3A_22 = tpu.memref_squeeze %dma_wait3A_21 : memref<1x640x128xf32, #tpu.memory_space<hbm>> -> memref<640x128xf32, #tpu.memory_space<hbm>>
      tpu.wait_dma2 semaphore(%run_scoped3A : memref<!tpu.dma_semaphore, #tpu.memory_space<semaphore_mem>>) src(%arg7 : memref<640x128xf32, #tpu.memory_space<vmem>>) dst(%dma_wait3A_22 : memref<640x128xf32, #tpu.memory_space<hbm>>)
      tpu.yield
    }) : () -> ()
    return
  }
}

#map = affine_map<(d0, d1) -> (0, 0)>
#map1 = affine_map<(d0, d1) -> (0, 0, 0)>
module attributes {stable_mosaic.version = 14 : i64} {
  func.func @k(%arg0: i32, %arg1: i32, %arg2: memref<100000x128xf32, #tpu.memory_space<hbm>>, %arg3: memref<2x1280x128xi32, #tpu.memory_space<hbm>>, %arg4: memref<1280x128xi32, #tpu.memory_space<hbm>>, %arg5: memref<640x128xf32, #tpu.memory_space<hbm>>, %arg6: memref<2x10240x128xf32, #tpu.memory_space<hbm>>, %arg7: memref<8x128xi32, #tpu.memory_space<vmem>>, %arg8: memref<8x128xi32, #tpu.memory_space<vmem>>, %arg9: memref<256x128xf32, #tpu.memory_space<vmem>>, %arg10: memref<10240x128xf32, #tpu.memory_space<vmem_shared>>, %arg11: memref<!tpu.dma_semaphore, #tpu.memory_space<semaphore_mem>>) attributes {dimension_semantics = [#tpu.dimension_semantics<core_parallel>, #tpu.dimension_semantics<subcore_parallel>], iteration_bounds = array<i64: 2, 16>, scalar_prefetch = 0 : i64, scratch_operands = 5 : i64, tpu.core_type = #tpu.core_type<sc_vector_subcore>, window_params = [{transform_indices = #map}, {transform_indices = #map1}, {transform_indices = #map}, {transform_indices = #map}, {transform_indices = #map1}]} {
    %mul3A = arith.constant 640 : i32
    %mul3A_0 = arith.muli %arg1, %mul3A : i32
    "tpu.region"() ({
      %run_scoped3A = tpu.sem_alloc : memref<!tpu.dma_semaphore, #tpu.memory_space<semaphore_mem>>
      %dma_start3A = arith.constant 0 : i32
      %dma_start3A_12 = tpu.memref_slice %arg10[%mul3A_0, %dma_start3A] : memref<10240x128xf32, #tpu.memory_space<vmem_shared>> -> memref<640x128xf32, #tpu.memory_space<vmem_shared>>
      tpu.enqueue_dma source(%arg5 : memref<640x128xf32, #tpu.memory_space<hbm>>) target(%dma_start3A_12 : memref<640x128xf32, #tpu.memory_space<vmem_shared>>) target_semaphore(%run_scoped3A : memref<!tpu.dma_semaphore, #tpu.memory_space<semaphore_mem>>)
      %dma_wait3A = arith.constant 0 : i32
      %dma_wait3A_13 = tpu.memref_slice %arg10[%mul3A_0, %dma_wait3A] : memref<10240x128xf32, #tpu.memory_space<vmem_shared>> -> memref<640x128xf32, #tpu.memory_space<vmem_shared>>
      tpu.wait_dma2 semaphore(%run_scoped3A : memref<!tpu.dma_semaphore, #tpu.memory_space<semaphore_mem>>) src(%arg5 : memref<640x128xf32, #tpu.memory_space<hbm>>) dst(%dma_wait3A_13 : memref<640x128xf32, #tpu.memory_space<vmem_shared>>)
      tpu.yield
    }) : () -> ()
    %barrier3A = arith.constant 0 : index
    tpu.barrier barrier_id(%barrier3A)
    %scan3A = arith.constant 0 : i32
    %scan3A_1 = arith.constant 0 : i32
    %scan3A_2 = arith.constant 10 : i32
    %scan3A_3 = arith.addi %scan3A_1, %scan3A_2 : i32
    %scan3A_4 = arith.constant 1 : i32
    %scan3A_5 = scf.for %scan3A_12 = %scan3A_1 to %scan3A_3 step %scan3A_4 iter_args(%scan3A_13 = %scan3A) -> (i32)  : i32 {
      %mul3A_14 = arith.constant 80 : i32
      %mul3A_15 = arith.muli %arg1, %mul3A_14 : i32
      %mul3A_16 = arith.constant 8 : i32
      %mul3A_17 = arith.muli %scan3A_12, %mul3A_16 : i32
      %add3A = arith.addi %mul3A_15, %mul3A_17 : i32
      "tpu.region"() ({
        %run_scoped3A_184 = tpu.sem_alloc : memref<!tpu.dma_semaphore, #tpu.memory_space<semaphore_mem>>
        %dma_start3A_185 = arith.constant 0 : i32
        %dma_start3A_186 = tpu.memref_slice %arg3[%arg0, %add3A, %dma_start3A_185] : memref<2x1280x128xi32, #tpu.memory_space<hbm>> -> memref<1x8x128xi32, #tpu.memory_space<hbm>>
        %dma_start3A_187 = tpu.memref_squeeze %dma_start3A_186 : memref<1x8x128xi32, #tpu.memory_space<hbm>> -> memref<8x128xi32, #tpu.memory_space<hbm>>
        %dma_start3A_188 = arith.constant 0 : i32
        %dma_start3A_189 = tpu.memref_slice %arg3[%arg0, %add3A, %dma_start3A_188] : memref<2x1280x128xi32, #tpu.memory_space<hbm>> -> memref<1x8x128xi32, #tpu.memory_space<hbm>>
        %dma_start3A_190 = tpu.memref_squeeze %dma_start3A_189 : memref<1x8x128xi32, #tpu.memory_space<hbm>> -> memref<8x128xi32, #tpu.memory_space<hbm>>
        tpu.enqueue_dma source(%dma_start3A_190 : memref<8x128xi32, #tpu.memory_space<hbm>>) target(%arg7 : memref<8x128xi32, #tpu.memory_space<vmem>>) target_semaphore(%run_scoped3A_184 : memref<!tpu.dma_semaphore, #tpu.memory_space<semaphore_mem>>)
        %dma_wait3A_191 = arith.constant 0 : i32
        %dma_wait3A_192 = tpu.memref_slice %arg3[%arg0, %add3A, %dma_wait3A_191] : memref<2x1280x128xi32, #tpu.memory_space<hbm>> -> memref<1x8x128xi32, #tpu.memory_space<hbm>>
        %dma_wait3A_193 = tpu.memref_squeeze %dma_wait3A_192 : memref<1x8x128xi32, #tpu.memory_space<hbm>> -> memref<8x128xi32, #tpu.memory_space<hbm>>
        %dma_wait3A_194 = arith.constant 0 : i32
        %dma_wait3A_195 = tpu.memref_slice %arg3[%arg0, %add3A, %dma_wait3A_194] : memref<2x1280x128xi32, #tpu.memory_space<hbm>> -> memref<1x8x128xi32, #tpu.memory_space<hbm>>
        %dma_wait3A_196 = tpu.memref_squeeze %dma_wait3A_195 : memref<1x8x128xi32, #tpu.memory_space<hbm>> -> memref<8x128xi32, #tpu.memory_space<hbm>>
        tpu.wait_dma2 semaphore(%run_scoped3A_184 : memref<!tpu.dma_semaphore, #tpu.memory_space<semaphore_mem>>) src(%dma_wait3A_196 : memref<8x128xi32, #tpu.memory_space<hbm>>) dst(%arg7 : memref<8x128xi32, #tpu.memory_space<vmem>>)
        tpu.yield
      }) : () -> ()
      "tpu.region"() ({
        %run_scoped3A_184 = tpu.sem_alloc : memref<!tpu.dma_semaphore, #tpu.memory_space<semaphore_mem>>
        %dma_start3A_185 = arith.constant 0 : i32
        %dma_start3A_186 = tpu.memref_slice %arg4[%add3A, %dma_start3A_185] : memref<1280x128xi32, #tpu.memory_space<hbm>> -> memref<8x128xi32, #tpu.memory_space<hbm>>
        %dma_start3A_187 = arith.constant 0 : i32
        %dma_start3A_188 = tpu.memref_slice %arg4[%add3A, %dma_start3A_187] : memref<1280x128xi32, #tpu.memory_space<hbm>> -> memref<8x128xi32, #tpu.memory_space<hbm>>
        tpu.enqueue_dma source(%dma_start3A_188 : memref<8x128xi32, #tpu.memory_space<hbm>>) target(%arg8 : memref<8x128xi32, #tpu.memory_space<vmem>>) target_semaphore(%run_scoped3A_184 : memref<!tpu.dma_semaphore, #tpu.memory_space<semaphore_mem>>)
        %dma_wait3A_189 = arith.constant 0 : i32
        %dma_wait3A_190 = tpu.memref_slice %arg4[%add3A, %dma_wait3A_189] : memref<1280x128xi32, #tpu.memory_space<hbm>> -> memref<8x128xi32, #tpu.memory_space<hbm>>
        %dma_wait3A_191 = arith.constant 0 : i32
        %dma_wait3A_192 = tpu.memref_slice %arg4[%add3A, %dma_wait3A_191] : memref<1280x128xi32, #tpu.memory_space<hbm>> -> memref<8x128xi32, #tpu.memory_space<hbm>>
        tpu.wait_dma2 semaphore(%run_scoped3A_184 : memref<!tpu.dma_semaphore, #tpu.memory_space<semaphore_mem>>) src(%dma_wait3A_192 : memref<8x128xi32, #tpu.memory_space<hbm>>) dst(%arg8 : memref<8x128xi32, #tpu.memory_space<vmem>>)
        tpu.yield
      }) : () -> ()
      %dma_start3A = arith.constant 0 : i32
      %dma_start3A_18 = arith.constant 0 : i32
      %dma_start3A_19 = arith.constant 0 : i32
      %dma_start3A_20 = tpu.memref_slice %arg9[%dma_start3A_18, %dma_start3A_19] : memref<256x128xf32, #tpu.memory_space<vmem>> -> memref<128x128xf32, #tpu.memory_space<vmem>>
      %dma_start3A_21 = arith.constant 0 : i32
      %dma_start3A_22 = tpu.memref_slice %arg7[%dma_start3A, %dma_start3A_21] : memref<8x128xi32, #tpu.memory_space<vmem>> -> memref<1x128xi32, #tpu.memory_space<vmem>>
      %dma_start3A_23 = tpu.memref_squeeze %dma_start3A_22 : memref<1x128xi32, #tpu.memory_space<vmem>> -> memref<128xi32, #tpu.memory_space<vmem>>
      %dma_start3A_24 = arith.constant 0 : i32
      %dma_start3A_25 = arith.constant 0 : i32
      %dma_start3A_26 = tpu.memref_slice %arg2[%dma_start3A_24, %dma_start3A_25] : memref<100000x128xf32, #tpu.memory_space<hbm>> -> memref<100000x128xf32, #tpu.memory_space<hbm>>
      tpu.enqueue_indirect_dma source(%dma_start3A_26 : memref<100000x128xf32, #tpu.memory_space<hbm>>) target(%dma_start3A_20 : memref<128x128xf32, #tpu.memory_space<vmem>>) offsets(%dma_start3A_23 : memref<128xi32, #tpu.memory_space<vmem>>) semaphore(%arg11 : memref<!tpu.dma_semaphore, #tpu.memory_space<semaphore_mem>>)
      %dma_start3A_27 = arith.constant 1 : i32
      %dma_start3A_28 = arith.constant 128 : i32
      %dma_start3A_29 = arith.constant 0 : i32
      %dma_start3A_30 = tpu.memref_slice %arg9[%dma_start3A_28, %dma_start3A_29] : memref<256x128xf32, #tpu.memory_space<vmem>> -> memref<128x128xf32, #tpu.memory_space<vmem>>
      %dma_start3A_31 = arith.constant 0 : i32
      %dma_start3A_32 = tpu.memref_slice %arg7[%dma_start3A_27, %dma_start3A_31] : memref<8x128xi32, #tpu.memory_space<vmem>> -> memref<1x128xi32, #tpu.memory_space<vmem>>
      %dma_start3A_33 = tpu.memref_squeeze %dma_start3A_32 : memref<1x128xi32, #tpu.memory_space<vmem>> -> memref<128xi32, #tpu.memory_space<vmem>>
      %dma_start3A_34 = arith.constant 0 : i32
      %dma_start3A_35 = arith.constant 0 : i32
      %dma_start3A_36 = tpu.memref_slice %arg2[%dma_start3A_34, %dma_start3A_35] : memref<100000x128xf32, #tpu.memory_space<hbm>> -> memref<100000x128xf32, #tpu.memory_space<hbm>>
      tpu.enqueue_indirect_dma source(%dma_start3A_36 : memref<100000x128xf32, #tpu.memory_space<hbm>>) target(%dma_start3A_30 : memref<128x128xf32, #tpu.memory_space<vmem>>) offsets(%dma_start3A_33 : memref<128xi32, #tpu.memory_space<vmem>>) semaphore(%arg11 : memref<!tpu.dma_semaphore, #tpu.memory_space<semaphore_mem>>)
      %dma_wait3A = arith.constant 0 : i32
      %dma_wait3A_37 = arith.constant 0 : i32
      %dma_wait3A_38 = arith.constant 0 : i32
      %dma_wait3A_39 = tpu.memref_slice %arg9[%dma_wait3A_37, %dma_wait3A_38] : memref<256x128xf32, #tpu.memory_space<vmem>> -> memref<128x128xf32, #tpu.memory_space<vmem>>
      %dma_wait3A_40 = arith.constant 0 : i32
      %dma_wait3A_41 = tpu.memref_slice %arg7[%dma_wait3A, %dma_wait3A_40] : memref<8x128xi32, #tpu.memory_space<vmem>> -> memref<1x128xi32, #tpu.memory_space<vmem>>
      %dma_wait3A_42 = tpu.memref_squeeze %dma_wait3A_41 : memref<1x128xi32, #tpu.memory_space<vmem>> -> memref<128xi32, #tpu.memory_space<vmem>>
      %dma_wait3A_43 = arith.constant 0 : i32
      %dma_wait3A_44 = arith.constant 0 : i32
      %dma_wait3A_45 = tpu.memref_slice %arg2[%dma_wait3A_43, %dma_wait3A_44] : memref<100000x128xf32, #tpu.memory_space<hbm>> -> memref<100000x128xf32, #tpu.memory_space<hbm>>
      tpu.wait_indirect_dma semaphore(%arg11 : memref<!tpu.dma_semaphore, #tpu.memory_space<semaphore_mem>>) src(%dma_wait3A_45 : memref<100000x128xf32, #tpu.memory_space<hbm>>) dst(%dma_wait3A_39 : memref<128x128xf32, #tpu.memory_space<vmem>>)
      %run_scoped3A = arith.constant 0 : i32
      "tpu.region"() ({
        %run_scoped3A_184 = tpu.sem_alloc : memref<!tpu.dma_semaphore, #tpu.memory_space<semaphore_mem>>
        %dma_start3A_185 = arith.constant 0 : i32
        %dma_start3A_186 = arith.constant 0 : i32
        %dma_start3A_187 = tpu.memref_slice %arg9[%dma_start3A_185, %dma_start3A_186] : memref<256x128xf32, #tpu.memory_space<vmem>> -> memref<128x128xf32, #tpu.memory_space<vmem>>
        %dma_start3A_188 = arith.constant 0 : i32
        %dma_start3A_189 = tpu.memref_slice %arg8[%run_scoped3A, %dma_start3A_188] : memref<8x128xi32, #tpu.memory_space<vmem>> -> memref<1x128xi32, #tpu.memory_space<vmem>>
        %dma_start3A_190 = tpu.memref_squeeze %dma_start3A_189 : memref<1x128xi32, #tpu.memory_space<vmem>> -> memref<128xi32, #tpu.memory_space<vmem>>
        %dma_start3A_191 = arith.constant 0 : i32
        %dma_start3A_192 = arith.constant 0 : i32
        %dma_start3A_193 = tpu.memref_slice %arg10[%dma_start3A_191, %dma_start3A_192] : memref<10240x128xf32, #tpu.memory_space<vmem_shared>> -> memref<10240x128xf32, #tpu.memory_space<vmem_shared>>
        tpu.enqueue_indirect_dma source(%dma_start3A_187 : memref<128x128xf32, #tpu.memory_space<vmem>>) target(%dma_start3A_193 : memref<10240x128xf32, #tpu.memory_space<vmem_shared>>) offsets(%dma_start3A_190 : memref<128xi32, #tpu.memory_space<vmem>>) semaphore(%run_scoped3A_184 : memref<!tpu.dma_semaphore, #tpu.memory_space<semaphore_mem>>) {add = true}
        %dma_wait3A_194 = arith.constant 0 : i32
        %dma_wait3A_195 = arith.constant 0 : i32
        %dma_wait3A_196 = tpu.memref_slice %arg9[%dma_wait3A_194, %dma_wait3A_195] : memref<256x128xf32, #tpu.memory_space<vmem>> -> memref<128x128xf32, #tpu.memory_space<vmem>>
        %dma_wait3A_197 = arith.constant 0 : i32
        %dma_wait3A_198 = tpu.memref_slice %arg8[%run_scoped3A, %dma_wait3A_197] : memref<8x128xi32, #tpu.memory_space<vmem>> -> memref<1x128xi32, #tpu.memory_space<vmem>>
        %dma_wait3A_199 = tpu.memref_squeeze %dma_wait3A_198 : memref<1x128xi32, #tpu.memory_space<vmem>> -> memref<128xi32, #tpu.memory_space<vmem>>
        %dma_wait3A_200 = arith.constant 0 : i32
        %dma_wait3A_201 = arith.constant 0 : i32
        %dma_wait3A_202 = tpu.memref_slice %arg10[%dma_wait3A_200, %dma_wait3A_201] : memref<10240x128xf32, #tpu.memory_space<vmem_shared>> -> memref<10240x128xf32, #tpu.memory_space<vmem_shared>>
        tpu.wait_indirect_dma semaphore(%run_scoped3A_184 : memref<!tpu.dma_semaphore, #tpu.memory_space<semaphore_mem>>) src(%dma_wait3A_196 : memref<128x128xf32, #tpu.memory_space<vmem>>) dst(%dma_wait3A_202 : memref<10240x128xf32, #tpu.memory_space<vmem_shared>>)
        tpu.yield
      }) : () -> ()
      %dma_start3A_46 = arith.constant 2 : i32
      %dma_start3A_47 = arith.constant 0 : i32
      %dma_start3A_48 = arith.constant 0 : i32
      %dma_start3A_49 = tpu.memref_slice %arg9[%dma_start3A_47, %dma_start3A_48] : memref<256x128xf32, #tpu.memory_space<vmem>> -> memref<128x128xf32, #tpu.memory_space<vmem>>
      %dma_start3A_50 = arith.constant 0 : i32
      %dma_start3A_51 = tpu.memref_slice %arg7[%dma_start3A_46, %dma_start3A_50] : memref<8x128xi32, #tpu.memory_space<vmem>> -> memref<1x128xi32, #tpu.memory_space<vmem>>
      %dma_start3A_52 = tpu.memref_squeeze %dma_start3A_51 : memref<1x128xi32, #tpu.memory_space<vmem>> -> memref<128xi32, #tpu.memory_space<vmem>>
      %dma_start3A_53 = arith.constant 0 : i32
      %dma_start3A_54 = arith.constant 0 : i32
      %dma_start3A_55 = tpu.memref_slice %arg2[%dma_start3A_53, %dma_start3A_54] : memref<100000x128xf32, #tpu.memory_space<hbm>> -> memref<100000x128xf32, #tpu.memory_space<hbm>>
      tpu.enqueue_indirect_dma source(%dma_start3A_55 : memref<100000x128xf32, #tpu.memory_space<hbm>>) target(%dma_start3A_49 : memref<128x128xf32, #tpu.memory_space<vmem>>) offsets(%dma_start3A_52 : memref<128xi32, #tpu.memory_space<vmem>>) semaphore(%arg11 : memref<!tpu.dma_semaphore, #tpu.memory_space<semaphore_mem>>)
      %dma_wait3A_56 = arith.constant 1 : i32
      %dma_wait3A_57 = arith.constant 128 : i32
      %dma_wait3A_58 = arith.constant 0 : i32
      %dma_wait3A_59 = tpu.memref_slice %arg9[%dma_wait3A_57, %dma_wait3A_58] : memref<256x128xf32, #tpu.memory_space<vmem>> -> memref<128x128xf32, #tpu.memory_space<vmem>>
      %dma_wait3A_60 = arith.constant 0 : i32
      %dma_wait3A_61 = tpu.memref_slice %arg7[%dma_wait3A_56, %dma_wait3A_60] : memref<8x128xi32, #tpu.memory_space<vmem>> -> memref<1x128xi32, #tpu.memory_space<vmem>>
      %dma_wait3A_62 = tpu.memref_squeeze %dma_wait3A_61 : memref<1x128xi32, #tpu.memory_space<vmem>> -> memref<128xi32, #tpu.memory_space<vmem>>
      %dma_wait3A_63 = arith.constant 0 : i32
      %dma_wait3A_64 = arith.constant 0 : i32
      %dma_wait3A_65 = tpu.memref_slice %arg2[%dma_wait3A_63, %dma_wait3A_64] : memref<100000x128xf32, #tpu.memory_space<hbm>> -> memref<100000x128xf32, #tpu.memory_space<hbm>>
      tpu.wait_indirect_dma semaphore(%arg11 : memref<!tpu.dma_semaphore, #tpu.memory_space<semaphore_mem>>) src(%dma_wait3A_65 : memref<100000x128xf32, #tpu.memory_space<hbm>>) dst(%dma_wait3A_59 : memref<128x128xf32, #tpu.memory_space<vmem>>)
      %run_scoped3A_66 = arith.constant 1 : i32
      "tpu.region"() ({
        %run_scoped3A_184 = tpu.sem_alloc : memref<!tpu.dma_semaphore, #tpu.memory_space<semaphore_mem>>
        %dma_start3A_185 = arith.constant 128 : i32
        %dma_start3A_186 = arith.constant 0 : i32
        %dma_start3A_187 = tpu.memref_slice %arg9[%dma_start3A_185, %dma_start3A_186] : memref<256x128xf32, #tpu.memory_space<vmem>> -> memref<128x128xf32, #tpu.memory_space<vmem>>
        %dma_start3A_188 = arith.constant 0 : i32
        %dma_start3A_189 = tpu.memref_slice %arg8[%run_scoped3A_66, %dma_start3A_188] : memref<8x128xi32, #tpu.memory_space<vmem>> -> memref<1x128xi32, #tpu.memory_space<vmem>>
        %dma_start3A_190 = tpu.memref_squeeze %dma_start3A_189 : memref<1x128xi32, #tpu.memory_space<vmem>> -> memref<128xi32, #tpu.memory_space<vmem>>
        %dma_start3A_191 = arith.constant 0 : i32
        %dma_start3A_192 = arith.constant 0 : i32
        %dma_start3A_193 = tpu.memref_slice %arg10[%dma_start3A_191, %dma_start3A_192] : memref<10240x128xf32, #tpu.memory_space<vmem_shared>> -> memref<10240x128xf32, #tpu.memory_space<vmem_shared>>
        tpu.enqueue_indirect_dma source(%dma_start3A_187 : memref<128x128xf32, #tpu.memory_space<vmem>>) target(%dma_start3A_193 : memref<10240x128xf32, #tpu.memory_space<vmem_shared>>) offsets(%dma_start3A_190 : memref<128xi32, #tpu.memory_space<vmem>>) semaphore(%run_scoped3A_184 : memref<!tpu.dma_semaphore, #tpu.memory_space<semaphore_mem>>) {add = true}
        %dma_wait3A_194 = arith.constant 128 : i32
        %dma_wait3A_195 = arith.constant 0 : i32
        %dma_wait3A_196 = tpu.memref_slice %arg9[%dma_wait3A_194, %dma_wait3A_195] : memref<256x128xf32, #tpu.memory_space<vmem>> -> memref<128x128xf32, #tpu.memory_space<vmem>>
        %dma_wait3A_197 = arith.constant 0 : i32
        %dma_wait3A_198 = tpu.memref_slice %arg8[%run_scoped3A_66, %dma_wait3A_197] : memref<8x128xi32, #tpu.memory_space<vmem>> -> memref<1x128xi32, #tpu.memory_space<vmem>>
        %dma_wait3A_199 = tpu.memref_squeeze %dma_wait3A_198 : memref<1x128xi32, #tpu.memory_space<vmem>> -> memref<128xi32, #tpu.memory_space<vmem>>
        %dma_wait3A_200 = arith.constant 0 : i32
        %dma_wait3A_201 = arith.constant 0 : i32
        %dma_wait3A_202 = tpu.memref_slice %arg10[%dma_wait3A_200, %dma_wait3A_201] : memref<10240x128xf32, #tpu.memory_space<vmem_shared>> -> memref<10240x128xf32, #tpu.memory_space<vmem_shared>>
        tpu.wait_indirect_dma semaphore(%run_scoped3A_184 : memref<!tpu.dma_semaphore, #tpu.memory_space<semaphore_mem>>) src(%dma_wait3A_196 : memref<128x128xf32, #tpu.memory_space<vmem>>) dst(%dma_wait3A_202 : memref<10240x128xf32, #tpu.memory_space<vmem_shared>>)
        tpu.yield
      }) : () -> ()
      %dma_start3A_67 = arith.constant 3 : i32
      %dma_start3A_68 = arith.constant 128 : i32
      %dma_start3A_69 = arith.constant 0 : i32
      %dma_start3A_70 = tpu.memref_slice %arg9[%dma_start3A_68, %dma_start3A_69] : memref<256x128xf32, #tpu.memory_space<vmem>> -> memref<128x128xf32, #tpu.memory_space<vmem>>
      %dma_start3A_71 = arith.constant 0 : i32
      %dma_start3A_72 = tpu.memref_slice %arg7[%dma_start3A_67, %dma_start3A_71] : memref<8x128xi32, #tpu.memory_space<vmem>> -> memref<1x128xi32, #tpu.memory_space<vmem>>
      %dma_start3A_73 = tpu.memref_squeeze %dma_start3A_72 : memref<1x128xi32, #tpu.memory_space<vmem>> -> memref<128xi32, #tpu.memory_space<vmem>>
      %dma_start3A_74 = arith.constant 0 : i32
      %dma_start3A_75 = arith.constant 0 : i32
      %dma_start3A_76 = tpu.memref_slice %arg2[%dma_start3A_74, %dma_start3A_75] : memref<100000x128xf32, #tpu.memory_space<hbm>> -> memref<100000x128xf32, #tpu.memory_space<hbm>>
      tpu.enqueue_indirect_dma source(%dma_start3A_76 : memref<100000x128xf32, #tpu.memory_space<hbm>>) target(%dma_start3A_70 : memref<128x128xf32, #tpu.memory_space<vmem>>) offsets(%dma_start3A_73 : memref<128xi32, #tpu.memory_space<vmem>>) semaphore(%arg11 : memref<!tpu.dma_semaphore, #tpu.memory_space<semaphore_mem>>)
      %dma_wait3A_77 = arith.constant 2 : i32
      %dma_wait3A_78 = arith.constant 0 : i32
      %dma_wait3A_79 = arith.constant 0 : i32
      %dma_wait3A_80 = tpu.memref_slice %arg9[%dma_wait3A_78, %dma_wait3A_79] : memref<256x128xf32, #tpu.memory_space<vmem>> -> memref<128x128xf32, #tpu.memory_space<vmem>>
      %dma_wait3A_81 = arith.constant 0 : i32
      %dma_wait3A_82 = tpu.memref_slice %arg7[%dma_wait3A_77, %dma_wait3A_81] : memref<8x128xi32, #tpu.memory_space<vmem>> -> memref<1x128xi32, #tpu.memory_space<vmem>>
      %dma_wait3A_83 = tpu.memref_squeeze %dma_wait3A_82 : memref<1x128xi32, #tpu.memory_space<vmem>> -> memref<128xi32, #tpu.memory_space<vmem>>
      %dma_wait3A_84 = arith.constant 0 : i32
      %dma_wait3A_85 = arith.constant 0 : i32
      %dma_wait3A_86 = tpu.memref_slice %arg2[%dma_wait3A_84, %dma_wait3A_85] : memref<100000x128xf32, #tpu.memory_space<hbm>> -> memref<100000x128xf32, #tpu.memory_space<hbm>>
      tpu.wait_indirect_dma semaphore(%arg11 : memref<!tpu.dma_semaphore, #tpu.memory_space<semaphore_mem>>) src(%dma_wait3A_86 : memref<100000x128xf32, #tpu.memory_space<hbm>>) dst(%dma_wait3A_80 : memref<128x128xf32, #tpu.memory_space<vmem>>)
      %run_scoped3A_87 = arith.constant 2 : i32
      "tpu.region"() ({
        %run_scoped3A_184 = tpu.sem_alloc : memref<!tpu.dma_semaphore, #tpu.memory_space<semaphore_mem>>
        %dma_start3A_185 = arith.constant 0 : i32
        %dma_start3A_186 = arith.constant 0 : i32
        %dma_start3A_187 = tpu.memref_slice %arg9[%dma_start3A_185, %dma_start3A_186] : memref<256x128xf32, #tpu.memory_space<vmem>> -> memref<128x128xf32, #tpu.memory_space<vmem>>
        %dma_start3A_188 = arith.constant 0 : i32
        %dma_start3A_189 = tpu.memref_slice %arg8[%run_scoped3A_87, %dma_start3A_188] : memref<8x128xi32, #tpu.memory_space<vmem>> -> memref<1x128xi32, #tpu.memory_space<vmem>>
        %dma_start3A_190 = tpu.memref_squeeze %dma_start3A_189 : memref<1x128xi32, #tpu.memory_space<vmem>> -> memref<128xi32, #tpu.memory_space<vmem>>
        %dma_start3A_191 = arith.constant 0 : i32
        %dma_start3A_192 = arith.constant 0 : i32
        %dma_start3A_193 = tpu.memref_slice %arg10[%dma_start3A_191, %dma_start3A_192] : memref<10240x128xf32, #tpu.memory_space<vmem_shared>> -> memref<10240x128xf32, #tpu.memory_space<vmem_shared>>
        tpu.enqueue_indirect_dma source(%dma_start3A_187 : memref<128x128xf32, #tpu.memory_space<vmem>>) target(%dma_start3A_193 : memref<10240x128xf32, #tpu.memory_space<vmem_shared>>) offsets(%dma_start3A_190 : memref<128xi32, #tpu.memory_space<vmem>>) semaphore(%run_scoped3A_184 : memref<!tpu.dma_semaphore, #tpu.memory_space<semaphore_mem>>) {add = true}
        %dma_wait3A_194 = arith.constant 0 : i32
        %dma_wait3A_195 = arith.constant 0 : i32
        %dma_wait3A_196 = tpu.memref_slice %arg9[%dma_wait3A_194, %dma_wait3A_195] : memref<256x128xf32, #tpu.memory_space<vmem>> -> memref<128x128xf32, #tpu.memory_space<vmem>>
        %dma_wait3A_197 = arith.constant 0 : i32
        %dma_wait3A_198 = tpu.memref_slice %arg8[%run_scoped3A_87, %dma_wait3A_197] : memref<8x128xi32, #tpu.memory_space<vmem>> -> memref<1x128xi32, #tpu.memory_space<vmem>>
        %dma_wait3A_199 = tpu.memref_squeeze %dma_wait3A_198 : memref<1x128xi32, #tpu.memory_space<vmem>> -> memref<128xi32, #tpu.memory_space<vmem>>
        %dma_wait3A_200 = arith.constant 0 : i32
        %dma_wait3A_201 = arith.constant 0 : i32
        %dma_wait3A_202 = tpu.memref_slice %arg10[%dma_wait3A_200, %dma_wait3A_201] : memref<10240x128xf32, #tpu.memory_space<vmem_shared>> -> memref<10240x128xf32, #tpu.memory_space<vmem_shared>>
        tpu.wait_indirect_dma semaphore(%run_scoped3A_184 : memref<!tpu.dma_semaphore, #tpu.memory_space<semaphore_mem>>) src(%dma_wait3A_196 : memref<128x128xf32, #tpu.memory_space<vmem>>) dst(%dma_wait3A_202 : memref<10240x128xf32, #tpu.memory_space<vmem_shared>>)
        tpu.yield
      }) : () -> ()
      %dma_start3A_88 = arith.constant 4 : i32
      %dma_start3A_89 = arith.constant 0 : i32
      %dma_start3A_90 = arith.constant 0 : i32
      %dma_start3A_91 = tpu.memref_slice %arg9[%dma_start3A_89, %dma_start3A_90] : memref<256x128xf32, #tpu.memory_space<vmem>> -> memref<128x128xf32, #tpu.memory_space<vmem>>
      %dma_start3A_92 = arith.constant 0 : i32
      %dma_start3A_93 = tpu.memref_slice %arg7[%dma_start3A_88, %dma_start3A_92] : memref<8x128xi32, #tpu.memory_space<vmem>> -> memref<1x128xi32, #tpu.memory_space<vmem>>
      %dma_start3A_94 = tpu.memref_squeeze %dma_start3A_93 : memref<1x128xi32, #tpu.memory_space<vmem>> -> memref<128xi32, #tpu.memory_space<vmem>>
      %dma_start3A_95 = arith.constant 0 : i32
      %dma_start3A_96 = arith.constant 0 : i32
      %dma_start3A_97 = tpu.memref_slice %arg2[%dma_start3A_95, %dma_start3A_96] : memref<100000x128xf32, #tpu.memory_space<hbm>> -> memref<100000x128xf32, #tpu.memory_space<hbm>>
      tpu.enqueue_indirect_dma source(%dma_start3A_97 : memref<100000x128xf32, #tpu.memory_space<hbm>>) target(%dma_start3A_91 : memref<128x128xf32, #tpu.memory_space<vmem>>) offsets(%dma_start3A_94 : memref<128xi32, #tpu.memory_space<vmem>>) semaphore(%arg11 : memref<!tpu.dma_semaphore, #tpu.memory_space<semaphore_mem>>)
      %dma_wait3A_98 = arith.constant 3 : i32
      %dma_wait3A_99 = arith.constant 128 : i32
      %dma_wait3A_100 = arith.constant 0 : i32
      %dma_wait3A_101 = tpu.memref_slice %arg9[%dma_wait3A_99, %dma_wait3A_100] : memref<256x128xf32, #tpu.memory_space<vmem>> -> memref<128x128xf32, #tpu.memory_space<vmem>>
      %dma_wait3A_102 = arith.constant 0 : i32
      %dma_wait3A_103 = tpu.memref_slice %arg7[%dma_wait3A_98, %dma_wait3A_102] : memref<8x128xi32, #tpu.memory_space<vmem>> -> memref<1x128xi32, #tpu.memory_space<vmem>>
      %dma_wait3A_104 = tpu.memref_squeeze %dma_wait3A_103 : memref<1x128xi32, #tpu.memory_space<vmem>> -> memref<128xi32, #tpu.memory_space<vmem>>
      %dma_wait3A_105 = arith.constant 0 : i32
      %dma_wait3A_106 = arith.constant 0 : i32
      %dma_wait3A_107 = tpu.memref_slice %arg2[%dma_wait3A_105, %dma_wait3A_106] : memref<100000x128xf32, #tpu.memory_space<hbm>> -> memref<100000x128xf32, #tpu.memory_space<hbm>>
      tpu.wait_indirect_dma semaphore(%arg11 : memref<!tpu.dma_semaphore, #tpu.memory_space<semaphore_mem>>) src(%dma_wait3A_107 : memref<100000x128xf32, #tpu.memory_space<hbm>>) dst(%dma_wait3A_101 : memref<128x128xf32, #tpu.memory_space<vmem>>)
      %run_scoped3A_108 = arith.constant 3 : i32
      "tpu.region"() ({
        %run_scoped3A_184 = tpu.sem_alloc : memref<!tpu.dma_semaphore, #tpu.memory_space<semaphore_mem>>
        %dma_start3A_185 = arith.constant 128 : i32
        %dma_start3A_186 = arith.constant 0 : i32
        %dma_start3A_187 = tpu.memref_slice %arg9[%dma_start3A_185, %dma_start3A_186] : memref<256x128xf32, #tpu.memory_space<vmem>> -> memref<128x128xf32, #tpu.memory_space<vmem>>
        %dma_start3A_188 = arith.constant 0 : i32
        %dma_start3A_189 = tpu.memref_slice %arg8[%run_scoped3A_108, %dma_start3A_188] : memref<8x128xi32, #tpu.memory_space<vmem>> -> memref<1x128xi32, #tpu.memory_space<vmem>>
        %dma_start3A_190 = tpu.memref_squeeze %dma_start3A_189 : memref<1x128xi32, #tpu.memory_space<vmem>> -> memref<128xi32, #tpu.memory_space<vmem>>
        %dma_start3A_191 = arith.constant 0 : i32
        %dma_start3A_192 = arith.constant 0 : i32
        %dma_start3A_193 = tpu.memref_slice %arg10[%dma_start3A_191, %dma_start3A_192] : memref<10240x128xf32, #tpu.memory_space<vmem_shared>> -> memref<10240x128xf32, #tpu.memory_space<vmem_shared>>
        tpu.enqueue_indirect_dma source(%dma_start3A_187 : memref<128x128xf32, #tpu.memory_space<vmem>>) target(%dma_start3A_193 : memref<10240x128xf32, #tpu.memory_space<vmem_shared>>) offsets(%dma_start3A_190 : memref<128xi32, #tpu.memory_space<vmem>>) semaphore(%run_scoped3A_184 : memref<!tpu.dma_semaphore, #tpu.memory_space<semaphore_mem>>) {add = true}
        %dma_wait3A_194 = arith.constant 128 : i32
        %dma_wait3A_195 = arith.constant 0 : i32
        %dma_wait3A_196 = tpu.memref_slice %arg9[%dma_wait3A_194, %dma_wait3A_195] : memref<256x128xf32, #tpu.memory_space<vmem>> -> memref<128x128xf32, #tpu.memory_space<vmem>>
        %dma_wait3A_197 = arith.constant 0 : i32
        %dma_wait3A_198 = tpu.memref_slice %arg8[%run_scoped3A_108, %dma_wait3A_197] : memref<8x128xi32, #tpu.memory_space<vmem>> -> memref<1x128xi32, #tpu.memory_space<vmem>>
        %dma_wait3A_199 = tpu.memref_squeeze %dma_wait3A_198 : memref<1x128xi32, #tpu.memory_space<vmem>> -> memref<128xi32, #tpu.memory_space<vmem>>
        %dma_wait3A_200 = arith.constant 0 : i32
        %dma_wait3A_201 = arith.constant 0 : i32
        %dma_wait3A_202 = tpu.memref_slice %arg10[%dma_wait3A_200, %dma_wait3A_201] : memref<10240x128xf32, #tpu.memory_space<vmem_shared>> -> memref<10240x128xf32, #tpu.memory_space<vmem_shared>>
        tpu.wait_indirect_dma semaphore(%run_scoped3A_184 : memref<!tpu.dma_semaphore, #tpu.memory_space<semaphore_mem>>) src(%dma_wait3A_196 : memref<128x128xf32, #tpu.memory_space<vmem>>) dst(%dma_wait3A_202 : memref<10240x128xf32, #tpu.memory_space<vmem_shared>>)
        tpu.yield
      }) : () -> ()
      %dma_start3A_109 = arith.constant 5 : i32
      %dma_start3A_110 = arith.constant 128 : i32
      %dma_start3A_111 = arith.constant 0 : i32
      %dma_start3A_112 = tpu.memref_slice %arg9[%dma_start3A_110, %dma_start3A_111] : memref<256x128xf32, #tpu.memory_space<vmem>> -> memref<128x128xf32, #tpu.memory_space<vmem>>
      %dma_start3A_113 = arith.constant 0 : i32
      %dma_start3A_114 = tpu.memref_slice %arg7[%dma_start3A_109, %dma_start3A_113] : memref<8x128xi32, #tpu.memory_space<vmem>> -> memref<1x128xi32, #tpu.memory_space<vmem>>
      %dma_start3A_115 = tpu.memref_squeeze %dma_start3A_114 : memref<1x128xi32, #tpu.memory_space<vmem>> -> memref<128xi32, #tpu.memory_space<vmem>>
      %dma_start3A_116 = arith.constant 0 : i32
      %dma_start3A_117 = arith.constant 0 : i32
      %dma_start3A_118 = tpu.memref_slice %arg2[%dma_start3A_116, %dma_start3A_117] : memref<100000x128xf32, #tpu.memory_space<hbm>> -> memref<100000x128xf32, #tpu.memory_space<hbm>>
      tpu.enqueue_indirect_dma source(%dma_start3A_118 : memref<100000x128xf32, #tpu.memory_space<hbm>>) target(%dma_start3A_112 : memref<128x128xf32, #tpu.memory_space<vmem>>) offsets(%dma_start3A_115 : memref<128xi32, #tpu.memory_space<vmem>>) semaphore(%arg11 : memref<!tpu.dma_semaphore, #tpu.memory_space<semaphore_mem>>)
      %dma_wait3A_119 = arith.constant 4 : i32
      %dma_wait3A_120 = arith.constant 0 : i32
      %dma_wait3A_121 = arith.constant 0 : i32
      %dma_wait3A_122 = tpu.memref_slice %arg9[%dma_wait3A_120, %dma_wait3A_121] : memref<256x128xf32, #tpu.memory_space<vmem>> -> memref<128x128xf32, #tpu.memory_space<vmem>>
      %dma_wait3A_123 = arith.constant 0 : i32
      %dma_wait3A_124 = tpu.memref_slice %arg7[%dma_wait3A_119, %dma_wait3A_123] : memref<8x128xi32, #tpu.memory_space<vmem>> -> memref<1x128xi32, #tpu.memory_space<vmem>>
      %dma_wait3A_125 = tpu.memref_squeeze %dma_wait3A_124 : memref<1x128xi32, #tpu.memory_space<vmem>> -> memref<128xi32, #tpu.memory_space<vmem>>
      %dma_wait3A_126 = arith.constant 0 : i32
      %dma_wait3A_127 = arith.constant 0 : i32
      %dma_wait3A_128 = tpu.memref_slice %arg2[%dma_wait3A_126, %dma_wait3A_127] : memref<100000x128xf32, #tpu.memory_space<hbm>> -> memref<100000x128xf32, #tpu.memory_space<hbm>>
      tpu.wait_indirect_dma semaphore(%arg11 : memref<!tpu.dma_semaphore, #tpu.memory_space<semaphore_mem>>) src(%dma_wait3A_128 : memref<100000x128xf32, #tpu.memory_space<hbm>>) dst(%dma_wait3A_122 : memref<128x128xf32, #tpu.memory_space<vmem>>)
      %run_scoped3A_129 = arith.constant 4 : i32
      "tpu.region"() ({
        %run_scoped3A_184 = tpu.sem_alloc : memref<!tpu.dma_semaphore, #tpu.memory_space<semaphore_mem>>
        %dma_start3A_185 = arith.constant 0 : i32
        %dma_start3A_186 = arith.constant 0 : i32
        %dma_start3A_187 = tpu.memref_slice %arg9[%dma_start3A_185, %dma_start3A_186] : memref<256x128xf32, #tpu.memory_space<vmem>> -> memref<128x128xf32, #tpu.memory_space<vmem>>
        %dma_start3A_188 = arith.constant 0 : i32
        %dma_start3A_189 = tpu.memref_slice %arg8[%run_scoped3A_129, %dma_start3A_188] : memref<8x128xi32, #tpu.memory_space<vmem>> -> memref<1x128xi32, #tpu.memory_space<vmem>>
        %dma_start3A_190 = tpu.memref_squeeze %dma_start3A_189 : memref<1x128xi32, #tpu.memory_space<vmem>> -> memref<128xi32, #tpu.memory_space<vmem>>
        %dma_start3A_191 = arith.constant 0 : i32
        %dma_start3A_192 = arith.constant 0 : i32
        %dma_start3A_193 = tpu.memref_slice %arg10[%dma_start3A_191, %dma_start3A_192] : memref<10240x128xf32, #tpu.memory_space<vmem_shared>> -> memref<10240x128xf32, #tpu.memory_space<vmem_shared>>
        tpu.enqueue_indirect_dma source(%dma_start3A_187 : memref<128x128xf32, #tpu.memory_space<vmem>>) target(%dma_start3A_193 : memref<10240x128xf32, #tpu.memory_space<vmem_shared>>) offsets(%dma_start3A_190 : memref<128xi32, #tpu.memory_space<vmem>>) semaphore(%run_scoped3A_184 : memref<!tpu.dma_semaphore, #tpu.memory_space<semaphore_mem>>) {add = true}
        %dma_wait3A_194 = arith.constant 0 : i32
        %dma_wait3A_195 = arith.constant 0 : i32
        %dma_wait3A_196 = tpu.memref_slice %arg9[%dma_wait3A_194, %dma_wait3A_195] : memref<256x128xf32, #tpu.memory_space<vmem>> -> memref<128x128xf32, #tpu.memory_space<vmem>>
        %dma_wait3A_197 = arith.constant 0 : i32
        %dma_wait3A_198 = tpu.memref_slice %arg8[%run_scoped3A_129, %dma_wait3A_197] : memref<8x128xi32, #tpu.memory_space<vmem>> -> memref<1x128xi32, #tpu.memory_space<vmem>>
        %dma_wait3A_199 = tpu.memref_squeeze %dma_wait3A_198 : memref<1x128xi32, #tpu.memory_space<vmem>> -> memref<128xi32, #tpu.memory_space<vmem>>
        %dma_wait3A_200 = arith.constant 0 : i32
        %dma_wait3A_201 = arith.constant 0 : i32
        %dma_wait3A_202 = tpu.memref_slice %arg10[%dma_wait3A_200, %dma_wait3A_201] : memref<10240x128xf32, #tpu.memory_space<vmem_shared>> -> memref<10240x128xf32, #tpu.memory_space<vmem_shared>>
        tpu.wait_indirect_dma semaphore(%run_scoped3A_184 : memref<!tpu.dma_semaphore, #tpu.memory_space<semaphore_mem>>) src(%dma_wait3A_196 : memref<128x128xf32, #tpu.memory_space<vmem>>) dst(%dma_wait3A_202 : memref<10240x128xf32, #tpu.memory_space<vmem_shared>>)
        tpu.yield
      }) : () -> ()
      %dma_start3A_130 = arith.constant 6 : i32
      %dma_start3A_131 = arith.constant 0 : i32
      %dma_start3A_132 = arith.constant 0 : i32
      %dma_start3A_133 = tpu.memref_slice %arg9[%dma_start3A_131, %dma_start3A_132] : memref<256x128xf32, #tpu.memory_space<vmem>> -> memref<128x128xf32, #tpu.memory_space<vmem>>
      %dma_start3A_134 = arith.constant 0 : i32
      %dma_start3A_135 = tpu.memref_slice %arg7[%dma_start3A_130, %dma_start3A_134] : memref<8x128xi32, #tpu.memory_space<vmem>> -> memref<1x128xi32, #tpu.memory_space<vmem>>
      %dma_start3A_136 = tpu.memref_squeeze %dma_start3A_135 : memref<1x128xi32, #tpu.memory_space<vmem>> -> memref<128xi32, #tpu.memory_space<vmem>>
      %dma_start3A_137 = arith.constant 0 : i32
      %dma_start3A_138 = arith.constant 0 : i32
      %dma_start3A_139 = tpu.memref_slice %arg2[%dma_start3A_137, %dma_start3A_138] : memref<100000x128xf32, #tpu.memory_space<hbm>> -> memref<100000x128xf32, #tpu.memory_space<hbm>>
      tpu.enqueue_indirect_dma source(%dma_start3A_139 : memref<100000x128xf32, #tpu.memory_space<hbm>>) target(%dma_start3A_133 : memref<128x128xf32, #tpu.memory_space<vmem>>) offsets(%dma_start3A_136 : memref<128xi32, #tpu.memory_space<vmem>>) semaphore(%arg11 : memref<!tpu.dma_semaphore, #tpu.memory_space<semaphore_mem>>)
      %dma_wait3A_140 = arith.constant 5 : i32
      %dma_wait3A_141 = arith.constant 128 : i32
      %dma_wait3A_142 = arith.constant 0 : i32
      %dma_wait3A_143 = tpu.memref_slice %arg9[%dma_wait3A_141, %dma_wait3A_142] : memref<256x128xf32, #tpu.memory_space<vmem>> -> memref<128x128xf32, #tpu.memory_space<vmem>>
      %dma_wait3A_144 = arith.constant 0 : i32
      %dma_wait3A_145 = tpu.memref_slice %arg7[%dma_wait3A_140, %dma_wait3A_144] : memref<8x128xi32, #tpu.memory_space<vmem>> -> memref<1x128xi32, #tpu.memory_space<vmem>>
      %dma_wait3A_146 = tpu.memref_squeeze %dma_wait3A_145 : memref<1x128xi32, #tpu.memory_space<vmem>> -> memref<128xi32, #tpu.memory_space<vmem>>
      %dma_wait3A_147 = arith.constant 0 : i32
      %dma_wait3A_148 = arith.constant 0 : i32
      %dma_wait3A_149 = tpu.memref_slice %arg2[%dma_wait3A_147, %dma_wait3A_148] : memref<100000x128xf32, #tpu.memory_space<hbm>> -> memref<100000x128xf32, #tpu.memory_space<hbm>>
      tpu.wait_indirect_dma semaphore(%arg11 : memref<!tpu.dma_semaphore, #tpu.memory_space<semaphore_mem>>) src(%dma_wait3A_149 : memref<100000x128xf32, #tpu.memory_space<hbm>>) dst(%dma_wait3A_143 : memref<128x128xf32, #tpu.memory_space<vmem>>)
      %run_scoped3A_150 = arith.constant 5 : i32
      "tpu.region"() ({
        %run_scoped3A_184 = tpu.sem_alloc : memref<!tpu.dma_semaphore, #tpu.memory_space<semaphore_mem>>
        %dma_start3A_185 = arith.constant 128 : i32
        %dma_start3A_186 = arith.constant 0 : i32
        %dma_start3A_187 = tpu.memref_slice %arg9[%dma_start3A_185, %dma_start3A_186] : memref<256x128xf32, #tpu.memory_space<vmem>> -> memref<128x128xf32, #tpu.memory_space<vmem>>
        %dma_start3A_188 = arith.constant 0 : i32
        %dma_start3A_189 = tpu.memref_slice %arg8[%run_scoped3A_150, %dma_start3A_188] : memref<8x128xi32, #tpu.memory_space<vmem>> -> memref<1x128xi32, #tpu.memory_space<vmem>>
        %dma_start3A_190 = tpu.memref_squeeze %dma_start3A_189 : memref<1x128xi32, #tpu.memory_space<vmem>> -> memref<128xi32, #tpu.memory_space<vmem>>
        %dma_start3A_191 = arith.constant 0 : i32
        %dma_start3A_192 = arith.constant 0 : i32
        %dma_start3A_193 = tpu.memref_slice %arg10[%dma_start3A_191, %dma_start3A_192] : memref<10240x128xf32, #tpu.memory_space<vmem_shared>> -> memref<10240x128xf32, #tpu.memory_space<vmem_shared>>
        tpu.enqueue_indirect_dma source(%dma_start3A_187 : memref<128x128xf32, #tpu.memory_space<vmem>>) target(%dma_start3A_193 : memref<10240x128xf32, #tpu.memory_space<vmem_shared>>) offsets(%dma_start3A_190 : memref<128xi32, #tpu.memory_space<vmem>>) semaphore(%run_scoped3A_184 : memref<!tpu.dma_semaphore, #tpu.memory_space<semaphore_mem>>) {add = true}
        %dma_wait3A_194 = arith.constant 128 : i32
        %dma_wait3A_195 = arith.constant 0 : i32
        %dma_wait3A_196 = tpu.memref_slice %arg9[%dma_wait3A_194, %dma_wait3A_195] : memref<256x128xf32, #tpu.memory_space<vmem>> -> memref<128x128xf32, #tpu.memory_space<vmem>>
        %dma_wait3A_197 = arith.constant 0 : i32
        %dma_wait3A_198 = tpu.memref_slice %arg8[%run_scoped3A_150, %dma_wait3A_197] : memref<8x128xi32, #tpu.memory_space<vmem>> -> memref<1x128xi32, #tpu.memory_space<vmem>>
        %dma_wait3A_199 = tpu.memref_squeeze %dma_wait3A_198 : memref<1x128xi32, #tpu.memory_space<vmem>> -> memref<128xi32, #tpu.memory_space<vmem>>
        %dma_wait3A_200 = arith.constant 0 : i32
        %dma_wait3A_201 = arith.constant 0 : i32
        %dma_wait3A_202 = tpu.memref_slice %arg10[%dma_wait3A_200, %dma_wait3A_201] : memref<10240x128xf32, #tpu.memory_space<vmem_shared>> -> memref<10240x128xf32, #tpu.memory_space<vmem_shared>>
        tpu.wait_indirect_dma semaphore(%run_scoped3A_184 : memref<!tpu.dma_semaphore, #tpu.memory_space<semaphore_mem>>) src(%dma_wait3A_196 : memref<128x128xf32, #tpu.memory_space<vmem>>) dst(%dma_wait3A_202 : memref<10240x128xf32, #tpu.memory_space<vmem_shared>>)
        tpu.yield
      }) : () -> ()
      %dma_start3A_151 = arith.constant 7 : i32
      %dma_start3A_152 = arith.constant 128 : i32
      %dma_start3A_153 = arith.constant 0 : i32
      %dma_start3A_154 = tpu.memref_slice %arg9[%dma_start3A_152, %dma_start3A_153] : memref<256x128xf32, #tpu.memory_space<vmem>> -> memref<128x128xf32, #tpu.memory_space<vmem>>
      %dma_start3A_155 = arith.constant 0 : i32
      %dma_start3A_156 = tpu.memref_slice %arg7[%dma_start3A_151, %dma_start3A_155] : memref<8x128xi32, #tpu.memory_space<vmem>> -> memref<1x128xi32, #tpu.memory_space<vmem>>
      %dma_start3A_157 = tpu.memref_squeeze %dma_start3A_156 : memref<1x128xi32, #tpu.memory_space<vmem>> -> memref<128xi32, #tpu.memory_space<vmem>>
      %dma_start3A_158 = arith.constant 0 : i32
      %dma_start3A_159 = arith.constant 0 : i32
      %dma_start3A_160 = tpu.memref_slice %arg2[%dma_start3A_158, %dma_start3A_159] : memref<100000x128xf32, #tpu.memory_space<hbm>> -> memref<100000x128xf32, #tpu.memory_space<hbm>>
      tpu.enqueue_indirect_dma source(%dma_start3A_160 : memref<100000x128xf32, #tpu.memory_space<hbm>>) target(%dma_start3A_154 : memref<128x128xf32, #tpu.memory_space<vmem>>) offsets(%dma_start3A_157 : memref<128xi32, #tpu.memory_space<vmem>>) semaphore(%arg11 : memref<!tpu.dma_semaphore, #tpu.memory_space<semaphore_mem>>)
      %dma_wait3A_161 = arith.constant 6 : i32
      %dma_wait3A_162 = arith.constant 0 : i32
      %dma_wait3A_163 = arith.constant 0 : i32
      %dma_wait3A_164 = tpu.memref_slice %arg9[%dma_wait3A_162, %dma_wait3A_163] : memref<256x128xf32, #tpu.memory_space<vmem>> -> memref<128x128xf32, #tpu.memory_space<vmem>>
      %dma_wait3A_165 = arith.constant 0 : i32
      %dma_wait3A_166 = tpu.memref_slice %arg7[%dma_wait3A_161, %dma_wait3A_165] : memref<8x128xi32, #tpu.memory_space<vmem>> -> memref<1x128xi32, #tpu.memory_space<vmem>>
      %dma_wait3A_167 = tpu.memref_squeeze %dma_wait3A_166 : memref<1x128xi32, #tpu.memory_space<vmem>> -> memref<128xi32, #tpu.memory_space<vmem>>
      %dma_wait3A_168 = arith.constant 0 : i32
      %dma_wait3A_169 = arith.constant 0 : i32
      %dma_wait3A_170 = tpu.memref_slice %arg2[%dma_wait3A_168, %dma_wait3A_169] : memref<100000x128xf32, #tpu.memory_space<hbm>> -> memref<100000x128xf32, #tpu.memory_space<hbm>>
      tpu.wait_indirect_dma semaphore(%arg11 : memref<!tpu.dma_semaphore, #tpu.memory_space<semaphore_mem>>) src(%dma_wait3A_170 : memref<100000x128xf32, #tpu.memory_space<hbm>>) dst(%dma_wait3A_164 : memref<128x128xf32, #tpu.memory_space<vmem>>)
      %run_scoped3A_171 = arith.constant 6 : i32
      "tpu.region"() ({
        %run_scoped3A_184 = tpu.sem_alloc : memref<!tpu.dma_semaphore, #tpu.memory_space<semaphore_mem>>
        %dma_start3A_185 = arith.constant 0 : i32
        %dma_start3A_186 = arith.constant 0 : i32
        %dma_start3A_187 = tpu.memref_slice %arg9[%dma_start3A_185, %dma_start3A_186] : memref<256x128xf32, #tpu.memory_space<vmem>> -> memref<128x128xf32, #tpu.memory_space<vmem>>
        %dma_start3A_188 = arith.constant 0 : i32
        %dma_start3A_189 = tpu.memref_slice %arg8[%run_scoped3A_171, %dma_start3A_188] : memref<8x128xi32, #tpu.memory_space<vmem>> -> memref<1x128xi32, #tpu.memory_space<vmem>>
        %dma_start3A_190 = tpu.memref_squeeze %dma_start3A_189 : memref<1x128xi32, #tpu.memory_space<vmem>> -> memref<128xi32, #tpu.memory_space<vmem>>
        %dma_start3A_191 = arith.constant 0 : i32
        %dma_start3A_192 = arith.constant 0 : i32
        %dma_start3A_193 = tpu.memref_slice %arg10[%dma_start3A_191, %dma_start3A_192] : memref<10240x128xf32, #tpu.memory_space<vmem_shared>> -> memref<10240x128xf32, #tpu.memory_space<vmem_shared>>
        tpu.enqueue_indirect_dma source(%dma_start3A_187 : memref<128x128xf32, #tpu.memory_space<vmem>>) target(%dma_start3A_193 : memref<10240x128xf32, #tpu.memory_space<vmem_shared>>) offsets(%dma_start3A_190 : memref<128xi32, #tpu.memory_space<vmem>>) semaphore(%run_scoped3A_184 : memref<!tpu.dma_semaphore, #tpu.memory_space<semaphore_mem>>) {add = true}
        %dma_wait3A_194 = arith.constant 0 : i32
        %dma_wait3A_195 = arith.constant 0 : i32
        %dma_wait3A_196 = tpu.memref_slice %arg9[%dma_wait3A_194, %dma_wait3A_195] : memref<256x128xf32, #tpu.memory_space<vmem>> -> memref<128x128xf32, #tpu.memory_space<vmem>>
        %dma_wait3A_197 = arith.constant 0 : i32
        %dma_wait3A_198 = tpu.memref_slice %arg8[%run_scoped3A_171, %dma_wait3A_197] : memref<8x128xi32, #tpu.memory_space<vmem>> -> memref<1x128xi32, #tpu.memory_space<vmem>>
        %dma_wait3A_199 = tpu.memref_squeeze %dma_wait3A_198 : memref<1x128xi32, #tpu.memory_space<vmem>> -> memref<128xi32, #tpu.memory_space<vmem>>
        %dma_wait3A_200 = arith.constant 0 : i32
        %dma_wait3A_201 = arith.constant 0 : i32
        %dma_wait3A_202 = tpu.memref_slice %arg10[%dma_wait3A_200, %dma_wait3A_201] : memref<10240x128xf32, #tpu.memory_space<vmem_shared>> -> memref<10240x128xf32, #tpu.memory_space<vmem_shared>>
        tpu.wait_indirect_dma semaphore(%run_scoped3A_184 : memref<!tpu.dma_semaphore, #tpu.memory_space<semaphore_mem>>) src(%dma_wait3A_196 : memref<128x128xf32, #tpu.memory_space<vmem>>) dst(%dma_wait3A_202 : memref<10240x128xf32, #tpu.memory_space<vmem_shared>>)
        tpu.yield
      }) : () -> ()
      %dma_wait3A_172 = arith.constant 7 : i32
      %dma_wait3A_173 = arith.constant 128 : i32
      %dma_wait3A_174 = arith.constant 0 : i32
      %dma_wait3A_175 = tpu.memref_slice %arg9[%dma_wait3A_173, %dma_wait3A_174] : memref<256x128xf32, #tpu.memory_space<vmem>> -> memref<128x128xf32, #tpu.memory_space<vmem>>
      %dma_wait3A_176 = arith.constant 0 : i32
      %dma_wait3A_177 = tpu.memref_slice %arg7[%dma_wait3A_172, %dma_wait3A_176] : memref<8x128xi32, #tpu.memory_space<vmem>> -> memref<1x128xi32, #tpu.memory_space<vmem>>
      %dma_wait3A_178 = tpu.memref_squeeze %dma_wait3A_177 : memref<1x128xi32, #tpu.memory_space<vmem>> -> memref<128xi32, #tpu.memory_space<vmem>>
      %dma_wait3A_179 = arith.constant 0 : i32
      %dma_wait3A_180 = arith.constant 0 : i32
      %dma_wait3A_181 = tpu.memref_slice %arg2[%dma_wait3A_179, %dma_wait3A_180] : memref<100000x128xf32, #tpu.memory_space<hbm>> -> memref<100000x128xf32, #tpu.memory_space<hbm>>
      tpu.wait_indirect_dma semaphore(%arg11 : memref<!tpu.dma_semaphore, #tpu.memory_space<semaphore_mem>>) src(%dma_wait3A_181 : memref<100000x128xf32, #tpu.memory_space<hbm>>) dst(%dma_wait3A_175 : memref<128x128xf32, #tpu.memory_space<vmem>>)
      %run_scoped3A_182 = arith.constant 7 : i32
      "tpu.region"() ({
        %run_scoped3A_184 = tpu.sem_alloc : memref<!tpu.dma_semaphore, #tpu.memory_space<semaphore_mem>>
        %dma_start3A_185 = arith.constant 128 : i32
        %dma_start3A_186 = arith.constant 0 : i32
        %dma_start3A_187 = tpu.memref_slice %arg9[%dma_start3A_185, %dma_start3A_186] : memref<256x128xf32, #tpu.memory_space<vmem>> -> memref<128x128xf32, #tpu.memory_space<vmem>>
        %dma_start3A_188 = arith.constant 0 : i32
        %dma_start3A_189 = tpu.memref_slice %arg8[%run_scoped3A_182, %dma_start3A_188] : memref<8x128xi32, #tpu.memory_space<vmem>> -> memref<1x128xi32, #tpu.memory_space<vmem>>
        %dma_start3A_190 = tpu.memref_squeeze %dma_start3A_189 : memref<1x128xi32, #tpu.memory_space<vmem>> -> memref<128xi32, #tpu.memory_space<vmem>>
        %dma_start3A_191 = arith.constant 0 : i32
        %dma_start3A_192 = arith.constant 0 : i32
        %dma_start3A_193 = tpu.memref_slice %arg10[%dma_start3A_191, %dma_start3A_192] : memref<10240x128xf32, #tpu.memory_space<vmem_shared>> -> memref<10240x128xf32, #tpu.memory_space<vmem_shared>>
        tpu.enqueue_indirect_dma source(%dma_start3A_187 : memref<128x128xf32, #tpu.memory_space<vmem>>) target(%dma_start3A_193 : memref<10240x128xf32, #tpu.memory_space<vmem_shared>>) offsets(%dma_start3A_190 : memref<128xi32, #tpu.memory_space<vmem>>) semaphore(%run_scoped3A_184 : memref<!tpu.dma_semaphore, #tpu.memory_space<semaphore_mem>>) {add = true}
        %dma_wait3A_194 = arith.constant 128 : i32
        %dma_wait3A_195 = arith.constant 0 : i32
        %dma_wait3A_196 = tpu.memref_slice %arg9[%dma_wait3A_194, %dma_wait3A_195] : memref<256x128xf32, #tpu.memory_space<vmem>> -> memref<128x128xf32, #tpu.memory_space<vmem>>
        %dma_wait3A_197 = arith.constant 0 : i32
        %dma_wait3A_198 = tpu.memref_slice %arg8[%run_scoped3A_182, %dma_wait3A_197] : memref<8x128xi32, #tpu.memory_space<vmem>> -> memref<1x128xi32, #tpu.memory_space<vmem>>
        %dma_wait3A_199 = tpu.memref_squeeze %dma_wait3A_198 : memref<1x128xi32, #tpu.memory_space<vmem>> -> memref<128xi32, #tpu.memory_space<vmem>>
        %dma_wait3A_200 = arith.constant 0 : i32
        %dma_wait3A_201 = arith.constant 0 : i32
        %dma_wait3A_202 = tpu.memref_slice %arg10[%dma_wait3A_200, %dma_wait3A_201] : memref<10240x128xf32, #tpu.memory_space<vmem_shared>> -> memref<10240x128xf32, #tpu.memory_space<vmem_shared>>
        tpu.wait_indirect_dma semaphore(%run_scoped3A_184 : memref<!tpu.dma_semaphore, #tpu.memory_space<semaphore_mem>>) src(%dma_wait3A_196 : memref<128x128xf32, #tpu.memory_space<vmem>>) dst(%dma_wait3A_202 : memref<10240x128xf32, #tpu.memory_space<vmem_shared>>)
        tpu.yield
      }) : () -> ()
      %scan3A_183 = arith.constant 0 : i32
      scf.yield %scan3A_183 : i32
    }
    %scan3A_6 = arith.constant 10 : i32
    %barrier3A_7 = arith.constant 0 : index
    tpu.barrier barrier_id(%barrier3A_7)
    %mul3A_8 = arith.constant 640 : i32
    %mul3A_9 = arith.muli %arg1, %mul3A_8 : i32
    %mul3A_10 = arith.constant 640 : i32
    %mul3A_11 = arith.muli %arg1, %mul3A_10 : i32
    "tpu.region"() ({
      %run_scoped3A = tpu.sem_alloc : memref<!tpu.dma_semaphore, #tpu.memory_space<semaphore_mem>>
      %dma_start3A = arith.constant 0 : i32
      %dma_start3A_12 = tpu.memref_slice %arg6[%arg0, %mul3A_11, %dma_start3A] : memref<2x10240x128xf32, #tpu.memory_space<hbm>> -> memref<1x640x128xf32, #tpu.memory_space<hbm>>
      %dma_start3A_13 = tpu.memref_squeeze %dma_start3A_12 : memref<1x640x128xf32, #tpu.memory_space<hbm>> -> memref<640x128xf32, #tpu.memory_space<hbm>>
      %dma_start3A_14 = arith.constant 0 : i32
      %dma_start3A_15 = tpu.memref_slice %arg10[%mul3A_9, %dma_start3A_14] : memref<10240x128xf32, #tpu.memory_space<vmem_shared>> -> memref<640x128xf32, #tpu.memory_space<vmem_shared>>
      tpu.enqueue_dma source(%dma_start3A_15 : memref<640x128xf32, #tpu.memory_space<vmem_shared>>) target(%dma_start3A_13 : memref<640x128xf32, #tpu.memory_space<hbm>>) target_semaphore(%run_scoped3A : memref<!tpu.dma_semaphore, #tpu.memory_space<semaphore_mem>>)
      %dma_wait3A = arith.constant 0 : i32
      %dma_wait3A_16 = tpu.memref_slice %arg6[%arg0, %mul3A_11, %dma_wait3A] : memref<2x10240x128xf32, #tpu.memory_space<hbm>> -> memref<1x640x128xf32, #tpu.memory_space<hbm>>
      %dma_wait3A_17 = tpu.memref_squeeze %dma_wait3A_16 : memref<1x640x128xf32, #tpu.memory_space<hbm>> -> memref<640x128xf32, #tpu.memory_space<hbm>>
      %dma_wait3A_18 = arith.constant 0 : i32
      %dma_wait3A_19 = tpu.memref_slice %arg10[%mul3A_9, %dma_wait3A_18] : memref<10240x128xf32, #tpu.memory_space<vmem_shared>> -> memref<640x128xf32, #tpu.memory_space<vmem_shared>>
      tpu.wait_dma2 semaphore(%run_scoped3A : memref<!tpu.dma_semaphore, #tpu.memory_space<semaphore_mem>>) src(%dma_wait3A_19 : memref<640x128xf32, #tpu.memory_space<vmem_shared>>) dst(%dma_wait3A_17 : memref<640x128xf32, #tpu.memory_space<hbm>>)
      tpu.yield
    }) : () -> ()
    return
  }
}

#map = affine_map<(d0, d1) -> (0, 0)>
#map1 = affine_map<(d0, d1) -> (0, 0, 0)>
module attributes {stable_mosaic.version = 14 : i64} {
  func.func @k(%arg0: i32, %arg1: i32, %arg2: memref<100000x128xf32, #tpu.memory_space<hbm>>, %arg3: memref<2x1280x128xi32, #tpu.memory_space<hbm>>, %arg4: memref<1280x128xi32, #tpu.memory_space<hbm>>, %arg5: memref<640x128xf32, #tpu.memory_space<hbm>>, %arg6: memref<2x10240x128xf32, #tpu.memory_space<hbm>>, %arg7: memref<8x128xi32, #tpu.memory_space<vmem>>, %arg8: memref<8x128xi32, #tpu.memory_space<vmem>>, %arg9: memref<256x128xf32, #tpu.memory_space<vmem>>, %arg10: memref<10240x128xf32, #tpu.memory_space<vmem_shared>>, %arg11: memref<!tpu.dma_semaphore, #tpu.memory_space<semaphore_mem>>) attributes {dimension_semantics = [#tpu.dimension_semantics<core_parallel>, #tpu.dimension_semantics<subcore_parallel>], iteration_bounds = array<i64: 2, 16>, scalar_prefetch = 0 : i64, scratch_operands = 5 : i64, tpu.core_type = #tpu.core_type<sc_vector_subcore>, window_params = [{transform_indices = #map}, {transform_indices = #map1}, {transform_indices = #map}, {transform_indices = #map}, {transform_indices = #map1}]} {
    %mul3A = arith.constant 640 : i32
    %mul3A_0 = arith.muli %arg1, %mul3A : i32
    "tpu.region"() ({
      %run_scoped3A = tpu.sem_alloc : memref<!tpu.dma_semaphore, #tpu.memory_space<semaphore_mem>>
      %dma_start3A = arith.constant 0 : i32
      %dma_start3A_12 = tpu.memref_slice %arg10[%mul3A_0, %dma_start3A] : memref<10240x128xf32, #tpu.memory_space<vmem_shared>> -> memref<640x128xf32, #tpu.memory_space<vmem_shared>>
      tpu.enqueue_dma source(%arg5 : memref<640x128xf32, #tpu.memory_space<hbm>>) target(%dma_start3A_12 : memref<640x128xf32, #tpu.memory_space<vmem_shared>>) target_semaphore(%run_scoped3A : memref<!tpu.dma_semaphore, #tpu.memory_space<semaphore_mem>>)
      %dma_wait3A = arith.constant 0 : i32
      %dma_wait3A_13 = tpu.memref_slice %arg10[%mul3A_0, %dma_wait3A] : memref<10240x128xf32, #tpu.memory_space<vmem_shared>> -> memref<640x128xf32, #tpu.memory_space<vmem_shared>>
      tpu.wait_dma2 semaphore(%run_scoped3A : memref<!tpu.dma_semaphore, #tpu.memory_space<semaphore_mem>>) src(%arg5 : memref<640x128xf32, #tpu.memory_space<hbm>>) dst(%dma_wait3A_13 : memref<640x128xf32, #tpu.memory_space<vmem_shared>>)
      tpu.yield
    }) : () -> ()
    %barrier3A = arith.constant 0 : index
    tpu.barrier barrier_id(%barrier3A)
    %scan3A = arith.constant 0 : i32
    %scan3A_1 = arith.constant 0 : i32
    %scan3A_2 = arith.constant 10 : i32
    %scan3A_3 = arith.addi %scan3A_1, %scan3A_2 : i32
    %scan3A_4 = arith.constant 1 : i32
    %scan3A_5 = scf.for %scan3A_12 = %scan3A_1 to %scan3A_3 step %scan3A_4 iter_args(%scan3A_13 = %scan3A) -> (i32)  : i32 {
      %mul3A_14 = arith.constant 80 : i32
      %mul3A_15 = arith.muli %arg1, %mul3A_14 : i32
      %mul3A_16 = arith.constant 8 : i32
      %mul3A_17 = arith.muli %scan3A_12, %mul3A_16 : i32
      %add3A = arith.addi %mul3A_15, %mul3A_17 : i32
      "tpu.region"() ({
        %run_scoped3A_184 = tpu.sem_alloc : memref<!tpu.dma_semaphore, #tpu.memory_space<semaphore_mem>>
        %dma_start3A_185 = arith.constant 0 : i32
        %dma_start3A_186 = tpu.memref_slice %arg3[%arg0, %add3A, %dma_start3A_185] : memref<2x1280x128xi32, #tpu.memory_space<hbm>> -> memref<1x8x128xi32, #tpu.memory_space<hbm>>
        %dma_start3A_187 = tpu.memref_squeeze %dma_start3A_186 : memref<1x8x128xi32, #tpu.memory_space<hbm>> -> memref<8x128xi32, #tpu.memory_space<hbm>>
        %dma_start3A_188 = arith.constant 0 : i32
        %dma_start3A_189 = tpu.memref_slice %arg3[%arg0, %add3A, %dma_start3A_188] : memref<2x1280x128xi32, #tpu.memory_space<hbm>> -> memref<1x8x128xi32, #tpu.memory_space<hbm>>
        %dma_start3A_190 = tpu.memref_squeeze %dma_start3A_189 : memref<1x8x128xi32, #tpu.memory_space<hbm>> -> memref<8x128xi32, #tpu.memory_space<hbm>>
        tpu.enqueue_dma source(%dma_start3A_190 : memref<8x128xi32, #tpu.memory_space<hbm>>) target(%arg7 : memref<8x128xi32, #tpu.memory_space<vmem>>) target_semaphore(%run_scoped3A_184 : memref<!tpu.dma_semaphore, #tpu.memory_space<semaphore_mem>>)
        %dma_wait3A_191 = arith.constant 0 : i32
        %dma_wait3A_192 = tpu.memref_slice %arg3[%arg0, %add3A, %dma_wait3A_191] : memref<2x1280x128xi32, #tpu.memory_space<hbm>> -> memref<1x8x128xi32, #tpu.memory_space<hbm>>
        %dma_wait3A_193 = tpu.memref_squeeze %dma_wait3A_192 : memref<1x8x128xi32, #tpu.memory_space<hbm>> -> memref<8x128xi32, #tpu.memory_space<hbm>>
        %dma_wait3A_194 = arith.constant 0 : i32
        %dma_wait3A_195 = tpu.memref_slice %arg3[%arg0, %add3A, %dma_wait3A_194] : memref<2x1280x128xi32, #tpu.memory_space<hbm>> -> memref<1x8x128xi32, #tpu.memory_space<hbm>>
        %dma_wait3A_196 = tpu.memref_squeeze %dma_wait3A_195 : memref<1x8x128xi32, #tpu.memory_space<hbm>> -> memref<8x128xi32, #tpu.memory_space<hbm>>
        tpu.wait_dma2 semaphore(%run_scoped3A_184 : memref<!tpu.dma_semaphore, #tpu.memory_space<semaphore_mem>>) src(%dma_wait3A_196 : memref<8x128xi32, #tpu.memory_space<hbm>>) dst(%arg7 : memref<8x128xi32, #tpu.memory_space<vmem>>)
        tpu.yield
      }) : () -> ()
      "tpu.region"() ({
        %run_scoped3A_184 = tpu.sem_alloc : memref<!tpu.dma_semaphore, #tpu.memory_space<semaphore_mem>>
        %dma_start3A_185 = arith.constant 0 : i32
        %dma_start3A_186 = tpu.memref_slice %arg4[%add3A, %dma_start3A_185] : memref<1280x128xi32, #tpu.memory_space<hbm>> -> memref<8x128xi32, #tpu.memory_space<hbm>>
        %dma_start3A_187 = arith.constant 0 : i32
        %dma_start3A_188 = tpu.memref_slice %arg4[%add3A, %dma_start3A_187] : memref<1280x128xi32, #tpu.memory_space<hbm>> -> memref<8x128xi32, #tpu.memory_space<hbm>>
        tpu.enqueue_dma source(%dma_start3A_188 : memref<8x128xi32, #tpu.memory_space<hbm>>) target(%arg8 : memref<8x128xi32, #tpu.memory_space<vmem>>) target_semaphore(%run_scoped3A_184 : memref<!tpu.dma_semaphore, #tpu.memory_space<semaphore_mem>>)
        %dma_wait3A_189 = arith.constant 0 : i32
        %dma_wait3A_190 = tpu.memref_slice %arg4[%add3A, %dma_wait3A_189] : memref<1280x128xi32, #tpu.memory_space<hbm>> -> memref<8x128xi32, #tpu.memory_space<hbm>>
        %dma_wait3A_191 = arith.constant 0 : i32
        %dma_wait3A_192 = tpu.memref_slice %arg4[%add3A, %dma_wait3A_191] : memref<1280x128xi32, #tpu.memory_space<hbm>> -> memref<8x128xi32, #tpu.memory_space<hbm>>
        tpu.wait_dma2 semaphore(%run_scoped3A_184 : memref<!tpu.dma_semaphore, #tpu.memory_space<semaphore_mem>>) src(%dma_wait3A_192 : memref<8x128xi32, #tpu.memory_space<hbm>>) dst(%arg8 : memref<8x128xi32, #tpu.memory_space<vmem>>)
        tpu.yield
      }) : () -> ()
      %dma_start3A = arith.constant 0 : i32
      %dma_start3A_18 = arith.constant 0 : i32
      %dma_start3A_19 = arith.constant 0 : i32
      %dma_start3A_20 = tpu.memref_slice %arg9[%dma_start3A_18, %dma_start3A_19] : memref<256x128xf32, #tpu.memory_space<vmem>> -> memref<128x128xf32, #tpu.memory_space<vmem>>
      %dma_start3A_21 = arith.constant 0 : i32
      %dma_start3A_22 = tpu.memref_slice %arg7[%dma_start3A, %dma_start3A_21] : memref<8x128xi32, #tpu.memory_space<vmem>> -> memref<1x128xi32, #tpu.memory_space<vmem>>
      %dma_start3A_23 = tpu.memref_squeeze %dma_start3A_22 : memref<1x128xi32, #tpu.memory_space<vmem>> -> memref<128xi32, #tpu.memory_space<vmem>>
      %dma_start3A_24 = arith.constant 0 : i32
      %dma_start3A_25 = arith.constant 0 : i32
      %dma_start3A_26 = tpu.memref_slice %arg2[%dma_start3A_24, %dma_start3A_25] : memref<100000x128xf32, #tpu.memory_space<hbm>> -> memref<100000x128xf32, #tpu.memory_space<hbm>>
      tpu.enqueue_indirect_dma source(%dma_start3A_26 : memref<100000x128xf32, #tpu.memory_space<hbm>>) target(%dma_start3A_20 : memref<128x128xf32, #tpu.memory_space<vmem>>) offsets(%dma_start3A_23 : memref<128xi32, #tpu.memory_space<vmem>>) semaphore(%arg11 : memref<!tpu.dma_semaphore, #tpu.memory_space<semaphore_mem>>)
      %dma_start3A_27 = arith.constant 1 : i32
      %dma_start3A_28 = arith.constant 128 : i32
      %dma_start3A_29 = arith.constant 0 : i32
      %dma_start3A_30 = tpu.memref_slice %arg9[%dma_start3A_28, %dma_start3A_29] : memref<256x128xf32, #tpu.memory_space<vmem>> -> memref<128x128xf32, #tpu.memory_space<vmem>>
      %dma_start3A_31 = arith.constant 0 : i32
      %dma_start3A_32 = tpu.memref_slice %arg7[%dma_start3A_27, %dma_start3A_31] : memref<8x128xi32, #tpu.memory_space<vmem>> -> memref<1x128xi32, #tpu.memory_space<vmem>>
      %dma_start3A_33 = tpu.memref_squeeze %dma_start3A_32 : memref<1x128xi32, #tpu.memory_space<vmem>> -> memref<128xi32, #tpu.memory_space<vmem>>
      %dma_start3A_34 = arith.constant 0 : i32
      %dma_start3A_35 = arith.constant 0 : i32
      %dma_start3A_36 = tpu.memref_slice %arg2[%dma_start3A_34, %dma_start3A_35] : memref<100000x128xf32, #tpu.memory_space<hbm>> -> memref<100000x128xf32, #tpu.memory_space<hbm>>
      tpu.enqueue_indirect_dma source(%dma_start3A_36 : memref<100000x128xf32, #tpu.memory_space<hbm>>) target(%dma_start3A_30 : memref<128x128xf32, #tpu.memory_space<vmem>>) offsets(%dma_start3A_33 : memref<128xi32, #tpu.memory_space<vmem>>) semaphore(%arg11 : memref<!tpu.dma_semaphore, #tpu.memory_space<semaphore_mem>>)
      %dma_wait3A = arith.constant 0 : i32
      %dma_wait3A_37 = arith.constant 0 : i32
      %dma_wait3A_38 = arith.constant 0 : i32
      %dma_wait3A_39 = tpu.memref_slice %arg9[%dma_wait3A_37, %dma_wait3A_38] : memref<256x128xf32, #tpu.memory_space<vmem>> -> memref<128x128xf32, #tpu.memory_space<vmem>>
      %dma_wait3A_40 = arith.constant 0 : i32
      %dma_wait3A_41 = tpu.memref_slice %arg7[%dma_wait3A, %dma_wait3A_40] : memref<8x128xi32, #tpu.memory_space<vmem>> -> memref<1x128xi32, #tpu.memory_space<vmem>>
      %dma_wait3A_42 = tpu.memref_squeeze %dma_wait3A_41 : memref<1x128xi32, #tpu.memory_space<vmem>> -> memref<128xi32, #tpu.memory_space<vmem>>
      %dma_wait3A_43 = arith.constant 0 : i32
      %dma_wait3A_44 = arith.constant 0 : i32
      %dma_wait3A_45 = tpu.memref_slice %arg2[%dma_wait3A_43, %dma_wait3A_44] : memref<100000x128xf32, #tpu.memory_space<hbm>> -> memref<100000x128xf32, #tpu.memory_space<hbm>>
      tpu.wait_indirect_dma semaphore(%arg11 : memref<!tpu.dma_semaphore, #tpu.memory_space<semaphore_mem>>) src(%dma_wait3A_45 : memref<100000x128xf32, #tpu.memory_space<hbm>>) dst(%dma_wait3A_39 : memref<128x128xf32, #tpu.memory_space<vmem>>)
      %run_scoped3A = arith.constant 0 : i32
      "tpu.region"() ({
        %run_scoped3A_184 = tpu.sem_alloc : memref<!tpu.dma_semaphore, #tpu.memory_space<semaphore_mem>>
        %dma_start3A_185 = arith.constant 0 : i32
        %dma_start3A_186 = arith.constant 0 : i32
        %dma_start3A_187 = tpu.memref_slice %arg9[%dma_start3A_185, %dma_start3A_186] : memref<256x128xf32, #tpu.memory_space<vmem>> -> memref<128x128xf32, #tpu.memory_space<vmem>>
        %dma_start3A_188 = arith.constant 0 : i32
        %dma_start3A_189 = tpu.memref_slice %arg8[%run_scoped3A, %dma_start3A_188] : memref<8x128xi32, #tpu.memory_space<vmem>> -> memref<1x128xi32, #tpu.memory_space<vmem>>
        %dma_start3A_190 = tpu.memref_squeeze %dma_start3A_189 : memref<1x128xi32, #tpu.memory_space<vmem>> -> memref<128xi32, #tpu.memory_space<vmem>>
        %dma_start3A_191 = arith.constant 0 : i32
        %dma_start3A_192 = arith.constant 0 : i32
        %dma_start3A_193 = tpu.memref_slice %arg10[%dma_start3A_191, %dma_start3A_192] : memref<10240x128xf32, #tpu.memory_space<vmem_shared>> -> memref<10240x128xf32, #tpu.memory_space<vmem_shared>>
        tpu.enqueue_indirect_dma source(%dma_start3A_187 : memref<128x128xf32, #tpu.memory_space<vmem>>) target(%dma_start3A_193 : memref<10240x128xf32, #tpu.memory_space<vmem_shared>>) offsets(%dma_start3A_190 : memref<128xi32, #tpu.memory_space<vmem>>) semaphore(%run_scoped3A_184 : memref<!tpu.dma_semaphore, #tpu.memory_space<semaphore_mem>>) {add = true}
        %dma_wait3A_194 = arith.constant 0 : i32
        %dma_wait3A_195 = arith.constant 0 : i32
        %dma_wait3A_196 = tpu.memref_slice %arg9[%dma_wait3A_194, %dma_wait3A_195] : memref<256x128xf32, #tpu.memory_space<vmem>> -> memref<128x128xf32, #tpu.memory_space<vmem>>
        %dma_wait3A_197 = arith.constant 0 : i32
        %dma_wait3A_198 = tpu.memref_slice %arg8[%run_scoped3A, %dma_wait3A_197] : memref<8x128xi32, #tpu.memory_space<vmem>> -> memref<1x128xi32, #tpu.memory_space<vmem>>
        %dma_wait3A_199 = tpu.memref_squeeze %dma_wait3A_198 : memref<1x128xi32, #tpu.memory_space<vmem>> -> memref<128xi32, #tpu.memory_space<vmem>>
        %dma_wait3A_200 = arith.constant 0 : i32
        %dma_wait3A_201 = arith.constant 0 : i32
        %dma_wait3A_202 = tpu.memref_slice %arg10[%dma_wait3A_200, %dma_wait3A_201] : memref<10240x128xf32, #tpu.memory_space<vmem_shared>> -> memref<10240x128xf32, #tpu.memory_space<vmem_shared>>
        tpu.wait_indirect_dma semaphore(%run_scoped3A_184 : memref<!tpu.dma_semaphore, #tpu.memory_space<semaphore_mem>>) src(%dma_wait3A_196 : memref<128x128xf32, #tpu.memory_space<vmem>>) dst(%dma_wait3A_202 : memref<10240x128xf32, #tpu.memory_space<vmem_shared>>)
        tpu.yield
      }) : () -> ()
      %dma_start3A_46 = arith.constant 2 : i32
      %dma_start3A_47 = arith.constant 0 : i32
      %dma_start3A_48 = arith.constant 0 : i32
      %dma_start3A_49 = tpu.memref_slice %arg9[%dma_start3A_47, %dma_start3A_48] : memref<256x128xf32, #tpu.memory_space<vmem>> -> memref<128x128xf32, #tpu.memory_space<vmem>>
      %dma_start3A_50 = arith.constant 0 : i32
      %dma_start3A_51 = tpu.memref_slice %arg7[%dma_start3A_46, %dma_start3A_50] : memref<8x128xi32, #tpu.memory_space<vmem>> -> memref<1x128xi32, #tpu.memory_space<vmem>>
      %dma_start3A_52 = tpu.memref_squeeze %dma_start3A_51 : memref<1x128xi32, #tpu.memory_space<vmem>> -> memref<128xi32, #tpu.memory_space<vmem>>
      %dma_start3A_53 = arith.constant 0 : i32
      %dma_start3A_54 = arith.constant 0 : i32
      %dma_start3A_55 = tpu.memref_slice %arg2[%dma_start3A_53, %dma_start3A_54] : memref<100000x128xf32, #tpu.memory_space<hbm>> -> memref<100000x128xf32, #tpu.memory_space<hbm>>
      tpu.enqueue_indirect_dma source(%dma_start3A_55 : memref<100000x128xf32, #tpu.memory_space<hbm>>) target(%dma_start3A_49 : memref<128x128xf32, #tpu.memory_space<vmem>>) offsets(%dma_start3A_52 : memref<128xi32, #tpu.memory_space<vmem>>) semaphore(%arg11 : memref<!tpu.dma_semaphore, #tpu.memory_space<semaphore_mem>>)
      %dma_wait3A_56 = arith.constant 1 : i32
      %dma_wait3A_57 = arith.constant 128 : i32
      %dma_wait3A_58 = arith.constant 0 : i32
      %dma_wait3A_59 = tpu.memref_slice %arg9[%dma_wait3A_57, %dma_wait3A_58] : memref<256x128xf32, #tpu.memory_space<vmem>> -> memref<128x128xf32, #tpu.memory_space<vmem>>
      %dma_wait3A_60 = arith.constant 0 : i32
      %dma_wait3A_61 = tpu.memref_slice %arg7[%dma_wait3A_56, %dma_wait3A_60] : memref<8x128xi32, #tpu.memory_space<vmem>> -> memref<1x128xi32, #tpu.memory_space<vmem>>
      %dma_wait3A_62 = tpu.memref_squeeze %dma_wait3A_61 : memref<1x128xi32, #tpu.memory_space<vmem>> -> memref<128xi32, #tpu.memory_space<vmem>>
      %dma_wait3A_63 = arith.constant 0 : i32
      %dma_wait3A_64 = arith.constant 0 : i32
      %dma_wait3A_65 = tpu.memref_slice %arg2[%dma_wait3A_63, %dma_wait3A_64] : memref<100000x128xf32, #tpu.memory_space<hbm>> -> memref<100000x128xf32, #tpu.memory_space<hbm>>
      tpu.wait_indirect_dma semaphore(%arg11 : memref<!tpu.dma_semaphore, #tpu.memory_space<semaphore_mem>>) src(%dma_wait3A_65 : memref<100000x128xf32, #tpu.memory_space<hbm>>) dst(%dma_wait3A_59 : memref<128x128xf32, #tpu.memory_space<vmem>>)
      %run_scoped3A_66 = arith.constant 1 : i32
      "tpu.region"() ({
        %run_scoped3A_184 = tpu.sem_alloc : memref<!tpu.dma_semaphore, #tpu.memory_space<semaphore_mem>>
        %dma_start3A_185 = arith.constant 128 : i32
        %dma_start3A_186 = arith.constant 0 : i32
        %dma_start3A_187 = tpu.memref_slice %arg9[%dma_start3A_185, %dma_start3A_186] : memref<256x128xf32, #tpu.memory_space<vmem>> -> memref<128x128xf32, #tpu.memory_space<vmem>>
        %dma_start3A_188 = arith.constant 0 : i32
        %dma_start3A_189 = tpu.memref_slice %arg8[%run_scoped3A_66, %dma_start3A_188] : memref<8x128xi32, #tpu.memory_space<vmem>> -> memref<1x128xi32, #tpu.memory_space<vmem>>
        %dma_start3A_190 = tpu.memref_squeeze %dma_start3A_189 : memref<1x128xi32, #tpu.memory_space<vmem>> -> memref<128xi32, #tpu.memory_space<vmem>>
        %dma_start3A_191 = arith.constant 0 : i32
        %dma_start3A_192 = arith.constant 0 : i32
        %dma_start3A_193 = tpu.memref_slice %arg10[%dma_start3A_191, %dma_start3A_192] : memref<10240x128xf32, #tpu.memory_space<vmem_shared>> -> memref<10240x128xf32, #tpu.memory_space<vmem_shared>>
        tpu.enqueue_indirect_dma source(%dma_start3A_187 : memref<128x128xf32, #tpu.memory_space<vmem>>) target(%dma_start3A_193 : memref<10240x128xf32, #tpu.memory_space<vmem_shared>>) offsets(%dma_start3A_190 : memref<128xi32, #tpu.memory_space<vmem>>) semaphore(%run_scoped3A_184 : memref<!tpu.dma_semaphore, #tpu.memory_space<semaphore_mem>>) {add = true}
        %dma_wait3A_194 = arith.constant 128 : i32
        %dma_wait3A_195 = arith.constant 0 : i32
        %dma_wait3A_196 = tpu.memref_slice %arg9[%dma_wait3A_194, %dma_wait3A_195] : memref<256x128xf32, #tpu.memory_space<vmem>> -> memref<128x128xf32, #tpu.memory_space<vmem>>
        %dma_wait3A_197 = arith.constant 0 : i32
        %dma_wait3A_198 = tpu.memref_slice %arg8[%run_scoped3A_66, %dma_wait3A_197] : memref<8x128xi32, #tpu.memory_space<vmem>> -> memref<1x128xi32, #tpu.memory_space<vmem>>
        %dma_wait3A_199 = tpu.memref_squeeze %dma_wait3A_198 : memref<1x128xi32, #tpu.memory_space<vmem>> -> memref<128xi32, #tpu.memory_space<vmem>>
        %dma_wait3A_200 = arith.constant 0 : i32
        %dma_wait3A_201 = arith.constant 0 : i32
        %dma_wait3A_202 = tpu.memref_slice %arg10[%dma_wait3A_200, %dma_wait3A_201] : memref<10240x128xf32, #tpu.memory_space<vmem_shared>> -> memref<10240x128xf32, #tpu.memory_space<vmem_shared>>
        tpu.wait_indirect_dma semaphore(%run_scoped3A_184 : memref<!tpu.dma_semaphore, #tpu.memory_space<semaphore_mem>>) src(%dma_wait3A_196 : memref<128x128xf32, #tpu.memory_space<vmem>>) dst(%dma_wait3A_202 : memref<10240x128xf32, #tpu.memory_space<vmem_shared>>)
        tpu.yield
      }) : () -> ()
      %dma_start3A_67 = arith.constant 3 : i32
      %dma_start3A_68 = arith.constant 128 : i32
      %dma_start3A_69 = arith.constant 0 : i32
      %dma_start3A_70 = tpu.memref_slice %arg9[%dma_start3A_68, %dma_start3A_69] : memref<256x128xf32, #tpu.memory_space<vmem>> -> memref<128x128xf32, #tpu.memory_space<vmem>>
      %dma_start3A_71 = arith.constant 0 : i32
      %dma_start3A_72 = tpu.memref_slice %arg7[%dma_start3A_67, %dma_start3A_71] : memref<8x128xi32, #tpu.memory_space<vmem>> -> memref<1x128xi32, #tpu.memory_space<vmem>>
      %dma_start3A_73 = tpu.memref_squeeze %dma_start3A_72 : memref<1x128xi32, #tpu.memory_space<vmem>> -> memref<128xi32, #tpu.memory_space<vmem>>
      %dma_start3A_74 = arith.constant 0 : i32
      %dma_start3A_75 = arith.constant 0 : i32
      %dma_start3A_76 = tpu.memref_slice %arg2[%dma_start3A_74, %dma_start3A_75] : memref<100000x128xf32, #tpu.memory_space<hbm>> -> memref<100000x128xf32, #tpu.memory_space<hbm>>
      tpu.enqueue_indirect_dma source(%dma_start3A_76 : memref<100000x128xf32, #tpu.memory_space<hbm>>) target(%dma_start3A_70 : memref<128x128xf32, #tpu.memory_space<vmem>>) offsets(%dma_start3A_73 : memref<128xi32, #tpu.memory_space<vmem>>) semaphore(%arg11 : memref<!tpu.dma_semaphore, #tpu.memory_space<semaphore_mem>>)
      %dma_wait3A_77 = arith.constant 2 : i32
      %dma_wait3A_78 = arith.constant 0 : i32
      %dma_wait3A_79 = arith.constant 0 : i32
      %dma_wait3A_80 = tpu.memref_slice %arg9[%dma_wait3A_78, %dma_wait3A_79] : memref<256x128xf32, #tpu.memory_space<vmem>> -> memref<128x128xf32, #tpu.memory_space<vmem>>
      %dma_wait3A_81 = arith.constant 0 : i32
      %dma_wait3A_82 = tpu.memref_slice %arg7[%dma_wait3A_77, %dma_wait3A_81] : memref<8x128xi32, #tpu.memory_space<vmem>> -> memref<1x128xi32, #tpu.memory_space<vmem>>
      %dma_wait3A_83 = tpu.memref_squeeze %dma_wait3A_82 : memref<1x128xi32, #tpu.memory_space<vmem>> -> memref<128xi32, #tpu.memory_space<vmem>>
      %dma_wait3A_84 = arith.constant 0 : i32
      %dma_wait3A_85 = arith.constant 0 : i32
      %dma_wait3A_86 = tpu.memref_slice %arg2[%dma_wait3A_84, %dma_wait3A_85] : memref<100000x128xf32, #tpu.memory_space<hbm>> -> memref<100000x128xf32, #tpu.memory_space<hbm>>
      tpu.wait_indirect_dma semaphore(%arg11 : memref<!tpu.dma_semaphore, #tpu.memory_space<semaphore_mem>>) src(%dma_wait3A_86 : memref<100000x128xf32, #tpu.memory_space<hbm>>) dst(%dma_wait3A_80 : memref<128x128xf32, #tpu.memory_space<vmem>>)
      %run_scoped3A_87 = arith.constant 2 : i32
      "tpu.region"() ({
        %run_scoped3A_184 = tpu.sem_alloc : memref<!tpu.dma_semaphore, #tpu.memory_space<semaphore_mem>>
        %dma_start3A_185 = arith.constant 0 : i32
        %dma_start3A_186 = arith.constant 0 : i32
        %dma_start3A_187 = tpu.memref_slice %arg9[%dma_start3A_185, %dma_start3A_186] : memref<256x128xf32, #tpu.memory_space<vmem>> -> memref<128x128xf32, #tpu.memory_space<vmem>>
        %dma_start3A_188 = arith.constant 0 : i32
        %dma_start3A_189 = tpu.memref_slice %arg8[%run_scoped3A_87, %dma_start3A_188] : memref<8x128xi32, #tpu.memory_space<vmem>> -> memref<1x128xi32, #tpu.memory_space<vmem>>
        %dma_start3A_190 = tpu.memref_squeeze %dma_start3A_189 : memref<1x128xi32, #tpu.memory_space<vmem>> -> memref<128xi32, #tpu.memory_space<vmem>>
        %dma_start3A_191 = arith.constant 0 : i32
        %dma_start3A_192 = arith.constant 0 : i32
        %dma_start3A_193 = tpu.memref_slice %arg10[%dma_start3A_191, %dma_start3A_192] : memref<10240x128xf32, #tpu.memory_space<vmem_shared>> -> memref<10240x128xf32, #tpu.memory_space<vmem_shared>>
        tpu.enqueue_indirect_dma source(%dma_start3A_187 : memref<128x128xf32, #tpu.memory_space<vmem>>) target(%dma_start3A_193 : memref<10240x128xf32, #tpu.memory_space<vmem_shared>>) offsets(%dma_start3A_190 : memref<128xi32, #tpu.memory_space<vmem>>) semaphore(%run_scoped3A_184 : memref<!tpu.dma_semaphore, #tpu.memory_space<semaphore_mem>>) {add = true}
        %dma_wait3A_194 = arith.constant 0 : i32
        %dma_wait3A_195 = arith.constant 0 : i32
        %dma_wait3A_196 = tpu.memref_slice %arg9[%dma_wait3A_194, %dma_wait3A_195] : memref<256x128xf32, #tpu.memory_space<vmem>> -> memref<128x128xf32, #tpu.memory_space<vmem>>
        %dma_wait3A_197 = arith.constant 0 : i32
        %dma_wait3A_198 = tpu.memref_slice %arg8[%run_scoped3A_87, %dma_wait3A_197] : memref<8x128xi32, #tpu.memory_space<vmem>> -> memref<1x128xi32, #tpu.memory_space<vmem>>
        %dma_wait3A_199 = tpu.memref_squeeze %dma_wait3A_198 : memref<1x128xi32, #tpu.memory_space<vmem>> -> memref<128xi32, #tpu.memory_space<vmem>>
        %dma_wait3A_200 = arith.constant 0 : i32
        %dma_wait3A_201 = arith.constant 0 : i32
        %dma_wait3A_202 = tpu.memref_slice %arg10[%dma_wait3A_200, %dma_wait3A_201] : memref<10240x128xf32, #tpu.memory_space<vmem_shared>> -> memref<10240x128xf32, #tpu.memory_space<vmem_shared>>
        tpu.wait_indirect_dma semaphore(%run_scoped3A_184 : memref<!tpu.dma_semaphore, #tpu.memory_space<semaphore_mem>>) src(%dma_wait3A_196 : memref<128x128xf32, #tpu.memory_space<vmem>>) dst(%dma_wait3A_202 : memref<10240x128xf32, #tpu.memory_space<vmem_shared>>)
        tpu.yield
      }) : () -> ()
      %dma_start3A_88 = arith.constant 4 : i32
      %dma_start3A_89 = arith.constant 0 : i32
      %dma_start3A_90 = arith.constant 0 : i32
      %dma_start3A_91 = tpu.memref_slice %arg9[%dma_start3A_89, %dma_start3A_90] : memref<256x128xf32, #tpu.memory_space<vmem>> -> memref<128x128xf32, #tpu.memory_space<vmem>>
      %dma_start3A_92 = arith.constant 0 : i32
      %dma_start3A_93 = tpu.memref_slice %arg7[%dma_start3A_88, %dma_start3A_92] : memref<8x128xi32, #tpu.memory_space<vmem>> -> memref<1x128xi32, #tpu.memory_space<vmem>>
      %dma_start3A_94 = tpu.memref_squeeze %dma_start3A_93 : memref<1x128xi32, #tpu.memory_space<vmem>> -> memref<128xi32, #tpu.memory_space<vmem>>
      %dma_start3A_95 = arith.constant 0 : i32
      %dma_start3A_96 = arith.constant 0 : i32
      %dma_start3A_97 = tpu.memref_slice %arg2[%dma_start3A_95, %dma_start3A_96] : memref<100000x128xf32, #tpu.memory_space<hbm>> -> memref<100000x128xf32, #tpu.memory_space<hbm>>
      tpu.enqueue_indirect_dma source(%dma_start3A_97 : memref<100000x128xf32, #tpu.memory_space<hbm>>) target(%dma_start3A_91 : memref<128x128xf32, #tpu.memory_space<vmem>>) offsets(%dma_start3A_94 : memref<128xi32, #tpu.memory_space<vmem>>) semaphore(%arg11 : memref<!tpu.dma_semaphore, #tpu.memory_space<semaphore_mem>>)
      %dma_wait3A_98 = arith.constant 3 : i32
      %dma_wait3A_99 = arith.constant 128 : i32
      %dma_wait3A_100 = arith.constant 0 : i32
      %dma_wait3A_101 = tpu.memref_slice %arg9[%dma_wait3A_99, %dma_wait3A_100] : memref<256x128xf32, #tpu.memory_space<vmem>> -> memref<128x128xf32, #tpu.memory_space<vmem>>
      %dma_wait3A_102 = arith.constant 0 : i32
      %dma_wait3A_103 = tpu.memref_slice %arg7[%dma_wait3A_98, %dma_wait3A_102] : memref<8x128xi32, #tpu.memory_space<vmem>> -> memref<1x128xi32, #tpu.memory_space<vmem>>
      %dma_wait3A_104 = tpu.memref_squeeze %dma_wait3A_103 : memref<1x128xi32, #tpu.memory_space<vmem>> -> memref<128xi32, #tpu.memory_space<vmem>>
      %dma_wait3A_105 = arith.constant 0 : i32
      %dma_wait3A_106 = arith.constant 0 : i32
      %dma_wait3A_107 = tpu.memref_slice %arg2[%dma_wait3A_105, %dma_wait3A_106] : memref<100000x128xf32, #tpu.memory_space<hbm>> -> memref<100000x128xf32, #tpu.memory_space<hbm>>
      tpu.wait_indirect_dma semaphore(%arg11 : memref<!tpu.dma_semaphore, #tpu.memory_space<semaphore_mem>>) src(%dma_wait3A_107 : memref<100000x128xf32, #tpu.memory_space<hbm>>) dst(%dma_wait3A_101 : memref<128x128xf32, #tpu.memory_space<vmem>>)
      %run_scoped3A_108 = arith.constant 3 : i32
      "tpu.region"() ({
        %run_scoped3A_184 = tpu.sem_alloc : memref<!tpu.dma_semaphore, #tpu.memory_space<semaphore_mem>>
        %dma_start3A_185 = arith.constant 128 : i32
        %dma_start3A_186 = arith.constant 0 : i32
        %dma_start3A_187 = tpu.memref_slice %arg9[%dma_start3A_185, %dma_start3A_186] : memref<256x128xf32, #tpu.memory_space<vmem>> -> memref<128x128xf32, #tpu.memory_space<vmem>>
        %dma_start3A_188 = arith.constant 0 : i32
        %dma_start3A_189 = tpu.memref_slice %arg8[%run_scoped3A_108, %dma_start3A_188] : memref<8x128xi32, #tpu.memory_space<vmem>> -> memref<1x128xi32, #tpu.memory_space<vmem>>
        %dma_start3A_190 = tpu.memref_squeeze %dma_start3A_189 : memref<1x128xi32, #tpu.memory_space<vmem>> -> memref<128xi32, #tpu.memory_space<vmem>>
        %dma_start3A_191 = arith.constant 0 : i32
        %dma_start3A_192 = arith.constant 0 : i32
        %dma_start3A_193 = tpu.memref_slice %arg10[%dma_start3A_191, %dma_start3A_192] : memref<10240x128xf32, #tpu.memory_space<vmem_shared>> -> memref<10240x128xf32, #tpu.memory_space<vmem_shared>>
        tpu.enqueue_indirect_dma source(%dma_start3A_187 : memref<128x128xf32, #tpu.memory_space<vmem>>) target(%dma_start3A_193 : memref<10240x128xf32, #tpu.memory_space<vmem_shared>>) offsets(%dma_start3A_190 : memref<128xi32, #tpu.memory_space<vmem>>) semaphore(%run_scoped3A_184 : memref<!tpu.dma_semaphore, #tpu.memory_space<semaphore_mem>>) {add = true}
        %dma_wait3A_194 = arith.constant 128 : i32
        %dma_wait3A_195 = arith.constant 0 : i32
        %dma_wait3A_196 = tpu.memref_slice %arg9[%dma_wait3A_194, %dma_wait3A_195] : memref<256x128xf32, #tpu.memory_space<vmem>> -> memref<128x128xf32, #tpu.memory_space<vmem>>
        %dma_wait3A_197 = arith.constant 0 : i32
        %dma_wait3A_198 = tpu.memref_slice %arg8[%run_scoped3A_108, %dma_wait3A_197] : memref<8x128xi32, #tpu.memory_space<vmem>> -> memref<1x128xi32, #tpu.memory_space<vmem>>
        %dma_wait3A_199 = tpu.memref_squeeze %dma_wait3A_198 : memref<1x128xi32, #tpu.memory_space<vmem>> -> memref<128xi32, #tpu.memory_space<vmem>>
        %dma_wait3A_200 = arith.constant 0 : i32
        %dma_wait3A_201 = arith.constant 0 : i32
        %dma_wait3A_202 = tpu.memref_slice %arg10[%dma_wait3A_200, %dma_wait3A_201] : memref<10240x128xf32, #tpu.memory_space<vmem_shared>> -> memref<10240x128xf32, #tpu.memory_space<vmem_shared>>
        tpu.wait_indirect_dma semaphore(%run_scoped3A_184 : memref<!tpu.dma_semaphore, #tpu.memory_space<semaphore_mem>>) src(%dma_wait3A_196 : memref<128x128xf32, #tpu.memory_space<vmem>>) dst(%dma_wait3A_202 : memref<10240x128xf32, #tpu.memory_space<vmem_shared>>)
        tpu.yield
      }) : () -> ()
      %dma_start3A_109 = arith.constant 5 : i32
      %dma_start3A_110 = arith.constant 128 : i32
      %dma_start3A_111 = arith.constant 0 : i32
      %dma_start3A_112 = tpu.memref_slice %arg9[%dma_start3A_110, %dma_start3A_111] : memref<256x128xf32, #tpu.memory_space<vmem>> -> memref<128x128xf32, #tpu.memory_space<vmem>>
      %dma_start3A_113 = arith.constant 0 : i32
      %dma_start3A_114 = tpu.memref_slice %arg7[%dma_start3A_109, %dma_start3A_113] : memref<8x128xi32, #tpu.memory_space<vmem>> -> memref<1x128xi32, #tpu.memory_space<vmem>>
      %dma_start3A_115 = tpu.memref_squeeze %dma_start3A_114 : memref<1x128xi32, #tpu.memory_space<vmem>> -> memref<128xi32, #tpu.memory_space<vmem>>
      %dma_start3A_116 = arith.constant 0 : i32
      %dma_start3A_117 = arith.constant 0 : i32
      %dma_start3A_118 = tpu.memref_slice %arg2[%dma_start3A_116, %dma_start3A_117] : memref<100000x128xf32, #tpu.memory_space<hbm>> -> memref<100000x128xf32, #tpu.memory_space<hbm>>
      tpu.enqueue_indirect_dma source(%dma_start3A_118 : memref<100000x128xf32, #tpu.memory_space<hbm>>) target(%dma_start3A_112 : memref<128x128xf32, #tpu.memory_space<vmem>>) offsets(%dma_start3A_115 : memref<128xi32, #tpu.memory_space<vmem>>) semaphore(%arg11 : memref<!tpu.dma_semaphore, #tpu.memory_space<semaphore_mem>>)
      %dma_wait3A_119 = arith.constant 4 : i32
      %dma_wait3A_120 = arith.constant 0 : i32
      %dma_wait3A_121 = arith.constant 0 : i32
      %dma_wait3A_122 = tpu.memref_slice %arg9[%dma_wait3A_120, %dma_wait3A_121] : memref<256x128xf32, #tpu.memory_space<vmem>> -> memref<128x128xf32, #tpu.memory_space<vmem>>
      %dma_wait3A_123 = arith.constant 0 : i32
      %dma_wait3A_124 = tpu.memref_slice %arg7[%dma_wait3A_119, %dma_wait3A_123] : memref<8x128xi32, #tpu.memory_space<vmem>> -> memref<1x128xi32, #tpu.memory_space<vmem>>
      %dma_wait3A_125 = tpu.memref_squeeze %dma_wait3A_124 : memref<1x128xi32, #tpu.memory_space<vmem>> -> memref<128xi32, #tpu.memory_space<vmem>>
      %dma_wait3A_126 = arith.constant 0 : i32
      %dma_wait3A_127 = arith.constant 0 : i32
      %dma_wait3A_128 = tpu.memref_slice %arg2[%dma_wait3A_126, %dma_wait3A_127] : memref<100000x128xf32, #tpu.memory_space<hbm>> -> memref<100000x128xf32, #tpu.memory_space<hbm>>
      tpu.wait_indirect_dma semaphore(%arg11 : memref<!tpu.dma_semaphore, #tpu.memory_space<semaphore_mem>>) src(%dma_wait3A_128 : memref<100000x128xf32, #tpu.memory_space<hbm>>) dst(%dma_wait3A_122 : memref<128x128xf32, #tpu.memory_space<vmem>>)
      %run_scoped3A_129 = arith.constant 4 : i32
      "tpu.region"() ({
        %run_scoped3A_184 = tpu.sem_alloc : memref<!tpu.dma_semaphore, #tpu.memory_space<semaphore_mem>>
        %dma_start3A_185 = arith.constant 0 : i32
        %dma_start3A_186 = arith.constant 0 : i32
        %dma_start3A_187 = tpu.memref_slice %arg9[%dma_start3A_185, %dma_start3A_186] : memref<256x128xf32, #tpu.memory_space<vmem>> -> memref<128x128xf32, #tpu.memory_space<vmem>>
        %dma_start3A_188 = arith.constant 0 : i32
        %dma_start3A_189 = tpu.memref_slice %arg8[%run_scoped3A_129, %dma_start3A_188] : memref<8x128xi32, #tpu.memory_space<vmem>> -> memref<1x128xi32, #tpu.memory_space<vmem>>
        %dma_start3A_190 = tpu.memref_squeeze %dma_start3A_189 : memref<1x128xi32, #tpu.memory_space<vmem>> -> memref<128xi32, #tpu.memory_space<vmem>>
        %dma_start3A_191 = arith.constant 0 : i32
        %dma_start3A_192 = arith.constant 0 : i32
        %dma_start3A_193 = tpu.memref_slice %arg10[%dma_start3A_191, %dma_start3A_192] : memref<10240x128xf32, #tpu.memory_space<vmem_shared>> -> memref<10240x128xf32, #tpu.memory_space<vmem_shared>>
        tpu.enqueue_indirect_dma source(%dma_start3A_187 : memref<128x128xf32, #tpu.memory_space<vmem>>) target(%dma_start3A_193 : memref<10240x128xf32, #tpu.memory_space<vmem_shared>>) offsets(%dma_start3A_190 : memref<128xi32, #tpu.memory_space<vmem>>) semaphore(%run_scoped3A_184 : memref<!tpu.dma_semaphore, #tpu.memory_space<semaphore_mem>>) {add = true}
        %dma_wait3A_194 = arith.constant 0 : i32
        %dma_wait3A_195 = arith.constant 0 : i32
        %dma_wait3A_196 = tpu.memref_slice %arg9[%dma_wait3A_194, %dma_wait3A_195] : memref<256x128xf32, #tpu.memory_space<vmem>> -> memref<128x128xf32, #tpu.memory_space<vmem>>
        %dma_wait3A_197 = arith.constant 0 : i32
        %dma_wait3A_198 = tpu.memref_slice %arg8[%run_scoped3A_129, %dma_wait3A_197] : memref<8x128xi32, #tpu.memory_space<vmem>> -> memref<1x128xi32, #tpu.memory_space<vmem>>
        %dma_wait3A_199 = tpu.memref_squeeze %dma_wait3A_198 : memref<1x128xi32, #tpu.memory_space<vmem>> -> memref<128xi32, #tpu.memory_space<vmem>>
        %dma_wait3A_200 = arith.constant 0 : i32
        %dma_wait3A_201 = arith.constant 0 : i32
        %dma_wait3A_202 = tpu.memref_slice %arg10[%dma_wait3A_200, %dma_wait3A_201] : memref<10240x128xf32, #tpu.memory_space<vmem_shared>> -> memref<10240x128xf32, #tpu.memory_space<vmem_shared>>
        tpu.wait_indirect_dma semaphore(%run_scoped3A_184 : memref<!tpu.dma_semaphore, #tpu.memory_space<semaphore_mem>>) src(%dma_wait3A_196 : memref<128x128xf32, #tpu.memory_space<vmem>>) dst(%dma_wait3A_202 : memref<10240x128xf32, #tpu.memory_space<vmem_shared>>)
        tpu.yield
      }) : () -> ()
      %dma_start3A_130 = arith.constant 6 : i32
      %dma_start3A_131 = arith.constant 0 : i32
      %dma_start3A_132 = arith.constant 0 : i32
      %dma_start3A_133 = tpu.memref_slice %arg9[%dma_start3A_131, %dma_start3A_132] : memref<256x128xf32, #tpu.memory_space<vmem>> -> memref<128x128xf32, #tpu.memory_space<vmem>>
      %dma_start3A_134 = arith.constant 0 : i32
      %dma_start3A_135 = tpu.memref_slice %arg7[%dma_start3A_130, %dma_start3A_134] : memref<8x128xi32, #tpu.memory_space<vmem>> -> memref<1x128xi32, #tpu.memory_space<vmem>>
      %dma_start3A_136 = tpu.memref_squeeze %dma_start3A_135 : memref<1x128xi32, #tpu.memory_space<vmem>> -> memref<128xi32, #tpu.memory_space<vmem>>
      %dma_start3A_137 = arith.constant 0 : i32
      %dma_start3A_138 = arith.constant 0 : i32
      %dma_start3A_139 = tpu.memref_slice %arg2[%dma_start3A_137, %dma_start3A_138] : memref<100000x128xf32, #tpu.memory_space<hbm>> -> memref<100000x128xf32, #tpu.memory_space<hbm>>
      tpu.enqueue_indirect_dma source(%dma_start3A_139 : memref<100000x128xf32, #tpu.memory_space<hbm>>) target(%dma_start3A_133 : memref<128x128xf32, #tpu.memory_space<vmem>>) offsets(%dma_start3A_136 : memref<128xi32, #tpu.memory_space<vmem>>) semaphore(%arg11 : memref<!tpu.dma_semaphore, #tpu.memory_space<semaphore_mem>>)
      %dma_wait3A_140 = arith.constant 5 : i32
      %dma_wait3A_141 = arith.constant 128 : i32
      %dma_wait3A_142 = arith.constant 0 : i32
      %dma_wait3A_143 = tpu.memref_slice %arg9[%dma_wait3A_141, %dma_wait3A_142] : memref<256x128xf32, #tpu.memory_space<vmem>> -> memref<128x128xf32, #tpu.memory_space<vmem>>
      %dma_wait3A_144 = arith.constant 0 : i32
      %dma_wait3A_145 = tpu.memref_slice %arg7[%dma_wait3A_140, %dma_wait3A_144] : memref<8x128xi32, #tpu.memory_space<vmem>> -> memref<1x128xi32, #tpu.memory_space<vmem>>
      %dma_wait3A_146 = tpu.memref_squeeze %dma_wait3A_145 : memref<1x128xi32, #tpu.memory_space<vmem>> -> memref<128xi32, #tpu.memory_space<vmem>>
      %dma_wait3A_147 = arith.constant 0 : i32
      %dma_wait3A_148 = arith.constant 0 : i32
      %dma_wait3A_149 = tpu.memref_slice %arg2[%dma_wait3A_147, %dma_wait3A_148] : memref<100000x128xf32, #tpu.memory_space<hbm>> -> memref<100000x128xf32, #tpu.memory_space<hbm>>
      tpu.wait_indirect_dma semaphore(%arg11 : memref<!tpu.dma_semaphore, #tpu.memory_space<semaphore_mem>>) src(%dma_wait3A_149 : memref<100000x128xf32, #tpu.memory_space<hbm>>) dst(%dma_wait3A_143 : memref<128x128xf32, #tpu.memory_space<vmem>>)
      %run_scoped3A_150 = arith.constant 5 : i32
      "tpu.region"() ({
        %run_scoped3A_184 = tpu.sem_alloc : memref<!tpu.dma_semaphore, #tpu.memory_space<semaphore_mem>>
        %dma_start3A_185 = arith.constant 128 : i32
        %dma_start3A_186 = arith.constant 0 : i32
        %dma_start3A_187 = tpu.memref_slice %arg9[%dma_start3A_185, %dma_start3A_186] : memref<256x128xf32, #tpu.memory_space<vmem>> -> memref<128x128xf32, #tpu.memory_space<vmem>>
        %dma_start3A_188 = arith.constant 0 : i32
        %dma_start3A_189 = tpu.memref_slice %arg8[%run_scoped3A_150, %dma_start3A_188] : memref<8x128xi32, #tpu.memory_space<vmem>> -> memref<1x128xi32, #tpu.memory_space<vmem>>
        %dma_start3A_190 = tpu.memref_squeeze %dma_start3A_189 : memref<1x128xi32, #tpu.memory_space<vmem>> -> memref<128xi32, #tpu.memory_space<vmem>>
        %dma_start3A_191 = arith.constant 0 : i32
        %dma_start3A_192 = arith.constant 0 : i32
        %dma_start3A_193 = tpu.memref_slice %arg10[%dma_start3A_191, %dma_start3A_192] : memref<10240x128xf32, #tpu.memory_space<vmem_shared>> -> memref<10240x128xf32, #tpu.memory_space<vmem_shared>>
        tpu.enqueue_indirect_dma source(%dma_start3A_187 : memref<128x128xf32, #tpu.memory_space<vmem>>) target(%dma_start3A_193 : memref<10240x128xf32, #tpu.memory_space<vmem_shared>>) offsets(%dma_start3A_190 : memref<128xi32, #tpu.memory_space<vmem>>) semaphore(%run_scoped3A_184 : memref<!tpu.dma_semaphore, #tpu.memory_space<semaphore_mem>>) {add = true}
        %dma_wait3A_194 = arith.constant 128 : i32
        %dma_wait3A_195 = arith.constant 0 : i32
        %dma_wait3A_196 = tpu.memref_slice %arg9[%dma_wait3A_194, %dma_wait3A_195] : memref<256x128xf32, #tpu.memory_space<vmem>> -> memref<128x128xf32, #tpu.memory_space<vmem>>
        %dma_wait3A_197 = arith.constant 0 : i32
        %dma_wait3A_198 = tpu.memref_slice %arg8[%run_scoped3A_150, %dma_wait3A_197] : memref<8x128xi32, #tpu.memory_space<vmem>> -> memref<1x128xi32, #tpu.memory_space<vmem>>
        %dma_wait3A_199 = tpu.memref_squeeze %dma_wait3A_198 : memref<1x128xi32, #tpu.memory_space<vmem>> -> memref<128xi32, #tpu.memory_space<vmem>>
        %dma_wait3A_200 = arith.constant 0 : i32
        %dma_wait3A_201 = arith.constant 0 : i32
        %dma_wait3A_202 = tpu.memref_slice %arg10[%dma_wait3A_200, %dma_wait3A_201] : memref<10240x128xf32, #tpu.memory_space<vmem_shared>> -> memref<10240x128xf32, #tpu.memory_space<vmem_shared>>
        tpu.wait_indirect_dma semaphore(%run_scoped3A_184 : memref<!tpu.dma_semaphore, #tpu.memory_space<semaphore_mem>>) src(%dma_wait3A_196 : memref<128x128xf32, #tpu.memory_space<vmem>>) dst(%dma_wait3A_202 : memref<10240x128xf32, #tpu.memory_space<vmem_shared>>)
        tpu.yield
      }) : () -> ()
      %dma_start3A_151 = arith.constant 7 : i32
      %dma_start3A_152 = arith.constant 128 : i32
      %dma_start3A_153 = arith.constant 0 : i32
      %dma_start3A_154 = tpu.memref_slice %arg9[%dma_start3A_152, %dma_start3A_153] : memref<256x128xf32, #tpu.memory_space<vmem>> -> memref<128x128xf32, #tpu.memory_space<vmem>>
      %dma_start3A_155 = arith.constant 0 : i32
      %dma_start3A_156 = tpu.memref_slice %arg7[%dma_start3A_151, %dma_start3A_155] : memref<8x128xi32, #tpu.memory_space<vmem>> -> memref<1x128xi32, #tpu.memory_space<vmem>>
      %dma_start3A_157 = tpu.memref_squeeze %dma_start3A_156 : memref<1x128xi32, #tpu.memory_space<vmem>> -> memref<128xi32, #tpu.memory_space<vmem>>
      %dma_start3A_158 = arith.constant 0 : i32
      %dma_start3A_159 = arith.constant 0 : i32
      %dma_start3A_160 = tpu.memref_slice %arg2[%dma_start3A_158, %dma_start3A_159] : memref<100000x128xf32, #tpu.memory_space<hbm>> -> memref<100000x128xf32, #tpu.memory_space<hbm>>
      tpu.enqueue_indirect_dma source(%dma_start3A_160 : memref<100000x128xf32, #tpu.memory_space<hbm>>) target(%dma_start3A_154 : memref<128x128xf32, #tpu.memory_space<vmem>>) offsets(%dma_start3A_157 : memref<128xi32, #tpu.memory_space<vmem>>) semaphore(%arg11 : memref<!tpu.dma_semaphore, #tpu.memory_space<semaphore_mem>>)
      %dma_wait3A_161 = arith.constant 6 : i32
      %dma_wait3A_162 = arith.constant 0 : i32
      %dma_wait3A_163 = arith.constant 0 : i32
      %dma_wait3A_164 = tpu.memref_slice %arg9[%dma_wait3A_162, %dma_wait3A_163] : memref<256x128xf32, #tpu.memory_space<vmem>> -> memref<128x128xf32, #tpu.memory_space<vmem>>
      %dma_wait3A_165 = arith.constant 0 : i32
      %dma_wait3A_166 = tpu.memref_slice %arg7[%dma_wait3A_161, %dma_wait3A_165] : memref<8x128xi32, #tpu.memory_space<vmem>> -> memref<1x128xi32, #tpu.memory_space<vmem>>
      %dma_wait3A_167 = tpu.memref_squeeze %dma_wait3A_166 : memref<1x128xi32, #tpu.memory_space<vmem>> -> memref<128xi32, #tpu.memory_space<vmem>>
      %dma_wait3A_168 = arith.constant 0 : i32
      %dma_wait3A_169 = arith.constant 0 : i32
      %dma_wait3A_170 = tpu.memref_slice %arg2[%dma_wait3A_168, %dma_wait3A_169] : memref<100000x128xf32, #tpu.memory_space<hbm>> -> memref<100000x128xf32, #tpu.memory_space<hbm>>
      tpu.wait_indirect_dma semaphore(%arg11 : memref<!tpu.dma_semaphore, #tpu.memory_space<semaphore_mem>>) src(%dma_wait3A_170 : memref<100000x128xf32, #tpu.memory_space<hbm>>) dst(%dma_wait3A_164 : memref<128x128xf32, #tpu.memory_space<vmem>>)
      %run_scoped3A_171 = arith.constant 6 : i32
      "tpu.region"() ({
        %run_scoped3A_184 = tpu.sem_alloc : memref<!tpu.dma_semaphore, #tpu.memory_space<semaphore_mem>>
        %dma_start3A_185 = arith.constant 0 : i32
        %dma_start3A_186 = arith.constant 0 : i32
        %dma_start3A_187 = tpu.memref_slice %arg9[%dma_start3A_185, %dma_start3A_186] : memref<256x128xf32, #tpu.memory_space<vmem>> -> memref<128x128xf32, #tpu.memory_space<vmem>>
        %dma_start3A_188 = arith.constant 0 : i32
        %dma_start3A_189 = tpu.memref_slice %arg8[%run_scoped3A_171, %dma_start3A_188] : memref<8x128xi32, #tpu.memory_space<vmem>> -> memref<1x128xi32, #tpu.memory_space<vmem>>
        %dma_start3A_190 = tpu.memref_squeeze %dma_start3A_189 : memref<1x128xi32, #tpu.memory_space<vmem>> -> memref<128xi32, #tpu.memory_space<vmem>>
        %dma_start3A_191 = arith.constant 0 : i32
        %dma_start3A_192 = arith.constant 0 : i32
        %dma_start3A_193 = tpu.memref_slice %arg10[%dma_start3A_191, %dma_start3A_192] : memref<10240x128xf32, #tpu.memory_space<vmem_shared>> -> memref<10240x128xf32, #tpu.memory_space<vmem_shared>>
        tpu.enqueue_indirect_dma source(%dma_start3A_187 : memref<128x128xf32, #tpu.memory_space<vmem>>) target(%dma_start3A_193 : memref<10240x128xf32, #tpu.memory_space<vmem_shared>>) offsets(%dma_start3A_190 : memref<128xi32, #tpu.memory_space<vmem>>) semaphore(%run_scoped3A_184 : memref<!tpu.dma_semaphore, #tpu.memory_space<semaphore_mem>>) {add = true}
        %dma_wait3A_194 = arith.constant 0 : i32
        %dma_wait3A_195 = arith.constant 0 : i32
        %dma_wait3A_196 = tpu.memref_slice %arg9[%dma_wait3A_194, %dma_wait3A_195] : memref<256x128xf32, #tpu.memory_space<vmem>> -> memref<128x128xf32, #tpu.memory_space<vmem>>
        %dma_wait3A_197 = arith.constant 0 : i32
        %dma_wait3A_198 = tpu.memref_slice %arg8[%run_scoped3A_171, %dma_wait3A_197] : memref<8x128xi32, #tpu.memory_space<vmem>> -> memref<1x128xi32, #tpu.memory_space<vmem>>
        %dma_wait3A_199 = tpu.memref_squeeze %dma_wait3A_198 : memref<1x128xi32, #tpu.memory_space<vmem>> -> memref<128xi32, #tpu.memory_space<vmem>>
        %dma_wait3A_200 = arith.constant 0 : i32
        %dma_wait3A_201 = arith.constant 0 : i32
        %dma_wait3A_202 = tpu.memref_slice %arg10[%dma_wait3A_200, %dma_wait3A_201] : memref<10240x128xf32, #tpu.memory_space<vmem_shared>> -> memref<10240x128xf32, #tpu.memory_space<vmem_shared>>
        tpu.wait_indirect_dma semaphore(%run_scoped3A_184 : memref<!tpu.dma_semaphore, #tpu.memory_space<semaphore_mem>>) src(%dma_wait3A_196 : memref<128x128xf32, #tpu.memory_space<vmem>>) dst(%dma_wait3A_202 : memref<10240x128xf32, #tpu.memory_space<vmem_shared>>)
        tpu.yield
      }) : () -> ()
      %dma_wait3A_172 = arith.constant 7 : i32
      %dma_wait3A_173 = arith.constant 128 : i32
      %dma_wait3A_174 = arith.constant 0 : i32
      %dma_wait3A_175 = tpu.memref_slice %arg9[%dma_wait3A_173, %dma_wait3A_174] : memref<256x128xf32, #tpu.memory_space<vmem>> -> memref<128x128xf32, #tpu.memory_space<vmem>>
      %dma_wait3A_176 = arith.constant 0 : i32
      %dma_wait3A_177 = tpu.memref_slice %arg7[%dma_wait3A_172, %dma_wait3A_176] : memref<8x128xi32, #tpu.memory_space<vmem>> -> memref<1x128xi32, #tpu.memory_space<vmem>>
      %dma_wait3A_178 = tpu.memref_squeeze %dma_wait3A_177 : memref<1x128xi32, #tpu.memory_space<vmem>> -> memref<128xi32, #tpu.memory_space<vmem>>
      %dma_wait3A_179 = arith.constant 0 : i32
      %dma_wait3A_180 = arith.constant 0 : i32
      %dma_wait3A_181 = tpu.memref_slice %arg2[%dma_wait3A_179, %dma_wait3A_180] : memref<100000x128xf32, #tpu.memory_space<hbm>> -> memref<100000x128xf32, #tpu.memory_space<hbm>>
      tpu.wait_indirect_dma semaphore(%arg11 : memref<!tpu.dma_semaphore, #tpu.memory_space<semaphore_mem>>) src(%dma_wait3A_181 : memref<100000x128xf32, #tpu.memory_space<hbm>>) dst(%dma_wait3A_175 : memref<128x128xf32, #tpu.memory_space<vmem>>)
      %run_scoped3A_182 = arith.constant 7 : i32
      "tpu.region"() ({
        %run_scoped3A_184 = tpu.sem_alloc : memref<!tpu.dma_semaphore, #tpu.memory_space<semaphore_mem>>
        %dma_start3A_185 = arith.constant 128 : i32
        %dma_start3A_186 = arith.constant 0 : i32
        %dma_start3A_187 = tpu.memref_slice %arg9[%dma_start3A_185, %dma_start3A_186] : memref<256x128xf32, #tpu.memory_space<vmem>> -> memref<128x128xf32, #tpu.memory_space<vmem>>
        %dma_start3A_188 = arith.constant 0 : i32
        %dma_start3A_189 = tpu.memref_slice %arg8[%run_scoped3A_182, %dma_start3A_188] : memref<8x128xi32, #tpu.memory_space<vmem>> -> memref<1x128xi32, #tpu.memory_space<vmem>>
        %dma_start3A_190 = tpu.memref_squeeze %dma_start3A_189 : memref<1x128xi32, #tpu.memory_space<vmem>> -> memref<128xi32, #tpu.memory_space<vmem>>
        %dma_start3A_191 = arith.constant 0 : i32
        %dma_start3A_192 = arith.constant 0 : i32
        %dma_start3A_193 = tpu.memref_slice %arg10[%dma_start3A_191, %dma_start3A_192] : memref<10240x128xf32, #tpu.memory_space<vmem_shared>> -> memref<10240x128xf32, #tpu.memory_space<vmem_shared>>
        tpu.enqueue_indirect_dma source(%dma_start3A_187 : memref<128x128xf32, #tpu.memory_space<vmem>>) target(%dma_start3A_193 : memref<10240x128xf32, #tpu.memory_space<vmem_shared>>) offsets(%dma_start3A_190 : memref<128xi32, #tpu.memory_space<vmem>>) semaphore(%run_scoped3A_184 : memref<!tpu.dma_semaphore, #tpu.memory_space<semaphore_mem>>) {add = true}
        %dma_wait3A_194 = arith.constant 128 : i32
        %dma_wait3A_195 = arith.constant 0 : i32
        %dma_wait3A_196 = tpu.memref_slice %arg9[%dma_wait3A_194, %dma_wait3A_195] : memref<256x128xf32, #tpu.memory_space<vmem>> -> memref<128x128xf32, #tpu.memory_space<vmem>>
        %dma_wait3A_197 = arith.constant 0 : i32
        %dma_wait3A_198 = tpu.memref_slice %arg8[%run_scoped3A_182, %dma_wait3A_197] : memref<8x128xi32, #tpu.memory_space<vmem>> -> memref<1x128xi32, #tpu.memory_space<vmem>>
        %dma_wait3A_199 = tpu.memref_squeeze %dma_wait3A_198 : memref<1x128xi32, #tpu.memory_space<vmem>> -> memref<128xi32, #tpu.memory_space<vmem>>
        %dma_wait3A_200 = arith.constant 0 : i32
        %dma_wait3A_201 = arith.constant 0 : i32
        %dma_wait3A_202 = tpu.memref_slice %arg10[%dma_wait3A_200, %dma_wait3A_201] : memref<10240x128xf32, #tpu.memory_space<vmem_shared>> -> memref<10240x128xf32, #tpu.memory_space<vmem_shared>>
        tpu.wait_indirect_dma semaphore(%run_scoped3A_184 : memref<!tpu.dma_semaphore, #tpu.memory_space<semaphore_mem>>) src(%dma_wait3A_196 : memref<128x128xf32, #tpu.memory_space<vmem>>) dst(%dma_wait3A_202 : memref<10240x128xf32, #tpu.memory_space<vmem_shared>>)
        tpu.yield
      }) : () -> ()
      %scan3A_183 = arith.constant 0 : i32
      scf.yield %scan3A_183 : i32
    }
    %scan3A_6 = arith.constant 10 : i32
    %barrier3A_7 = arith.constant 0 : index
    tpu.barrier barrier_id(%barrier3A_7)
    %mul3A_8 = arith.constant 640 : i32
    %mul3A_9 = arith.muli %arg1, %mul3A_8 : i32
    %mul3A_10 = arith.constant 640 : i32
    %mul3A_11 = arith.muli %arg1, %mul3A_10 : i32
    "tpu.region"() ({
      %run_scoped3A = tpu.sem_alloc : memref<!tpu.dma_semaphore, #tpu.memory_space<semaphore_mem>>
      %dma_start3A = arith.constant 0 : i32
      %dma_start3A_12 = tpu.memref_slice %arg6[%arg0, %mul3A_11, %dma_start3A] : memref<2x10240x128xf32, #tpu.memory_space<hbm>> -> memref<1x640x128xf32, #tpu.memory_space<hbm>>
      %dma_start3A_13 = tpu.memref_squeeze %dma_start3A_12 : memref<1x640x128xf32, #tpu.memory_space<hbm>> -> memref<640x128xf32, #tpu.memory_space<hbm>>
      %dma_start3A_14 = arith.constant 0 : i32
      %dma_start3A_15 = tpu.memref_slice %arg10[%mul3A_9, %dma_start3A_14] : memref<10240x128xf32, #tpu.memory_space<vmem_shared>> -> memref<640x128xf32, #tpu.memory_space<vmem_shared>>
      tpu.enqueue_dma source(%dma_start3A_15 : memref<640x128xf32, #tpu.memory_space<vmem_shared>>) target(%dma_start3A_13 : memref<640x128xf32, #tpu.memory_space<hbm>>) target_semaphore(%run_scoped3A : memref<!tpu.dma_semaphore, #tpu.memory_space<semaphore_mem>>)
      %dma_wait3A = arith.constant 0 : i32
      %dma_wait3A_16 = tpu.memref_slice %arg6[%arg0, %mul3A_11, %dma_wait3A] : memref<2x10240x128xf32, #tpu.memory_space<hbm>> -> memref<1x640x128xf32, #tpu.memory_space<hbm>>
      %dma_wait3A_17 = tpu.memref_squeeze %dma_wait3A_16 : memref<1x640x128xf32, #tpu.memory_space<hbm>> -> memref<640x128xf32, #tpu.memory_space<hbm>>
      %dma_wait3A_18 = arith.constant 0 : i32
      %dma_wait3A_19 = tpu.memref_slice %arg10[%mul3A_9, %dma_wait3A_18] : memref<10240x128xf32, #tpu.memory_space<vmem_shared>> -> memref<640x128xf32, #tpu.memory_space<vmem_shared>>
      tpu.wait_dma2 semaphore(%run_scoped3A : memref<!tpu.dma_semaphore, #tpu.memory_space<semaphore_mem>>) src(%dma_wait3A_19 : memref<640x128xf32, #tpu.memory_space<vmem_shared>>) dst(%dma_wait3A_17 : memref<640x128xf32, #tpu.memory_space<hbm>>)
      tpu.yield
    }) : () -> ()
    return
  }
}

#map = affine_map<(d0, d1) -> (0, 0)>
#map1 = affine_map<(d0, d1) -> (0)>
module attributes {stable_mosaic.version = 14 : i64} {
  func.func @k(%arg0: i32, %arg1: i32, %arg2: memref<10000x128xf32, #tpu.memory_space<hbm>>, %arg3: memref<327680xi32, #tpu.memory_space<hbm>>, %arg4: memref<163840x16xf32, #tpu.memory_space<hbm>>, %arg5: memref<10240xi32, #tpu.memory_space<vmem>>, %arg6: memref<768x128xf32, #tpu.memory_space<vmem>>, %arg7: memref<128x16xf32, #tpu.memory_space<vmem>>, %arg8: memref<!tpu.dma_semaphore, #tpu.memory_space<semaphore_mem>>) attributes {dimension_semantics = [#tpu.dimension_semantics<core_parallel>, #tpu.dimension_semantics<subcore_parallel>], iteration_bounds = array<i64: 2, 16>, scalar_prefetch = 0 : i64, scratch_operands = 4 : i64, tpu.core_type = #tpu.core_type<sc_vector_subcore>, window_params = [{transform_indices = #map}, {transform_indices = #map1}, {transform_indices = #map}]} {
    %mul3A = arith.constant 2 : i32
    %mul3A_0 = arith.muli %arg1, %mul3A : i32
    %add3A = arith.addi %mul3A_0, %arg0 : i32
    %mul3A_1 = arith.constant 40 : i32
    %mul3A_2 = arith.muli %add3A, %mul3A_1 : i32
    %mul3A_3 = arith.constant 256 : i32
    %mul3A_4 = arith.muli %mul3A_2, %mul3A_3 : i32
    "tpu.region"() ({
      %run_scoped3A = tpu.sem_alloc : memref<!tpu.dma_semaphore, #tpu.memory_space<semaphore_mem>>
      %dma_start3A_34 = tpu.memref_slice %arg3[%mul3A_4] : memref<327680xi32, #tpu.memory_space<hbm>> -> memref<10240xi32, #tpu.memory_space<hbm>>
      %dma_start3A_35 = tpu.memref_slice %arg3[%mul3A_4] : memref<327680xi32, #tpu.memory_space<hbm>> -> memref<10240xi32, #tpu.memory_space<hbm>>
      tpu.enqueue_dma source(%dma_start3A_35 : memref<10240xi32, #tpu.memory_space<hbm>>) target(%arg5 : memref<10240xi32, #tpu.memory_space<vmem>>) target_semaphore(%run_scoped3A : memref<!tpu.dma_semaphore, #tpu.memory_space<semaphore_mem>>)
      %dma_wait3A = tpu.memref_slice %arg3[%mul3A_4] : memref<327680xi32, #tpu.memory_space<hbm>> -> memref<10240xi32, #tpu.memory_space<hbm>>
      %dma_wait3A_36 = tpu.memref_slice %arg3[%mul3A_4] : memref<327680xi32, #tpu.memory_space<hbm>> -> memref<10240xi32, #tpu.memory_space<hbm>>
      tpu.wait_dma2 semaphore(%run_scoped3A : memref<!tpu.dma_semaphore, #tpu.memory_space<semaphore_mem>>) src(%dma_wait3A_36 : memref<10240xi32, #tpu.memory_space<hbm>>) dst(%arg5 : memref<10240xi32, #tpu.memory_space<vmem>>)
      tpu.yield
    }) : () -> ()
    %dma_start3A = arith.constant 0 : i32
    %dma_start3A_5 = arith.constant 0 : i32
    %dma_start3A_6 = tpu.memref_slice %arg6[%dma_start3A, %dma_start3A_5] : memref<768x128xf32, #tpu.memory_space<vmem>> -> memref<256x128xf32, #tpu.memory_space<vmem>>
    %dma_start3A_7 = arith.constant 0 : i32
    %dma_start3A_8 = tpu.memref_slice %arg5[%dma_start3A_7] : memref<10240xi32, #tpu.memory_space<vmem>> -> memref<256xi32, #tpu.memory_space<vmem>>
    %dma_start3A_9 = arith.constant 0 : i32
    %dma_start3A_10 = arith.constant 0 : i32
    %dma_start3A_11 = tpu.memref_slice %arg2[%dma_start3A_9, %dma_start3A_10] : memref<10000x128xf32, #tpu.memory_space<hbm>> -> memref<10000x128xf32, #tpu.memory_space<hbm>>
    tpu.enqueue_indirect_dma source(%dma_start3A_11 : memref<10000x128xf32, #tpu.memory_space<hbm>>) target(%dma_start3A_6 : memref<256x128xf32, #tpu.memory_space<vmem>>) offsets(%dma_start3A_8 : memref<256xi32, #tpu.memory_space<vmem>>) semaphore(%arg8 : memref<!tpu.dma_semaphore, #tpu.memory_space<semaphore_mem>>)
    %dma_start3A_12 = arith.constant 256 : i32
    %dma_start3A_13 = arith.constant 0 : i32
    %dma_start3A_14 = tpu.memref_slice %arg6[%dma_start3A_12, %dma_start3A_13] : memref<768x128xf32, #tpu.memory_space<vmem>> -> memref<256x128xf32, #tpu.memory_space<vmem>>
    %dma_start3A_15 = arith.constant 256 : i32
    %dma_start3A_16 = tpu.memref_slice %arg5[%dma_start3A_15] : memref<10240xi32, #tpu.memory_space<vmem>> -> memref<256xi32, #tpu.memory_space<vmem>>
    %dma_start3A_17 = arith.constant 0 : i32
    %dma_start3A_18 = arith.constant 0 : i32
    %dma_start3A_19 = tpu.memref_slice %arg2[%dma_start3A_17, %dma_start3A_18] : memref<10000x128xf32, #tpu.memory_space<hbm>> -> memref<10000x128xf32, #tpu.memory_space<hbm>>
    tpu.enqueue_indirect_dma source(%dma_start3A_19 : memref<10000x128xf32, #tpu.memory_space<hbm>>) target(%dma_start3A_14 : memref<256x128xf32, #tpu.memory_space<vmem>>) offsets(%dma_start3A_16 : memref<256xi32, #tpu.memory_space<vmem>>) semaphore(%arg8 : memref<!tpu.dma_semaphore, #tpu.memory_space<semaphore_mem>>)
    %dma_start3A_20 = arith.constant 512 : i32
    %dma_start3A_21 = arith.constant 0 : i32
    %dma_start3A_22 = tpu.memref_slice %arg6[%dma_start3A_20, %dma_start3A_21] : memref<768x128xf32, #tpu.memory_space<vmem>> -> memref<256x128xf32, #tpu.memory_space<vmem>>
    %dma_start3A_23 = arith.constant 512 : i32
    %dma_start3A_24 = tpu.memref_slice %arg5[%dma_start3A_23] : memref<10240xi32, #tpu.memory_space<vmem>> -> memref<256xi32, #tpu.memory_space<vmem>>
    %dma_start3A_25 = arith.constant 0 : i32
    %dma_start3A_26 = arith.constant 0 : i32
    %dma_start3A_27 = tpu.memref_slice %arg2[%dma_start3A_25, %dma_start3A_26] : memref<10000x128xf32, #tpu.memory_space<hbm>> -> memref<10000x128xf32, #tpu.memory_space<hbm>>
    tpu.enqueue_indirect_dma source(%dma_start3A_27 : memref<10000x128xf32, #tpu.memory_space<hbm>>) target(%dma_start3A_22 : memref<256x128xf32, #tpu.memory_space<vmem>>) offsets(%dma_start3A_24 : memref<256xi32, #tpu.memory_space<vmem>>) semaphore(%arg8 : memref<!tpu.dma_semaphore, #tpu.memory_space<semaphore_mem>>)
    %scan3A = arith.constant 0 : i32
    %scan3A_28 = arith.constant 0 : i32
    %scan3A_29 = arith.constant 40 : i32
    %scan3A_30 = arith.addi %scan3A_28, %scan3A_29 : i32
    %scan3A_31 = arith.constant 1 : i32
    %scan3A_32 = scf.for %scan3A_34 = %scan3A_28 to %scan3A_30 step %scan3A_31 iter_args(%scan3A_35 = %scan3A) -> (i32)  : i32 {
      %jit3A = arith.constant 3 : i32
      %eq3A = arith.constant 0 : i32
      %eq3A_36 = arith.cmpi eq, %jit3A, %eq3A : i32
      %jit3A_37 = arith.constant 1 : i32
      %select_n3A = arith.select %eq3A_36, %jit3A_37, %jit3A : i32
      %rem3A = arith.remsi %scan3A_34, %select_n3A : i32
      %ne3A = arith.constant 0 : i32
      %ne3A_38 = arith.cmpi ne, %rem3A, %ne3A : i32
      %lt3A = arith.constant 0 : i32
      %lt3A_39 = arith.cmpi slt, %rem3A, %lt3A : i32
      %lt3A_40 = arith.constant 0 : i32
      %lt3A_41 = arith.cmpi slt, %select_n3A, %lt3A_40 : i32
      %ne3A_42 = arith.xori %lt3A_39, %lt3A_41 : i1
      %and3A = arith.andi %ne3A_42, %ne3A_38 : i1
      %add3A_43 = arith.addi %rem3A, %select_n3A : i32
      %select_n3A_44 = arith.select %and3A, %add3A_43, %rem3A : i32
      %mul3A_45 = arith.constant 256 : i32
      %mul3A_46 = arith.muli %select_n3A_44, %mul3A_45 : i32
      %mul3A_47 = arith.constant 256 : i32
      %mul3A_48 = arith.muli %scan3A_34, %mul3A_47 : i32
      %dma_wait3A = arith.constant 0 : i32
      %dma_wait3A_49 = tpu.memref_slice %arg6[%mul3A_46, %dma_wait3A] : memref<768x128xf32, #tpu.memory_space<vmem>> -> memref<256x128xf32, #tpu.memory_space<vmem>>
      %dma_wait3A_50 = tpu.memref_slice %arg5[%mul3A_48] : memref<10240xi32, #tpu.memory_space<vmem>> -> memref<256xi32, #tpu.memory_space<vmem>>
      %dma_wait3A_51 = arith.constant 0 : i32
      %dma_wait3A_52 = arith.constant 0 : i32
      %dma_wait3A_53 = tpu.memref_slice %arg2[%dma_wait3A_51, %dma_wait3A_52] : memref<10000x128xf32, #tpu.memory_space<hbm>> -> memref<10000x128xf32, #tpu.memory_space<hbm>>
      tpu.wait_indirect_dma semaphore(%arg8 : memref<!tpu.dma_semaphore, #tpu.memory_space<semaphore_mem>>) src(%dma_wait3A_53 : memref<10000x128xf32, #tpu.memory_space<hbm>>) dst(%dma_wait3A_49 : memref<256x128xf32, #tpu.memory_space<vmem>>)
      %scan3A_54 = arith.constant 0 : i32
      %scan3A_55 = arith.constant 0 : i32
      %scan3A_56 = arith.constant 128 : i32
      %scan3A_57 = arith.addi %scan3A_55, %scan3A_56 : i32
      %scan3A_58 = arith.constant 1 : i32
      %scan3A_59 = scf.for %scan3A_72 = %scan3A_55 to %scan3A_57 step %scan3A_58 iter_args(%scan3A_73 = %scan3A_54) -> (i32)  : i32 {
        %add3A_74 = arith.addi %mul3A_46, %scan3A_72 : i32
        %get3A = arith.index_cast %add3A_74 : i32 to index
        %get3A_75 = arith.constant 0 : index
        %get3A_76 = tpu.vector_load %arg6[%get3A, %get3A_75] {strides = array<i32>} : memref<768x128xf32, #tpu.memory_space<vmem>>, vector<1x16xf32>,
        %get3A_77 = vector.shape_cast %get3A_76 : vector<1x16xf32> to vector<16xf32>
        %add3A_78 = arith.constant 128 : i32
        %add3A_79 = arith.addi %mul3A_46, %add3A_78 : i32
        %add3A_80 = arith.addi %add3A_79, %scan3A_72 : i32
        %get3A_81 = arith.index_cast %add3A_80 : i32 to index
        %get3A_82 = arith.constant 16 : index
        %get3A_83 = tpu.vector_load %arg6[%get3A_81, %get3A_82] {strides = array<i32>} : memref<768x128xf32, #tpu.memory_space<vmem>>, vector<1x16xf32>,
        %get3A_84 = vector.shape_cast %get3A_83 : vector<1x16xf32> to vector<16xf32>
        %add3A_85 = arith.addf %get3A_77, %get3A_84 : vector<16xf32>
        %swap3A = arith.index_cast %scan3A_72 : i32 to index
        %swap3A_86 = arith.constant 0 : index
        %swap3A_87 = tpu.vector_load %arg7[%swap3A, %swap3A_86] {strides = array<i32>} : memref<128x16xf32, #tpu.memory_space<vmem>>, vector<1x16xf32>,
        %swap3A_88 = vector.shape_cast %swap3A_87 : vector<1x16xf32> to vector<16xf32>
        %swap3A_89 = vector.shape_cast %add3A_85 : vector<16xf32> to vector<1x16xf32>
        tpu.vector_store %arg7[%swap3A, %swap3A_86], %swap3A_89 {strides = array<i32>} : memref<128x16xf32, #tpu.memory_space<vmem>>, vector<1x16xf32>,
        %scan3A_90 = arith.constant 0 : i32
        scf.yield %scan3A_90 : i32
      }
      %scan3A_60 = arith.constant 128 : i32
      %add3A_61 = arith.constant 3 : i32
      %add3A_62 = arith.addi %scan3A_34, %add3A_61 : i32
      %lt3A_63 = arith.constant 40 : i32
      %lt3A_64 = arith.cmpi slt, %add3A_62, %lt3A_63 : i32
      %convert_element_type3A = arith.extui %lt3A_64 : i1 to i32
      %cond3A = arith.constant 0 : i32
      %cond3A_65 = arith.cmpi ne, %convert_element_type3A, %cond3A : i32
      scf.if %cond3A_65 {
        %add3A_72 = arith.constant 3 : i32
        %add3A_73 = arith.addi %scan3A_34, %add3A_72 : i32
        %mul3A_74 = arith.constant 256 : i32
        %mul3A_75 = arith.muli %add3A_73, %mul3A_74 : i32
        %dma_start3A_76 = arith.constant 0 : i32
        %dma_start3A_77 = tpu.memref_slice %arg6[%mul3A_46, %dma_start3A_76] : memref<768x128xf32, #tpu.memory_space<vmem>> -> memref<256x128xf32, #tpu.memory_space<vmem>>
        %dma_start3A_78 = tpu.memref_slice %arg5[%mul3A_75] : memref<10240xi32, #tpu.memory_space<vmem>> -> memref<256xi32, #tpu.memory_space<vmem>>
        %dma_start3A_79 = arith.constant 0 : i32
        %dma_start3A_80 = arith.constant 0 : i32
        %dma_start3A_81 = tpu.memref_slice %arg2[%dma_start3A_79, %dma_start3A_80] : memref<10000x128xf32, #tpu.memory_space<hbm>> -> memref<10000x128xf32, #tpu.memory_space<hbm>>
        tpu.enqueue_indirect_dma source(%dma_start3A_81 : memref<10000x128xf32, #tpu.memory_space<hbm>>) target(%dma_start3A_77 : memref<256x128xf32, #tpu.memory_space<vmem>>) offsets(%dma_start3A_78 : memref<256xi32, #tpu.memory_space<vmem>>) semaphore(%arg8 : memref<!tpu.dma_semaphore, #tpu.memory_space<semaphore_mem>>)
      } else {
      }
      %mul3A_66 = arith.constant 5120 : i32
      %mul3A_67 = arith.muli %add3A, %mul3A_66 : i32
      %mul3A_68 = arith.constant 128 : i32
      %mul3A_69 = arith.muli %scan3A_34, %mul3A_68 : i32
      %add3A_70 = arith.addi %mul3A_67, %mul3A_69 : i32
      "tpu.region"() ({
        %run_scoped3A = tpu.sem_alloc : memref<!tpu.dma_semaphore, #tpu.memory_space<semaphore_mem>>
        %dma_start3A_72 = arith.constant 0 : i32
        %dma_start3A_73 = tpu.memref_slice %arg4[%add3A_70, %dma_start3A_72] : memref<163840x16xf32, #tpu.memory_space<hbm>> -> memref<128x16xf32, #tpu.memory_space<hbm>>
        %dma_start3A_74 = arith.constant 0 : i32
        %dma_start3A_75 = tpu.memref_slice %arg4[%add3A_70, %dma_start3A_74] : memref<163840x16xf32, #tpu.memory_space<hbm>> -> memref<128x16xf32, #tpu.memory_space<hbm>>
        tpu.enqueue_dma source(%arg7 : memref<128x16xf32, #tpu.memory_space<vmem>>) target(%dma_start3A_75 : memref<128x16xf32, #tpu.memory_space<hbm>>) target_semaphore(%run_scoped3A : memref<!tpu.dma_semaphore, #tpu.memory_space<semaphore_mem>>)
        %dma_wait3A_76 = arith.constant 0 : i32
        %dma_wait3A_77 = tpu.memref_slice %arg4[%add3A_70, %dma_wait3A_76] : memref<163840x16xf32, #tpu.memory_space<hbm>> -> memref<128x16xf32, #tpu.memory_space<hbm>>
        %dma_wait3A_78 = arith.constant 0 : i32
        %dma_wait3A_79 = tpu.memref_slice %arg4[%add3A_70, %dma_wait3A_78] : memref<163840x16xf32, #tpu.memory_space<hbm>> -> memref<128x16xf32, #tpu.memory_space<hbm>>
        tpu.wait_dma2 semaphore(%run_scoped3A : memref<!tpu.dma_semaphore, #tpu.memory_space<semaphore_mem>>) src(%arg7 : memref<128x16xf32, #tpu.memory_space<vmem>>) dst(%dma_wait3A_79 : memref<128x16xf32, #tpu.memory_space<hbm>>)
        tpu.yield
      }) : () -> ()
      %scan3A_71 = arith.constant 0 : i32
      scf.yield %scan3A_71 : i32
    }
    %scan3A_33 = arith.constant 40 : i32
    return
  }
}

#map = affine_map<(d0, d1) -> (0, 0)>
#map1 = affine_map<(d0, d1) -> (0)>
module attributes {stable_mosaic.version = 14 : i64} {
  func.func @k(%arg0: i32, %arg1: i32, %arg2: memref<512x512xf32, #tpu.memory_space<hbm>>, %arg3: memref<10000xi32, #tpu.memory_space<hbm>>, %arg4: memref<10000x512xf32, #tpu.memory_space<hbm>>, %arg5: memref<320xi32, #tpu.memory_space<vmem>>, %arg6: memref<160x512xf32, #tpu.memory_space<vmem>>, %arg7: memref<!tpu.dma_semaphore, #tpu.memory_space<semaphore_mem>>) attributes {dimension_semantics = [#tpu.dimension_semantics<core_parallel>, #tpu.dimension_semantics<subcore_parallel>], iteration_bounds = array<i64: 2, 16>, scalar_prefetch = 0 : i64, scratch_operands = 3 : i64, tpu.core_type = #tpu.core_type<sc_vector_subcore>, window_params = [{transform_indices = #map}, {transform_indices = #map1}, {transform_indices = #map}]} {
    %mul3A = arith.constant 2 : i32
    %mul3A_0 = arith.muli %arg1, %mul3A : i32
    %add3A = arith.addi %mul3A_0, %arg0 : i32
    %mul3A_1 = arith.constant 320 : i32
    %mul3A_2 = arith.muli %add3A, %mul3A_1 : i32
    %lt3A = arith.constant 31 : i32
    %lt3A_3 = arith.cmpi slt, %add3A, %lt3A : i32
    %convert_element_type3A = arith.extui %lt3A_3 : i1 to i32
    %cond3A = arith.constant 0 : i32
    %cond3A_4 = arith.cmpi ne, %convert_element_type3A, %cond3A : i32
    scf.if %cond3A_4 {
      "tpu.region"() ({
        %run_scoped3A = tpu.sem_alloc : memref<!tpu.dma_semaphore, #tpu.memory_space<semaphore_mem>>
        %dma_start3A_31 = tpu.memref_slice %arg3[%mul3A_2] : memref<10000xi32, #tpu.memory_space<hbm>> -> memref<320xi32, #tpu.memory_space<hbm>>
        %dma_start3A_32 = tpu.memref_slice %arg3[%mul3A_2] : memref<10000xi32, #tpu.memory_space<hbm>> -> memref<320xi32, #tpu.memory_space<hbm>>
        tpu.enqueue_dma source(%dma_start3A_32 : memref<320xi32, #tpu.memory_space<hbm>>) target(%arg5 : memref<320xi32, #tpu.memory_space<vmem>>) target_semaphore(%run_scoped3A : memref<!tpu.dma_semaphore, #tpu.memory_space<semaphore_mem>>)
        %dma_wait3A_33 = tpu.memref_slice %arg3[%mul3A_2] : memref<10000xi32, #tpu.memory_space<hbm>> -> memref<320xi32, #tpu.memory_space<hbm>>
        %dma_wait3A_34 = tpu.memref_slice %arg3[%mul3A_2] : memref<10000xi32, #tpu.memory_space<hbm>> -> memref<320xi32, #tpu.memory_space<hbm>>
        tpu.wait_dma2 semaphore(%run_scoped3A : memref<!tpu.dma_semaphore, #tpu.memory_space<semaphore_mem>>) src(%dma_wait3A_34 : memref<320xi32, #tpu.memory_space<hbm>>) dst(%arg5 : memref<320xi32, #tpu.memory_space<vmem>>)
        tpu.yield
      }) : () -> ()
      %dma_start3A = arith.constant 0 : i32
      %dma_start3A_9 = tpu.memref_slice %arg5[%dma_start3A] : memref<320xi32, #tpu.memory_space<vmem>> -> memref<160xi32, #tpu.memory_space<vmem>>
      %dma_start3A_10 = arith.constant 0 : i32
      %dma_start3A_11 = arith.constant 0 : i32
      %dma_start3A_12 = tpu.memref_slice %arg2[%dma_start3A_10, %dma_start3A_11] : memref<512x512xf32, #tpu.memory_space<hbm>> -> memref<512x512xf32, #tpu.memory_space<hbm>>
      tpu.enqueue_indirect_dma source(%dma_start3A_12 : memref<512x512xf32, #tpu.memory_space<hbm>>) target(%arg6 : memref<160x512xf32, #tpu.memory_space<vmem>>) offsets(%dma_start3A_9 : memref<160xi32, #tpu.memory_space<vmem>>) semaphore(%arg7 : memref<!tpu.dma_semaphore, #tpu.memory_space<semaphore_mem>>)
      %dma_wait3A = arith.constant 0 : i32
      %dma_wait3A_13 = tpu.memref_slice %arg5[%dma_wait3A] : memref<320xi32, #tpu.memory_space<vmem>> -> memref<160xi32, #tpu.memory_space<vmem>>
      %dma_wait3A_14 = arith.constant 0 : i32
      %dma_wait3A_15 = arith.constant 0 : i32
      %dma_wait3A_16 = tpu.memref_slice %arg2[%dma_wait3A_14, %dma_wait3A_15] : memref<512x512xf32, #tpu.memory_space<hbm>> -> memref<512x512xf32, #tpu.memory_space<hbm>>
      tpu.wait_indirect_dma semaphore(%arg7 : memref<!tpu.dma_semaphore, #tpu.memory_space<semaphore_mem>>) src(%dma_wait3A_16 : memref<512x512xf32, #tpu.memory_space<hbm>>) dst(%arg6 : memref<160x512xf32, #tpu.memory_space<vmem>>)
      %add3A_17 = arith.constant 0 : i32
      %add3A_18 = arith.addi %mul3A_2, %add3A_17 : i32
      "tpu.region"() ({
        %run_scoped3A = tpu.sem_alloc : memref<!tpu.dma_semaphore, #tpu.memory_space<semaphore_mem>>
        %dma_start3A_31 = arith.constant 0 : i32
        %dma_start3A_32 = tpu.memref_slice %arg4[%add3A_18, %dma_start3A_31] : memref<10000x512xf32, #tpu.memory_space<hbm>> -> memref<160x512xf32, #tpu.memory_space<hbm>>
        %dma_start3A_33 = arith.constant 0 : i32
        %dma_start3A_34 = tpu.memref_slice %arg4[%add3A_18, %dma_start3A_33] : memref<10000x512xf32, #tpu.memory_space<hbm>> -> memref<160x512xf32, #tpu.memory_space<hbm>>
        tpu.enqueue_dma source(%arg6 : memref<160x512xf32, #tpu.memory_space<vmem>>) target(%dma_start3A_34 : memref<160x512xf32, #tpu.memory_space<hbm>>) target_semaphore(%run_scoped3A : memref<!tpu.dma_semaphore, #tpu.memory_space<semaphore_mem>>)
        %dma_wait3A_35 = arith.constant 0 : i32
        %dma_wait3A_36 = tpu.memref_slice %arg4[%add3A_18, %dma_wait3A_35] : memref<10000x512xf32, #tpu.memory_space<hbm>> -> memref<160x512xf32, #tpu.memory_space<hbm>>
        %dma_wait3A_37 = arith.constant 0 : i32
        %dma_wait3A_38 = tpu.memref_slice %arg4[%add3A_18, %dma_wait3A_37] : memref<10000x512xf32, #tpu.memory_space<hbm>> -> memref<160x512xf32, #tpu.memory_space<hbm>>
        tpu.wait_dma2 semaphore(%run_scoped3A : memref<!tpu.dma_semaphore, #tpu.memory_space<semaphore_mem>>) src(%arg6 : memref<160x512xf32, #tpu.memory_space<vmem>>) dst(%dma_wait3A_38 : memref<160x512xf32, #tpu.memory_space<hbm>>)
        tpu.yield
      }) : () -> ()
      %dma_start3A_19 = arith.constant 160 : i32
      %dma_start3A_20 = tpu.memref_slice %arg5[%dma_start3A_19] : memref<320xi32, #tpu.memory_space<vmem>> -> memref<160xi32, #tpu.memory_space<vmem>>
      %dma_start3A_21 = arith.constant 0 : i32
      %dma_start3A_22 = arith.constant 0 : i32
      %dma_start3A_23 = tpu.memref_slice %arg2[%dma_start3A_21, %dma_start3A_22] : memref<512x512xf32, #tpu.memory_space<hbm>> -> memref<512x512xf32, #tpu.memory_space<hbm>>
      tpu.enqueue_indirect_dma source(%dma_start3A_23 : memref<512x512xf32, #tpu.memory_space<hbm>>) target(%arg6 : memref<160x512xf32, #tpu.memory_space<vmem>>) offsets(%dma_start3A_20 : memref<160xi32, #tpu.memory_space<vmem>>) semaphore(%arg7 : memref<!tpu.dma_semaphore, #tpu.memory_space<semaphore_mem>>)
      %dma_wait3A_24 = arith.constant 160 : i32
      %dma_wait3A_25 = tpu.memref_slice %arg5[%dma_wait3A_24] : memref<320xi32, #tpu.memory_space<vmem>> -> memref<160xi32, #tpu.memory_space<vmem>>
      %dma_wait3A_26 = arith.constant 0 : i32
      %dma_wait3A_27 = arith.constant 0 : i32
      %dma_wait3A_28 = tpu.memref_slice %arg2[%dma_wait3A_26, %dma_wait3A_27] : memref<512x512xf32, #tpu.memory_space<hbm>> -> memref<512x512xf32, #tpu.memory_space<hbm>>
      tpu.wait_indirect_dma semaphore(%arg7 : memref<!tpu.dma_semaphore, #tpu.memory_space<semaphore_mem>>) src(%dma_wait3A_28 : memref<512x512xf32, #tpu.memory_space<hbm>>) dst(%arg6 : memref<160x512xf32, #tpu.memory_space<vmem>>)
      %add3A_29 = arith.constant 160 : i32
      %add3A_30 = arith.addi %mul3A_2, %add3A_29 : i32
      "tpu.region"() ({
        %run_scoped3A = tpu.sem_alloc : memref<!tpu.dma_semaphore, #tpu.memory_space<semaphore_mem>>
        %dma_start3A_31 = arith.constant 0 : i32
        %dma_start3A_32 = tpu.memref_slice %arg4[%add3A_30, %dma_start3A_31] : memref<10000x512xf32, #tpu.memory_space<hbm>> -> memref<160x512xf32, #tpu.memory_space<hbm>>
        %dma_start3A_33 = arith.constant 0 : i32
        %dma_start3A_34 = tpu.memref_slice %arg4[%add3A_30, %dma_start3A_33] : memref<10000x512xf32, #tpu.memory_space<hbm>> -> memref<160x512xf32, #tpu.memory_space<hbm>>
        tpu.enqueue_dma source(%arg6 : memref<160x512xf32, #tpu.memory_space<vmem>>) target(%dma_start3A_34 : memref<160x512xf32, #tpu.memory_space<hbm>>) target_semaphore(%run_scoped3A : memref<!tpu.dma_semaphore, #tpu.memory_space<semaphore_mem>>)
        %dma_wait3A_35 = arith.constant 0 : i32
        %dma_wait3A_36 = tpu.memref_slice %arg4[%add3A_30, %dma_wait3A_35] : memref<10000x512xf32, #tpu.memory_space<hbm>> -> memref<160x512xf32, #tpu.memory_space<hbm>>
        %dma_wait3A_37 = arith.constant 0 : i32
        %dma_wait3A_38 = tpu.memref_slice %arg4[%add3A_30, %dma_wait3A_37] : memref<10000x512xf32, #tpu.memory_space<hbm>> -> memref<160x512xf32, #tpu.memory_space<hbm>>
        tpu.wait_dma2 semaphore(%run_scoped3A : memref<!tpu.dma_semaphore, #tpu.memory_space<semaphore_mem>>) src(%arg6 : memref<160x512xf32, #tpu.memory_space<vmem>>) dst(%dma_wait3A_38 : memref<160x512xf32, #tpu.memory_space<hbm>>)
        tpu.yield
      }) : () -> ()
    } else {
    }
    %eq3A = arith.constant 31 : i32
    %eq3A_5 = arith.cmpi eq, %add3A, %eq3A : i32
    %convert_element_type3A_6 = arith.extui %eq3A_5 : i1 to i32
    %cond3A_7 = arith.constant 0 : i32
    %cond3A_8 = arith.cmpi ne, %convert_element_type3A_6, %cond3A_7 : i32
    scf.if %cond3A_8 {
      "tpu.region"() ({
        %run_scoped3A = tpu.sem_alloc : memref<!tpu.dma_semaphore, #tpu.memory_space<semaphore_mem>>
        %dma_start3A_23 = arith.constant 0 : i32
        %dma_start3A_24 = tpu.memref_slice %arg5[%dma_start3A_23] : memref<320xi32, #tpu.memory_space<vmem>> -> memref<80xi32, #tpu.memory_space<vmem>>
        %dma_start3A_25 = tpu.memref_slice %arg3[%mul3A_2] : memref<10000xi32, #tpu.memory_space<hbm>> -> memref<80xi32, #tpu.memory_space<hbm>>
        %dma_start3A_26 = arith.constant 0 : i32
        %dma_start3A_27 = tpu.memref_slice %arg5[%dma_start3A_26] : memref<320xi32, #tpu.memory_space<vmem>> -> memref<80xi32, #tpu.memory_space<vmem>>
        %dma_start3A_28 = tpu.memref_slice %arg3[%mul3A_2] : memref<10000xi32, #tpu.memory_space<hbm>> -> memref<80xi32, #tpu.memory_space<hbm>>
        tpu.enqueue_dma source(%dma_start3A_28 : memref<80xi32, #tpu.memory_space<hbm>>) target(%dma_start3A_27 : memref<80xi32, #tpu.memory_space<vmem>>) target_semaphore(%run_scoped3A : memref<!tpu.dma_semaphore, #tpu.memory_space<semaphore_mem>>)
        %dma_wait3A_29 = arith.constant 0 : i32
        %dma_wait3A_30 = tpu.memref_slice %arg5[%dma_wait3A_29] : memref<320xi32, #tpu.memory_space<vmem>> -> memref<80xi32, #tpu.memory_space<vmem>>
        %dma_wait3A_31 = tpu.memref_slice %arg3[%mul3A_2] : memref<10000xi32, #tpu.memory_space<hbm>> -> memref<80xi32, #tpu.memory_space<hbm>>
        %dma_wait3A_32 = arith.constant 0 : i32
        %dma_wait3A_33 = tpu.memref_slice %arg5[%dma_wait3A_32] : memref<320xi32, #tpu.memory_space<vmem>> -> memref<80xi32, #tpu.memory_space<vmem>>
        %dma_wait3A_34 = tpu.memref_slice %arg3[%mul3A_2] : memref<10000xi32, #tpu.memory_space<hbm>> -> memref<80xi32, #tpu.memory_space<hbm>>
        tpu.wait_dma2 semaphore(%run_scoped3A : memref<!tpu.dma_semaphore, #tpu.memory_space<semaphore_mem>>) src(%dma_wait3A_34 : memref<80xi32, #tpu.memory_space<hbm>>) dst(%dma_wait3A_33 : memref<80xi32, #tpu.memory_space<vmem>>)
        tpu.yield
      }) : () -> ()
      %dma_start3A = arith.constant 0 : i32
      %dma_start3A_9 = arith.constant 0 : i32
      %dma_start3A_10 = tpu.memref_slice %arg6[%dma_start3A, %dma_start3A_9] : memref<160x512xf32, #tpu.memory_space<vmem>> -> memref<80x512xf32, #tpu.memory_space<vmem>>
      %dma_start3A_11 = arith.constant 0 : i32
      %dma_start3A_12 = tpu.memref_slice %arg5[%dma_start3A_11] : memref<320xi32, #tpu.memory_space<vmem>> -> memref<80xi32, #tpu.memory_space<vmem>>
      %dma_start3A_13 = arith.constant 0 : i32
      %dma_start3A_14 = arith.constant 0 : i32
      %dma_start3A_15 = tpu.memref_slice %arg2[%dma_start3A_13, %dma_start3A_14] : memref<512x512xf32, #tpu.memory_space<hbm>> -> memref<512x512xf32, #tpu.memory_space<hbm>>
      tpu.enqueue_indirect_dma source(%dma_start3A_15 : memref<512x512xf32, #tpu.memory_space<hbm>>) target(%dma_start3A_10 : memref<80x512xf32, #tpu.memory_space<vmem>>) offsets(%dma_start3A_12 : memref<80xi32, #tpu.memory_space<vmem>>) semaphore(%arg7 : memref<!tpu.dma_semaphore, #tpu.memory_space<semaphore_mem>>)
      %dma_wait3A = arith.constant 0 : i32
      %dma_wait3A_16 = arith.constant 0 : i32
      %dma_wait3A_17 = tpu.memref_slice %arg6[%dma_wait3A, %dma_wait3A_16] : memref<160x512xf32, #tpu.memory_space<vmem>> -> memref<80x512xf32, #tpu.memory_space<vmem>>
      %dma_wait3A_18 = arith.constant 0 : i32
      %dma_wait3A_19 = tpu.memref_slice %arg5[%dma_wait3A_18] : memref<320xi32, #tpu.memory_space<vmem>> -> memref<80xi32, #tpu.memory_space<vmem>>
      %dma_wait3A_20 = arith.constant 0 : i32
      %dma_wait3A_21 = arith.constant 0 : i32
      %dma_wait3A_22 = tpu.memref_slice %arg2[%dma_wait3A_20, %dma_wait3A_21] : memref<512x512xf32, #tpu.memory_space<hbm>> -> memref<512x512xf32, #tpu.memory_space<hbm>>
      tpu.wait_indirect_dma semaphore(%arg7 : memref<!tpu.dma_semaphore, #tpu.memory_space<semaphore_mem>>) src(%dma_wait3A_22 : memref<512x512xf32, #tpu.memory_space<hbm>>) dst(%dma_wait3A_17 : memref<80x512xf32, #tpu.memory_space<vmem>>)
      "tpu.region"() ({
        %run_scoped3A = tpu.sem_alloc : memref<!tpu.dma_semaphore, #tpu.memory_space<semaphore_mem>>
        %dma_start3A_23 = arith.constant 0 : i32
        %dma_start3A_24 = arith.constant 0 : i32
        %dma_start3A_25 = tpu.memref_slice %arg6[%dma_start3A_23, %dma_start3A_24] : memref<160x512xf32, #tpu.memory_space<vmem>> -> memref<80x512xf32, #tpu.memory_space<vmem>>
        %dma_start3A_26 = arith.constant 0 : i32
        %dma_start3A_27 = tpu.memref_slice %arg4[%mul3A_2, %dma_start3A_26] : memref<10000x512xf32, #tpu.memory_space<hbm>> -> memref<80x512xf32, #tpu.memory_space<hbm>>
        %dma_start3A_28 = arith.constant 0 : i32
        %dma_start3A_29 = tpu.memref_slice %arg4[%mul3A_2, %dma_start3A_28] : memref<10000x512xf32, #tpu.memory_space<hbm>> -> memref<80x512xf32, #tpu.memory_space<hbm>>
        %dma_start3A_30 = arith.constant 0 : i32
        %dma_start3A_31 = arith.constant 0 : i32
        %dma_start3A_32 = tpu.memref_slice %arg6[%dma_start3A_30, %dma_start3A_31] : memref<160x512xf32, #tpu.memory_space<vmem>> -> memref<80x512xf32, #tpu.memory_space<vmem>>
        tpu.enqueue_dma source(%dma_start3A_32 : memref<80x512xf32, #tpu.memory_space<vmem>>) target(%dma_start3A_29 : memref<80x512xf32, #tpu.memory_space<hbm>>) target_semaphore(%run_scoped3A : memref<!tpu.dma_semaphore, #tpu.memory_space<semaphore_mem>>)
        %dma_wait3A_33 = arith.constant 0 : i32
        %dma_wait3A_34 = arith.constant 0 : i32
        %dma_wait3A_35 = tpu.memref_slice %arg6[%dma_wait3A_33, %dma_wait3A_34] : memref<160x512xf32, #tpu.memory_space<vmem>> -> memref<80x512xf32, #tpu.memory_space<vmem>>
        %dma_wait3A_36 = arith.constant 0 : i32
        %dma_wait3A_37 = tpu.memref_slice %arg4[%mul3A_2, %dma_wait3A_36] : memref<10000x512xf32, #tpu.memory_space<hbm>> -> memref<80x512xf32, #tpu.memory_space<hbm>>
        %dma_wait3A_38 = arith.constant 0 : i32
        %dma_wait3A_39 = tpu.memref_slice %arg4[%mul3A_2, %dma_wait3A_38] : memref<10000x512xf32, #tpu.memory_space<hbm>> -> memref<80x512xf32, #tpu.memory_space<hbm>>
        %dma_wait3A_40 = arith.constant 0 : i32
        %dma_wait3A_41 = arith.constant 0 : i32
        %dma_wait3A_42 = tpu.memref_slice %arg6[%dma_wait3A_40, %dma_wait3A_41] : memref<160x512xf32, #tpu.memory_space<vmem>> -> memref<80x512xf32, #tpu.memory_space<vmem>>
        tpu.wait_dma2 semaphore(%run_scoped3A : memref<!tpu.dma_semaphore, #tpu.memory_space<semaphore_mem>>) src(%dma_wait3A_42 : memref<80x512xf32, #tpu.memory_space<vmem>>) dst(%dma_wait3A_39 : memref<80x512xf32, #tpu.memory_space<hbm>>)
        tpu.yield
      }) : () -> ()
    } else {
    }
    return
  }
}

module attributes {stable_mosaic.version = 14 : i64} {
  func.func @body(%arg0: memref<1280x128xi32, #tpu.memory_space<vmem>>, %arg1: memref<1280x128xi32, #tpu.memory_space<vmem>>, %arg2: memref<1280x128xi32, #tpu.memory_space<vmem>>, %arg3: memref<2x1280x128xi32, #tpu.memory_space<vmem>>, %arg4: memref<1280x128xi32, #tpu.memory_space<vmem>>) attributes {dimension_semantics = [], scalar_prefetch = 0 : i64, scratch_operands = 0 : i64, tpu.core_type = #tpu.core_type<tc>} {
    %get3A = arith.constant 0 : index
    %get3A_0 = arith.constant 0 : index
    %get3A_1 = vector.load %arg0[%get3A, %get3A_0] : memref<1280x128xi32, #tpu.memory_space<vmem>>, vector<1280x128xi32>
    %mul3A = arith.constant 5 : i32
    %mul3A_2 = vector.broadcast %mul3A : i32 to vector<1280x128xi32>
    %mul3A_3 = arith.muli %get3A_1, %mul3A_2 : vector<1280x128xi32>
    %get3A_4 = arith.constant 0 : index
    %get3A_5 = arith.constant 0 : index
    %get3A_6 = vector.load %arg1[%get3A_4, %get3A_5] : memref<1280x128xi32, #tpu.memory_space<vmem>>, vector<1280x128xi32>
    %add3A = arith.addi %mul3A_3, %get3A_6 : vector<1280x128xi32>
    %add3A_7 = arith.constant 1 : i32
    %add3A_8 = vector.broadcast %add3A_7 : i32 to vector<1280x128xi32>
    %add3A_9 = arith.addi %add3A, %add3A_8 : vector<1280x128xi32>
    %swap3A = arith.constant 0 : index
    %swap3A_10 = arith.constant 0 : index
    %swap3A_11 = arith.constant 0 : index
    %swap3A_12 = vector.load %arg3[%swap3A, %swap3A_10, %swap3A_11] : memref<2x1280x128xi32, #tpu.memory_space<vmem>>, vector<1x1280x128xi32>
    %swap3A_13 = vector.shape_cast %swap3A_12 : vector<1x1280x128xi32> to vector<1280x128xi32>
    %swap3A_14 = vector.shape_cast %add3A_9 : vector<1280x128xi32> to vector<1x1280x128xi32>
    tpu.vector_store %arg3[%swap3A, %swap3A_10, %swap3A_11], %swap3A_14 {strides = array<i32>} : memref<2x1280x128xi32, #tpu.memory_space<vmem>>, vector<1x1280x128xi32>,
    %add3A_15 = arith.constant 50000 : i32
    %add3A_16 = vector.broadcast %add3A_15 : i32 to vector<1280x128xi32>
    %add3A_17 = arith.addi %add3A_9, %add3A_16 : vector<1280x128xi32>
    %swap3A_18 = arith.constant 1 : index
    %swap3A_19 = arith.constant 0 : index
    %swap3A_20 = arith.constant 0 : index
    %swap3A_21 = vector.load %arg3[%swap3A_18, %swap3A_19, %swap3A_20] : memref<2x1280x128xi32, #tpu.memory_space<vmem>>, vector<1x1280x128xi32>
    %swap3A_22 = vector.shape_cast %swap3A_21 : vector<1x1280x128xi32> to vector<1280x128xi32>
    %swap3A_23 = vector.shape_cast %add3A_17 : vector<1280x128xi32> to vector<1x1280x128xi32>
    tpu.vector_store %arg3[%swap3A_18, %swap3A_19, %swap3A_20], %swap3A_23 {strides = array<i32>} : memref<2x1280x128xi32, #tpu.memory_space<vmem>>, vector<1x1280x128xi32>,
    %get3A_24 = arith.constant 0 : index
    %get3A_25 = arith.constant 0 : index
    %get3A_26 = vector.load %arg2[%get3A_24, %get3A_25] : memref<1280x128xi32, #tpu.memory_space<vmem>>, vector<1280x128xi32>
    %min3A = arith.constant 9999 : i32
    %min3A_27 = vector.broadcast %min3A : i32 to vector<1280x128xi32>
    %min3A_28 = arith.minsi %get3A_26, %min3A_27 : vector<1280x128xi32>
    %swap3A_29 = arith.constant 0 : index
    %swap3A_30 = arith.constant 0 : index
    %swap3A_31 = vector.load %arg4[%swap3A_29, %swap3A_30] : memref<1280x128xi32, #tpu.memory_space<vmem>>, vector<1280x128xi32>
    tpu.vector_store %arg4[%swap3A_29, %swap3A_30], %min3A_28 {strides = array<i32>} : memref<1280x128xi32, #tpu.memory_space<vmem>>, vector<1280x128xi32>,
    return
  }
}

module attributes {stable_mosaic.version = 14 : i64} {
  func.func @body(%arg0: i32, %arg1: i32, %arg2: memref<2x1000x128xf32, #tpu.memory_space<vmem>>, %arg3: memref<1x256x640xf32, #tpu.memory_space<vmem>>, %arg4: memref<1x1000x5x128xf32, #tpu.memory_space<vmem>>, %arg5: memref<1x1000x128xf32, #tpu.memory_space<vmem>>) attributes {dimension_semantics = [#tpu.dimension_semantics<arbitrary>, #tpu.dimension_semantics<arbitrary>], iteration_bounds = array<i64: 2, 10>, scalar_prefetch = 0 : i64, scratch_operands = 0 : i64, tpu.core_type = #tpu.core_type<tc>, window_params = [{transform_indices = @transform_0, window_bounds = array<i64: 2, 1000, 128>}, {transform_indices = @transform_1, window_bounds = array<i64: 1, 256, 640>}, {transform_indices = @transform_2, window_bounds = array<i64: 1, 1000, 5, 128>}, {transform_indices = @transform_3, window_bounds = array<i64: 1, 1000, 128>}]} {
    %get3A = arith.constant 0 : index
    %get3A_0 = arith.constant 0 : index
    %get3A_1 = arith.constant 0 : index
    %get3A_2 = vector.load %arg2[%get3A, %get3A_0, %get3A_1] : memref<2x1000x128xf32, #tpu.memory_space<vmem>>, vector<1x1000x128xf32>
    %get3A_3 = vector.shape_cast %get3A_2 : vector<1x1000x128xf32> to vector<1000x128xf32>
    %get3A_4 = arith.constant 1 : index
    %get3A_5 = arith.constant 0 : index
    %get3A_6 = arith.constant 0 : index
    %get3A_7 = vector.load %arg2[%get3A_4, %get3A_5, %get3A_6] : memref<2x1000x128xf32, #tpu.memory_space<vmem>>, vector<1x1000x128xf32>
    %get3A_8 = vector.shape_cast %get3A_7 : vector<1x1000x128xf32> to vector<1000x128xf32>
    %concatenate3A = tpu.concatenate %get3A_3, %get3A_8 in 1 : vector<1000x128xf32>, vector<1000x128xf32> -> vector<1000x256xf32>
    %get3A_9 = arith.constant 0 : index
    %get3A_10 = arith.constant 0 : index
    %get3A_11 = arith.constant 0 : index
    %get3A_12 = vector.load %arg3[%get3A_9, %get3A_10, %get3A_11] : memref<1x256x640xf32, #tpu.memory_space<vmem>>, vector<1x256x640xf32>
    %get3A_13 = vector.shape_cast %get3A_12 : vector<1x256x640xf32> to vector<256x640xf32>
    %dot_general3A = arith.constant dense<0.000000e+00> : vector<1000x640xf32>
    %dot_general3A_14 = tpu.matmul %concatenate3A, %get3A_13, %dot_general3A {dimension_numbers = #tpu.dot_dimension_numbers<[1], [0], [0], [1], [0, 0, 1, 1], [], []>, transpose_lhs_hint = false} : vector<1000x256xf32>, vector<256x640xf32>, vector<1000x640xf32> -> vector<1000x640xf32>
    %slice3A = vector.extract_strided_slice %dot_general3A_14 {offsets = [0, 0], sizes = [1000, 128], strides = [1, 1]} : vector<1000x640xf32> to vector<1000x128xf32>
    %swap3A = arith.constant 0 : index
    %swap3A_15 = arith.constant 0 : index
    %swap3A_16 = arith.constant 0 : index
    %swap3A_17 = arith.constant 0 : index
    %swap3A_18 = vector.load %arg4[%swap3A, %swap3A_15, %swap3A_16, %swap3A_17] : memref<1x1000x5x128xf32, #tpu.memory_space<vmem>>, vector<1x1000x1x128xf32>
    %swap3A_19 = vector.shape_cast %swap3A_18 : vector<1x1000x1x128xf32> to vector<1000x128xf32>
    %swap3A_20 = vector.shape_cast %slice3A : vector<1000x128xf32> to vector<1x1000x1x128xf32>
    tpu.vector_store %arg4[%swap3A, %swap3A_15, %swap3A_16, %swap3A_17], %swap3A_20 {strides = array<i32>} : memref<1x1000x5x128xf32, #tpu.memory_space<vmem>>, vector<1x1000x1x128xf32>,
    %slice3A_21 = vector.extract_strided_slice %dot_general3A_14 {offsets = [0, 128], sizes = [1000, 128], strides = [1, 1]} : vector<1000x640xf32> to vector<1000x128xf32>
    %swap3A_22 = arith.constant 0 : index
    %swap3A_23 = arith.constant 0 : index
    %swap3A_24 = arith.constant 1 : index
    %swap3A_25 = arith.constant 0 : index
    %swap3A_26 = vector.load %arg4[%swap3A_22, %swap3A_23, %swap3A_24, %swap3A_25] : memref<1x1000x5x128xf32, #tpu.memory_space<vmem>>, vector<1x1000x1x128xf32>
    %swap3A_27 = vector.shape_cast %swap3A_26 : vector<1x1000x1x128xf32> to vector<1000x128xf32>
    %swap3A_28 = vector.shape_cast %slice3A_21 : vector<1000x128xf32> to vector<1x1000x1x128xf32>
    tpu.vector_store %arg4[%swap3A_22, %swap3A_23, %swap3A_24, %swap3A_25], %swap3A_28 {strides = array<i32>} : memref<1x1000x5x128xf32, #tpu.memory_space<vmem>>, vector<1x1000x1x128xf32>,
    %slice3A_29 = vector.extract_strided_slice %dot_general3A_14 {offsets = [0, 256], sizes = [1000, 128], strides = [1, 1]} : vector<1000x640xf32> to vector<1000x128xf32>
    %swap3A_30 = arith.constant 0 : index
    %swap3A_31 = arith.constant 0 : index
    %swap3A_32 = arith.constant 2 : index
    %swap3A_33 = arith.constant 0 : index
    %swap3A_34 = vector.load %arg4[%swap3A_30, %swap3A_31, %swap3A_32, %swap3A_33] : memref<1x1000x5x128xf32, #tpu.memory_space<vmem>>, vector<1x1000x1x128xf32>
    %swap3A_35 = vector.shape_cast %swap3A_34 : vector<1x1000x1x128xf32> to vector<1000x128xf32>
    %swap3A_36 = vector.shape_cast %slice3A_29 : vector<1000x128xf32> to vector<1x1000x1x128xf32>
    tpu.vector_store %arg4[%swap3A_30, %swap3A_31, %swap3A_32, %swap3A_33], %swap3A_36 {strides = array<i32>} : memref<1x1000x5x128xf32, #tpu.memory_space<vmem>>, vector<1x1000x1x128xf32>,
    %slice3A_37 = vector.extract_strided_slice %dot_general3A_14 {offsets = [0, 384], sizes = [1000, 128], strides = [1, 1]} : vector<1000x640xf32> to vector<1000x128xf32>
    %swap3A_38 = arith.constant 0 : index
    %swap3A_39 = arith.constant 0 : index
    %swap3A_40 = arith.constant 3 : index
    %swap3A_41 = arith.constant 0 : index
    %swap3A_42 = vector.load %arg4[%swap3A_38, %swap3A_39, %swap3A_40, %swap3A_41] : memref<1x1000x5x128xf32, #tpu.memory_space<vmem>>, vector<1x1000x1x128xf32>
    %swap3A_43 = vector.shape_cast %swap3A_42 : vector<1x1000x1x128xf32> to vector<1000x128xf32>
    %swap3A_44 = vector.shape_cast %slice3A_37 : vector<1000x128xf32> to vector<1x1000x1x128xf32>
    tpu.vector_store %arg4[%swap3A_38, %swap3A_39, %swap3A_40, %swap3A_41], %swap3A_44 {strides = array<i32>} : memref<1x1000x5x128xf32, #tpu.memory_space<vmem>>, vector<1x1000x1x128xf32>,
    %slice3A_45 = vector.extract_strided_slice %dot_general3A_14 {offsets = [0, 512], sizes = [1000, 128], strides = [1, 1]} : vector<1000x640xf32> to vector<1000x128xf32>
    %swap3A_46 = arith.constant 0 : index
    %swap3A_47 = arith.constant 0 : index
    %swap3A_48 = arith.constant 4 : index
    %swap3A_49 = arith.constant 0 : index
    %swap3A_50 = vector.load %arg4[%swap3A_46, %swap3A_47, %swap3A_48, %swap3A_49] : memref<1x1000x5x128xf32, #tpu.memory_space<vmem>>, vector<1x1000x1x128xf32>
    %swap3A_51 = vector.shape_cast %swap3A_50 : vector<1x1000x1x128xf32> to vector<1000x128xf32>
    %swap3A_52 = vector.shape_cast %slice3A_45 : vector<1000x128xf32> to vector<1x1000x1x128xf32>
    tpu.vector_store %arg4[%swap3A_46, %swap3A_47, %swap3A_48, %swap3A_49], %swap3A_52 {strides = array<i32>} : memref<1x1000x5x128xf32, #tpu.memory_space<vmem>>, vector<1x1000x1x128xf32>,
    %slice3A_53 = vector.extract_strided_slice %dot_general3A_14 {offsets = [0, 0], sizes = [1000, 128], strides = [1, 1]} : vector<1000x640xf32> to vector<1000x128xf32>
    %swap3A_54 = arith.constant 0 : index
    %swap3A_55 = arith.constant 0 : index
    %swap3A_56 = arith.constant 0 : index
    %swap3A_57 = vector.load %arg5[%swap3A_54, %swap3A_55, %swap3A_56] : memref<1x1000x128xf32, #tpu.memory_space<vmem>>, vector<1x1000x128xf32>
    %swap3A_58 = vector.shape_cast %swap3A_57 : vector<1x1000x128xf32> to vector<1000x128xf32>
    %swap3A_59 = vector.shape_cast %slice3A_53 : vector<1000x128xf32> to vector<1x1000x128xf32>
    tpu.vector_store %arg5[%swap3A_54, %swap3A_55, %swap3A_56], %swap3A_59 {strides = array<i32>} : memref<1x1000x128xf32, #tpu.memory_space<vmem>>, vector<1x1000x128xf32>,
    return
  }
  func.func @transform_0(%arg0: i32, %arg1: i32) -> (i32, i32, i32) {
    %c0_i32 = arith.constant 0 : i32
    %c0_i32_0 = arith.constant 0 : i32
    %c0_i32_1 = arith.constant 0 : i32
    return %c0_i32, %arg1, %c0_i32_0 : i32, i32, i32
  }
  func.func @transform_1(%arg0: i32, %arg1: i32) -> (i32, i32, i32) {
    %c0_i32 = arith.constant 0 : i32
    %c0_i32_0 = arith.constant 0 : i32
    %c0_i32_1 = arith.constant 0 : i32
    return %arg0, %c0_i32, %c0_i32_0 : i32, i32, i32
  }
  func.func @transform_2(%arg0: i32, %arg1: i32) -> (i32, i32, i32, i32) {
    %c0_i32 = arith.constant 0 : i32
    %c0_i32_0 = arith.constant 0 : i32
    %c0_i32_1 = arith.constant 0 : i32
    return %arg0, %arg1, %c0_i32, %c0_i32_0 : i32, i32, i32, i32
  }
  func.func @transform_3(%arg0: i32, %arg1: i32) -> (i32, i32, i32) {
    %c0_i32 = arith.constant 0 : i32
    %c0_i32_0 = arith.constant 0 : i32
    return %arg0, %arg1, %c0_i32 : i32, i32, i32
  }
}

module attributes {stable_mosaic.version = 14 : i64} {
  func.func @body(%arg0: i32, %arg1: memref<1000x256xf32, #tpu.memory_space<vmem>>, %arg2: memref<1x1x1000xi32, #tpu.memory_space<vmem>>, %arg3: memref<16x256xf32, #tpu.memory_space<vmem>>, %arg4: memref<16x256xf32, #tpu.memory_space<vmem>>) attributes {dimension_semantics = [#tpu.dimension_semantics<arbitrary>], iteration_bounds = array<i64: 10>, scalar_prefetch = 0 : i64, scratch_operands = 0 : i64, tpu.core_type = #tpu.core_type<tc>, window_params = [{transform_indices = @transform_0, window_bounds = array<i64: 1000, 256>}, {transform_indices = @transform_1, window_bounds = array<i64: 1, 1, 1000>}, {pipeline_mode = #tpu.pipeline_mode<synchronous>, transform_indices = @transform_2, window_bounds = array<i64: 16, 256>}, {pipeline_mode = #tpu.pipeline_mode<synchronous>, transform_indices = @transform_3, window_bounds = array<i64: 16, 256>}]} {
    %get3A = arith.constant 0 : index
    %get3A_0 = arith.constant 0 : index
    %get3A_1 = arith.constant 0 : index
    %get3A_2 = vector.load %arg2[%get3A, %get3A_0, %get3A_1] : memref<1x1x1000xi32, #tpu.memory_space<vmem>>, vector<1x1x1000xi32>
    %get3A_3 = vector.shape_cast %get3A_2 : vector<1x1x1000xi32> to vector<1000xi32>
    %broadcast_in_dim3A = vector.shape_cast %get3A_3 : vector<1000xi32> to vector<1000x1xi32>
    %iota3A = tpu.iota {dimensions = array<i32: 1>} : vector<1000x16xi32>
    %eq3A = vector.broadcast %broadcast_in_dim3A : vector<1000x1xi32> to vector<1000x16xi32>
    %eq3A_4 = arith.cmpi eq, %eq3A, %iota3A : vector<1000x16xi32>
    %convert_element_type3A = arith.extui %eq3A_4 : vector<1000x16xi1> to vector<1000x16xi32>
    %convert_element_type3A_5 = arith.sitofp %convert_element_type3A : vector<1000x16xi32> to vector<1000x16xf32>
    %get3A_6 = arith.constant 0 : index
    %get3A_7 = arith.constant 0 : index
    %get3A_8 = vector.load %arg1[%get3A_6, %get3A_7] : memref<1000x256xf32, #tpu.memory_space<vmem>>, vector<1000x256xf32>
    %dot_general3A = arith.constant dense<0.000000e+00> : vector<16x256xf32>
    %dot_general3A_9 = tpu.matmul %convert_element_type3A_5, %get3A_8, %dot_general3A {dimension_numbers = #tpu.dot_dimension_numbers<[0], [0], [1], [1], [0, 1, 1, 1], [], []>, transpose_lhs_hint = false} : vector<1000x16xf32>, vector<1000x256xf32>, vector<16x256xf32> -> vector<16x256xf32>
    %reduce_sum3A = arith.constant dense<0.000000e+00> : vector<16xf32>
    %reduce_sum3A_10 = vector.multi_reduction <add>, %convert_element_type3A_5, %reduce_sum3A [0] : vector<1000x16xf32> to vector<16xf32>
    %broadcast_in_dim3A_11 = vector.shape_cast %reduce_sum3A_10 : vector<16xf32> to vector<16x1xf32>
    %broadcast_in_dim3A_12 = vector.shape_cast %broadcast_in_dim3A_11 : vector<16x1xf32> to vector<16x1xf32>
    %broadcast_in_dim3A_13 = vector.broadcast %broadcast_in_dim3A_12 : vector<16x1xf32> to vector<16x256xf32>
    %eq3A_14 = arith.constant 0 : i32
    %eq3A_15 = arith.cmpi eq, %arg0, %eq3A_14 : i32
    %convert_element_type3A_16 = arith.extui %eq3A_15 : i1 to i32
    %cond3A = arith.constant 0 : i32
    %cond3A_17 = arith.cmpi ne, %convert_element_type3A_16, %cond3A : i32
    scf.if %cond3A_17 {
      %swap3A = arith.constant 0 : index
      %swap3A_22 = arith.constant 0 : index
      %swap3A_23 = vector.load %arg3[%swap3A, %swap3A_22] : memref<16x256xf32, #tpu.memory_space<vmem>>, vector<16x256xf32>
      tpu.vector_store %arg3[%swap3A, %swap3A_22], %dot_general3A_9 {strides = array<i32>} : memref<16x256xf32, #tpu.memory_space<vmem>>, vector<16x256xf32>,
      %swap3A_24 = arith.constant 0 : index
      %swap3A_25 = arith.constant 0 : index
      %swap3A_26 = vector.load %arg4[%swap3A_24, %swap3A_25] : memref<16x256xf32, #tpu.memory_space<vmem>>, vector<16x256xf32>
      tpu.vector_store %arg4[%swap3A_24, %swap3A_25], %broadcast_in_dim3A_13 {strides = array<i32>} : memref<16x256xf32, #tpu.memory_space<vmem>>, vector<16x256xf32>,
    } else {
    }
    %gt3A = arith.constant 0 : i32
    %gt3A_18 = arith.cmpi sgt, %arg0, %gt3A : i32
    %convert_element_type3A_19 = arith.extui %gt3A_18 : i1 to i32
    %cond3A_20 = arith.constant 0 : i32
    %cond3A_21 = arith.cmpi ne, %convert_element_type3A_19, %cond3A_20 : i32
    scf.if %cond3A_21 {
      %get3A_22 = arith.constant 0 : index
      %get3A_23 = arith.constant 0 : index
      %get3A_24 = vector.load %arg3[%get3A_22, %get3A_23] : memref<16x256xf32, #tpu.memory_space<vmem>>, vector<16x256xf32>
      %add3A = arith.addf %get3A_24, %dot_general3A_9 : vector<16x256xf32>
      %swap3A = arith.constant 0 : index
      %swap3A_25 = arith.constant 0 : index
      %swap3A_26 = vector.load %arg3[%swap3A, %swap3A_25] : memref<16x256xf32, #tpu.memory_space<vmem>>, vector<16x256xf32>
      tpu.vector_store %arg3[%swap3A, %swap3A_25], %add3A {strides = array<i32>} : memref<16x256xf32, #tpu.memory_space<vmem>>, vector<16x256xf32>,
      %get3A_27 = arith.constant 0 : index
      %get3A_28 = arith.constant 0 : index
      %get3A_29 = vector.load %arg4[%get3A_27, %get3A_28] : memref<16x256xf32, #tpu.memory_space<vmem>>, vector<16x256xf32>
      %add3A_30 = arith.addf %get3A_29, %broadcast_in_dim3A_13 : vector<16x256xf32>
      %swap3A_31 = arith.constant 0 : index
      %swap3A_32 = arith.constant 0 : index
      %swap3A_33 = vector.load %arg4[%swap3A_31, %swap3A_32] : memref<16x256xf32, #tpu.memory_space<vmem>>, vector<16x256xf32>
      tpu.vector_store %arg4[%swap3A_31, %swap3A_32], %add3A_30 {strides = array<i32>} : memref<16x256xf32, #tpu.memory_space<vmem>>, vector<16x256xf32>,
    } else {
    }
    return
  }
  func.func @transform_0(%arg0: i32) -> (i32, i32) {
    %c0_i32 = arith.constant 0 : i32
    %c0_i32_0 = arith.constant 0 : i32
    return %arg0, %c0_i32 : i32, i32
  }
  func.func @transform_1(%arg0: i32) -> (i32, i32, i32) {
    %c0_i32 = arith.constant 0 : i32
    %c0_i32_0 = arith.constant 0 : i32
    %c0_i32_1 = arith.constant 0 : i32
    return %arg0, %c0_i32, %c0_i32_0 : i32, i32, i32
  }
  func.func @transform_2(%arg0: i32) -> (i32, i32) {
    %c0_i32 = arith.constant 0 : i32
    %c0_i32_0 = arith.constant 0 : i32
    %c0_i32_1 = arith.constant 0 : i32
    return %c0_i32, %c0_i32_0 : i32, i32
  }
  func.func @transform_3(%arg0: i32) -> (i32, i32) {
    %c0_i32 = arith.constant 0 : i32
    %c0_i32_0 = arith.constant 0 : i32
    %c0_i32_1 = arith.constant 0 : i32
    return %c0_i32, %c0_i32_0 : i32, i32
  }
}

module attributes {stable_mosaic.version = 14 : i64} {
  func.func @body(%arg0: memref<16x256xf32, #tpu.memory_space<vmem>>, %arg1: memref<16x256xf32, #tpu.memory_space<vmem>>, %arg2: memref<3x256x256xf32, #tpu.memory_space<vmem>>, %arg3: memref<512x256xf32, #tpu.memory_space<vmem>>, %arg4: memref<256x512xf32, #tpu.memory_space<vmem>>, %arg5: memref<1x512xf32, #tpu.memory_space<vmem>>, %arg6: memref<512x512xf32, #tpu.memory_space<vmem>>, %arg7: memref<3x16x256xf32, #tpu.memory_space<vmem>>) attributes {dimension_semantics = [], scalar_prefetch = 0 : i64, scratch_operands = 0 : i64, tpu.core_type = #tpu.core_type<tc>} {
    %get3A = arith.constant 0 : index
    %get3A_0 = arith.constant 0 : index
    %get3A_1 = vector.load %arg0[%get3A, %get3A_0] : memref<16x256xf32, #tpu.memory_space<vmem>>, vector<16x256xf32>
    %get3A_2 = arith.constant 0 : index
    %get3A_3 = arith.constant 0 : index
    %get3A_4 = vector.load %arg1[%get3A_2, %get3A_3] : memref<16x256xf32, #tpu.memory_space<vmem>>, vector<16x256xf32>
    %max3A = arith.constant 1.000000e+00 : f32
    %max3A_5 = vector.broadcast %max3A : f32 to vector<16x256xf32>
    %max3A_6 = arith.maximumf %get3A_4, %max3A_5 : vector<16x256xf32>
    %div3A = arith.divf %get3A_1, %max3A_6 : vector<16x256xf32>
    %get3A_7 = arith.constant 0 : index
    %get3A_8 = arith.constant 0 : index
    %get3A_9 = arith.constant 0 : index
    %get3A_10 = vector.load %arg2[%get3A_7, %get3A_8, %get3A_9] : memref<3x256x256xf32, #tpu.memory_space<vmem>>, vector<1x256x256xf32>
    %get3A_11 = vector.shape_cast %get3A_10 : vector<1x256x256xf32> to vector<256x256xf32>
    %dot_general3A = arith.constant dense<0.000000e+00> : vector<16x256xf32>
    %dot_general3A_12 = tpu.matmul %div3A, %get3A_11, %dot_general3A {dimension_numbers = #tpu.dot_dimension_numbers<[1], [0], [0], [1], [0, 0, 1, 1], [], []>, transpose_lhs_hint = false} : vector<16x256xf32>, vector<256x256xf32>, vector<16x256xf32> -> vector<16x256xf32>
    %swap3A = arith.constant 0 : index
    %swap3A_13 = arith.constant 0 : index
    %swap3A_14 = arith.constant 0 : index
    %swap3A_15 = vector.load %arg7[%swap3A, %swap3A_13, %swap3A_14] : memref<3x16x256xf32, #tpu.memory_space<vmem>>, vector<1x16x256xf32>
    %swap3A_16 = vector.shape_cast %swap3A_15 : vector<1x16x256xf32> to vector<16x256xf32>
    %swap3A_17 = vector.shape_cast %dot_general3A_12 : vector<16x256xf32> to vector<1x16x256xf32>
    tpu.vector_store %arg7[%swap3A, %swap3A_13, %swap3A_14], %swap3A_17 {strides = array<i32>} : memref<3x16x256xf32, #tpu.memory_space<vmem>>, vector<1x16x256xf32>,
    %get3A_18 = arith.constant 1 : index
    %get3A_19 = arith.constant 0 : index
    %get3A_20 = arith.constant 0 : index
    %get3A_21 = vector.load %arg2[%get3A_18, %get3A_19, %get3A_20] : memref<3x256x256xf32, #tpu.memory_space<vmem>>, vector<1x256x256xf32>
    %get3A_22 = vector.shape_cast %get3A_21 : vector<1x256x256xf32> to vector<256x256xf32>
    %dot_general3A_23 = arith.constant dense<0.000000e+00> : vector<16x256xf32>
    %dot_general3A_24 = tpu.matmul %div3A, %get3A_22, %dot_general3A_23 {dimension_numbers = #tpu.dot_dimension_numbers<[1], [0], [0], [1], [0, 0, 1, 1], [], []>, transpose_lhs_hint = false} : vector<16x256xf32>, vector<256x256xf32>, vector<16x256xf32> -> vector<16x256xf32>
    %swap3A_25 = arith.constant 1 : index
    %swap3A_26 = arith.constant 0 : index
    %swap3A_27 = arith.constant 0 : index
    %swap3A_28 = vector.load %arg7[%swap3A_25, %swap3A_26, %swap3A_27] : memref<3x16x256xf32, #tpu.memory_space<vmem>>, vector<1x16x256xf32>
    %swap3A_29 = vector.shape_cast %swap3A_28 : vector<1x16x256xf32> to vector<16x256xf32>
    %swap3A_30 = vector.shape_cast %dot_general3A_24 : vector<16x256xf32> to vector<1x16x256xf32>
    tpu.vector_store %arg7[%swap3A_25, %swap3A_26, %swap3A_27], %swap3A_30 {strides = array<i32>} : memref<3x16x256xf32, #tpu.memory_space<vmem>>, vector<1x16x256xf32>,
    %get3A_31 = arith.constant 2 : index
    %get3A_32 = arith.constant 0 : index
    %get3A_33 = arith.constant 0 : index
    %get3A_34 = vector.load %arg2[%get3A_31, %get3A_32, %get3A_33] : memref<3x256x256xf32, #tpu.memory_space<vmem>>, vector<1x256x256xf32>
    %get3A_35 = vector.shape_cast %get3A_34 : vector<1x256x256xf32> to vector<256x256xf32>
    %dot_general3A_36 = arith.constant dense<0.000000e+00> : vector<16x256xf32>
    %dot_general3A_37 = tpu.matmul %div3A, %get3A_35, %dot_general3A_36 {dimension_numbers = #tpu.dot_dimension_numbers<[1], [0], [0], [1], [0, 0, 1, 1], [], []>, transpose_lhs_hint = false} : vector<16x256xf32>, vector<256x256xf32>, vector<16x256xf32> -> vector<16x256xf32>
    %swap3A_38 = arith.constant 2 : index
    %swap3A_39 = arith.constant 0 : index
    %swap3A_40 = arith.constant 0 : index
    %swap3A_41 = vector.load %arg7[%swap3A_38, %swap3A_39, %swap3A_40] : memref<3x16x256xf32, #tpu.memory_space<vmem>>, vector<1x16x256xf32>
    %swap3A_42 = vector.shape_cast %swap3A_41 : vector<1x16x256xf32> to vector<16x256xf32>
    %swap3A_43 = vector.shape_cast %dot_general3A_37 : vector<16x256xf32> to vector<1x16x256xf32>
    tpu.vector_store %arg7[%swap3A_38, %swap3A_39, %swap3A_40], %swap3A_43 {strides = array<i32>} : memref<3x16x256xf32, #tpu.memory_space<vmem>>, vector<1x16x256xf32>,
    %get3A_44 = arith.constant 0 : index
    %get3A_45 = arith.constant 0 : index
    %get3A_46 = vector.load %arg3[%get3A_44, %get3A_45] : memref<512x256xf32, #tpu.memory_space<vmem>>, vector<512x256xf32>
    %get3A_47 = arith.constant 0 : index
    %get3A_48 = arith.constant 0 : index
    %get3A_49 = vector.load %arg4[%get3A_47, %get3A_48] : memref<256x512xf32, #tpu.memory_space<vmem>>, vector<256x512xf32>
    %dot_general3A_50 = arith.constant dense<0.000000e+00> : vector<512x512xf32>
    %dot_general3A_51 = tpu.matmul %get3A_46, %get3A_49, %dot_general3A_50 {dimension_numbers = #tpu.dot_dimension_numbers<[1], [0], [0], [1], [0, 0, 1, 1], [], []>, transpose_lhs_hint = false} : vector<512x256xf32>, vector<256x512xf32>, vector<512x512xf32> -> vector<512x512xf32>
    %get3A_52 = arith.constant 0 : index
    %get3A_53 = arith.constant 0 : index
    %get3A_54 = vector.load %arg5[%get3A_52, %get3A_53] : memref<1x512xf32, #tpu.memory_space<vmem>>, vector<1x512xf32>
    %add3A = vector.broadcast %get3A_54 : vector<1x512xf32> to vector<512x512xf32>
    %add3A_55 = arith.addf %dot_general3A_51, %add3A : vector<512x512xf32>
    %swap3A_56 = arith.constant 0 : index
    %swap3A_57 = arith.constant 0 : index
    %swap3A_58 = vector.load %arg6[%swap3A_56, %swap3A_57] : memref<512x512xf32, #tpu.memory_space<vmem>>, vector<512x512xf32>
    tpu.vector_store %arg6[%swap3A_56, %swap3A_57], %add3A_55 {strides = array<i32>} : memref<512x512xf32, #tpu.memory_space<vmem>>, vector<512x512xf32>,
    return
  }
}

module attributes {stable_mosaic.version = 14 : i64} {
  func.func @body(%arg0: i32, %arg1: memref<2x1000x128xf32, #tpu.memory_space<vmem>>, %arg2: memref<2x1000x128xf32, #tpu.memory_space<vmem>>, %arg3: memref<2x1000x128xf32, #tpu.memory_space<vmem>>, %arg4: memref<1x1x1000xi32, #tpu.memory_space<vmem>>, %arg5: memref<16x256xf32, #tpu.memory_space<vmem>>, %arg6: memref<1x256xf32, #tpu.memory_space<vmem>>, %arg7: memref<2x1000x128xf32, #tpu.memory_space<vmem>>, %arg8: memref<1x1x1000xf32, #tpu.memory_space<vmem>>) attributes {dimension_semantics = [#tpu.dimension_semantics<arbitrary>], iteration_bounds = array<i64: 10>, scalar_prefetch = 0 : i64, scratch_operands = 0 : i64, tpu.core_type = #tpu.core_type<tc>, window_params = [{transform_indices = @transform_0, window_bounds = array<i64: 2, 1000, 128>}, {transform_indices = @transform_1, window_bounds = array<i64: 2, 1000, 128>}, {transform_indices = @transform_2, window_bounds = array<i64: 2, 1000, 128>}, {transform_indices = @transform_3, window_bounds = array<i64: 1, 1, 1000>}, {pipeline_mode = #tpu.pipeline_mode<synchronous>, transform_indices = @transform_4, window_bounds = array<i64: 16, 256>}, {pipeline_mode = #tpu.pipeline_mode<synchronous>, transform_indices = @transform_5, window_bounds = array<i64: 1, 256>}, {transform_indices = @transform_6, window_bounds = array<i64: 2, 1000, 128>}, {transform_indices = @transform_7, window_bounds = array<i64: 1, 1, 1000>}]} {
    %get3A = arith.constant 0 : index
    %get3A_0 = arith.constant 0 : index
    %get3A_1 = arith.constant 0 : index
    %get3A_2 = vector.load %arg3[%get3A, %get3A_0, %get3A_1] : memref<2x1000x128xf32, #tpu.memory_space<vmem>>, vector<1x1000x1xf32>
    %get3A_3 = vector.shape_cast %get3A_2 : vector<1x1000x1xf32> to vector<1000x1xf32>
    %get3A_4 = arith.constant 1 : index
    %get3A_5 = arith.constant 0 : index
    %get3A_6 = arith.constant 0 : index
    %get3A_7 = vector.load %arg3[%get3A_4, %get3A_5, %get3A_6] : memref<2x1000x128xf32, #tpu.memory_space<vmem>>, vector<1x1000x1xf32>
    %get3A_8 = vector.shape_cast %get3A_7 : vector<1x1000x1xf32> to vector<1000x1xf32>
    %add3A = arith.addf %get3A_3, %get3A_8 : vector<1000x1xf32>
    %max3A = arith.constant 1.000000e+00 : f32
    %max3A_9 = vector.broadcast %max3A : f32 to vector<1000x1xf32>
    %max3A_10 = arith.maximumf %add3A, %max3A_9 : vector<1000x1xf32>
    %get3A_11 = arith.constant 0 : index
    %get3A_12 = arith.constant 0 : index
    %get3A_13 = arith.constant 0 : index
    %get3A_14 = vector.load %arg1[%get3A_11, %get3A_12, %get3A_13] : memref<2x1000x128xf32, #tpu.memory_space<vmem>>, vector<1x1000x128xf32>
    %get3A_15 = vector.shape_cast %get3A_14 : vector<1x1000x128xf32> to vector<1000x128xf32>
    %get3A_16 = arith.constant 0 : index
    %get3A_17 = arith.constant 0 : index
    %get3A_18 = arith.constant 0 : index
    %get3A_19 = vector.load %arg2[%get3A_16, %get3A_17, %get3A_18] : memref<2x1000x128xf32, #tpu.memory_space<vmem>>, vector<1x1000x128xf32>
    %get3A_20 = vector.shape_cast %get3A_19 : vector<1x1000x128xf32> to vector<1000x128xf32>
    %div3A = vector.broadcast %max3A_10 : vector<1000x1xf32> to vector<1000x128xf32>
    %div3A_21 = arith.divf %get3A_20, %div3A : vector<1000x128xf32>
    %add3A_22 = arith.addf %get3A_15, %div3A_21 : vector<1000x128xf32>
    %get3A_23 = arith.constant 1 : index
    %get3A_24 = arith.constant 0 : index
    %get3A_25 = arith.constant 0 : index
    %get3A_26 = vector.load %arg1[%get3A_23, %get3A_24, %get3A_25] : memref<2x1000x128xf32, #tpu.memory_space<vmem>>, vector<1x1000x128xf32>
    %get3A_27 = vector.shape_cast %get3A_26 : vector<1x1000x128xf32> to vector<1000x128xf32>
    %get3A_28 = arith.constant 1 : index
    %get3A_29 = arith.constant 0 : index
    %get3A_30 = arith.constant 0 : index
    %get3A_31 = vector.load %arg2[%get3A_28, %get3A_29, %get3A_30] : memref<2x1000x128xf32, #tpu.memory_space<vmem>>, vector<1x1000x128xf32>
    %get3A_32 = vector.shape_cast %get3A_31 : vector<1x1000x128xf32> to vector<1000x128xf32>
    %div3A_33 = vector.broadcast %max3A_10 : vector<1000x1xf32> to vector<1000x128xf32>
    %div3A_34 = arith.divf %get3A_32, %div3A_33 : vector<1000x128xf32>
    %add3A_35 = arith.addf %get3A_27, %div3A_34 : vector<1000x128xf32>
    %get3A_36 = arith.constant 0 : index
    %get3A_37 = arith.constant 0 : index
    %get3A_38 = arith.constant 0 : index
    %get3A_39 = vector.load %arg4[%get3A_36, %get3A_37, %get3A_38] : memref<1x1x1000xi32, #tpu.memory_space<vmem>>, vector<1x1x1000xi32>
    %get3A_40 = vector.shape_cast %get3A_39 : vector<1x1x1000xi32> to vector<1000xi32>
    %broadcast_in_dim3A = vector.shape_cast %get3A_40 : vector<1000xi32> to vector<1000x1xi32>
    %iota3A = tpu.iota {dimensions = array<i32: 1>} : vector<1000x16xi32>
    %eq3A = vector.broadcast %broadcast_in_dim3A : vector<1000x1xi32> to vector<1000x16xi32>
    %eq3A_41 = arith.cmpi eq, %eq3A, %iota3A : vector<1000x16xi32>
    %convert_element_type3A = arith.extui %eq3A_41 : vector<1000x16xi1> to vector<1000x16xi32>
    %convert_element_type3A_42 = arith.sitofp %convert_element_type3A : vector<1000x16xi32> to vector<1000x16xf32>
    %get3A_43 = arith.constant 0 : index
    %get3A_44 = arith.constant 0 : index
    %get3A_45 = vector.load %arg5[%get3A_43, %get3A_44] : memref<16x256xf32, #tpu.memory_space<vmem>>, vector<16x256xf32>
    %dot_general3A = arith.constant dense<0.000000e+00> : vector<1000x256xf32>
    %dot_general3A_46 = tpu.matmul %convert_element_type3A_42, %get3A_45, %dot_general3A {dimension_numbers = #tpu.dot_dimension_numbers<[1], [0], [0], [1], [0, 0, 1, 1], [], []>, transpose_lhs_hint = false} : vector<1000x16xf32>, vector<16x256xf32>, vector<1000x256xf32> -> vector<1000x256xf32>
    %slice3A = vector.extract_strided_slice %dot_general3A_46 {offsets = [0, 0], sizes = [1000, 128], strides = [1, 1]} : vector<1000x256xf32> to vector<1000x128xf32>
    %slice3A_47 = vector.extract_strided_slice %dot_general3A_46 {offsets = [0, 128], sizes = [1000, 128], strides = [1, 1]} : vector<1000x256xf32> to vector<1000x128xf32>
    %get3A_48 = arith.constant 0 : index
    %get3A_49 = arith.constant 0 : index
    %get3A_50 = vector.load %arg6[%get3A_48, %get3A_49] : memref<1x256xf32, #tpu.memory_space<vmem>>, vector<1x256xf32>
    %get3A_51 = vector.shape_cast %get3A_50 : vector<1x256xf32> to vector<256xf32>
    %add3A_52 = arith.addf %add3A_22, %slice3A : vector<1000x128xf32>
    %slice3A_53 = vector.extract_strided_slice %get3A_51 {offsets = [0], sizes = [128], strides = [1]} : vector<256xf32> to vector<128xf32>
    %dot_general3A_54 = arith.constant dense<0.000000e+00> : vector<1000xf32>
    %dot_general3A_55 = tpu.matmul %add3A_52, %slice3A_53, %dot_general3A_54 {dimension_numbers = #tpu.dot_dimension_numbers<[1], [0], [0], [], [0, 0], [], []>, transpose_lhs_hint = false} : vector<1000x128xf32>, vector<128xf32>, vector<1000xf32> -> vector<1000xf32>
    %add3A_56 = arith.addf %add3A_35, %slice3A_47 : vector<1000x128xf32>
    %slice3A_57 = vector.extract_strided_slice %get3A_51 {offsets = [128], sizes = [128], strides = [1]} : vector<256xf32> to vector<128xf32>
    %dot_general3A_58 = arith.constant dense<0.000000e+00> : vector<1000xf32>
    %dot_general3A_59 = tpu.matmul %add3A_56, %slice3A_57, %dot_general3A_58 {dimension_numbers = #tpu.dot_dimension_numbers<[1], [0], [0], [], [0, 0], [], []>, transpose_lhs_hint = false} : vector<1000x128xf32>, vector<128xf32>, vector<1000xf32> -> vector<1000xf32>
    %add3A_60 = arith.addf %dot_general3A_55, %dot_general3A_59 : vector<1000xf32>
    %logistic3A = arith.negf %add3A_60 : vector<1000xf32>
    %logistic3A_61 = math.exp %logistic3A : vector<1000xf32>
    %logistic3A_62 = arith.constant 1.000000e+00 : f32
    %logistic3A_63 = vector.broadcast %logistic3A_62 : f32 to vector<1000xf32>
    %logistic3A_64 = arith.addf %logistic3A_63, %logistic3A_61 : vector<1000xf32>
    %logistic3A_65 = arith.divf %logistic3A_63, %logistic3A_64 : vector<1000xf32>
    %broadcast_in_dim3A_66 = vector.shape_cast %logistic3A_65 : vector<1000xf32> to vector<1000x1xf32>
    %mul3A = vector.broadcast %broadcast_in_dim3A_66 : vector<1000x1xf32> to vector<1000x128xf32>
    %mul3A_67 = arith.mulf %mul3A, %slice3A : vector<1000x128xf32>
    %add3A_68 = arith.addf %add3A_22, %mul3A_67 : vector<1000x128xf32>
    %max3A_69 = arith.constant 0.000000e+00 : f32
    %max3A_70 = vector.broadcast %max3A_69 : f32 to vector<1000x128xf32>
    %max3A_71 = arith.maximumf %add3A_68, %max3A_70 : vector<1000x128xf32>
    %broadcast_in_dim3A_72 = vector.shape_cast %logistic3A_65 : vector<1000xf32> to vector<1000x1xf32>
    %mul3A_73 = vector.broadcast %broadcast_in_dim3A_72 : vector<1000x1xf32> to vector<1000x128xf32>
    %mul3A_74 = arith.mulf %mul3A_73, %slice3A_47 : vector<1000x128xf32>
    %add3A_75 = arith.addf %add3A_35, %mul3A_74 : vector<1000x128xf32>
    %max3A_76 = arith.constant 0.000000e+00 : f32
    %max3A_77 = vector.broadcast %max3A_76 : f32 to vector<1000x128xf32>
    %max3A_78 = arith.maximumf %add3A_75, %max3A_77 : vector<1000x128xf32>
    %swap3A = arith.constant 0 : index
    %swap3A_79 = arith.constant 0 : index
    %swap3A_80 = arith.constant 0 : index
    %swap3A_81 = vector.load %arg7[%swap3A, %swap3A_79, %swap3A_80] : memref<2x1000x128xf32, #tpu.memory_space<vmem>>, vector<1x1000x128xf32>
    %swap3A_82 = vector.shape_cast %swap3A_81 : vector<1x1000x128xf32> to vector<1000x128xf32>
    %swap3A_83 = vector.shape_cast %max3A_71 : vector<1000x128xf32> to vector<1x1000x128xf32>
    tpu.vector_store %arg7[%swap3A, %swap3A_79, %swap3A_80], %swap3A_83 {strides = array<i32>} : memref<2x1000x128xf32, #tpu.memory_space<vmem>>, vector<1x1000x128xf32>,
    %swap3A_84 = arith.constant 1 : index
    %swap3A_85 = arith.constant 0 : index
    %swap3A_86 = arith.constant 0 : index
    %swap3A_87 = vector.load %arg7[%swap3A_84, %swap3A_85, %swap3A_86] : memref<2x1000x128xf32, #tpu.memory_space<vmem>>, vector<1x1000x128xf32>
    %swap3A_88 = vector.shape_cast %swap3A_87 : vector<1x1000x128xf32> to vector<1000x128xf32>
    %swap3A_89 = vector.shape_cast %max3A_78 : vector<1000x128xf32> to vector<1x1000x128xf32>
    tpu.vector_store %arg7[%swap3A_84, %swap3A_85, %swap3A_86], %swap3A_89 {strides = array<i32>} : memref<2x1000x128xf32, #tpu.memory_space<vmem>>, vector<1x1000x128xf32>,
    %swap3A_90 = arith.constant 0 : index
    %swap3A_91 = arith.constant 0 : index
    %swap3A_92 = arith.constant 0 : index
    %swap3A_93 = vector.load %arg8[%swap3A_90, %swap3A_91, %swap3A_92] : memref<1x1x1000xf32, #tpu.memory_space<vmem>>, vector<1x1x1000xf32>
    %swap3A_94 = vector.shape_cast %swap3A_93 : vector<1x1x1000xf32> to vector<1000xf32>
    %swap3A_95 = vector.shape_cast %logistic3A_65 : vector<1000xf32> to vector<1x1x1000xf32>
    tpu.vector_store %arg8[%swap3A_90, %swap3A_91, %swap3A_92], %swap3A_95 {strides = array<i32>} : memref<1x1x1000xf32, #tpu.memory_space<vmem>>, vector<1x1x1000xf32>,
    return
  }
  func.func @transform_0(%arg0: i32) -> (i32, i32, i32) {
    %c0_i32 = arith.constant 0 : i32
    %c0_i32_0 = arith.constant 0 : i32
    %c0_i32_1 = arith.constant 0 : i32
    return %c0_i32, %arg0, %c0_i32_0 : i32, i32, i32
  }
  func.func @transform_1(%arg0: i32) -> (i32, i32, i32) {
    %c0_i32 = arith.constant 0 : i32
    %c0_i32_0 = arith.constant 0 : i32
    %c0_i32_1 = arith.constant 0 : i32
    return %c0_i32, %arg0, %c0_i32_0 : i32, i32, i32
  }
  func.func @transform_2(%arg0: i32) -> (i32, i32, i32) {
    %c0_i32 = arith.constant 0 : i32
    %c0_i32_0 = arith.constant 0 : i32
    %c0_i32_1 = arith.constant 0 : i32
    return %c0_i32, %arg0, %c0_i32_0 : i32, i32, i32
  }
  func.func @transform_3(%arg0: i32) -> (i32, i32, i32) {
    %c0_i32 = arith.constant 0 : i32
    %c0_i32_0 = arith.constant 0 : i32
    %c0_i32_1 = arith.constant 0 : i32
    return %arg0, %c0_i32, %c0_i32_0 : i32, i32, i32
  }
  func.func @transform_4(%arg0: i32) -> (i32, i32) {
    %c0_i32 = arith.constant 0 : i32
    %c0_i32_0 = arith.constant 0 : i32
    %c0_i32_1 = arith.constant 0 : i32
    return %c0_i32, %c0_i32_0 : i32, i32
  }
  func.func @transform_5(%arg0: i32) -> (i32, i32) {
    %c0_i32 = arith.constant 0 : i32
    %c0_i32_0 = arith.constant 0 : i32
    %c0_i32_1 = arith.constant 0 : i32
    return %c0_i32, %c0_i32_0 : i32, i32
  }
  func.func @transform_6(%arg0: i32) -> (i32, i32, i32) {
    %c0_i32 = arith.constant 0 : i32
    %c0_i32_0 = arith.constant 0 : i32
    %c0_i32_1 = arith.constant 0 : i32
    return %c0_i32, %arg0, %c0_i32_0 : i32, i32, i32
  }
  func.func @transform_7(%arg0: i32) -> (i32, i32, i32) {
    %c0_i32 = arith.constant 0 : i32
    %c0_i32_0 = arith.constant 0 : i32
    %c0_i32_1 = arith.constant 0 : i32
    return %arg0, %c0_i32, %c0_i32_0 : i32, i32, i32
  }
}

module attributes {stable_mosaic.version = 14 : i64} {
  func.func @body(%arg0: i32, %arg1: i32, %arg2: memref<2x1000x128xf32, #tpu.memory_space<vmem>>, %arg3: memref<1x256x640xf32, #tpu.memory_space<vmem>>, %arg4: memref<1x1000x5x128xf32, #tpu.memory_space<vmem>>, %arg5: memref<1x1000x128xf32, #tpu.memory_space<vmem>>) attributes {dimension_semantics = [#tpu.dimension_semantics<arbitrary>, #tpu.dimension_semantics<arbitrary>], iteration_bounds = array<i64: 2, 10>, scalar_prefetch = 0 : i64, scratch_operands = 0 : i64, tpu.core_type = #tpu.core_type<tc>, window_params = [{transform_indices = @transform_0, window_bounds = array<i64: 2, 1000, 128>}, {transform_indices = @transform_1, window_bounds = array<i64: 1, 256, 640>}, {transform_indices = @transform_2, window_bounds = array<i64: 1, 1000, 5, 128>}, {transform_indices = @transform_3, window_bounds = array<i64: 1, 1000, 128>}]} {
    %get3A = arith.constant 0 : index
    %get3A_0 = arith.constant 0 : index
    %get3A_1 = arith.constant 0 : index
    %get3A_2 = vector.load %arg2[%get3A, %get3A_0, %get3A_1] : memref<2x1000x128xf32, #tpu.memory_space<vmem>>, vector<1x1000x128xf32>
    %get3A_3 = vector.shape_cast %get3A_2 : vector<1x1000x128xf32> to vector<1000x128xf32>
    %get3A_4 = arith.constant 1 : index
    %get3A_5 = arith.constant 0 : index
    %get3A_6 = arith.constant 0 : index
    %get3A_7 = vector.load %arg2[%get3A_4, %get3A_5, %get3A_6] : memref<2x1000x128xf32, #tpu.memory_space<vmem>>, vector<1x1000x128xf32>
    %get3A_8 = vector.shape_cast %get3A_7 : vector<1x1000x128xf32> to vector<1000x128xf32>
    %concatenate3A = tpu.concatenate %get3A_3, %get3A_8 in 1 : vector<1000x128xf32>, vector<1000x128xf32> -> vector<1000x256xf32>
    %get3A_9 = arith.constant 0 : index
    %get3A_10 = arith.constant 0 : index
    %get3A_11 = arith.constant 0 : index
    %get3A_12 = vector.load %arg3[%get3A_9, %get3A_10, %get3A_11] : memref<1x256x640xf32, #tpu.memory_space<vmem>>, vector<1x256x640xf32>
    %get3A_13 = vector.shape_cast %get3A_12 : vector<1x256x640xf32> to vector<256x640xf32>
    %dot_general3A = arith.constant dense<0.000000e+00> : vector<1000x640xf32>
    %dot_general3A_14 = tpu.matmul %concatenate3A, %get3A_13, %dot_general3A {dimension_numbers = #tpu.dot_dimension_numbers<[1], [0], [0], [1], [0, 0, 1, 1], [], []>, transpose_lhs_hint = false} : vector<1000x256xf32>, vector<256x640xf32>, vector<1000x640xf32> -> vector<1000x640xf32>
    %slice3A = vector.extract_strided_slice %dot_general3A_14 {offsets = [0, 0], sizes = [1000, 128], strides = [1, 1]} : vector<1000x640xf32> to vector<1000x128xf32>
    %swap3A = arith.constant 0 : index
    %swap3A_15 = arith.constant 0 : index
    %swap3A_16 = arith.constant 0 : index
    %swap3A_17 = arith.constant 0 : index
    %swap3A_18 = vector.load %arg4[%swap3A, %swap3A_15, %swap3A_16, %swap3A_17] : memref<1x1000x5x128xf32, #tpu.memory_space<vmem>>, vector<1x1000x1x128xf32>
    %swap3A_19 = vector.shape_cast %swap3A_18 : vector<1x1000x1x128xf32> to vector<1000x128xf32>
    %swap3A_20 = vector.shape_cast %slice3A : vector<1000x128xf32> to vector<1x1000x1x128xf32>
    tpu.vector_store %arg4[%swap3A, %swap3A_15, %swap3A_16, %swap3A_17], %swap3A_20 {strides = array<i32>} : memref<1x1000x5x128xf32, #tpu.memory_space<vmem>>, vector<1x1000x1x128xf32>,
    %slice3A_21 = vector.extract_strided_slice %dot_general3A_14 {offsets = [0, 128], sizes = [1000, 128], strides = [1, 1]} : vector<1000x640xf32> to vector<1000x128xf32>
    %swap3A_22 = arith.constant 0 : index
    %swap3A_23 = arith.constant 0 : index
    %swap3A_24 = arith.constant 1 : index
    %swap3A_25 = arith.constant 0 : index
    %swap3A_26 = vector.load %arg4[%swap3A_22, %swap3A_23, %swap3A_24, %swap3A_25] : memref<1x1000x5x128xf32, #tpu.memory_space<vmem>>, vector<1x1000x1x128xf32>
    %swap3A_27 = vector.shape_cast %swap3A_26 : vector<1x1000x1x128xf32> to vector<1000x128xf32>
    %swap3A_28 = vector.shape_cast %slice3A_21 : vector<1000x128xf32> to vector<1x1000x1x128xf32>
    tpu.vector_store %arg4[%swap3A_22, %swap3A_23, %swap3A_24, %swap3A_25], %swap3A_28 {strides = array<i32>} : memref<1x1000x5x128xf32, #tpu.memory_space<vmem>>, vector<1x1000x1x128xf32>,
    %slice3A_29 = vector.extract_strided_slice %dot_general3A_14 {offsets = [0, 256], sizes = [1000, 128], strides = [1, 1]} : vector<1000x640xf32> to vector<1000x128xf32>
    %swap3A_30 = arith.constant 0 : index
    %swap3A_31 = arith.constant 0 : index
    %swap3A_32 = arith.constant 2 : index
    %swap3A_33 = arith.constant 0 : index
    %swap3A_34 = vector.load %arg4[%swap3A_30, %swap3A_31, %swap3A_32, %swap3A_33] : memref<1x1000x5x128xf32, #tpu.memory_space<vmem>>, vector<1x1000x1x128xf32>
    %swap3A_35 = vector.shape_cast %swap3A_34 : vector<1x1000x1x128xf32> to vector<1000x128xf32>
    %swap3A_36 = vector.shape_cast %slice3A_29 : vector<1000x128xf32> to vector<1x1000x1x128xf32>
    tpu.vector_store %arg4[%swap3A_30, %swap3A_31, %swap3A_32, %swap3A_33], %swap3A_36 {strides = array<i32>} : memref<1x1000x5x128xf32, #tpu.memory_space<vmem>>, vector<1x1000x1x128xf32>,
    %slice3A_37 = vector.extract_strided_slice %dot_general3A_14 {offsets = [0, 384], sizes = [1000, 128], strides = [1, 1]} : vector<1000x640xf32> to vector<1000x128xf32>
    %swap3A_38 = arith.constant 0 : index
    %swap3A_39 = arith.constant 0 : index
    %swap3A_40 = arith.constant 3 : index
    %swap3A_41 = arith.constant 0 : index
    %swap3A_42 = vector.load %arg4[%swap3A_38, %swap3A_39, %swap3A_40, %swap3A_41] : memref<1x1000x5x128xf32, #tpu.memory_space<vmem>>, vector<1x1000x1x128xf32>
    %swap3A_43 = vector.shape_cast %swap3A_42 : vector<1x1000x1x128xf32> to vector<1000x128xf32>
    %swap3A_44 = vector.shape_cast %slice3A_37 : vector<1000x128xf32> to vector<1x1000x1x128xf32>
    tpu.vector_store %arg4[%swap3A_38, %swap3A_39, %swap3A_40, %swap3A_41], %swap3A_44 {strides = array<i32>} : memref<1x1000x5x128xf32, #tpu.memory_space<vmem>>, vector<1x1000x1x128xf32>,
    %slice3A_45 = vector.extract_strided_slice %dot_general3A_14 {offsets = [0, 512], sizes = [1000, 128], strides = [1, 1]} : vector<1000x640xf32> to vector<1000x128xf32>
    %swap3A_46 = arith.constant 0 : index
    %swap3A_47 = arith.constant 0 : index
    %swap3A_48 = arith.constant 4 : index
    %swap3A_49 = arith.constant 0 : index
    %swap3A_50 = vector.load %arg4[%swap3A_46, %swap3A_47, %swap3A_48, %swap3A_49] : memref<1x1000x5x128xf32, #tpu.memory_space<vmem>>, vector<1x1000x1x128xf32>
    %swap3A_51 = vector.shape_cast %swap3A_50 : vector<1x1000x1x128xf32> to vector<1000x128xf32>
    %swap3A_52 = vector.shape_cast %slice3A_45 : vector<1000x128xf32> to vector<1x1000x1x128xf32>
    tpu.vector_store %arg4[%swap3A_46, %swap3A_47, %swap3A_48, %swap3A_49], %swap3A_52 {strides = array<i32>} : memref<1x1000x5x128xf32, #tpu.memory_space<vmem>>, vector<1x1000x1x128xf32>,
    %slice3A_53 = vector.extract_strided_slice %dot_general3A_14 {offsets = [0, 0], sizes = [1000, 128], strides = [1, 1]} : vector<1000x640xf32> to vector<1000x128xf32>
    %swap3A_54 = arith.constant 0 : index
    %swap3A_55 = arith.constant 0 : index
    %swap3A_56 = arith.constant 0 : index
    %swap3A_57 = vector.load %arg5[%swap3A_54, %swap3A_55, %swap3A_56] : memref<1x1000x128xf32, #tpu.memory_space<vmem>>, vector<1x1000x128xf32>
    %swap3A_58 = vector.shape_cast %swap3A_57 : vector<1x1000x128xf32> to vector<1000x128xf32>
    %swap3A_59 = vector.shape_cast %slice3A_53 : vector<1000x128xf32> to vector<1x1000x128xf32>
    tpu.vector_store %arg5[%swap3A_54, %swap3A_55, %swap3A_56], %swap3A_59 {strides = array<i32>} : memref<1x1000x128xf32, #tpu.memory_space<vmem>>, vector<1x1000x128xf32>,
    return
  }
  func.func @transform_0(%arg0: i32, %arg1: i32) -> (i32, i32, i32) {
    %c0_i32 = arith.constant 0 : i32
    %c0_i32_0 = arith.constant 0 : i32
    %c0_i32_1 = arith.constant 0 : i32
    return %c0_i32, %arg1, %c0_i32_0 : i32, i32, i32
  }
  func.func @transform_1(%arg0: i32, %arg1: i32) -> (i32, i32, i32) {
    %c0_i32 = arith.constant 0 : i32
    %c0_i32_0 = arith.constant 0 : i32
    %c0_i32_1 = arith.constant 0 : i32
    return %arg0, %c0_i32, %c0_i32_0 : i32, i32, i32
  }
  func.func @transform_2(%arg0: i32, %arg1: i32) -> (i32, i32, i32, i32) {
    %c0_i32 = arith.constant 0 : i32
    %c0_i32_0 = arith.constant 0 : i32
    %c0_i32_1 = arith.constant 0 : i32
    return %arg0, %arg1, %c0_i32, %c0_i32_0 : i32, i32, i32, i32
  }
  func.func @transform_3(%arg0: i32, %arg1: i32) -> (i32, i32, i32) {
    %c0_i32 = arith.constant 0 : i32
    %c0_i32_0 = arith.constant 0 : i32
    return %arg0, %arg1, %c0_i32 : i32, i32, i32
  }
}

module attributes {stable_mosaic.version = 14 : i64} {
  func.func @body(%arg0: i32, %arg1: memref<2x1000x128xf32, #tpu.memory_space<vmem>>, %arg2: memref<2x1000x128xf32, #tpu.memory_space<vmem>>, %arg3: memref<2x1000x128xf32, #tpu.memory_space<vmem>>, %arg4: memref<1x1x1000xi32, #tpu.memory_space<vmem>>, %arg5: memref<16x256xf32, #tpu.memory_space<vmem>>, %arg6: memref<1x256xf32, #tpu.memory_space<vmem>>, %arg7: memref<1000x256xf32, #tpu.memory_space<vmem>>, %arg8: memref<1x1x1000xf32, #tpu.memory_space<vmem>>) attributes {dimension_semantics = [#tpu.dimension_semantics<arbitrary>], iteration_bounds = array<i64: 10>, scalar_prefetch = 0 : i64, scratch_operands = 0 : i64, tpu.core_type = #tpu.core_type<tc>, window_params = [{transform_indices = @transform_0, window_bounds = array<i64: 2, 1000, 128>}, {transform_indices = @transform_1, window_bounds = array<i64: 2, 1000, 128>}, {transform_indices = @transform_2, window_bounds = array<i64: 2, 1000, 128>}, {transform_indices = @transform_3, window_bounds = array<i64: 1, 1, 1000>}, {pipeline_mode = #tpu.pipeline_mode<synchronous>, transform_indices = @transform_4, window_bounds = array<i64: 16, 256>}, {pipeline_mode = #tpu.pipeline_mode<synchronous>, transform_indices = @transform_5, window_bounds = array<i64: 1, 256>}, {transform_indices = @transform_6, window_bounds = array<i64: 1000, 256>}, {transform_indices = @transform_7, window_bounds = array<i64: 1, 1, 1000>}]} {
    %get3A = arith.constant 0 : index
    %get3A_0 = arith.constant 0 : index
    %get3A_1 = arith.constant 0 : index
    %get3A_2 = vector.load %arg3[%get3A, %get3A_0, %get3A_1] : memref<2x1000x128xf32, #tpu.memory_space<vmem>>, vector<1x1000x1xf32>
    %get3A_3 = vector.shape_cast %get3A_2 : vector<1x1000x1xf32> to vector<1000x1xf32>
    %get3A_4 = arith.constant 1 : index
    %get3A_5 = arith.constant 0 : index
    %get3A_6 = arith.constant 0 : index
    %get3A_7 = vector.load %arg3[%get3A_4, %get3A_5, %get3A_6] : memref<2x1000x128xf32, #tpu.memory_space<vmem>>, vector<1x1000x1xf32>
    %get3A_8 = vector.shape_cast %get3A_7 : vector<1x1000x1xf32> to vector<1000x1xf32>
    %add3A = arith.addf %get3A_3, %get3A_8 : vector<1000x1xf32>
    %max3A = arith.constant 1.000000e+00 : f32
    %max3A_9 = vector.broadcast %max3A : f32 to vector<1000x1xf32>
    %max3A_10 = arith.maximumf %add3A, %max3A_9 : vector<1000x1xf32>
    %get3A_11 = arith.constant 0 : index
    %get3A_12 = arith.constant 0 : index
    %get3A_13 = arith.constant 0 : index
    %get3A_14 = vector.load %arg1[%get3A_11, %get3A_12, %get3A_13] : memref<2x1000x128xf32, #tpu.memory_space<vmem>>, vector<1x1000x128xf32>
    %get3A_15 = vector.shape_cast %get3A_14 : vector<1x1000x128xf32> to vector<1000x128xf32>
    %get3A_16 = arith.constant 0 : index
    %get3A_17 = arith.constant 0 : index
    %get3A_18 = arith.constant 0 : index
    %get3A_19 = vector.load %arg2[%get3A_16, %get3A_17, %get3A_18] : memref<2x1000x128xf32, #tpu.memory_space<vmem>>, vector<1x1000x128xf32>
    %get3A_20 = vector.shape_cast %get3A_19 : vector<1x1000x128xf32> to vector<1000x128xf32>
    %div3A = vector.broadcast %max3A_10 : vector<1000x1xf32> to vector<1000x128xf32>
    %div3A_21 = arith.divf %get3A_20, %div3A : vector<1000x128xf32>
    %add3A_22 = arith.addf %get3A_15, %div3A_21 : vector<1000x128xf32>
    %get3A_23 = arith.constant 1 : index
    %get3A_24 = arith.constant 0 : index
    %get3A_25 = arith.constant 0 : index
    %get3A_26 = vector.load %arg1[%get3A_23, %get3A_24, %get3A_25] : memref<2x1000x128xf32, #tpu.memory_space<vmem>>, vector<1x1000x128xf32>
    %get3A_27 = vector.shape_cast %get3A_26 : vector<1x1000x128xf32> to vector<1000x128xf32>
    %get3A_28 = arith.constant 1 : index
    %get3A_29 = arith.constant 0 : index
    %get3A_30 = arith.constant 0 : index
    %get3A_31 = vector.load %arg2[%get3A_28, %get3A_29, %get3A_30] : memref<2x1000x128xf32, #tpu.memory_space<vmem>>, vector<1x1000x128xf32>
    %get3A_32 = vector.shape_cast %get3A_31 : vector<1x1000x128xf32> to vector<1000x128xf32>
    %div3A_33 = vector.broadcast %max3A_10 : vector<1000x1xf32> to vector<1000x128xf32>
    %div3A_34 = arith.divf %get3A_32, %div3A_33 : vector<1000x128xf32>
    %add3A_35 = arith.addf %get3A_27, %div3A_34 : vector<1000x128xf32>
    %get3A_36 = arith.constant 0 : index
    %get3A_37 = arith.constant 0 : index
    %get3A_38 = arith.constant 0 : index
    %get3A_39 = vector.load %arg4[%get3A_36, %get3A_37, %get3A_38] : memref<1x1x1000xi32, #tpu.memory_space<vmem>>, vector<1x1x1000xi32>
    %get3A_40 = vector.shape_cast %get3A_39 : vector<1x1x1000xi32> to vector<1000xi32>
    %broadcast_in_dim3A = vector.shape_cast %get3A_40 : vector<1000xi32> to vector<1000x1xi32>
    %iota3A = tpu.iota {dimensions = array<i32: 1>} : vector<1000x16xi32>
    %eq3A = vector.broadcast %broadcast_in_dim3A : vector<1000x1xi32> to vector<1000x16xi32>
    %eq3A_41 = arith.cmpi eq, %eq3A, %iota3A : vector<1000x16xi32>
    %convert_element_type3A = arith.extui %eq3A_41 : vector<1000x16xi1> to vector<1000x16xi32>
    %convert_element_type3A_42 = arith.sitofp %convert_element_type3A : vector<1000x16xi32> to vector<1000x16xf32>
    %get3A_43 = arith.constant 0 : index
    %get3A_44 = arith.constant 0 : index
    %get3A_45 = vector.load %arg5[%get3A_43, %get3A_44] : memref<16x256xf32, #tpu.memory_space<vmem>>, vector<16x256xf32>
    %dot_general3A = arith.constant dense<0.000000e+00> : vector<1000x256xf32>
    %dot_general3A_46 = tpu.matmul %convert_element_type3A_42, %get3A_45, %dot_general3A {dimension_numbers = #tpu.dot_dimension_numbers<[1], [0], [0], [1], [0, 0, 1, 1], [], []>, transpose_lhs_hint = false} : vector<1000x16xf32>, vector<16x256xf32>, vector<1000x256xf32> -> vector<1000x256xf32>
    %slice3A = vector.extract_strided_slice %dot_general3A_46 {offsets = [0, 0], sizes = [1000, 128], strides = [1, 1]} : vector<1000x256xf32> to vector<1000x128xf32>
    %slice3A_47 = vector.extract_strided_slice %dot_general3A_46 {offsets = [0, 128], sizes = [1000, 128], strides = [1, 1]} : vector<1000x256xf32> to vector<1000x128xf32>
    %get3A_48 = arith.constant 0 : index
    %get3A_49 = arith.constant 0 : index
    %get3A_50 = vector.load %arg6[%get3A_48, %get3A_49] : memref<1x256xf32, #tpu.memory_space<vmem>>, vector<1x256xf32>
    %get3A_51 = vector.shape_cast %get3A_50 : vector<1x256xf32> to vector<256xf32>
    %add3A_52 = arith.addf %add3A_22, %slice3A : vector<1000x128xf32>
    %slice3A_53 = vector.extract_strided_slice %get3A_51 {offsets = [0], sizes = [128], strides = [1]} : vector<256xf32> to vector<128xf32>
    %dot_general3A_54 = arith.constant dense<0.000000e+00> : vector<1000xf32>
    %dot_general3A_55 = tpu.matmul %add3A_52, %slice3A_53, %dot_general3A_54 {dimension_numbers = #tpu.dot_dimension_numbers<[1], [0], [0], [], [0, 0], [], []>, transpose_lhs_hint = false} : vector<1000x128xf32>, vector<128xf32>, vector<1000xf32> -> vector<1000xf32>
    %add3A_56 = arith.addf %add3A_35, %slice3A_47 : vector<1000x128xf32>
    %slice3A_57 = vector.extract_strided_slice %get3A_51 {offsets = [128], sizes = [128], strides = [1]} : vector<256xf32> to vector<128xf32>
    %dot_general3A_58 = arith.constant dense<0.000000e+00> : vector<1000xf32>
    %dot_general3A_59 = tpu.matmul %add3A_56, %slice3A_57, %dot_general3A_58 {dimension_numbers = #tpu.dot_dimension_numbers<[1], [0], [0], [], [0, 0], [], []>, transpose_lhs_hint = false} : vector<1000x128xf32>, vector<128xf32>, vector<1000xf32> -> vector<1000xf32>
    %add3A_60 = arith.addf %dot_general3A_55, %dot_general3A_59 : vector<1000xf32>
    %logistic3A = arith.negf %add3A_60 : vector<1000xf32>
    %logistic3A_61 = math.exp %logistic3A : vector<1000xf32>
    %logistic3A_62 = arith.constant 1.000000e+00 : f32
    %logistic3A_63 = vector.broadcast %logistic3A_62 : f32 to vector<1000xf32>
    %logistic3A_64 = arith.addf %logistic3A_63, %logistic3A_61 : vector<1000xf32>
    %logistic3A_65 = arith.divf %logistic3A_63, %logistic3A_64 : vector<1000xf32>
    %broadcast_in_dim3A_66 = vector.shape_cast %logistic3A_65 : vector<1000xf32> to vector<1000x1xf32>
    %mul3A = vector.broadcast %broadcast_in_dim3A_66 : vector<1000x1xf32> to vector<1000x128xf32>
    %mul3A_67 = arith.mulf %mul3A, %slice3A : vector<1000x128xf32>
    %add3A_68 = arith.addf %add3A_22, %mul3A_67 : vector<1000x128xf32>
    %max3A_69 = arith.constant 0.000000e+00 : f32
    %max3A_70 = vector.broadcast %max3A_69 : f32 to vector<1000x128xf32>
    %max3A_71 = arith.maximumf %add3A_68, %max3A_70 : vector<1000x128xf32>
    %broadcast_in_dim3A_72 = vector.shape_cast %logistic3A_65 : vector<1000xf32> to vector<1000x1xf32>
    %mul3A_73 = vector.broadcast %broadcast_in_dim3A_72 : vector<1000x1xf32> to vector<1000x128xf32>
    %mul3A_74 = arith.mulf %mul3A_73, %slice3A_47 : vector<1000x128xf32>
    %add3A_75 = arith.addf %add3A_35, %mul3A_74 : vector<1000x128xf32>
    %max3A_76 = arith.constant 0.000000e+00 : f32
    %max3A_77 = vector.broadcast %max3A_76 : f32 to vector<1000x128xf32>
    %max3A_78 = arith.maximumf %add3A_75, %max3A_77 : vector<1000x128xf32>
    %swap3A = arith.constant 0 : index
    %swap3A_79 = arith.constant 0 : index
    %swap3A_80 = vector.load %arg7[%swap3A, %swap3A_79] : memref<1000x256xf32, #tpu.memory_space<vmem>>, vector<1000x128xf32>
    tpu.vector_store %arg7[%swap3A, %swap3A_79], %max3A_71 {strides = array<i32>} : memref<1000x256xf32, #tpu.memory_space<vmem>>, vector<1000x128xf32>,
    %swap3A_81 = arith.constant 0 : index
    %swap3A_82 = arith.constant 128 : index
    %swap3A_83 = vector.load %arg7[%swap3A_81, %swap3A_82] : memref<1000x256xf32, #tpu.memory_space<vmem>>, vector<1000x128xf32>
    tpu.vector_store %arg7[%swap3A_81, %swap3A_82], %max3A_78 {strides = array<i32>} : memref<1000x256xf32, #tpu.memory_space<vmem>>, vector<1000x128xf32>,
    %swap3A_84 = arith.constant 0 : index
    %swap3A_85 = arith.constant 0 : index
    %swap3A_86 = arith.constant 0 : index
    %swap3A_87 = vector.load %arg8[%swap3A_84, %swap3A_85, %swap3A_86] : memref<1x1x1000xf32, #tpu.memory_space<vmem>>, vector<1x1x1000xf32>
    %swap3A_88 = vector.shape_cast %swap3A_87 : vector<1x1x1000xf32> to vector<1000xf32>
    %swap3A_89 = vector.shape_cast %logistic3A_65 : vector<1000xf32> to vector<1x1x1000xf32>
    tpu.vector_store %arg8[%swap3A_84, %swap3A_85, %swap3A_86], %swap3A_89 {strides = array<i32>} : memref<1x1x1000xf32, #tpu.memory_space<vmem>>, vector<1x1x1000xf32>,
    return
  }
  func.func @transform_0(%arg0: i32) -> (i32, i32, i32) {
    %c0_i32 = arith.constant 0 : i32
    %c0_i32_0 = arith.constant 0 : i32
    %c0_i32_1 = arith.constant 0 : i32
    return %c0_i32, %arg0, %c0_i32_0 : i32, i32, i32
  }
  func.func @transform_1(%arg0: i32) -> (i32, i32, i32) {
    %c0_i32 = arith.constant 0 : i32
    %c0_i32_0 = arith.constant 0 : i32
    %c0_i32_1 = arith.constant 0 : i32
    return %c0_i32, %arg0, %c0_i32_0 : i32, i32, i32
  }
  func.func @transform_2(%arg0: i32) -> (i32, i32, i32) {
    %c0_i32 = arith.constant 0 : i32
    %c0_i32_0 = arith.constant 0 : i32
    %c0_i32_1 = arith.constant 0 : i32
    return %c0_i32, %arg0, %c0_i32_0 : i32, i32, i32
  }
  func.func @transform_3(%arg0: i32) -> (i32, i32, i32) {
    %c0_i32 = arith.constant 0 : i32
    %c0_i32_0 = arith.constant 0 : i32
    %c0_i32_1 = arith.constant 0 : i32
    return %arg0, %c0_i32, %c0_i32_0 : i32, i32, i32
  }
  func.func @transform_4(%arg0: i32) -> (i32, i32) {
    %c0_i32 = arith.constant 0 : i32
    %c0_i32_0 = arith.constant 0 : i32
    %c0_i32_1 = arith.constant 0 : i32
    return %c0_i32, %c0_i32_0 : i32, i32
  }
  func.func @transform_5(%arg0: i32) -> (i32, i32) {
    %c0_i32 = arith.constant 0 : i32
    %c0_i32_0 = arith.constant 0 : i32
    %c0_i32_1 = arith.constant 0 : i32
    return %c0_i32, %c0_i32_0 : i32, i32
  }
  func.func @transform_6(%arg0: i32) -> (i32, i32) {
    %c0_i32 = arith.constant 0 : i32
    %c0_i32_0 = arith.constant 0 : i32
    return %arg0, %c0_i32 : i32, i32
  }
  func.func @transform_7(%arg0: i32) -> (i32, i32, i32) {
    %c0_i32 = arith.constant 0 : i32
    %c0_i32_0 = arith.constant 0 : i32
    %c0_i32_1 = arith.constant 0 : i32
    return %arg0, %c0_i32, %c0_i32_0 : i32, i32, i32
  }
}

module attributes {stable_mosaic.version = 14 : i64} {
  func.func @body(%arg0: i32, %arg1: memref<1000x256xf32, #tpu.memory_space<vmem>>, %arg2: memref<256x512xf32, #tpu.memory_space<vmem>>, %arg3: memref<1x512xf32, #tpu.memory_space<vmem>>, %arg4: memref<256x128xf32, #tpu.memory_space<vmem>>, %arg5: memref<1x128xf32, #tpu.memory_space<vmem>>, %arg6: memref<1000x512xf32, #tpu.memory_space<vmem>>, %arg7: memref<1000x128xf32, #tpu.memory_space<vmem>>) attributes {dimension_semantics = [#tpu.dimension_semantics<arbitrary>], iteration_bounds = array<i64: 10>, scalar_prefetch = 0 : i64, scratch_operands = 0 : i64, tpu.core_type = #tpu.core_type<tc>, window_params = [{transform_indices = @transform_0, window_bounds = array<i64: 1000, 256>}, {pipeline_mode = #tpu.pipeline_mode<synchronous>, transform_indices = @transform_1, window_bounds = array<i64: 256, 512>}, {pipeline_mode = #tpu.pipeline_mode<synchronous>, transform_indices = @transform_2, window_bounds = array<i64: 1, 512>}, {pipeline_mode = #tpu.pipeline_mode<synchronous>, transform_indices = @transform_3, window_bounds = array<i64: 256, 128>}, {pipeline_mode = #tpu.pipeline_mode<synchronous>, transform_indices = @transform_4, window_bounds = array<i64: 1, 128>}, {transform_indices = @transform_5, window_bounds = array<i64: 1000, 512>}, {transform_indices = @transform_6, window_bounds = array<i64: 1000, 128>}]} {
    %get3A = arith.constant 0 : index
    %get3A_0 = arith.constant 0 : index
    %get3A_1 = vector.load %arg1[%get3A, %get3A_0] : memref<1000x256xf32, #tpu.memory_space<vmem>>, vector<1000x256xf32>
    %get3A_2 = arith.constant 0 : index
    %get3A_3 = arith.constant 0 : index
    %get3A_4 = vector.load %arg2[%get3A_2, %get3A_3] : memref<256x512xf32, #tpu.memory_space<vmem>>, vector<256x512xf32>
    %dot_general3A = arith.constant dense<0.000000e+00> : vector<1000x512xf32>
    %dot_general3A_5 = tpu.matmul %get3A_1, %get3A_4, %dot_general3A {dimension_numbers = #tpu.dot_dimension_numbers<[1], [0], [0], [1], [0, 0, 1, 1], [], []>, transpose_lhs_hint = false} : vector<1000x256xf32>, vector<256x512xf32>, vector<1000x512xf32> -> vector<1000x512xf32>
    %get3A_6 = arith.constant 0 : index
    %get3A_7 = arith.constant 0 : index
    %get3A_8 = vector.load %arg3[%get3A_6, %get3A_7] : memref<1x512xf32, #tpu.memory_space<vmem>>, vector<1x512xf32>
    %add3A = vector.broadcast %get3A_8 : vector<1x512xf32> to vector<1000x512xf32>
    %add3A_9 = arith.addf %dot_general3A_5, %add3A : vector<1000x512xf32>
    %swap3A = arith.constant 0 : index
    %swap3A_10 = arith.constant 0 : index
    %swap3A_11 = vector.load %arg6[%swap3A, %swap3A_10] : memref<1000x512xf32, #tpu.memory_space<vmem>>, vector<1000x512xf32>
    tpu.vector_store %arg6[%swap3A, %swap3A_10], %add3A_9 {strides = array<i32>} : memref<1000x512xf32, #tpu.memory_space<vmem>>, vector<1000x512xf32>,
    %get3A_12 = arith.constant 0 : index
    %get3A_13 = arith.constant 0 : index
    %get3A_14 = vector.load %arg4[%get3A_12, %get3A_13] : memref<256x128xf32, #tpu.memory_space<vmem>>, vector<256x128xf32>
    %dot_general3A_15 = arith.constant dense<0.000000e+00> : vector<1000x128xf32>
    %dot_general3A_16 = tpu.matmul %get3A_1, %get3A_14, %dot_general3A_15 {dimension_numbers = #tpu.dot_dimension_numbers<[1], [0], [0], [1], [0, 0, 1, 1], [], []>, transpose_lhs_hint = false} : vector<1000x256xf32>, vector<256x128xf32>, vector<1000x128xf32> -> vector<1000x128xf32>
    %get3A_17 = arith.constant 0 : index
    %get3A_18 = arith.constant 0 : index
    %get3A_19 = vector.load %arg5[%get3A_17, %get3A_18] : memref<1x128xf32, #tpu.memory_space<vmem>>, vector<1x128xf32>
    %add3A_20 = vector.broadcast %get3A_19 : vector<1x128xf32> to vector<1000x128xf32>
    %add3A_21 = arith.addf %dot_general3A_16, %add3A_20 : vector<1000x128xf32>
    %swap3A_22 = arith.constant 0 : index
    %swap3A_23 = arith.constant 0 : index
    %swap3A_24 = vector.load %arg7[%swap3A_22, %swap3A_23] : memref<1000x128xf32, #tpu.memory_space<vmem>>, vector<1000x128xf32>
    tpu.vector_store %arg7[%swap3A_22, %swap3A_23], %add3A_21 {strides = array<i32>} : memref<1000x128xf32, #tpu.memory_space<vmem>>, vector<1000x128xf32>,
    return
  }
  func.func @transform_0(%arg0: i32) -> (i32, i32) {
    %c0_i32 = arith.constant 0 : i32
    %c0_i32_0 = arith.constant 0 : i32
    return %arg0, %c0_i32 : i32, i32
  }
  func.func @transform_1(%arg0: i32) -> (i32, i32) {
    %c0_i32 = arith.constant 0 : i32
    %c0_i32_0 = arith.constant 0 : i32
    %c0_i32_1 = arith.constant 0 : i32
    return %c0_i32, %c0_i32_0 : i32, i32
  }
  func.func @transform_2(%arg0: i32) -> (i32, i32) {
    %c0_i32 = arith.constant 0 : i32
    %c0_i32_0 = arith.constant 0 : i32
    %c0_i32_1 = arith.constant 0 : i32
    return %c0_i32, %c0_i32_0 : i32, i32
  }
  func.func @transform_3(%arg0: i32) -> (i32, i32) {
    %c0_i32 = arith.constant 0 : i32
    %c0_i32_0 = arith.constant 0 : i32
    %c0_i32_1 = arith.constant 0 : i32
    return %c0_i32, %c0_i32_0 : i32, i32
  }
  func.func @transform_4(%arg0: i32) -> (i32, i32) {
    %c0_i32 = arith.constant 0 : i32
    %c0_i32_0 = arith.constant 0 : i32
    %c0_i32_1 = arith.constant 0 : i32
    return %c0_i32, %c0_i32_0 : i32, i32
  }
  func.func @transform_5(%arg0: i32) -> (i32, i32) {
    %c0_i32 = arith.constant 0 : i32
    %c0_i32_0 = arith.constant 0 : i32
    return %arg0, %c0_i32 : i32, i32
  }
  func.func @transform_6(%arg0: i32) -> (i32, i32) {
    %c0_i32 = arith.constant 0 : i32
    %c0_i32_0 = arith.constant 0 : i32
    return %arg0, %c0_i32 : i32, i32
  }
}

</mosaic_0001>

<sc_bundles>
// kernel: kernel.19.cloned.1.call-start
scs
__scs_entry_jumppad:
0x0: {  	(pc) =	sbr.rel $0x88, $3  }
0x1: {  	(tag) =	ssettag $0x0;
	lr =	simm.s32 $0x1  }
0x2: {  	[smem:$0x3F8A] =	sst lr;
	_ =	strace $0xD0000000  }
0x3: {  	_ = 	snop  }
0x4: {  	_ = 	snop  }
0x5: {  	_ = 	snop  }
0x6: {  	_ = 	snop  }
0x7: {  	_ = 	snop  }
__scs_overlays_trampoline_lowered:
0x8: {  	[smem:$0x3F99] =	sst s0  }
0x9: {  	[smem:$0x3F9A] =	sst s1  }
0xa: {  	[smem:$0x3F9B] =	sst s2  }
0xb: {  	[smem:$0x3F9C] =	sst s3  }
0xc: {  	[smem:$0x3F9D] =	sst s4  }
0xd: {  	[smem:$0x3F9E] =	sst s5  }
0xe: {  	[smem:$0x3F9F] =	sst s6  }
0xf: {  	[smem:$0x3FA0] =	sst s7  }
0x10: {  	[smem:$0x3FA1] =	sst s8  }
0x11: {  	[smem:$0x3FA2] =	sst s9;
	s0 =	simm.s32 @!p0 $0x0  }
0x12: {  	s1 =	sld [smem:$0x3F88];
	s0 =	simm.s32 @p0 $0x1  }
0x13: {  	[smem:$0x3FA3] =	sst s0;
	s0 =	simm.s32 @!p1 $0x0  }
0x14: {  	s2 =	sld [smem:$0x3F87];
	s0 =	simm.s32 @p1 $0x1  }
0x15: {  	[smem:$0x3FA4] =	sst s0;
	s0 =	simm.s32 @!p2 $0x0  }
0x16: {  	s3 =	sld [smem:$0x3FDB];
	s0 =	simm.s32 @p2 $0x1  }
0x17: {  	s4 =	simm.s32 $0x1BF5;
	[smem:$0x3FA6] =	sst s0  }
0x18: {  	s0 =	sld [smem:$0x3F89];
	_ =	swait.ge [sflag:s4], $0x0  }
0x19: {  	s7 =	sld [smem:$0x3F8A]  }
0x1a: {  	s8 =	sadd.s32 $0xFFFFE003, lr  }
0x1b: {  	s9 =	sadd.s32 $0xFFFFFEF7, lr;
	s5 =	simm.s32 $0xFFFFFFFF;
	p2 =	slt.u32 s8, $0xFFFFF086  }
0x1c: {  	p1 =	slt.u32 s9, $0xF7A;
	s5 =	simm.s32 @!p2 $0x0  }
0x1d: {  	s5 =	simm.s32 @p1 $0x1;
	p0 =	seq.s32 s7, s2  }
0x1e: {  	s7 =	smul.u32 @!p0 $0xF7A, s2;
	p2 =	seq.s32 @!p0 s5, $0x0  }
0x1f: {  	s9 =	smul.u32 $0xF7A, s1;
	s8 =	simm.s32 @!p0 $0x1BF5;
	p2 =	por !p2, p0  }
0x20: {  	[sflag:s8] =	ssyncset.s32 @!p0 $0xFFFFF086;
	s6 =	sadd.s32 @!p0 s3, s7;
	s7 =	simm.s32 @!p0 $0x108  }
0x21: {  	s3 =	sadd.s32 s3, s9;
	s6 =	sadd.s32 @!p0 $0x88, s6;
	s7 =	simm.s32 @p2 $0x1082  }
0x22: {  	[simem:s7], [sflag:s8] =	dma.local @!p0 [hbm:s6], $0xF7A  }
0x23: {  	s9 =	sor.u32 $0xD0000000, s2;
	s6 =	simm.s32 $0x108;
	_ =	swait.ge @!p0 [sflag:s8], $0x0  }
0x24: {  	s3 =	sadd.s32 $0x88, s3;
	s6 =	simm.s32 @!p1 $0x1082;
	[sflag:s4] =	ssyncset.s32 $0xFFFFF086  }
0x25: {  	[simem:s6], [sflag:s4] =	dma.local [hbm:s3], $0xF7A  }
0x26: {  	[smem:$0x3F8A] =	sst s1;
	(tag) =	ssettag s2;
	_ =	strace s9  }
0x27: {  	s1 =	sld [smem:$0x3F9A]  }
0x28: {  	s2 =	sld [smem:$0x3F9B]  }
0x29: {  	s4 =	sld [smem:$0x3F9D]  }
0x2a: {  	p0 =	seq.s32 s5, $0x0;
	s5 =	sld [smem:$0x3F9E]  }
0x2b: {  	s6 =	sld [smem:$0x3F9F]  }
0x2c: {  	s7 =	sld [smem:$0x3FA0]  }
0x2d: {  	s3 =	simm.s32 $0x108;
	s8 =	sld [smem:$0x3FA1]  }
0x2e: {  	s3 =	simm.s32 @!p0 $0x1082;
	s9 =	sld [smem:$0x3FA2]  }
0x2f: {  	lr =	sadd.s32 s0, s3;
	s0 =	sld [smem:$0x3F99]  }
0x30: {  	s3 =	sld [smem:$0x3F9C]  }
0x31: {  	[smem:$0x3FA5] =	sst s10  }
0x32: {  	s10 =	sld [smem:$0x3FA3];
	_ =	sdelay $0x3  }
0x33: {  	p0 =	seq.s32 s10, $0x1;
	s10 =	sld [smem:$0x3FA5];
	_ =	sdelay $0x3  }
0x34: {  	[smem:$0x3FA5] =	sst s10  }
0x35: {  	s10 =	sld [smem:$0x3FA4];
	_ =	sdelay $0x3  }
0x36: {  	p1 =	seq.s32 s10, $0x1;
	s10 =	sld [smem:$0x3FA5];
	_ =	sdelay $0x3  }
0x37: {  	[smem:$0x3FA5] =	sst s10  }
0x38: {  	s10 =	sld [smem:$0x3FA6]  }
0x39: {  	_ = 	snop;
	(pc) =	sbr.ind lr, $3  }
0x3a: {  	_ = 	snop  }
0x3b: {  	_ = 	snop  }
0x3c: {  	p2 =	seq.s32 s10, $0x1;
	s10 =	sld [smem:$0x3FA5]  }
0x3d: {  	_ =	shalt  }
0x3e: {  	_ =	shalt  }
0x3f: {  	_ =	shalt  }
0x40: {  	_ =	shalt  }
0x41: {  	_ =	shalt  }
0x42: {  	_ =	shalt  }
0x43: {  	_ =	shalt  }
0x44: {  	_ =	shalt  }
0x45: {  	_ =	shalt  }
0x46: {  	_ =	shalt  }
0x47: {  	_ =	shalt  }
0x48: {  	_ =	shalt  }
0x49: {  	_ =	shalt  }
0x4a: {  	_ =	shalt  }
0x4b: {  	_ =	shalt  }
0x4c: {  	_ =	shalt  }
0x4d: {  	_ =	shalt  }
0x4e: {  	_ =	shalt  }
0x4f: {  	_ =	shalt  }
0x50: {  	_ =	shalt  }
0x51: {  	_ =	shalt  }
0x52: {  	_ =	shalt  }
0x53: {  	_ =	shalt  }
0x54: {  	_ =	shalt  }
0x55: {  	_ =	shalt  }
0x56: {  	_ =	shalt  }
0x57: {  	_ =	shalt  }
0x58: {  	_ =	shalt  }
0x59: {  	_ =	shalt  }
0x5a: {  	_ =	shalt  }
0x5b: {  	_ =	shalt  }
0x5c: {  	_ =	shalt  }
0x5d: {  	_ =	shalt  }
0x5e: {  	_ =	shalt  }
0x5f: {  	_ =	shalt  }
0x60: {  	_ =	shalt  }
0x61: {  	_ =	shalt  }
0x62: {  	_ =	shalt  }
0x63: {  	_ =	shalt  }
0x64: {  	_ =	shalt  }
0x65: {  	_ =	shalt  }
0x66: {  	_ =	shalt  }
0x67: {  	_ =	shalt  }
0x68: {  	_ =	shalt  }
0x69: {  	_ =	shalt  }
0x6a: {  	_ =	shalt  }
0x6b: {  	_ =	shalt  }
0x6c: {  	_ =	shalt  }
0x6d: {  	_ =	shalt  }
0x6e: {  	_ =	shalt  }
0x6f: {  	_ =	shalt  }
0x70: {  	_ =	shalt  }
0x71: {  	_ =	shalt  }
0x72: {  	_ =	shalt  }
0x73: {  	_ =	shalt  }
0x74: {  	_ =	shalt  }
0x75: {  	_ =	shalt  }
0x76: {  	_ =	shalt  }
0x77: {  	_ =	shalt  }
0x78: {  	_ =	shalt  }
0x79: {  	_ =	shalt  }
0x7a: {  	_ =	shalt  }
0x7b: {  	_ =	shalt  }
0x7c: {  	_ =	shalt  }
0x7d: {  	_ =	shalt  }
0x7e: {  	_ =	shalt  }
0x7f: {  	_ =	shalt  }
0x80: {  	_ =	shalt  }
0x81: {  	_ =	shalt  }
0x82: {  	_ =	shalt  }
0x83: {  	_ =	shalt  }
0x84: {  	_ =	shalt  }
0x85: {  	_ =	shalt  }
0x86: {  	_ =	shalt  }
0x87: {  	_ =	shalt  }
.Lfunc_end0:
.L_simem_size_0:
called_computation_lowered:
.L_overlay_start_0:
0x88: {  	s2 =	sld [smem:$0x3FD9]  }
0x89: {  	s3 =	sld [smem:$0x3FFE];
	_ =	sdelay $0x1  }
0x8a: {  	s1 =	srdreg.scid  }
0x8b: {  	s0 =	sand.u32 $0x1, s1  }
0x8c: {  	s16 =	sshll.u32 s0, $0xA;
	s2 =	sadd.s32 s3, s2  }
0x8d: {  	s2 =	sadd.s32 s2, s16  }
0x8e: {  	[smem:$0x3FB1] =	sst s2  }
0x8f: {  	_ = 	snop  }
0x90: {  	s17 =	sld [smem:$0x3FD0];
	_ =	sdelay $0x2  }
0x91: {  	s4 =	simm.s32 $0xB;
	s5 =	simm.s32 $0x10;
	s2 =	sld [smem:$0x3FC7]  }
0x92: {  	[smem:s5], [sflag:s4] =	dma.local [hbm:s17], $0x1  }
0x93: {  	_ =	swait.eq [sflag:s4], $0x1  }
0x94: {  	[sflag:s4] =	ssyncset.done $0x0  }
0x95: {  	s18 =	sld [smem:$0x11];
	[sflag:s4] =	ssyncadd.s32 $0xFFFFFFFF  }
0x96: {  	s19 =	sld [smem:$0x15];
	(tm) =	ssettm $0x1  }
0x97: {  	s20 =	sld [smem:$0x3FFB];
	_ =	sdelay $0x3  }
0x98: {  	_ =	strace s20  }
0x99: {  	s3 =	sld [smem:$0x3FFC];
	_ =	sdelay $0x3  }
0x9a: {  	_ =	strace s3  }
0x9b: {  	s3 =	sld [smem:$0x3FFD];
	_ =	sdelay $0x3  }
0x9c: {  	_ =	strace s3  }
0x9d: {  	_ =	strace $0x8FFFFFFF  }
0x9e: {  	s21 =	sld [smem:$0x3FDB];
	_ =	sdelay $0x1  }
0x9f: {  	s6 =	simm.s32 $_scs_section_size  }
0xa0: {  	s7 =	simm.s32 $_size__tile_overlayer_lowered;
	s8 =	simm.s32 $_tile_overlayer_lowered  }
0xa1: {  	s9 =	simm.s32 $0x1BFF;
	s22 =	sshll.u32 s8, $0x1;
	s6 =	sadd.s32 s6, s21  }
0xa2: {  	s23 =	simm.s32 $0x0;
	s7 =	sshll.u32 s7, $0x1;
	s8 =	sadd.s32 s22, s6  }
0xa3: {  	[timem:s23], [sflag:s9] =	dma.local [hbm:s8], s7  }
0xa4: {  	_ =	swait.ge [sflag:s9], s7  }
0xa5: {  	s7 =	ssub.s32 $0x0, s7;
	[sflag:s9] =	ssyncset.done $0x0  }
0xa6: {  	[sflag:s9] =	ssyncadd.s32 s7;
	_ =	sdelay $0x1  }
0xa7: {  	s24 =	simm.s32 $0x1B8B  }
0xa8: {  	_ =	swait.ge [sflag:s24], $0x1  }
0xa9: {  	[sflag:s24] =	ssyncset.done $0x0  }
0xaa: {  	[sflag:s24] =	ssyncadd.s32 $0xFFFFFFFF  }
0xab: {  	s7 =	sld [smem:$0x0]  }
0xac: {  	s8 =	sand.u32 $0xFFFFFFFE, s1  }
0xad: {  	p0 =	sne.s32 s1, s8  }
0xae: {  	s8 =	sshll.u32 @p0 s8, $0xE  }
0xaf: {  	s8 =	sadd.s32 @p0 $0x11B8D, s8;
	s9 =	sshll.u32 @p0 s7, $0x11  }
0xb0: {  	s8 =	sor.u32 @p0 s9, s8  }
0xb1: {  	[sflag:s8] =	ssyncadd.remote.s32 @p0 $0x1;
	_ =	sdelay $0x1  }
0xb2: {  	s8 =	simm.s32 @p0 $0x1B8D  }
0xb3: {  	_ =	swait.eq @p0 [sflag:s8], $0x1  }
0xb4: {  	[sflag:s8] =	ssyncadd.s32 @p0 $0xFFFFFFFF  }
0xb5: {  	s9 =	sshll.u32 @!p0 s1, $0xE  }
0xb6: {  	s9 =	sor.u32 @!p0 $0x4000, s9;
	s8 =	simm.s32 @!p0 $0x1B8D  }
0xb7: {  	s7 =	sshll.u32 @!p0 s7, $0x11;
	s9 =	sadd.s32 @!p0 $0x11B8D, s9;
	_ =	swait.eq @!p0 [sflag:s8], $0x1  }
0xb8: {  	s7 =	sor.u32 @!p0 s7, s9;
	[sflag:s8] =	ssyncadd.s32 @!p0 $0xFFFFFFFF  }
0xb9: {  	s25 =	simm.s32 $0x1B8E;
	[sflag:s7] =	ssyncadd.remote.s32 @!p0 $0x1  }
0xba: {  	s26 =	simm.s32 $execute0_lowered;
	[smem:$0x3FD2] =	sst s25  }
0xbb: {  	s7 =	sshll.u32 s26, $0x1;
	_ =	strace $0x80000058;
	[dreg:$0x1] =	wrdreg $0xFFFFFFFF  }
0xbc: {  	s28 =	simm.s32 $_size_execute0_lowered;
	s6 =	sadd.s32 s6, s7;
	[dreg:$0x0] =	wrdreg $0x0  }
0xbd: {  	s7 =	sshll.u32 s28, $0x1;
	[dreg:$0x2] =	wrdreg s6  }
0xbe: {  	[dreg:$0x3] =	wrdreg s7  }
0xbf: {  	[dreg:$0x4] =	wrdreg $0xC0  }
0xc0: {  	_ =	task [dreg:s23], $0x5FFFF  }
0xc1: {  	[dreg:$0x1] =	wrdreg $0xFFFFFFFF  }
0xc2: {  	[dreg:$0x0] =	wrdreg $0x60  }
0xc3: {  	[dreg:$0x2] =	wrdreg s18  }
0xc4: {  	[dreg:$0x3] =	wrdreg s2  }
0xc5: {  	[dreg:$0x4] =	wrdreg s19  }
0xc6: {  	[dreg:$0x5] =	wrdreg $0x9  }
0xc7: {  	_ =	task.clear_ibuf [dreg:s23], $0x6FFFF;
	_ =	strace $0x90000058  }
0xc8: {  	s29 =	simm.s32 $0x9;
	_ =	strace $0x8000005A  }
0xc9: {  	_ =	swait.ge [sflag:s29], $0x1  }
0xca: {  	[sflag:s29] =	ssyncadd.s32 $0xFFFFFFFF  }
0xcb: {  	_ =	strace $0x9000005A  }
0xcc: {  	_ =	sfence  }
0xcd: {  	s30 =	sld [smem:$0x0];
	_ =	sdelay $0x2  }
0xce: {  	s31 =	sshll.u32 s1, $0xD;
	s1 =	sshrl.u32 s1, $0x2  }
0xcf: {  	s4 =	sand.u32 $0x4000, s31;
	s1 =	sadd.s32 s1, s30  }
0xd0: {  	s0 =	sor.u32 s4, s0;
	s1 =	sshll.u32 s1, $0x11  }
0xd1: {  	s0 =	sor.u32 s1, s0  }
0xd2: {  	s0 =	sadd.s32 $0x8F2B, s0  }
0xd3: {  	[sflag:s0] =	ssyncadd.remote.s32 $0x1  }
0xd4: {  	_ =	sfence.sel $0xFFFF  }
0xd5: {  	[dreg:$0x0] =	wrdreg $0xFFFFFFFF;
	(pc) =	sbr.abs _section_cstart, $3  }
0xd6: {  	[dreg:$0x1] =	wrdreg $0xFFFFFFFF  }
0xd7: {  	_ =	task.clear_ibuf [dreg:s23], $0x2FFFF;
	_ =	strace $0x9FFFFFFF  }
0xd8: {  	(tm) =	ssettm $0x7FFFFFFF  }
0xd9: {  	_ =	shalt  }
tec
execute0_lowered:
.L_overlay_start_1:
0x0: {  	(tag) =	ssettag $0x1  }
0x1: {  	s1 =	rddreg [dreg:$0x0]  }
0x2: {  	s0 =	rddreg [dreg:$0x1];
	s2 =	srdreg.scid  }
0x3: {  	s3 =	stileid.u32;
	s4 =	rddreg [dreg:$0x2]  }
0x4: {  	s11 =	simm.s32 $0x2;
	s14 =	simm.s32 $0x980;
	s15 =	simm.s32 $0x1180  }
0x5: {  	s16 =	simm.s32 $0x1980;
	s17 =	simm.s32 $0x2180;
	s18 =	simm.s32 $0x2980  }
0x6: {  	s19 =	simm.s32 $0x3180;
	s20 =	simm.s32 $0x3980;
	s21 =	simm.s32 $0x4180  }
0x7: {  	s28 =	simm.s32 $0x7180;
	s29 =	simm.s32 $0x7980;
	s30 =	simm.s32 $0x8180  }
0x8: {  	s31 =	simm.s32 $0x8980;
	s2 =	sand.u32 $0x1, s2;
	s5 =	sshll.u32 s3, $0x1  }
0x9: {  	s12 =	simm.s32 $0x9980;
	s13 =	simm.s32 $0xC180;
	s6 =	sor.u32 s2, s5  }
0xa: {  	s3 =	simm.s32 $0x0;
	s26 =	sadd.s32 $0x9B000, s4;
	s5 =	smul.u32 $0x28000, s6  }
0xb: {  	[smem:$0x7FF] =	sst s3;
	s2 =	ssub.s32 $0x2, s2;
	s8 =	smul.u32 $0x28, s6  }
0xc: {  	_ =	strace $0x80000059;
	s7 =	sshrl.u32 s2, $0x1;
	s22 =	smul.u32 $0x5000, s6  }
0xd: {  	[dreg:$0x8] =	wrdreg s26;
	p0 =	seq.s32 s6, $0x1F;
	s6 =	simm.s32 $0x180  }
0xe: {  	s26 =	simm.s32 $0x6980;
	s2 =	ssub.s32 s2, s7;
	s9 =	sshrl.u32 s5, $0x3  }
0xf: {  	s23 =	sadd.s32 s0, s8;
	s5 =	sadd.s32 $0x100, s1;
	s7 =	sadd.s32 s4, s22  }
0x10: {  	s0 =	sadd.s32 $0x4D8, s0;
	s10 =	smax.u32 s2, $0x1;
	s22 =	simm.s32 $0x4980  }
.Ltmp0:
0x11: {  	s2 =	simm.s32 $0x9180;
	[dreg:$0x4] =	wrdreg s23;
	(pc) =	sbr.rel .LBB2_1-.Ltmp0, $4  }
0x12: {  	s8 =	simm.s32 $0xB180;
	s24 =	sadd.s32 s4, s9;
	[dreg:$0x5] =	wrdreg s7  }
0x13: {  	v2 =	vlaneseq.u32;
	[dreg:$0x7] =	wrdreg s0;
	s23 =	simm.s32 $0x5180;
	s0 =	simm.s32 $0x1  }
0x14: {  	vm0 =	vmmov $0xffff;
	v1 =	vshrl.u32 v2, $0x3;
	s7 =	simm.s32 $0xA980;
	s9 =	simm.s32 $0xB980;
	s25 =	sadd.s32 $0x2800, s24  }
0x15: {  	v0 =	vand.u32 $0x7, v2;
	v2 =	vor.u32 $0x8, v2;
	v1 =	vmul.u32 $0x8, v1;
	s24 =	simm.s32 $0x5980;
	[dreg:$0x6] =	wrdreg s25;
	s25 =	simm.s32 $0x6180  }
.LBB2_3:
0x16: {  	s4 =	rddreg [dreg:$0x7]  }
0x17: {  	[tilespmem:s3], [sflag:$0x2] =	stream.linear.gather [hbm4b:s4+s3], $0x50, $0x38;
	[tilespmem:$0x14180] =	vst v63  }
0x18: {  	_ =	swait.ge [sflag:s11], $0x50  }
0x19: {  	[sflag:s11] =	ssyncset.done $0x0  }
0x1a: {  	[sflag:s11] =	ssyncadd.s32 $0xFFFFFFB0  }
0x1b: {  	v3 =	vld [tilespmem:$0x0];
	_ =	sdelay $0x4  }
0x1c: {  	v4 =	vshll.u32 v3, $0x2  }
0x1d: {  	v3 =	vand.u32 $0x7, v3;
	v4 =	vand.u32 $0xFFFFFFE0, v4  }
0x1e: {  	v3 =	vor.u32 v3, v4  }
0x1f: {  	v4 =	vperm.xlane v3, v0;
	_ =	sdelay $0x1  }
0x20: {  	v4 =	vadd.s32 v1, v4;
	_ =	sdelay $0x1  }
0x21: {  	v3 =	vperm.xlane v3, v2;
	_ =	sdelay $0x1  }
0x22: {  	v3 =	vadd.s32 v1, v3  }
0x23: {  	[tilespmem:s6], [sflag:$0x1] =	stream.indirect_vreg.gather [hbm4b:s1+s3], $0x80, v4, vm0, $0xb8;
	[tilespmem:$0x14180] =	vst v63  }
0x24: {  	_ = 	snop  }
0x25: {  	[tilespmem:s14], [sflag:$0x1] =	stream.indirect_vreg.gather [hbm4b:s5+s3], $0x80, v4, vm0, $0xb8;
	[tilespmem:$0x14180] =	vst v63  }
0x26: {  	_ = 	snop  }
0x27: {  	[tilespmem:s15], [sflag:$0x1] =	stream.indirect_vreg.gather [hbm4b:s1+s3], $0x80, v3, vm0, $0xb8;
	[tilespmem:$0x14180] =	vst v63  }
0x28: {  	_ = 	snop  }
0x29: {  	[tilespmem:s16], [sflag:$0x1] =	stream.indirect_vreg.gather [hbm4b:s5+s3], $0x80, v3, vm0, $0xb8;
	[tilespmem:$0x14180] =	vst v63  }
0x2a: {  	v3 =	vld [tilespmem:$0x10];
	_ =	sdelay $0x4  }
0x2b: {  	v60 =	vshll.u32 v3, $0x2  }
0x2c: {  	v3 =	vand.u32 $0x7, v3;
	v4 =	vand.u32 $0xFFFFFFE0, v60  }
0x2d: {  	v3 =	vor.u32 v3, v4  }
0x2e: {  	v4 =	vperm.xlane v3, v0;
	_ =	sdelay $0x1  }
0x2f: {  	v4 =	vadd.s32 v1, v4;
	_ =	sdelay $0x1  }
0x30: {  	v3 =	vperm.xlane v3, v2;
	_ =	sdelay $0x1  }
0x31: {  	v3 =	vadd.s32 v1, v3  }
0x32: {  	[tilespmem:s17], [sflag:$0x1] =	stream.indirect_vreg.gather [hbm4b:s1+s3], $0x80, v4, vm0, $0xb8;
	[tilespmem:$0x14180] =	vst v63  }
0x33: {  	_ = 	snop  }
0x34: {  	[tilespmem:s18], [sflag:$0x1] =	stream.indirect_vreg.gather [hbm4b:s5+s3], $0x80, v4, vm0, $0xb8;
	[tilespmem:$0x14180] =	vst v63  }
0x35: {  	_ = 	snop  }
0x36: {  	[tilespmem:s19], [sflag:$0x1] =	stream.indirect_vreg.gather [hbm4b:s1+s3], $0x80, v3, vm0, $0xb8;
	[tilespmem:$0x14180] =	vst v63  }
0x37: {  	_ = 	snop  }
0x38: {  	[tilespmem:s20], [sflag:$0x1] =	stream.indirect_vreg.gather [hbm4b:s5+s3], $0x80, v3, vm0, $0xb8;
	[tilespmem:$0x14180] =	vst v63  }
0x39: {  	v3 =	vld [tilespmem:$0x20];
	_ =	sdelay $0x4  }
0x3a: {  	v61 =	vshll.u32 v3, $0x2  }
0x3b: {  	v3 =	vand.u32 $0x7, v3;
	v4 =	vand.u32 $0xFFFFFFE0, v61  }
0x3c: {  	v3 =	vor.u32 v3, v4  }
0x3d: {  	v4 =	vperm.xlane v3, v0;
	_ =	sdelay $0x1  }
0x3e: {  	v4 =	vadd.s32 v1, v4;
	_ =	sdelay $0x1  }
0x3f: {  	v3 =	vperm.xlane v3, v2;
	_ =	sdelay $0x1  }
0x40: {  	v3 =	vadd.s32 v1, v3  }
0x41: {  	[tilespmem:s21], [sflag:$0x1] =	stream.indirect_vreg.gather [hbm4b:s1+s3], $0x80, v4, vm0, $0xb8;
	[tilespmem:$0x14180] =	vst v63  }
0x42: {  	_ = 	snop  }
0x43: {  	[tilespmem:s22], [sflag:$0x1] =	stream.indirect_vreg.gather [hbm4b:s5+s3], $0x80, v4, vm0, $0xb8;
	[tilespmem:$0x14180] =	vst v63  }
0x44: {  	_ = 	snop  }
0x45: {  	[tilespmem:s23], [sflag:$0x1] =	stream.indirect_vreg.gather [hbm4b:s1+s3], $0x80, v3, vm0, $0xb8;
	[tilespmem:$0x14180] =	vst v63  }
0x46: {  	_ = 	snop  }
0x47: {  	[tilespmem:s24], [sflag:$0x1] =	stream.indirect_vreg.gather [hbm4b:s5+s3], $0x80, v3, vm0, $0xb8;
	[tilespmem:$0x14180] =	vst v63  }
0x48: {  	v3 =	vld [tilespmem:$0x30];
	_ =	sdelay $0x4  }
0x49: {  	v62 =	vshll.u32 v3, $0x2  }
0x4a: {  	v3 =	vand.u32 $0x7, v3;
	v4 =	vand.u32 $0xFFFFFFE0, v62  }
0x4b: {  	v3 =	vor.u32 v3, v4  }
0x4c: {  	v4 =	vperm.xlane v3, v0;
	_ =	sdelay $0x1  }
0x4d: {  	v4 =	vadd.s32 v1, v4;
	_ =	sdelay $0x1  }
0x4e: {  	v3 =	vperm.xlane v3, v2;
	_ =	sdelay $0x1  }
0x4f: {  	v3 =	vadd.s32 v1, v3  }
0x50: {  	[tilespmem:s25], [sflag:$0x1] =	stream.indirect_vreg.gather [hbm4b:s1+s3], $0x80, v4, vm0, $0xb8;
	[tilespmem:$0x14180] =	vst v63  }
0x51: {  	_ = 	snop  }
0x52: {  	[tilespmem:s26], [sflag:$0x1] =	stream.indirect_vreg.gather [hbm4b:s5+s3], $0x80, v4, vm0, $0xb8;
	[tilespmem:$0x14180] =	vst v63  }
0x53: {  	_ = 	snop  }
0x54: {  	[tilespmem:s28], [sflag:$0x1] =	stream.indirect_vreg.gather [hbm4b:s1+s3], $0x80, v3, vm0, $0xb8;
	[tilespmem:$0x14180] =	vst v63  }
0x55: {  	_ = 	snop  }
0x56: {  	[tilespmem:s29], [sflag:$0x1] =	stream.indirect_vreg.gather [hbm4b:s5+s3], $0x80, v3, vm0, $0xb8;
	[tilespmem:$0x14180] =	vst v63  }
0x57: {  	v3 =	vld [tilespmem:$0x40];
	_ =	sdelay $0x4  }
0x58: {  	v63 =	vshll.u32 v3, $0x2  }
0x59: {  	v3 =	vand.u32 $0x7, v3;
	v4 =	vand.u32 $0xFFFFFFE0, v63  }
0x5a: {  	v3 =	vor.u32 v3, v4  }
0x5b: {  	v4 =	vperm.xlane v3, v0;
	_ =	sdelay $0x1  }
0x5c: {  	v4 =	vadd.s32 v1, v4;
	_ =	sdelay $0x1  }
0x5d: {  	v3 =	vperm.xlane v3, v2;
	_ =	sdelay $0x1  }
0x5e: {  	v3 =	vadd.s32 v1, v3  }
0x5f: {  	[tilespmem:s30], [sflag:$0x1] =	stream.indirect_vreg.gather [hbm4b:s1+s3], $0x80, v4, vm0, $0xb8;
	[tilespmem:$0x14180] =	vst v63  }
0x60: {  	_ = 	snop  }
0x61: {  	[tilespmem:s31], [sflag:$0x1] =	stream.indirect_vreg.gather [hbm4b:s5+s3], $0x80, v4, vm0, $0xb8;
	[tilespmem:$0x14180] =	vst v63  }
0x62: {  	_ = 	snop  }
0x63: {  	[tilespmem:s2], [sflag:$0x1] =	stream.indirect_vreg.gather [hbm4b:s1+s3], $0x80, v3, vm0, $0xb8;
	[tilespmem:$0x14180] =	vst v63  }
0x64: {  	_ = 	snop  }
0x65: {  	[tilespmem:s12], [sflag:$0x1] =	stream.indirect_vreg.gather [hbm4b:s5+s3], $0x80, v3, vm0, $0xb8;
	[tilespmem:$0x14180] =	vst v63  }
0x66: {  	_ =	swait.ge [sflag:s0], $0xA000  }
0x67: {  	[sflag:s0] =	ssyncset.done $0x0  }
0x68: {  	s4 =	rddreg [dreg:$0x8];
	[sflag:s0] =	ssyncadd.s32 $0xFFFF6000  }
0x69: {  	[hbm4b:s4+s3] =	stream.linear.scatter [tilespmem:s6], [sflag:$0x2], $0xA000, $0x38;
	[tilespmem:$0x14180] =	vst v63  }
0x6a: {  	_ =	swait.ge [sflag:s11], $0xA000  }
0x6b: {  	[sflag:s11] =	ssyncset.done $0x0  }
0x6c: {  	[sflag:s11] =	ssyncadd.s32 $0xFFFF6000  }
.LBB2_4:
0x6d: {  	s10 =	sadd.s32 $0xFFFFFFFF, s10  }
0x6e: {  	p1 =	sne.s32 s10, $0x0  }
.Ltmp1:
0x6f: {  	_ = 	snop;
	(pc) =	sbr.rel @!p1 .LBB2_5-.Ltmp1, $1  }
0x70: {  	_ =	sdelay $0x3  }
.LBB2_1:
.Ltmp2:
0x71: {  	(pc) =	sbr.rel @p0 .LBB2_3-.Ltmp2, $1  }
0x72: {  	_ =	sdelay $0x3  }
0x73: {  	s4 =	rddreg [dreg:$0x4]  }
0x74: {  	[tilespmem:s3], [sflag:$0x2] =	stream.linear.gather [hbm4b:s4+s3], $0x140, $0x38;
	[tilespmem:$0x14180] =	vst v63  }
0x75: {  	_ =	swait.ge [sflag:s11], $0x140  }
0x76: {  	[sflag:s11] =	ssyncset.done $0x0  }
0x77: {  	[sflag:s11] =	ssyncadd.s32 $0xFFFFFEC0  }
0x78: {  	v3 =	vld [tilespmem:$0x0];
	_ =	sdelay $0x4  }
0x79: {  	v4 =	vshll.u32 v3, $0x2  }
0x7a: {  	v3 =	vand.u32 $0x7, v3;
	v4 =	vand.u32 $0xFFFFFFE0, v4  }
0x7b: {  	v3 =	vor.u32 v3, v4  }
0x7c: {  	v4 =	vperm.xlane v3, v0;
	_ =	sdelay $0x1  }
0x7d: {  	v4 =	vadd.s32 v1, v4;
	_ =	sdelay $0x1  }
0x7e: {  	v3 =	vperm.xlane v3, v2;
	_ =	sdelay $0x1  }
0x7f: {  	v3 =	vadd.s32 v1, v3  }
0x80: {  	[tilespmem:s6], [sflag:$0x1] =	stream.indirect_vreg.gather [hbm4b:s1+s3], $0x80, v4, vm0, $0xb8;
	[tilespmem:$0x14180] =	vst v63  }
0x81: {  	s15 =	simm.s32 $0x980  }
0x82: {  	[tilespmem:s15], [sflag:$0x1] =	stream.indirect_vreg.gather [hbm4b:s5+s3], $0x80, v4, vm0, $0xb8;
	[tilespmem:$0x14180] =	vst v63  }
0x83: {  	s16 =	simm.s32 $0x1180  }
0x84: {  	[tilespmem:s16], [sflag:$0x1] =	stream.indirect_vreg.gather [hbm4b:s1+s3], $0x80, v3, vm0, $0xb8;
	[tilespmem:$0x14180] =	vst v63  }
0x85: {  	s17 =	simm.s32 $0x1980  }
0x86: {  	[tilespmem:s17], [sflag:$0x1] =	stream.indirect_vreg.gather [hbm4b:s5+s3], $0x80, v3, vm0, $0xb8;
	[tilespmem:$0x14180] =	vst v63  }
0x87: {  	v3 =	vld [tilespmem:$0x10];
	_ =	sdelay $0x4  }
0x88: {  	v45 =	vshll.u32 v3, $0x2  }
0x89: {  	v3 =	vand.u32 $0x7, v3;
	v4 =	vand.u32 $0xFFFFFFE0, v45  }
0x8a: {  	v3 =	vor.u32 v3, v4  }
0x8b: {  	v4 =	vperm.xlane v3, v0;
	_ =	sdelay $0x1  }
0x8c: {  	v4 =	vadd.s32 v1, v4;
	_ =	sdelay $0x1  }
0x8d: {  	v3 =	vperm.xlane v3, v2;
	_ =	sdelay $0x1  }
0x8e: {  	s18 =	simm.s32 $0x2180;
	v3 =	vadd.s32 v1, v3  }
0x8f: {  	[tilespmem:s18], [sflag:$0x1] =	stream.indirect_vreg.gather [hbm4b:s1+s3], $0x80, v4, vm0, $0xb8;
	[tilespmem:$0x14180] =	vst v63  }
0x90: {  	s19 =	simm.s32 $0x2980  }
0x91: {  	[tilespmem:s19], [sflag:$0x1] =	stream.indirect_vreg.gather [hbm4b:s5+s3], $0x80, v4, vm0, $0xb8;
	[tilespmem:$0x14180] =	vst v63  }
0x92: {  	s20 =	simm.s32 $0x3180  }
0x93: {  	[tilespmem:s20], [sflag:$0x1] =	stream.indirect_vreg.gather [hbm4b:s1+s3], $0x80, v3, vm0, $0xb8;
	[tilespmem:$0x14180] =	vst v63  }
0x94: {  	s21 =	simm.s32 $0x3980  }
0x95: {  	[tilespmem:s21], [sflag:$0x1] =	stream.indirect_vreg.gather [hbm4b:s5+s3], $0x80, v3, vm0, $0xb8;
	[tilespmem:$0x14180] =	vst v63  }
0x96: {  	v3 =	vld [tilespmem:$0x20];
	_ =	sdelay $0x4  }
0x97: {  	v46 =	vshll.u32 v3, $0x2  }
0x98: {  	v3 =	vand.u32 $0x7, v3;
	v4 =	vand.u32 $0xFFFFFFE0, v46  }
0x99: {  	v3 =	vor.u32 v3, v4  }
0x9a: {  	v4 =	vperm.xlane v3, v0;
	_ =	sdelay $0x1  }
0x9b: {  	v4 =	vadd.s32 v1, v4;
	_ =	sdelay $0x1  }
0x9c: {  	v3 =	vperm.xlane v3, v2;
	_ =	sdelay $0x1  }
0x9d: {  	s22 =	simm.s32 $0x4180;
	v3 =	vadd.s32 v1, v3  }
0x9e: {  	[tilespmem:s22], [sflag:$0x1] =	stream.indirect_vreg.gather [hbm4b:s1+s3], $0x80, v4, vm0, $0xb8;
	[tilespmem:$0x14180] =	vst v63  }
0x9f: {  	s23 =	simm.s32 $0x4980  }
0xa0: {  	[tilespmem:s23], [sflag:$0x1] =	stream.indirect_vreg.gather [hbm4b:s5+s3], $0x80, v4, vm0, $0xb8;
	[tilespmem:$0x14180] =	vst v63  }
0xa1: {  	s24 =	simm.s32 $0x5180  }
0xa2: {  	[tilespmem:s24], [sflag:$0x1] =	stream.indirect_vreg.gather [hbm4b:s1+s3], $0x80, v3, vm0, $0xb8;
	[tilespmem:$0x14180] =	vst v63  }
0xa3: {  	s25 =	simm.s32 $0x5980  }
0xa4: {  	[tilespmem:s25], [sflag:$0x1] =	stream.indirect_vreg.gather [hbm4b:s5+s3], $0x80, v3, vm0, $0xb8;
	[tilespmem:$0x14180] =	vst v63  }
0xa5: {  	v3 =	vld [tilespmem:$0x30];
	_ =	sdelay $0x4  }
0xa6: {  	v47 =	vshll.u32 v3, $0x2  }
0xa7: {  	v3 =	vand.u32 $0x7, v3;
	v4 =	vand.u32 $0xFFFFFFE0, v47  }
0xa8: {  	v3 =	vor.u32 v3, v4  }
0xa9: {  	v4 =	vperm.xlane v3, v0;
	_ =	sdelay $0x1  }
0xaa: {  	v4 =	vadd.s32 v1, v4;
	_ =	sdelay $0x1  }
0xab: {  	v3 =	vperm.xlane v3, v2;
	_ =	sdelay $0x1  }
0xac: {  	s26 =	simm.s32 $0x6180;
	v3 =	vadd.s32 v1, v3  }
0xad: {  	[tilespmem:s26], [sflag:$0x1] =	stream.indirect_vreg.gather [hbm4b:s1+s3], $0x80, v4, vm0, $0xb8;
	[tilespmem:$0x14180] =	vst v63  }
0xae: {  	s28 =	simm.s32 $0x6980  }
0xaf: {  	[tilespmem:s28], [sflag:$0x1] =	stream.indirect_vreg.gather [hbm4b:s5+s3], $0x80, v4, vm0, $0xb8;
	[tilespmem:$0x14180] =	vst v63  }
0xb0: {  	s29 =	simm.s32 $0x7180  }
0xb1: {  	[tilespmem:s29], [sflag:$0x1] =	stream.indirect_vreg.gather [hbm4b:s1+s3], $0x80, v3, vm0, $0xb8;
	[tilespmem:$0x14180] =	vst v63  }
0xb2: {  	s30 =	simm.s32 $0x7980  }
0xb3: {  	[tilespmem:s30], [sflag:$0x1] =	stream.indirect_vreg.gather [hbm4b:s5+s3], $0x80, v3, vm0, $0xb8;
	[tilespmem:$0x14180] =	vst v63  }
0xb4: {  	v3 =	vld [tilespmem:$0x40];
	_ =	sdelay $0x4  }
0xb5: {  	v48 =	vshll.u32 v3, $0x2  }
0xb6: {  	v3 =	vand.u32 $0x7, v3;
	v4 =	vand.u32 $0xFFFFFFE0, v48  }
0xb7: {  	v3 =	vor.u32 v3, v4  }
0xb8: {  	v4 =	vperm.xlane v3, v0;
	_ =	sdelay $0x1  }
0xb9: {  	v4 =	vadd.s32 v1, v4;
	_ =	sdelay $0x1  }
0xba: {  	v3 =	vperm.xlane v3, v2;
	_ =	sdelay $0x1  }
0xbb: {  	s31 =	simm.s32 $0x8180;
	v3 =	vadd.s32 v1, v3  }
0xbc: {  	[tilespmem:s31], [sflag:$0x1] =	stream.indirect_vreg.gather [hbm4b:s1+s3], $0x80, v4, vm0, $0xb8;
	[tilespmem:$0x14180] =	vst v63  }
0xbd: {  	s2 =	simm.s32 $0x8980  }
0xbe: {  	[tilespmem:s2], [sflag:$0x1] =	stream.indirect_vreg.gather [hbm4b:s5+s3], $0x80, v4, vm0, $0xb8;
	[tilespmem:$0x14180] =	vst v63  }
0xbf: {  	s12 =	simm.s32 $0x9180  }
0xc0: {  	[tilespmem:s12], [sflag:$0x1] =	stream.indirect_vreg.gather [hbm4b:s1+s3], $0x80, v3, vm0, $0xb8;
	[tilespmem:$0x14180] =	vst v63  }
0xc1: {  	s14 =	simm.s32 $0x9980  }
0xc2: {  	[tilespmem:s14], [sflag:$0x1] =	stream.indirect_vreg.gather [hbm4b:s5+s3], $0x80, v3, vm0, $0xb8;
	[tilespmem:$0x14180] =	vst v63  }
0xc3: {  	v3 =	vld [tilespmem:$0x50];
	_ =	sdelay $0x4  }
0xc4: {  	v49 =	vshll.u32 v3, $0x2  }
0xc5: {  	v3 =	vand.u32 $0x7, v3;
	v4 =	vand.u32 $0xFFFFFFE0, v49  }
0xc6: {  	v3 =	vor.u32 v3, v4  }
0xc7: {  	v4 =	vperm.xlane v3, v0;
	_ =	sdelay $0x1  }
0xc8: {  	v4 =	vadd.s32 v1, v4;
	_ =	sdelay $0x1  }
0xc9: {  	v3 =	vperm.xlane v3, v2;
	_ =	sdelay $0x1  }
0xca: {  	s6 =	simm.s32 $0xA180;
	v3 =	vadd.s32 v1, v3  }
0xcb: {  	[tilespmem:s6], [sflag:$0x1] =	stream.indirect_vreg.gather [hbm4b:s1+s3], $0x80, v4, vm0, $0xb8;
	[tilespmem:$0x14180] =	vst v63  }
0xcc: {  	_ = 	snop  }
0xcd: {  	[tilespmem:s7], [sflag:$0x1] =	stream.indirect_vreg.gather [hbm4b:s5+s3], $0x80, v4, vm0, $0xb8;
	[tilespmem:$0x14180] =	vst v63  }
0xce: {  	_ = 	snop  }
0xcf: {  	[tilespmem:s8], [sflag:$0x1] =	stream.indirect_vreg.gather [hbm4b:s1+s3], $0x80, v3, vm0, $0xb8;
	[tilespmem:$0x14180] =	vst v63  }
0xd0: {  	_ = 	snop  }
0xd1: {  	[tilespmem:s9], [sflag:$0x1] =	stream.indirect_vreg.gather [hbm4b:s5+s3], $0x80, v3, vm0, $0xb8;
	[tilespmem:$0x14180] =	vst v63  }
0xd2: {  	v3 =	vld [tilespmem:$0x60];
	_ =	sdelay $0x4  }
0xd3: {  	v50 =	vshll.u32 v3, $0x2  }
0xd4: {  	v3 =	vand.u32 $0x7, v3;
	v4 =	vand.u32 $0xFFFFFFE0, v50  }
0xd5: {  	v3 =	vor.u32 v3, v4  }
0xd6: {  	v4 =	vperm.xlane v3, v0;
	_ =	sdelay $0x1  }
0xd7: {  	v4 =	vadd.s32 v1, v4;
	_ =	sdelay $0x1  }
0xd8: {  	v3 =	vperm.xlane v3, v2;
	_ =	sdelay $0x1  }
0xd9: {  	v3 =	vadd.s32 v1, v3  }
0xda: {  	[tilespmem:s13], [sflag:$0x1] =	stream.indirect_vreg.gather [hbm4b:s1+s3], $0x80, v4, vm0, $0xb8;
	[tilespmem:$0x14180] =	vst v63  }
0xdb: {  	s4 =	simm.s32 $0xC980  }
0xdc: {  	[tilespmem:s4], [sflag:$0x1] =	stream.indirect_vreg.gather [hbm4b:s5+s3], $0x80, v4, vm0, $0xb8;
	[tilespmem:$0x14180] =	vst v63  }
0xdd: {  	s4 =	simm.s32 $0xD180  }
0xde: {  	[tilespmem:s4], [sflag:$0x1] =	stream.indirect_vreg.gather [hbm4b:s1+s3], $0x80, v3, vm0, $0xb8;
	[tilespmem:$0x14180] =	vst v63  }
0xdf: {  	s4 =	simm.s32 $0xD980  }
0xe0: {  	[tilespmem:s4], [sflag:$0x1] =	stream.indirect_vreg.gather [hbm4b:s5+s3], $0x80, v3, vm0, $0xb8;
	[tilespmem:$0x14180] =	vst v63  }
0xe1: {  	v3 =	vld [tilespmem:$0x70];
	_ =	sdelay $0x4  }
0xe2: {  	v51 =	vshll.u32 v3, $0x2  }
0xe3: {  	v3 =	vand.u32 $0x7, v3;
	v4 =	vand.u32 $0xFFFFFFE0, v51  }
0xe4: {  	v3 =	vor.u32 v3, v4  }
0xe5: {  	v4 =	vperm.xlane v3, v0;
	_ =	sdelay $0x1  }
0xe6: {  	v4 =	vadd.s32 v1, v4;
	_ =	sdelay $0x1  }
0xe7: {  	v3 =	vperm.xlane v3, v2;
	_ =	sdelay $0x1  }
0xe8: {  	s4 =	simm.s32 $0xE180;
	v3 =	vadd.s32 v1, v3  }
0xe9: {  	[tilespmem:s4], [sflag:$0x1] =	stream.indirect_vreg.gather [hbm4b:s1+s3], $0x80, v4, vm0, $0xb8;
	[tilespmem:$0x14180] =	vst v63  }
0xea: {  	s4 =	simm.s32 $0xE980  }
0xeb: {  	[tilespmem:s4], [sflag:$0x1] =	stream.indirect_vreg.gather [hbm4b:s5+s3], $0x80, v4, vm0, $0xb8;
	[tilespmem:$0x14180] =	vst v63  }
0xec: {  	s4 =	simm.s32 $0xF180  }
0xed: {  	[tilespmem:s4], [sflag:$0x1] =	stream.indirect_vreg.gather [hbm4b:s1+s3], $0x80, v3, vm0, $0xb8;
	[tilespmem:$0x14180] =	vst v63  }
0xee: {  	s4 =	simm.s32 $0xF980  }
0xef: {  	[tilespmem:s4], [sflag:$0x1] =	stream.indirect_vreg.gather [hbm4b:s5+s3], $0x80, v3, vm0, $0xb8;
	[tilespmem:$0x14180] =	vst v63  }
0xf0: {  	v3 =	vld [tilespmem:$0x80];
	_ =	sdelay $0x4  }
0xf1: {  	v52 =	vshll.u32 v3, $0x2  }
0xf2: {  	v3 =	vand.u32 $0x7, v3;
	v4 =	vand.u32 $0xFFFFFFE0, v52  }
0xf3: {  	v3 =	vor.u32 v3, v4  }
0xf4: {  	v4 =	vperm.xlane v3, v0;
	_ =	sdelay $0x1  }
0xf5: {  	v4 =	vadd.s32 v1, v4;
	_ =	sdelay $0x1  }
0xf6: {  	v3 =	vperm.xlane v3, v2;
	_ =	sdelay $0x1  }
0xf7: {  	s4 =	simm.s32 $0x10180;
	v3 =	vadd.s32 v1, v3  }
0xf8: {  	[tilespmem:s4], [sflag:$0x1] =	stream.indirect_vreg.gather [hbm4b:s1+s3], $0x80, v4, vm0, $0xb8;
	[tilespmem:$0x14180] =	vst v63  }
0xf9: {  	s4 =	simm.s32 $0x10980  }
0xfa: {  	[tilespmem:s4], [sflag:$0x1] =	stream.indirect_vreg.gather [hbm4b:s5+s3], $0x80, v4, vm0, $0xb8;
	[tilespmem:$0x14180] =	vst v63  }
0xfb: {  	s4 =	simm.s32 $0x11180  }
0xfc: {  	[tilespmem:s4], [sflag:$0x1] =	stream.indirect_vreg.gather [hbm4b:s1+s3], $0x80, v3, vm0, $0xb8;
	[tilespmem:$0x14180] =	vst v63  }
0xfd: {  	s4 =	simm.s32 $0x11980  }
0xfe: {  	[tilespmem:s4], [sflag:$0x1] =	stream.indirect_vreg.gather [hbm4b:s5+s3], $0x80, v3, vm0, $0xb8;
	[tilespmem:$0x14180] =	vst v63  }
0xff: {  	v3 =	vld [tilespmem:$0x90];
	_ =	sdelay $0x4  }
0x100: {  	v53 =	vshll.u32 v3, $0x2  }
0x101: {  	v3 =	vand.u32 $0x7, v3;
	v4 =	vand.u32 $0xFFFFFFE0, v53  }
0x102: {  	v3 =	vor.u32 v3, v4  }
0x103: {  	v4 =	vperm.xlane v3, v0;
	_ =	sdelay $0x1  }
0x104: {  	v4 =	vadd.s32 v1, v4;
	_ =	sdelay $0x1  }
0x105: {  	v3 =	vperm.xlane v3, v2;
	_ =	sdelay $0x1  }
0x106: {  	s4 =	simm.s32 $0x12180;
	v3 =	vadd.s32 v1, v3  }
0x107: {  	[tilespmem:s4], [sflag:$0x1] =	stream.indirect_vreg.gather [hbm4b:s1+s3], $0x80, v4, vm0, $0xb8;
	[tilespmem:$0x14180] =	vst v63  }
0x108: {  	s4 =	simm.s32 $0x12980  }
0x109: {  	[tilespmem:s4], [sflag:$0x1] =	stream.indirect_vreg.gather [hbm4b:s5+s3], $0x80, v4, vm0, $0xb8;
	[tilespmem:$0x14180] =	vst v63  }
0x10a: {  	s4 =	simm.s32 $0x13180  }
0x10b: {  	[tilespmem:s4], [sflag:$0x1] =	stream.indirect_vreg.gather [hbm4b:s1+s3], $0x80, v3, vm0, $0xb8;
	[tilespmem:$0x14180] =	vst v63  }
0x10c: {  	s4 =	simm.s32 $0x13980  }
0x10d: {  	[tilespmem:s4], [sflag:$0x1] =	stream.indirect_vreg.gather [hbm4b:s5+s3], $0x80, v3, vm0, $0xb8;
	[tilespmem:$0x14180] =	vst v63  }
0x10e: {  	_ =	swait.ge [sflag:s0], $0x14000  }
0x10f: {  	[sflag:s0] =	ssyncset.done $0x0  }
0x110: {  	s14 =	simm.s32 $0x180;
	s4 =	rddreg [dreg:$0x5];
	[sflag:s0] =	ssyncadd.s32 $0xFFFEC000  }
0x111: {  	[hbm4b:s4+s3] =	stream.linear.scatter [tilespmem:s14], [sflag:$0x2], $0x14000, $0x38;
	[tilespmem:$0x14180] =	vst v63  }
0x112: {  	_ =	swait.ge [sflag:s11], $0x14000  }
0x113: {  	[sflag:s11] =	ssyncset.done $0x0  }
0x114: {  	[sflag:s11] =	ssyncadd.s32 $0xFFFEC000  }
0x115: {  	v3 =	vld [tilespmem:$0xA0];
	_ =	sdelay $0x4  }
0x116: {  	v54 =	vshll.u32 v3, $0x2  }
0x117: {  	v3 =	vand.u32 $0x7, v3;
	v4 =	vand.u32 $0xFFFFFFE0, v54  }
0x118: {  	v3 =	vor.u32 v3, v4  }
0x119: {  	v4 =	vperm.xlane v3, v0;
	_ =	sdelay $0x1  }
0x11a: {  	v4 =	vadd.s32 v1, v4;
	_ =	sdelay $0x1  }
0x11b: {  	v3 =	vperm.xlane v3, v2;
	_ =	sdelay $0x1  }
0x11c: {  	v3 =	vadd.s32 v1, v3  }
0x11d: {  	[tilespmem:s14], [sflag:$0x1] =	stream.indirect_vreg.gather [hbm4b:s1+s3], $0x80, v4, vm0, $0xb8;
	[tilespmem:$0x14180] =	vst v63  }
0x11e: {  	_ = 	snop  }
0x11f: {  	[tilespmem:s15], [sflag:$0x1] =	stream.indirect_vreg.gather [hbm4b:s5+s3], $0x80, v4, vm0, $0xb8;
	[tilespmem:$0x14180] =	vst v63  }
0x120: {  	_ = 	snop  }
0x121: {  	[tilespmem:s16], [sflag:$0x1] =	stream.indirect_vreg.gather [hbm4b:s1+s3], $0x80, v3, vm0, $0xb8;
	[tilespmem:$0x14180] =	vst v63  }
0x122: {  	_ = 	snop  }
0x123: {  	[tilespmem:s17], [sflag:$0x1] =	stream.indirect_vreg.gather [hbm4b:s5+s3], $0x80, v3, vm0, $0xb8;
	[tilespmem:$0x14180] =	vst v63  }
0x124: {  	v3 =	vld [tilespmem:$0xB0];
	_ =	sdelay $0x4  }
0x125: {  	v55 =	vshll.u32 v3, $0x2  }
0x126: {  	v3 =	vand.u32 $0x7, v3;
	v4 =	vand.u32 $0xFFFFFFE0, v55  }
0x127: {  	v3 =	vor.u32 v3, v4  }
0x128: {  	v4 =	vperm.xlane v3, v0;
	_ =	sdelay $0x1  }
0x129: {  	v4 =	vadd.s32 v1, v4;
	_ =	sdelay $0x1  }
0x12a: {  	v3 =	vperm.xlane v3, v2;
	_ =	sdelay $0x1  }
0x12b: {  	v3 =	vadd.s32 v1, v3  }
0x12c: {  	[tilespmem:s18], [sflag:$0x1] =	stream.indirect_vreg.gather [hbm4b:s1+s3], $0x80, v4, vm0, $0xb8;
	[tilespmem:$0x14180] =	vst v63  }
0x12d: {  	_ = 	snop  }
0x12e: {  	[tilespmem:s19], [sflag:$0x1] =	stream.indirect_vreg.gather [hbm4b:s5+s3], $0x80, v4, vm0, $0xb8;
	[tilespmem:$0x14180] =	vst v63  }
0x12f: {  	_ = 	snop  }
0x130: {  	[tilespmem:s20], [sflag:$0x1] =	stream.indirect_vreg.gather [hbm4b:s1+s3], $0x80, v3, vm0, $0xb8;
	[tilespmem:$0x14180] =	vst v63  }
0x131: {  	_ = 	snop  }
0x132: {  	[tilespmem:s21], [sflag:$0x1] =	stream.indirect_vreg.gather [hbm4b:s5+s3], $0x80, v3, vm0, $0xb8;
	[tilespmem:$0x14180] =	vst v63  }
0x133: {  	v3 =	vld [tilespmem:$0xC0];
	_ =	sdelay $0x4  }
0x134: {  	v56 =	vshll.u32 v3, $0x2  }
0x135: {  	v3 =	vand.u32 $0x7, v3;
	v4 =	vand.u32 $0xFFFFFFE0, v56  }
0x136: {  	v3 =	vor.u32 v3, v4  }
0x137: {  	v4 =	vperm.xlane v3, v0;
	_ =	sdelay $0x1  }
0x138: {  	v4 =	vadd.s32 v1, v4;
	_ =	sdelay $0x1  }
0x139: {  	v3 =	vperm.xlane v3, v2;
	_ =	sdelay $0x1  }
0x13a: {  	v3 =	vadd.s32 v1, v3  }
0x13b: {  	[tilespmem:s22], [sflag:$0x1] =	stream.indirect_vreg.gather [hbm4b:s1+s3], $0x80, v4, vm0, $0xb8;
	[tilespmem:$0x14180] =	vst v63  }
0x13c: {  	_ = 	snop  }
0x13d: {  	[tilespmem:s23], [sflag:$0x1] =	stream.indirect_vreg.gather [hbm4b:s5+s3], $0x80, v4, vm0, $0xb8;
	[tilespmem:$0x14180] =	vst v63  }
0x13e: {  	_ = 	snop  }
0x13f: {  	[tilespmem:s24], [sflag:$0x1] =	stream.indirect_vreg.gather [hbm4b:s1+s3], $0x80, v3, vm0, $0xb8;
	[tilespmem:$0x14180] =	vst v63  }
0x140: {  	_ = 	snop  }
0x141: {  	[tilespmem:s25], [sflag:$0x1] =	stream.indirect_vreg.gather [hbm4b:s5+s3], $0x80, v3, vm0, $0xb8;
	[tilespmem:$0x14180] =	vst v63  }
0x142: {  	v3 =	vld [tilespmem:$0xD0];
	_ =	sdelay $0x4  }
0x143: {  	v57 =	vshll.u32 v3, $0x2  }
0x144: {  	v3 =	vand.u32 $0x7, v3;
	v4 =	vand.u32 $0xFFFFFFE0, v57  }
0x145: {  	v3 =	vor.u32 v3, v4  }
0x146: {  	v4 =	vperm.xlane v3, v0;
	_ =	sdelay $0x1  }
0x147: {  	v4 =	vadd.s32 v1, v4;
	_ =	sdelay $0x1  }
0x148: {  	v3 =	vperm.xlane v3, v2;
	_ =	sdelay $0x1  }
0x149: {  	v3 =	vadd.s32 v1, v3  }
0x14a: {  	[tilespmem:s26], [sflag:$0x1] =	stream.indirect_vreg.gather [hbm4b:s1+s3], $0x80, v4, vm0, $0xb8;
	[tilespmem:$0x14180] =	vst v63  }
0x14b: {  	_ = 	snop  }
0x14c: {  	[tilespmem:s28], [sflag:$0x1] =	stream.indirect_vreg.gather [hbm4b:s5+s3], $0x80, v4, vm0, $0xb8;
	[tilespmem:$0x14180] =	vst v63  }
0x14d: {  	_ = 	snop  }
0x14e: {  	[tilespmem:s29], [sflag:$0x1] =	stream.indirect_vreg.gather [hbm4b:s1+s3], $0x80, v3, vm0, $0xb8;
	[tilespmem:$0x14180] =	vst v63  }
0x14f: {  	_ = 	snop  }
0x150: {  	[tilespmem:s30], [sflag:$0x1] =	stream.indirect_vreg.gather [hbm4b:s5+s3], $0x80, v3, vm0, $0xb8;
	[tilespmem:$0x14180] =	vst v63  }
0x151: {  	v3 =	vld [tilespmem:$0xE0];
	_ =	sdelay $0x4  }
0x152: {  	v58 =	vshll.u32 v3, $0x2  }
0x153: {  	v3 =	vand.u32 $0x7, v3;
	v4 =	vand.u32 $0xFFFFFFE0, v58  }
0x154: {  	v3 =	vor.u32 v3, v4  }
0x155: {  	v4 =	vperm.xlane v3, v0;
	_ =	sdelay $0x1  }
0x156: {  	v4 =	vadd.s32 v1, v4;
	_ =	sdelay $0x1  }
0x157: {  	v3 =	vperm.xlane v3, v2;
	_ =	sdelay $0x1  }
0x158: {  	v3 =	vadd.s32 v1, v3  }
0x159: {  	[tilespmem:s31], [sflag:$0x1] =	stream.indirect_vreg.gather [hbm4b:s1+s3], $0x80, v4, vm0, $0xb8;
	[tilespmem:$0x14180] =	vst v63  }
0x15a: {  	_ = 	snop  }
0x15b: {  	[tilespmem:s2], [sflag:$0x1] =	stream.indirect_vreg.gather [hbm4b:s5+s3], $0x80, v4, vm0, $0xb8;
	[tilespmem:$0x14180] =	vst v63  }
0x15c: {  	_ = 	snop  }
0x15d: {  	[tilespmem:s12], [sflag:$0x1] =	stream.indirect_vreg.gather [hbm4b:s1+s3], $0x80, v3, vm0, $0xb8;
	[tilespmem:$0x14180] =	vst v63  }
0x15e: {  	s4 =	simm.s32 $0x9980  }
0x15f: {  	[tilespmem:s4], [sflag:$0x1] =	stream.indirect_vreg.gather [hbm4b:s5+s3], $0x80, v3, vm0, $0xb8;
	[tilespmem:$0x14180] =	vst v63  }
0x160: {  	v3 =	vld [tilespmem:$0xF0];
	_ =	sdelay $0x4  }
0x161: {  	v59 =	vshll.u32 v3, $0x2  }
0x162: {  	v3 =	vand.u32 $0x7, v3;
	v4 =	vand.u32 $0xFFFFFFE0, v59  }
0x163: {  	v3 =	vor.u32 v3, v4  }
0x164: {  	v4 =	vperm.xlane v3, v0;
	_ =	sdelay $0x1  }
0x165: {  	v4 =	vadd.s32 v1, v4;
	_ =	sdelay $0x1  }
0x166: {  	v3 =	vperm.xlane v3, v2;
	_ =	sdelay $0x1  }
0x167: {  	v3 =	vadd.s32 v1, v3  }
0x168: {  	[tilespmem:s6], [sflag:$0x1] =	stream.indirect_vreg.gather [hbm4b:s1+s3], $0x80, v4, vm0, $0xb8;
	[tilespmem:$0x14180] =	vst v63  }
0x169: {  	_ = 	snop  }
0x16a: {  	[tilespmem:s7], [sflag:$0x1] =	stream.indirect_vreg.gather [hbm4b:s5+s3], $0x80, v4, vm0, $0xb8;
	[tilespmem:$0x14180] =	vst v63  }
0x16b: {  	_ = 	snop  }
0x16c: {  	[tilespmem:s8], [sflag:$0x1] =	stream.indirect_vreg.gather [hbm4b:s1+s3], $0x80, v3, vm0, $0xb8;
	[tilespmem:$0x14180] =	vst v63  }
0x16d: {  	_ = 	snop  }
0x16e: {  	[tilespmem:s9], [sflag:$0x1] =	stream.indirect_vreg.gather [hbm4b:s5+s3], $0x80, v3, vm0, $0xb8;
	[tilespmem:$0x14180] =	vst v63  }
0x16f: {  	v3 =	vld [tilespmem:$0x100];
	_ =	sdelay $0x4  }
0x170: {  	v60 =	vshll.u32 v3, $0x2  }
0x171: {  	v3 =	vand.u32 $0x7, v3;
	v4 =	vand.u32 $0xFFFFFFE0, v60  }
0x172: {  	v3 =	vor.u32 v3, v4  }
0x173: {  	v4 =	vperm.xlane v3, v0;
	_ =	sdelay $0x1  }
0x174: {  	v4 =	vadd.s32 v1, v4;
	_ =	sdelay $0x1  }
0x175: {  	v3 =	vperm.xlane v3, v2;
	_ =	sdelay $0x1  }
0x176: {  	v3 =	vadd.s32 v1, v3  }
0x177: {  	[tilespmem:s13], [sflag:$0x1] =	stream.indirect_vreg.gather [hbm4b:s1+s3], $0x80, v4, vm0, $0xb8;
	[tilespmem:$0x14180] =	vst v63  }
0x178: {  	s4 =	simm.s32 $0xC980  }
0x179: {  	[tilespmem:s4], [sflag:$0x1] =	stream.indirect_vreg.gather [hbm4b:s5+s3], $0x80, v4, vm0, $0xb8;
	[tilespmem:$0x14180] =	vst v63  }
0x17a: {  	s4 =	simm.s32 $0xD180  }
0x17b: {  	[tilespmem:s4], [sflag:$0x1] =	stream.indirect_vreg.gather [hbm4b:s1+s3], $0x80, v3, vm0, $0xb8;
	[tilespmem:$0x14180] =	vst v63  }
0x17c: {  	s4 =	simm.s32 $0xD980  }
0x17d: {  	[tilespmem:s4], [sflag:$0x1] =	stream.indirect_vreg.gather [hbm4b:s5+s3], $0x80, v3, vm0, $0xb8;
	[tilespmem:$0x14180] =	vst v63  }
0x17e: {  	v3 =	vld [tilespmem:$0x110];
	_ =	sdelay $0x4  }
0x17f: {  	v61 =	vshll.u32 v3, $0x2  }
0x180: {  	v3 =	vand.u32 $0x7, v3;
	v4 =	vand.u32 $0xFFFFFFE0, v61  }
0x181: {  	v3 =	vor.u32 v3, v4  }
0x182: {  	v4 =	vperm.xlane v3, v0;
	_ =	sdelay $0x1  }
0x183: {  	v4 =	vadd.s32 v1, v4;
	_ =	sdelay $0x1  }
0x184: {  	v3 =	vperm.xlane v3, v2;
	_ =	sdelay $0x1  }
0x185: {  	s4 =	simm.s32 $0xE180;
	v3 =	vadd.s32 v1, v3  }
0x186: {  	[tilespmem:s4], [sflag:$0x1] =	stream.indirect_vreg.gather [hbm4b:s1+s3], $0x80, v4, vm0, $0xb8;
	[tilespmem:$0x14180] =	vst v63  }
0x187: {  	s4 =	simm.s32 $0xE980  }
0x188: {  	[tilespmem:s4], [sflag:$0x1] =	stream.indirect_vreg.gather [hbm4b:s5+s3], $0x80, v4, vm0, $0xb8;
	[tilespmem:$0x14180] =	vst v63  }
0x189: {  	s4 =	simm.s32 $0xF180  }
0x18a: {  	[tilespmem:s4], [sflag:$0x1] =	stream.indirect_vreg.gather [hbm4b:s1+s3], $0x80, v3, vm0, $0xb8;
	[tilespmem:$0x14180] =	vst v63  }
0x18b: {  	s4 =	simm.s32 $0xF980  }
0x18c: {  	[tilespmem:s4], [sflag:$0x1] =	stream.indirect_vreg.gather [hbm4b:s5+s3], $0x80, v3, vm0, $0xb8;
	[tilespmem:$0x14180] =	vst v63  }
0x18d: {  	v3 =	vld [tilespmem:$0x120];
	_ =	sdelay $0x4  }
0x18e: {  	v62 =	vshll.u32 v3, $0x2  }
0x18f: {  	v3 =	vand.u32 $0x7, v3;
	v4 =	vand.u32 $0xFFFFFFE0, v62  }
0x190: {  	v3 =	vor.u32 v3, v4  }
0x191: {  	v4 =	vperm.xlane v3, v0;
	_ =	sdelay $0x1  }
0x192: {  	v4 =	vadd.s32 v1, v4;
	_ =	sdelay $0x1  }
0x193: {  	v3 =	vperm.xlane v3, v2;
	_ =	sdelay $0x1  }
0x194: {  	s4 =	simm.s32 $0x10180;
	v3 =	vadd.s32 v1, v3  }
0x195: {  	[tilespmem:s4], [sflag:$0x1] =	stream.indirect_vreg.gather [hbm4b:s1+s3], $0x80, v4, vm0, $0xb8;
	[tilespmem:$0x14180] =	vst v63  }
0x196: {  	s4 =	simm.s32 $0x10980  }
0x197: {  	[tilespmem:s4], [sflag:$0x1] =	stream.indirect_vreg.gather [hbm4b:s5+s3], $0x80, v4, vm0, $0xb8;
	[tilespmem:$0x14180] =	vst v63  }
0x198: {  	s4 =	simm.s32 $0x11180  }
0x199: {  	[tilespmem:s4], [sflag:$0x1] =	stream.indirect_vreg.gather [hbm4b:s1+s3], $0x80, v3, vm0, $0xb8;
	[tilespmem:$0x14180] =	vst v63  }
0x19a: {  	s4 =	simm.s32 $0x11980  }
0x19b: {  	[tilespmem:s4], [sflag:$0x1] =	stream.indirect_vreg.gather [hbm4b:s5+s3], $0x80, v3, vm0, $0xb8;
	[tilespmem:$0x14180] =	vst v63  }
0x19c: {  	v3 =	vld [tilespmem:$0x130];
	_ =	sdelay $0x4  }
0x19d: {  	v63 =	vshll.u32 v3, $0x2  }
0x19e: {  	v3 =	vand.u32 $0x7, v3;
	v4 =	vand.u32 $0xFFFFFFE0, v63  }
0x19f: {  	v3 =	vor.u32 v3, v4  }
0x1a0: {  	v4 =	vperm.xlane v3, v0;
	_ =	sdelay $0x1  }
0x1a1: {  	v4 =	vadd.s32 v1, v4;
	_ =	sdelay $0x1  }
0x1a2: {  	v3 =	vperm.xlane v3, v2  }
0x1a3: {  	s14 =	simm.s32 $0x980;
	s15 =	simm.s32 $0x1180  }
0x1a4: {  	s16 =	simm.s32 $0x1980;
	s17 =	simm.s32 $0x2180;
	s4 =	simm.s32 $0x12180;
	v3 =	vadd.s32 v1, v3  }
0x1a5: {  	[tilespmem:s4], [sflag:$0x1] =	stream.indirect_vreg.gather [hbm4b:s1+s3], $0x80, v4, vm0, $0xb8;
	[tilespmem:$0x14180] =	vst v63  }
0x1a6: {  	s18 =	simm.s32 $0x2980;
	s19 =	simm.s32 $0x3180;
	s4 =	simm.s32 $0x12980  }
0x1a7: {  	[tilespmem:s4], [sflag:$0x1] =	stream.indirect_vreg.gather [hbm4b:s5+s3], $0x80, v4, vm0, $0xb8;
	[tilespmem:$0x14180] =	vst v63  }
0x1a8: {  	s20 =	simm.s32 $0x3980;
	s21 =	simm.s32 $0x4180;
	s4 =	simm.s32 $0x13180  }
0x1a9: {  	[tilespmem:s4], [sflag:$0x1] =	stream.indirect_vreg.gather [hbm4b:s1+s3], $0x80, v3, vm0, $0xb8;
	[tilespmem:$0x14180] =	vst v63  }
0x1aa: {  	s22 =	simm.s32 $0x4980;
	s23 =	simm.s32 $0x5180;
	s4 =	simm.s32 $0x13980  }
0x1ab: {  	[tilespmem:s4], [sflag:$0x1] =	stream.indirect_vreg.gather [hbm4b:s5+s3], $0x80, v3, vm0, $0xb8;
	[tilespmem:$0x14180] =	vst v63  }
0x1ac: {  	s24 =	simm.s32 $0x5980;
	s25 =	simm.s32 $0x6180;
	_ =	swait.ge [sflag:s0], $0x14000  }
0x1ad: {  	s26 =	simm.s32 $0x6980;
	s6 =	simm.s32 $0x180;
	[sflag:s0] =	ssyncset.done $0x0  }
.Ltmp3:
0x1ae: {  	s4 =	rddreg [dreg:$0x6];
	[sflag:s0] =	ssyncadd.s32 $0xFFFEC000;
	(pc) =	sbr.rel .LBB2_4-.Ltmp3, $4  }
0x1af: {  	[hbm4b:s4+s3] =	stream.linear.scatter [tilespmem:s6], [sflag:$0x2], $0x14000, $0x38;
	[tilespmem:$0x14180] =	vst v63  }
0x1b0: {  	s28 =	simm.s32 $0x7180;
	s29 =	simm.s32 $0x7980;
	_ =	swait.ge [sflag:s11], $0x14000  }
0x1b1: {  	s30 =	simm.s32 $0x8180;
	s31 =	simm.s32 $0x8980;
	[sflag:s11] =	ssyncset.done $0x0  }
0x1b2: {  	s2 =	simm.s32 $0x9180;
	s12 =	simm.s32 $0x9980;
	[sflag:s11] =	ssyncadd.s32 $0xFFFEC000  }
.LBB2_5:
0x1b3: {  	_ =	sfence.sel $0x180000  }
0x1b4: {  	[bflag:$0x0] =	sbarrier.arrive $0xFFFF  }
0x1b5: {  	_ =	strace $0x90000059  }
0x1b6: {  	s0 =	stileid.u32;
	[bflag:$0x2] =	sbarrier.arrive $0xFFFF  }
0x1b7: {  	p0 =	sne.s32 s0, $0x0;
	s0 =	rddreg [dreg:$0x3]  }
0x1b8: {  	s0 =	sadd.s32 @!p0 $0x100000, s0  }
0x1b9: {  	[sflag:s0] =	ssyncadd.tile.s32 @!p0 $0x1;
	_ =	shalt  }
.Lfunc_end2:
_tile_overlayer_lowered:
.L_overlay_start_2:
0x1ba: {  	(tag) =	ssettag $0x2  }
0x1bb: {  	s0 =	rddreg [dreg:$0x0];
	s2 =	stileid.u32  }
0x1bc: {  	s1 =	rddreg [dreg:$0x1];
	p0 =	sne.s32 s2, $0x0  }
0x1bd: {  	s3 =	rddreg [dreg:$0x2];
	[bflag:$0x3] =	sbarrier.arrive $0xFFFF;
	s2 =	simm.s32 @!p0 $0x1C02  }
0x1be: {  	[timem:s3], [sflag:s2] =	dma.local @!p0 [hbm:s0], s1  }
0x1bf: {  	s0 =	simm.s32 @!p0 $0x2  }
0x1c0: {  	_ =	swait.ge @!p0 [sflag:s0], s1  }
0x1c1: {  	s1 =	ssub.s32 @!p0 $0x0, s1;
	[sflag:s0] =	ssyncset.done @!p0 $0x0  }
0x1c2: {  	[sflag:s0] =	ssyncadd.s32 @!p0 s1  }
0x1c3: {  	[bflag:$0x3] =	sbarrier.arrive $0xFFFF  }
0x1c4: {  	_ =	shalt  }

// kernel: kernel.22.cloned.1.call-start
scs
__scs_entry_jumppad:
0x0: {  	(pc) =	sbr.rel $0x88, $3  }
0x1: {  	(tag) =	ssettag $0x0;
	lr =	simm.s32 $0x1  }
0x2: {  	[smem:$0x3F8A] =	sst lr;
	_ =	strace $0xD0000000  }
0x3: {  	_ = 	snop  }
0x4: {  	_ = 	snop  }
0x5: {  	_ = 	snop  }
0x6: {  	_ = 	snop  }
0x7: {  	_ = 	snop  }
__scs_overlays_trampoline_lowered:
0x8: {  	[smem:$0x3F99] =	sst s0  }
0x9: {  	[smem:$0x3F9A] =	sst s1  }
0xa: {  	[smem:$0x3F9B] =	sst s2  }
0xb: {  	[smem:$0x3F9C] =	sst s3  }
0xc: {  	[smem:$0x3F9D] =	sst s4  }
0xd: {  	[smem:$0x3F9E] =	sst s5  }
0xe: {  	[smem:$0x3F9F] =	sst s6  }
0xf: {  	[smem:$0x3FA0] =	sst s7  }
0x10: {  	[smem:$0x3FA1] =	sst s8  }
0x11: {  	[smem:$0x3FA2] =	sst s9;
	s0 =	simm.s32 @!p0 $0x0  }
0x12: {  	s1 =	sld [smem:$0x3F88];
	s0 =	simm.s32 @p0 $0x1  }
0x13: {  	[smem:$0x3FA3] =	sst s0;
	s0 =	simm.s32 @!p1 $0x0  }
0x14: {  	s2 =	sld [smem:$0x3F87];
	s0 =	simm.s32 @p1 $0x1  }
0x15: {  	[smem:$0x3FA4] =	sst s0;
	s0 =	simm.s32 @!p2 $0x0  }
0x16: {  	s3 =	sld [smem:$0x3FDB];
	s0 =	simm.s32 @p2 $0x1  }
0x17: {  	s4 =	simm.s32 $0x1BF5;
	[smem:$0x3FA6] =	sst s0  }
0x18: {  	s0 =	sld [smem:$0x3F89];
	_ =	swait.ge [sflag:s4], $0x0  }
0x19: {  	s7 =	sld [smem:$0x3F8A]  }
0x1a: {  	s8 =	sadd.s32 $0xFFFFE003, lr  }
0x1b: {  	s9 =	sadd.s32 $0xFFFFFEF7, lr;
	s5 =	simm.s32 $0xFFFFFFFF;
	p2 =	slt.u32 s8, $0xFFFFF086  }
0x1c: {  	p1 =	slt.u32 s9, $0xF7A;
	s5 =	simm.s32 @!p2 $0x0  }
0x1d: {  	s5 =	simm.s32 @p1 $0x1;
	p0 =	seq.s32 s7, s2  }
0x1e: {  	s7 =	smul.u32 @!p0 $0xF7A, s2;
	p2 =	seq.s32 @!p0 s5, $0x0  }
0x1f: {  	s9 =	smul.u32 $0xF7A, s1;
	s8 =	simm.s32 @!p0 $0x1BF5;
	p2 =	por !p2, p0  }
0x20: {  	[sflag:s8] =	ssyncset.s32 @!p0 $0xFFFFF086;
	s6 =	sadd.s32 @!p0 s3, s7;
	s7 =	simm.s32 @!p0 $0x108  }
0x21: {  	s3 =	sadd.s32 s3, s9;
	s6 =	sadd.s32 @!p0 $0x88, s6;
	s7 =	simm.s32 @p2 $0x1082  }
0x22: {  	[simem:s7], [sflag:s8] =	dma.local @!p0 [hbm:s6], $0xF7A  }
0x23: {  	s9 =	sor.u32 $0xD0000000, s2;
	s6 =	simm.s32 $0x108;
	_ =	swait.ge @!p0 [sflag:s8], $0x0  }
0x24: {  	s3 =	sadd.s32 $0x88, s3;
	s6 =	simm.s32 @!p1 $0x1082;
	[sflag:s4] =	ssyncset.s32 $0xFFFFF086  }
0x25: {  	[simem:s6], [sflag:s4] =	dma.local [hbm:s3], $0xF7A  }
0x26: {  	[smem:$0x3F8A] =	sst s1;
	(tag) =	ssettag s2;
	_ =	strace s9  }
0x27: {  	s1 =	sld [smem:$0x3F9A]  }
0x28: {  	s2 =	sld [smem:$0x3F9B]  }
0x29: {  	s4 =	sld [smem:$0x3F9D]  }
0x2a: {  	p0 =	seq.s32 s5, $0x0;
	s5 =	sld [smem:$0x3F9E]  }
0x2b: {  	s6 =	sld [smem:$0x3F9F]  }
0x2c: {  	s7 =	sld [smem:$0x3FA0]  }
0x2d: {  	s3 =	simm.s32 $0x108;
	s8 =	sld [smem:$0x3FA1]  }
0x2e: {  	s3 =	simm.s32 @!p0 $0x1082;
	s9 =	sld [smem:$0x3FA2]  }
0x2f: {  	lr =	sadd.s32 s0, s3;
	s0 =	sld [smem:$0x3F99]  }
0x30: {  	s3 =	sld [smem:$0x3F9C]  }
0x31: {  	[smem:$0x3FA5] =	sst s10  }
0x32: {  	s10 =	sld [smem:$0x3FA3];
	_ =	sdelay $0x3  }
0x33: {  	p0 =	seq.s32 s10, $0x1;
	s10 =	sld [smem:$0x3FA5];
	_ =	sdelay $0x3  }
0x34: {  	[smem:$0x3FA5] =	sst s10  }
0x35: {  	s10 =	sld [smem:$0x3FA4];
	_ =	sdelay $0x3  }
0x36: {  	p1 =	seq.s32 s10, $0x1;
	s10 =	sld [smem:$0x3FA5];
	_ =	sdelay $0x3  }
0x37: {  	[smem:$0x3FA5] =	sst s10  }
0x38: {  	s10 =	sld [smem:$0x3FA6]  }
0x39: {  	_ = 	snop;
	(pc) =	sbr.ind lr, $3  }
0x3a: {  	_ = 	snop  }
0x3b: {  	_ = 	snop  }
0x3c: {  	p2 =	seq.s32 s10, $0x1;
	s10 =	sld [smem:$0x3FA5]  }
0x3d: {  	_ =	shalt  }
0x3e: {  	_ =	shalt  }
0x3f: {  	_ =	shalt  }
0x40: {  	_ =	shalt  }
0x41: {  	_ =	shalt  }
0x42: {  	_ =	shalt  }
0x43: {  	_ =	shalt  }
0x44: {  	_ =	shalt  }
0x45: {  	_ =	shalt  }
0x46: {  	_ =	shalt  }
0x47: {  	_ =	shalt  }
0x48: {  	_ =	shalt  }
0x49: {  	_ =	shalt  }
0x4a: {  	_ =	shalt  }
0x4b: {  	_ =	shalt  }
0x4c: {  	_ =	shalt  }
0x4d: {  	_ =	shalt  }
0x4e: {  	_ =	shalt  }
0x4f: {  	_ =	shalt  }
0x50: {  	_ =	shalt  }
0x51: {  	_ =	shalt  }
0x52: {  	_ =	shalt  }
0x53: {  	_ =	shalt  }
0x54: {  	_ =	shalt  }
0x55: {  	_ =	shalt  }
0x56: {  	_ =	shalt  }
0x57: {  	_ =	shalt  }
0x58: {  	_ =	shalt  }
0x59: {  	_ =	shalt  }
0x5a: {  	_ =	shalt  }
0x5b: {  	_ =	shalt  }
0x5c: {  	_ =	shalt  }
0x5d: {  	_ =	shalt  }
0x5e: {  	_ =	shalt  }
0x5f: {  	_ =	shalt  }
0x60: {  	_ =	shalt  }
0x61: {  	_ =	shalt  }
0x62: {  	_ =	shalt  }
0x63: {  	_ =	shalt  }
0x64: {  	_ =	shalt  }
0x65: {  	_ =	shalt  }
0x66: {  	_ =	shalt  }
0x67: {  	_ =	shalt  }
0x68: {  	_ =	shalt  }
0x69: {  	_ =	shalt  }
0x6a: {  	_ =	shalt  }
0x6b: {  	_ =	shalt  }
0x6c: {  	_ =	shalt  }
0x6d: {  	_ =	shalt  }
0x6e: {  	_ =	shalt  }
0x6f: {  	_ =	shalt  }
0x70: {  	_ =	shalt  }
0x71: {  	_ =	shalt  }
0x72: {  	_ =	shalt  }
0x73: {  	_ =	shalt  }
0x74: {  	_ =	shalt  }
0x75: {  	_ =	shalt  }
0x76: {  	_ =	shalt  }
0x77: {  	_ =	shalt  }
0x78: {  	_ =	shalt  }
0x79: {  	_ =	shalt  }
0x7a: {  	_ =	shalt  }
0x7b: {  	_ =	shalt  }
0x7c: {  	_ =	shalt  }
0x7d: {  	_ =	shalt  }
0x7e: {  	_ =	shalt  }
0x7f: {  	_ =	shalt  }
0x80: {  	_ =	shalt  }
0x81: {  	_ =	shalt  }
0x82: {  	_ =	shalt  }
0x83: {  	_ =	shalt  }
0x84: {  	_ =	shalt  }
0x85: {  	_ =	shalt  }
0x86: {  	_ =	shalt  }
0x87: {  	_ =	shalt  }
.Lfunc_end0:
.L_simem_size_0:
called_computation.1_lowered:
.L_overlay_start_0:
0x88: {  	s2 =	sld [smem:$0x3FD9]  }
0x89: {  	s3 =	sld [smem:$0x3FFE];
	_ =	sdelay $0x1  }
0x8a: {  	s1 =	srdreg.scid  }
0x8b: {  	s0 =	sand.u32 $0x1, s1  }
0x8c: {  	s15 =	sshll.u32 s0, $0xA;
	s2 =	sadd.s32 s3, s2  }
0x8d: {  	s2 =	sadd.s32 s2, s15  }
0x8e: {  	[smem:$0x3FB1] =	sst s2  }
0x8f: {  	_ = 	snop  }
0x90: {  	s2 =	sld [smem:$0x3FD0];
	_ =	sdelay $0x2  }
0x91: {  	s16 =	simm.s32 $0xB;
	s4 =	simm.s32 $0x10  }
0x92: {  	[smem:s4], [sflag:s16] =	dma.local [hbm:s2], $0x1  }
0x93: {  	_ =	swait.eq [sflag:s16], $0x1  }
0x94: {  	[sflag:s16] =	ssyncset.done $0x0  }
0x95: {  	s5 =	sld [smem:$0x12];
	[sflag:s16] =	ssyncadd.s32 $0xFFFFFFFF  }
0x96: {  	s2 =	sadd.s32 $0x1, s2;
	s6 =	sld [smem:$0x15]  }
0x97: {  	[smem:s4], [sflag:s16] =	dma.local [hbm:s2], $0x1  }
0x98: {  	_ =	swait.eq [sflag:s16], $0x1  }
0x99: {  	[sflag:s16] =	ssyncset.done $0x0  }
0x9a: {  	[sflag:s16] =	ssyncadd.s32 $0xFFFFFFFF  }
0x9b: {  	s17 =	sld [smem:$0x10];
	(tm) =	ssettm $0x1  }
0x9c: {  	s18 =	sld [smem:$0x3FFB];
	_ =	sdelay $0x3  }
0x9d: {  	_ =	strace s18  }
0x9e: {  	s3 =	sld [smem:$0x3FFC];
	_ =	sdelay $0x3  }
0x9f: {  	_ =	strace s3  }
0xa0: {  	s3 =	sld [smem:$0x3FFD];
	_ =	sdelay $0x3  }
0xa1: {  	_ =	strace s3  }
0xa2: {  	_ =	strace $0x8FFFFFFF  }
0xa3: {  	s19 =	sld [smem:$0x3FDB];
	_ =	sdelay $0x1  }
0xa4: {  	s20 =	simm.s32 $_scs_section_size  }
0xa5: {  	s7 =	simm.s32 $_size__tile_overlayer_lowered;
	s8 =	simm.s32 $_tile_overlayer_lowered  }
0xa6: {  	s23 =	simm.s32 $0x1BFF;
	s22 =	sshll.u32 s8, $0x1;
	s3 =	sadd.s32 s20, s19  }
0xa7: {  	s9 =	simm.s32 $0x0;
	s21 =	sshll.u32 s7, $0x1;
	s7 =	sadd.s32 s22, s3  }
0xa8: {  	[timem:s9], [sflag:s23] =	dma.local [hbm:s7], s21  }
0xa9: {  	_ =	swait.ge [sflag:s23], s21  }
0xaa: {  	s4 =	ssub.s32 $0x0, s21;
	[sflag:s23] =	ssyncset.done $0x0  }
0xab: {  	[sflag:s23] =	ssyncadd.s32 s4;
	_ =	sdelay $0x1  }
0xac: {  	s24 =	simm.s32 $0x1B8B  }
0xad: {  	_ =	swait.ge [sflag:s24], $0x1  }
0xae: {  	[sflag:s24] =	ssyncset.done $0x0  }
0xaf: {  	s25 =	simm.s32 $0x1B8E;
	[sflag:s24] =	ssyncadd.s32 $0xFFFFFFFF  }
0xb0: {  	s26 =	simm.s32 $execute0_lowered;
	[smem:$0x3FD2] =	sst s25  }
0xb1: {  	s4 =	sshll.u32 s26, $0x1;
	_ =	strace $0x80000046;
	[dreg:$0x1] =	wrdreg $0xFFFFFFFF  }
0xb2: {  	s28 =	simm.s32 $_size_execute0_lowered;
	s3 =	sadd.s32 s3, s4;
	[dreg:$0x0] =	wrdreg $0x0  }
0xb3: {  	s4 =	sshll.u32 s28, $0x1;
	[dreg:$0x2] =	wrdreg s3  }
0xb4: {  	[dreg:$0x3] =	wrdreg s4  }
0xb5: {  	[dreg:$0x4] =	wrdreg $0xC0  }
0xb6: {  	_ =	task [dreg:s9], $0x5FFFF  }
0xb7: {  	[dreg:$0x1] =	wrdreg $0xFFFFFFFF  }
0xb8: {  	[dreg:$0x0] =	wrdreg $0x60  }
0xb9: {  	[dreg:$0x2] =	wrdreg s5  }
0xba: {  	[dreg:$0x3] =	wrdreg s17  }
0xbb: {  	[dreg:$0x4] =	wrdreg s6  }
0xbc: {  	[dreg:$0x5] =	wrdreg $0xA  }
0xbd: {  	_ =	task.clear_ibuf [dreg:s9], $0x6FFFF;
	_ =	strace $0x90000046  }
0xbe: {  	s29 =	simm.s32 $0xA;
	_ =	strace $0x80000048  }
0xbf: {  	_ =	swait.ge [sflag:s29], $0x1  }
0xc0: {  	[sflag:s29] =	ssyncadd.s32 $0xFFFFFFFF  }
0xc1: {  	_ =	strace $0x90000048  }
0xc2: {  	_ =	sfence  }
0xc3: {  	s30 =	sld [smem:$0x0];
	_ =	sdelay $0x2  }
0xc4: {  	s31 =	sshll.u32 s1, $0xD;
	s1 =	sshrl.u32 s1, $0x2  }
0xc5: {  	s3 =	sand.u32 $0x4000, s31;
	s1 =	sadd.s32 s1, s30  }
0xc6: {  	s0 =	sor.u32 s3, s0;
	s1 =	sshll.u32 s1, $0x11  }
0xc7: {  	s0 =	sor.u32 s1, s0  }
0xc8: {  	s0 =	sadd.s32 $0x8F2B, s0  }
0xc9: {  	[sflag:s0] =	ssyncadd.remote.s32 $0x1  }
0xca: {  	_ =	sfence.sel $0xFFFF  }
0xcb: {  	[dreg:$0x0] =	wrdreg $0xFFFFFFFF;
	(pc) =	sbr.abs _section_cstart, $3  }
0xcc: {  	[dreg:$0x1] =	wrdreg $0xFFFFFFFF  }
0xcd: {  	_ =	task.clear_ibuf [dreg:s9], $0x2FFFF;
	_ =	strace $0x9FFFFFFF  }
0xce: {  	(tm) =	ssettm $0x7FFFFFFF  }
0xcf: {  	_ =	shalt  }
tec
execute0_lowered:
.L_overlay_start_1:
0x0: {  	(tag) =	ssettag $0x1  }
0x1: {  	s0 =	rddreg [dreg:$0x0]  }
0x2: {  	s4 =	rddreg [dreg:$0x1];
	s1 =	srdreg.scid  }
0x3: {  	s5 =	rddreg [dreg:$0x2];
	s2 =	stileid.u32  }
0x4: {  	s3 =	simm.s32 $0x0;
	s11 =	simm.s32 $0x0;
	s7 =	smul.u32 $0x14000, s2  }
0x5: {  	s9 =	sand.u32 $0x1, s1;
	s1 =	rddreg [dreg:$0x3];
	s10 =	smul.u32 $0x50, s2  }
0x6: {  	[smem:$0x7FF] =	sst s3;
	s6 =	smul.u32 $0x140000, s9;
	s8 =	ssub.s32 $0x2, s9  }
0x7: {  	_ =	strace $0x80000047;
	v0 =	vmov s9;
	s9 =	simm.s32 $0x500;
	s31 =	sshrl.u32 s8, $0x1  }
0x8: {  	s4 =	sadd.s32 s4, s10;
	s10 =	simm.s32 $0x1;
	s6 =	sadd.s32 s7, s6  }
0x9: {  	s7 =	ssub.s32 s8, s31;
	s8 =	simm.s32 $0x280;
	s6 =	sshrl.u32 s6, $0x3  }
0xa: {  	s5 =	sadd.s32 s5, s6;
	s6 =	smax.u32 s7, $0x1;
	s7 =	simm.s32 $0x2  }
.LBB2_1:
0xb: {  	[tilespmem:s3], [sflag:$0x2] =	stream.linear.gather [hbm4b:s4+s3], $0x280, $0x38;
	[tilespmem:$0x14500] =	vst v63  }
0xc: {  	_ =	swait.ge [sflag:s7], $0x280  }
0xd: {  	[sflag:s7] =	ssyncset.done $0x0  }
0xe: {  	s12 =	simm.s32 $0x0;
	[sflag:s7] =	ssyncadd.s32 $0xFFFFFD80  }
0xf: {  	v1 =	vld [tilespmem:s12+$0x0]  }
0x10: {  	s13 =	simm.s32 $0x40  }
.LBB2_2:
0x11: {  	p0 =	sne.s32 s13, $0x9C0  }
.Ltmp0:
0x12: {  	_ = 	snop;
	(pc) =	sbr.rel @p0 .LBB2_2-.Ltmp0, $4  }
0x13: {  	_ = 	snop  }
0x14: {  	s14 =	sshra.s32 s13, $0x2;
	s13 =	sadd.s32 $0x40, s13;
	v2 =	vshll.u32 v1, $0x1  }
0x15: {  	v1 =	vld [tilespmem:s14+$0x0];
	v2 =	vor.u32 v0, v2  }
0x16: {  	[tilespmem:s12+$0x280] =	vst v2;
	s12 =	smov.u32 s14  }
0x17: {  	_ =	sdelay $0x2  }
0x18: {  	v1 =	vshll.u32 v1, $0x1  }
0x19: {  	v1 =	vor.u32 v0, v1  }
0x1a: {  	[tilespmem:s12+$0x280] =	vst v1  }
0x1b: {  	[tilespmem:s9], [sflag:$0x1] =	stream.indirect.gather [hbm4b:s0+s8], $0x80, s8, s8, $0xb8;
	[tilespmem:$0x14500] =	vst v63  }
0x1c: {  	s11 =	sadd.s32 $0x1, s11;
	_ =	swait.ge [sflag:s10], $0x14000  }
0x1d: {  	p0 =	sne.s32 s11, s6;
	[sflag:s10] =	ssyncset.done $0x0  }
.Ltmp1:
0x1e: {  	[sflag:s10] =	ssyncadd.s32 $0xFFFEC000;
	(pc) =	sbr.rel @p0 .LBB2_1-.Ltmp1, $4  }
0x1f: {  	[hbm4b:s5+s3] =	stream.linear.scatter [tilespmem:s9], [sflag:$0x2], $0x14000, $0x38;
	[tilespmem:$0x14500] =	vst v63  }
0x20: {  	_ =	swait.ge [sflag:s7], $0x14000  }
0x21: {  	[sflag:s7] =	ssyncset.done $0x0  }
0x22: {  	[sflag:s7] =	ssyncadd.s32 $0xFFFEC000  }
0x23: {  	_ =	sfence.sel $0x180000  }
0x24: {  	[bflag:$0x0] =	sbarrier.arrive $0xFFFF  }
0x25: {  	p0 =	sne.s32 s2, $0x0;
	_ =	strace $0x90000047  }
0x26: {  	s0 =	sadd.s32 @!p0 $0x100000, s1;
	[bflag:$0x2] =	sbarrier.arrive $0xFFFF  }
0x27: {  	[sflag:s0] =	ssyncadd.tile.s32 @!p0 $0x1;
	_ =	shalt  }
.Lfunc_end2:
_tile_overlayer_lowered:
.L_overlay_start_2:
0x28: {  	(tag) =	ssettag $0x2  }
0x29: {  	s0 =	rddreg [dreg:$0x0];
	s2 =	stileid.u32  }
0x2a: {  	s1 =	rddreg [dreg:$0x1];
	p0 =	sne.s32 s2, $0x0  }
0x2b: {  	s3 =	rddreg [dreg:$0x2];
	[bflag:$0x3] =	sbarrier.arrive $0xFFFF;
	s2 =	simm.s32 @!p0 $0x1C02  }
0x2c: {  	[timem:s3], [sflag:s2] =	dma.local @!p0 [hbm:s0], s1  }
0x2d: {  	s0 =	simm.s32 @!p0 $0x2  }
0x2e: {  	_ =	swait.ge @!p0 [sflag:s0], s1  }
0x2f: {  	s1 =	ssub.s32 @!p0 $0x0, s1;
	[sflag:s0] =	ssyncset.done @!p0 $0x0  }
0x30: {  	[sflag:s0] =	ssyncadd.s32 @!p0 s1  }
0x31: {  	[bflag:$0x3] =	sbarrier.arrive $0xFFFF  }
0x32: {  	_ =	shalt  }

// kernel: kernel.25.cloned.1.call-start
scs
__scs_entry_jumppad:
0x0: {  	(pc) =	sbr.rel $0x88, $3  }
0x1: {  	(tag) =	ssettag $0x0;
	lr =	simm.s32 $0x1  }
0x2: {  	[smem:$0x3F8A] =	sst lr;
	_ =	strace $0xD0000000  }
0x3: {  	_ = 	snop  }
0x4: {  	_ = 	snop  }
0x5: {  	_ = 	snop  }
0x6: {  	_ = 	snop  }
0x7: {  	_ = 	snop  }
__scs_overlays_trampoline_lowered:
0x8: {  	[smem:$0x3F99] =	sst s0  }
0x9: {  	[smem:$0x3F9A] =	sst s1  }
0xa: {  	[smem:$0x3F9B] =	sst s2  }
0xb: {  	[smem:$0x3F9C] =	sst s3  }
0xc: {  	[smem:$0x3F9D] =	sst s4  }
0xd: {  	[smem:$0x3F9E] =	sst s5  }
0xe: {  	[smem:$0x3F9F] =	sst s6  }
0xf: {  	[smem:$0x3FA0] =	sst s7  }
0x10: {  	[smem:$0x3FA1] =	sst s8  }
0x11: {  	[smem:$0x3FA2] =	sst s9;
	s0 =	simm.s32 @!p0 $0x0  }
0x12: {  	s1 =	sld [smem:$0x3F88];
	s0 =	simm.s32 @p0 $0x1  }
0x13: {  	[smem:$0x3FA3] =	sst s0;
	s0 =	simm.s32 @!p1 $0x0  }
0x14: {  	s2 =	sld [smem:$0x3F87];
	s0 =	simm.s32 @p1 $0x1  }
0x15: {  	[smem:$0x3FA4] =	sst s0;
	s0 =	simm.s32 @!p2 $0x0  }
0x16: {  	s3 =	sld [smem:$0x3FDB];
	s0 =	simm.s32 @p2 $0x1  }
0x17: {  	s4 =	simm.s32 $0x1BF5;
	[smem:$0x3FA6] =	sst s0  }
0x18: {  	s0 =	sld [smem:$0x3F89];
	_ =	swait.ge [sflag:s4], $0x0  }
0x19: {  	s7 =	sld [smem:$0x3F8A]  }
0x1a: {  	s8 =	sadd.s32 $0xFFFFE003, lr  }
0x1b: {  	s9 =	sadd.s32 $0xFFFFFEF7, lr;
	s5 =	simm.s32 $0xFFFFFFFF;
	p2 =	slt.u32 s8, $0xFFFFF086  }
0x1c: {  	p1 =	slt.u32 s9, $0xF7A;
	s5 =	simm.s32 @!p2 $0x0  }
0x1d: {  	s5 =	simm.s32 @p1 $0x1;
	p0 =	seq.s32 s7, s2  }
0x1e: {  	s7 =	smul.u32 @!p0 $0xF7A, s2;
	p2 =	seq.s32 @!p0 s5, $0x0  }
0x1f: {  	s9 =	smul.u32 $0xF7A, s1;
	s8 =	simm.s32 @!p0 $0x1BF5;
	p2 =	por !p2, p0  }
0x20: {  	[sflag:s8] =	ssyncset.s32 @!p0 $0xFFFFF086;
	s6 =	sadd.s32 @!p0 s3, s7;
	s7 =	simm.s32 @!p0 $0x108  }
0x21: {  	s3 =	sadd.s32 s3, s9;
	s6 =	sadd.s32 @!p0 $0x88, s6;
	s7 =	simm.s32 @p2 $0x1082  }
0x22: {  	[simem:s7], [sflag:s8] =	dma.local @!p0 [hbm:s6], $0xF7A  }
0x23: {  	s9 =	sor.u32 $0xD0000000, s2;
	s6 =	simm.s32 $0x108;
	_ =	swait.ge @!p0 [sflag:s8], $0x0  }
0x24: {  	s3 =	sadd.s32 $0x88, s3;
	s6 =	simm.s32 @!p1 $0x1082;
	[sflag:s4] =	ssyncset.s32 $0xFFFFF086  }
0x25: {  	[simem:s6], [sflag:s4] =	dma.local [hbm:s3], $0xF7A  }
0x26: {  	[smem:$0x3F8A] =	sst s1;
	(tag) =	ssettag s2;
	_ =	strace s9  }
0x27: {  	s1 =	sld [smem:$0x3F9A]  }
0x28: {  	s2 =	sld [smem:$0x3F9B]  }
0x29: {  	s4 =	sld [smem:$0x3F9D]  }
0x2a: {  	p0 =	seq.s32 s5, $0x0;
	s5 =	sld [smem:$0x3F9E]  }
0x2b: {  	s6 =	sld [smem:$0x3F9F]  }
0x2c: {  	s7 =	sld [smem:$0x3FA0]  }
0x2d: {  	s3 =	simm.s32 $0x108;
	s8 =	sld [smem:$0x3FA1]  }
0x2e: {  	s3 =	simm.s32 @!p0 $0x1082;
	s9 =	sld [smem:$0x3FA2]  }
0x2f: {  	lr =	sadd.s32 s0, s3;
	s0 =	sld [smem:$0x3F99]  }
0x30: {  	s3 =	sld [smem:$0x3F9C]  }
0x31: {  	[smem:$0x3FA5] =	sst s10  }
0x32: {  	s10 =	sld [smem:$0x3FA3];
	_ =	sdelay $0x3  }
0x33: {  	p0 =	seq.s32 s10, $0x1;
	s10 =	sld [smem:$0x3FA5];
	_ =	sdelay $0x3  }
0x34: {  	[smem:$0x3FA5] =	sst s10  }
0x35: {  	s10 =	sld [smem:$0x3FA4];
	_ =	sdelay $0x3  }
0x36: {  	p1 =	seq.s32 s10, $0x1;
	s10 =	sld [smem:$0x3FA5];
	_ =	sdelay $0x3  }
0x37: {  	[smem:$0x3FA5] =	sst s10  }
0x38: {  	s10 =	sld [smem:$0x3FA6]  }
0x39: {  	_ = 	snop;
	(pc) =	sbr.ind lr, $3  }
0x3a: {  	_ = 	snop  }
0x3b: {  	_ = 	snop  }
0x3c: {  	p2 =	seq.s32 s10, $0x1;
	s10 =	sld [smem:$0x3FA5]  }
0x3d: {  	_ =	shalt  }
0x3e: {  	_ =	shalt  }
0x3f: {  	_ =	shalt  }
0x40: {  	_ =	shalt  }
0x41: {  	_ =	shalt  }
0x42: {  	_ =	shalt  }
0x43: {  	_ =	shalt  }
0x44: {  	_ =	shalt  }
0x45: {  	_ =	shalt  }
0x46: {  	_ =	shalt  }
0x47: {  	_ =	shalt  }
0x48: {  	_ =	shalt  }
0x49: {  	_ =	shalt  }
0x4a: {  	_ =	shalt  }
0x4b: {  	_ =	shalt  }
0x4c: {  	_ =	shalt  }
0x4d: {  	_ =	shalt  }
0x4e: {  	_ =	shalt  }
0x4f: {  	_ =	shalt  }
0x50: {  	_ =	shalt  }
0x51: {  	_ =	shalt  }
0x52: {  	_ =	shalt  }
0x53: {  	_ =	shalt  }
0x54: {  	_ =	shalt  }
0x55: {  	_ =	shalt  }
0x56: {  	_ =	shalt  }
0x57: {  	_ =	shalt  }
0x58: {  	_ =	shalt  }
0x59: {  	_ =	shalt  }
0x5a: {  	_ =	shalt  }
0x5b: {  	_ =	shalt  }
0x5c: {  	_ =	shalt  }
0x5d: {  	_ =	shalt  }
0x5e: {  	_ =	shalt  }
0x5f: {  	_ =	shalt  }
0x60: {  	_ =	shalt  }
0x61: {  	_ =	shalt  }
0x62: {  	_ =	shalt  }
0x63: {  	_ =	shalt  }
0x64: {  	_ =	shalt  }
0x65: {  	_ =	shalt  }
0x66: {  	_ =	shalt  }
0x67: {  	_ =	shalt  }
0x68: {  	_ =	shalt  }
0x69: {  	_ =	shalt  }
0x6a: {  	_ =	shalt  }
0x6b: {  	_ =	shalt  }
0x6c: {  	_ =	shalt  }
0x6d: {  	_ =	shalt  }
0x6e: {  	_ =	shalt  }
0x6f: {  	_ =	shalt  }
0x70: {  	_ =	shalt  }
0x71: {  	_ =	shalt  }
0x72: {  	_ =	shalt  }
0x73: {  	_ =	shalt  }
0x74: {  	_ =	shalt  }
0x75: {  	_ =	shalt  }
0x76: {  	_ =	shalt  }
0x77: {  	_ =	shalt  }
0x78: {  	_ =	shalt  }
0x79: {  	_ =	shalt  }
0x7a: {  	_ =	shalt  }
0x7b: {  	_ =	shalt  }
0x7c: {  	_ =	shalt  }
0x7d: {  	_ =	shalt  }
0x7e: {  	_ =	shalt  }
0x7f: {  	_ =	shalt  }
0x80: {  	_ =	shalt  }
0x81: {  	_ =	shalt  }
0x82: {  	_ =	shalt  }
0x83: {  	_ =	shalt  }
0x84: {  	_ =	shalt  }
0x85: {  	_ =	shalt  }
0x86: {  	_ =	shalt  }
0x87: {  	_ =	shalt  }
.Lfunc_end0:
.L_simem_size_0:
called_computation.2_lowered:
.L_overlay_start_0:
0x88: {  	s2 =	sld [smem:$0x3FD9]  }
0x89: {  	s3 =	sld [smem:$0x3FFE];
	_ =	sdelay $0x1  }
0x8a: {  	s1 =	srdreg.scid  }
0x8b: {  	s0 =	sand.u32 $0x1, s1  }
0x8c: {  	s15 =	sshll.u32 s0, $0xA;
	s2 =	sadd.s32 s3, s2  }
0x8d: {  	s2 =	sadd.s32 s2, s15  }
0x8e: {  	[smem:$0x3FB1] =	sst s2  }
0x8f: {  	_ = 	snop  }
0x90: {  	s2 =	sld [smem:$0x3FD0];
	_ =	sdelay $0x2  }
0x91: {  	s16 =	simm.s32 $0xB;
	s4 =	simm.s32 $0x10  }
0x92: {  	[smem:s4], [sflag:s16] =	dma.local [hbm:s2], $0x1  }
0x93: {  	_ =	swait.eq [sflag:s16], $0x1  }
0x94: {  	[sflag:s16] =	ssyncset.done $0x0  }
0x95: {  	[sflag:s16] =	ssyncadd.s32 $0xFFFFFFFF  }
0x96: {  	s17 =	sld [smem:$0x13];
	(tm) =	ssettm $0x1  }
0x97: {  	s18 =	sld [smem:$0x3FFB];
	_ =	sdelay $0x3  }
0x98: {  	_ =	strace s18  }
0x99: {  	s2 =	sld [smem:$0x3FFC];
	_ =	sdelay $0x3  }
0x9a: {  	_ =	strace s2  }
0x9b: {  	s2 =	sld [smem:$0x3FFD];
	_ =	sdelay $0x3  }
0x9c: {  	_ =	strace s2  }
0x9d: {  	_ =	strace $0x8FFFFFFF  }
0x9e: {  	s19 =	sld [smem:$0x3FDB];
	_ =	sdelay $0x1  }
0x9f: {  	s20 =	simm.s32 $_scs_section_size  }
0xa0: {  	s5 =	simm.s32 $_size__tile_overlayer_lowered;
	s6 =	simm.s32 $_tile_overlayer_lowered  }
0xa1: {  	s7 =	simm.s32 $0x1BFF;
	s21 =	sshll.u32 s6, $0x1;
	s4 =	sadd.s32 s20, s19  }
0xa2: {  	s22 =	simm.s32 $0x0;
	s5 =	sshll.u32 s5, $0x1;
	s6 =	sadd.s32 s21, s4  }
0xa3: {  	[timem:s22], [sflag:s7] =	dma.local [hbm:s6], s5  }
0xa4: {  	_ =	swait.ge [sflag:s7], s5  }
0xa5: {  	s5 =	ssub.s32 $0x0, s5;
	[sflag:s7] =	ssyncset.done $0x0  }
0xa6: {  	[sflag:s7] =	ssyncadd.s32 s5;
	_ =	sdelay $0x1  }
0xa7: {  	s23 =	simm.s32 $0x1B8B  }
0xa8: {  	_ =	swait.ge [sflag:s23], $0x1  }
0xa9: {  	[sflag:s23] =	ssyncset.done $0x0  }
0xaa: {  	[sflag:s23] =	ssyncadd.s32 $0xFFFFFFFF  }
0xab: {  	s5 =	sld [smem:$0x0]  }
0xac: {  	s6 =	sand.u32 $0xFFFFFFFE, s1  }
0xad: {  	p0 =	sne.s32 s1, s6  }
0xae: {  	s6 =	sshll.u32 @p0 s6, $0xE  }
0xaf: {  	s6 =	sadd.s32 @p0 $0x11B8D, s6;
	s7 =	sshll.u32 @p0 s5, $0x11  }
0xb0: {  	s6 =	sor.u32 @p0 s7, s6  }
0xb1: {  	[sflag:s6] =	ssyncadd.remote.s32 @p0 $0x1;
	_ =	sdelay $0x1  }
0xb2: {  	s6 =	simm.s32 @p0 $0x1B8D  }
0xb3: {  	_ =	swait.eq @p0 [sflag:s6], $0x1  }
0xb4: {  	[sflag:s6] =	ssyncadd.s32 @p0 $0xFFFFFFFF  }
0xb5: {  	s7 =	sshll.u32 @!p0 s1, $0xE  }
0xb6: {  	s7 =	sor.u32 @!p0 $0x4000, s7;
	s6 =	simm.s32 @!p0 $0x1B8D  }
0xb7: {  	s5 =	sshll.u32 @!p0 s5, $0x11;
	s7 =	sadd.s32 @!p0 $0x11B8D, s7;
	_ =	swait.eq @!p0 [sflag:s6], $0x1  }
0xb8: {  	s5 =	sor.u32 @!p0 s5, s7;
	[sflag:s6] =	ssyncadd.s32 @!p0 $0xFFFFFFFF  }
0xb9: {  	s25 =	simm.s32 $0x1B8E;
	s24 =	sld [smem:$0x3FFE];
	[sflag:s5] =	ssyncadd.remote.s32 @!p0 $0x1  }
0xba: {  	s26 =	simm.s32 $execute0_lowered;
	[smem:$0x3FD2] =	sst s25  }
0xbb: {  	s6 =	sshll.u32 s26, $0x1;
	_ =	strace $0x80000049;
	[dreg:$0x1] =	wrdreg $0xFFFFFFFF  }
0xbc: {  	s28 =	simm.s32 $_size_execute0_lowered;
	s4 =	sadd.s32 s4, s6;
	[dreg:$0x0] =	wrdreg $0x0  }
0xbd: {  	s6 =	sshll.u32 s28, $0x1;
	[dreg:$0x2] =	wrdreg s4  }
0xbe: {  	[dreg:$0x3] =	wrdreg s6  }
0xbf: {  	[dreg:$0x4] =	wrdreg $0xC0  }
0xc0: {  	_ =	task [dreg:s22], $0x5FFFF  }
0xc1: {  	[dreg:$0x1] =	wrdreg $0xFFFFFFFF  }
0xc2: {  	[dreg:$0x0] =	wrdreg $0x60  }
0xc3: {  	[dreg:$0x2] =	wrdreg s24  }
0xc4: {  	[dreg:$0x3] =	wrdreg s17  }
0xc5: {  	[dreg:$0x4] =	wrdreg $0x54000  }
0xc6: {  	[dreg:$0x5] =	wrdreg $0x9  }
0xc7: {  	_ =	task.clear_ibuf [dreg:s22], $0x6FFFF;
	_ =	strace $0x90000049  }
0xc8: {  	s29 =	simm.s32 $0x9;
	_ =	strace $0x8000004B  }
0xc9: {  	_ =	swait.ge [sflag:s29], $0x1  }
0xca: {  	[sflag:s29] =	ssyncadd.s32 $0xFFFFFFFF  }
0xcb: {  	_ =	strace $0x9000004B  }
0xcc: {  	_ =	sfence  }
0xcd: {  	s30 =	sld [smem:$0x0];
	_ =	sdelay $0x2  }
0xce: {  	s31 =	sshll.u32 s1, $0xD;
	s1 =	sshrl.u32 s1, $0x2  }
0xcf: {  	s4 =	sand.u32 $0x4000, s31;
	s1 =	sadd.s32 s1, s30  }
0xd0: {  	s0 =	sor.u32 s4, s0;
	s1 =	sshll.u32 s1, $0x11  }
0xd1: {  	s0 =	sor.u32 s1, s0  }
0xd2: {  	s0 =	sadd.s32 $0x8F2B, s0  }
0xd3: {  	[sflag:s0] =	ssyncadd.remote.s32 $0x1  }
0xd4: {  	_ =	sfence.sel $0xFFFF  }
0xd5: {  	[dreg:$0x0] =	wrdreg $0xFFFFFFFF;
	(pc) =	sbr.abs _section_cstart, $3  }
0xd6: {  	[dreg:$0x1] =	wrdreg $0xFFFFFFFF  }
0xd7: {  	_ =	task.clear_ibuf [dreg:s22], $0x2FFFF;
	_ =	strace $0x9FFFFFFF  }
0xd8: {  	(tm) =	ssettm $0x7FFFFFFF  }
0xd9: {  	_ =	shalt  }
tec
execute0_lowered:
.L_overlay_start_1:
0x0: {  	(tag) =	ssettag $0x1  }
0x1: {  	s5 =	rddreg [dreg:$0x0]  }
0x2: {  	s1 =	srdreg.scid;
	s7 =	rddreg [dreg:$0x1]  }
0x3: {  	s0 =	stileid.u32;
	s2 =	rddreg [dreg:$0x2];
	s3 =	simm.s32 $0x0  }
0x4: {  	s13 =	simm.s32 $0x80;
	s14 =	simm.s32 $0x0;
	s4 =	sand.u32 $0x1, s1  }
0x5: {  	s28 =	sshll.u32 s0, $0x1;
	s1 =	rddreg [dreg:$0x3];
	s8 =	smul.u32 $0x50000, s0  }
0x6: {  	[smem:$0x7FF] =	sst s3;
	s11 =	smul.u32 $0x14000, s0;
	s31 =	sshll.u32 s0, $0x6  }
0x7: {  	s6 =	sor.u32 s4, s28;
	_ =	strace $0x8000004A;
	s10 =	ssub.s32 $0x2, s4  }
0x8: {  	s9 =	smul.u32 $0x140000, s4;
	s4 =	sadd.s32 $0xFE00, s5;
	s12 =	sshrl.u32 s10, $0x1  }
0x9: {  	s6 =	smul.u32 $0x280, s6;
	s8 =	sshrl.u32 s8, $0x2;
	s10 =	ssub.s32 s10, s12  }
0xa: {  	s9 =	sadd.s32 s11, s9;
	s29 =	sadd.s32 s8, s2;
	s11 =	sor.u32 $0x1C01, s31  }
0xb: {  	s6 =	sadd.s32 s6, s5;
	s5 =	sadd.s32 $0xD600, s5;
	s30 =	sshrl.u32 s9, $0x3  }
0xc: {  	s8 =	smax.u32 s10, $0x1;
	s9 =	simm.s32 $0x1;
	s10 =	simm.s32 $0x1400  }
0xd: {  	s12 =	sshrl.u32 s29, $0x3;
	s6 =	sadd.s32 $0x8600, s6;
	s7 =	sadd.s32 s7, s30  }
.LBB2_1:
0xe: {  	[tilespmem:s3], [sflag:$0x1] =	stream.linear.gather [hbm4b:s6+s3], $0x1400, $0x38;
	[tilespmem:$0x19400] =	vst v63  }
0xf: {  	_ =	swait.ge [sflag:s9], $0x1400  }
0x10: {  	[sflag:s9] =	ssyncset.done $0x0  }
0x11: {  	[sflag:s9] =	ssyncadd.s32 $0xFFFFEC00  }
0x12: {  	[tilespmem:s10], [sflag:$0x1] =	stream.linear.gather [hbm4b:s4+s3], $0x4000, $0x38;
	[tilespmem:$0x19400] =	vst v63  }
0x13: {  	_ =	swait.ge [sflag:s9], $0x4000  }
0x14: {  	[sflag:s9] =	ssyncset.done $0x0  }
0x15: {  	[sflag:s9] =	ssyncadd.s32 $0xFFFFC000  }
0x16: {  	[spmem:s12], [sflag:s11] =	dma.local [hbm:s5], $0x2800  }
0x17: {  	_ =	swait.ge [sflag:s9], $0x2800  }
0x18: {  	[sflag:s9] =	ssyncset.done $0x0  }
0x19: {  	[sflag:s9] =	ssyncadd.s32 $0xFFFFD800  }
0x1a: {  	s15 =	simm.s32 $0x0;
	[bflag:$0x0] =	sbarrier.arrive $0xFFFF  }
0x1b: {  	[spmem:s2] =	stream.indirect.scatter.add.f32 [tilespmem:s10], [sflag:$0x1], $0x80, s15, s13, $0xb8;
	[tilespmem:$0x19400] =	vst v63  }
0x1c: {  	_ =	swait.ge [sflag:s9], $0x4000  }
0x1d: {  	s15 =	simm.s32 $0x200;
	[sflag:s9] =	ssyncset.done $0x0  }
.LBB2_2:
0x1e: {  	s16 =	sshra.s32 s15, $0x2;
	[sflag:s9] =	ssyncadd.s32 $0xFFFFC000;
	p0 =	sne.s32 s15, $0x4E00  }
0x1f: {  	[spmem:s2] =	stream.indirect.scatter.add.f32 [tilespmem:s10], [sflag:$0x1], $0x80, s16, s13, $0xb8;
	[tilespmem:$0x19400] =	vst v63  }
.Ltmp0:
0x20: {  	_ = 	snop;
	(pc) =	sbr.rel @p0 .LBB2_2-.Ltmp0, $4  }
0x21: {  	_ = 	snop  }
0x22: {  	s15 =	sadd.s32 $0x200, s15  }
0x23: {  	_ =	swait.ge [sflag:s9], $0x4000  }
0x24: {  	[sflag:s9] =	ssyncset.done $0x0  }
0x25: {  	s14 =	sadd.s32 $0x1, s14  }
0x26: {  	[sflag:s9] =	ssyncadd.s32 $0xFFFFC000;
	p0 =	sne.s32 s14, s8  }
.Ltmp1:
0x27: {  	[bflag:$0x0] =	sbarrier.arrive $0xFFFF;
	(pc) =	sbr.rel @p0 .LBB2_1-.Ltmp1, $4  }
0x28: {  	[hbm:s7], [sflag:s11] =	dma.local [spmem:s12], $0x2800  }
0x29: {  	_ =	swait.ge [sflag:s9], $0x2800  }
0x2a: {  	[sflag:s9] =	ssyncset.done $0x0  }
0x2b: {  	[sflag:s9] =	ssyncadd.s32 $0xFFFFD800  }
0x2c: {  	_ =	sfence.sel $0x180000  }
0x2d: {  	[bflag:$0x0] =	sbarrier.arrive $0xFFFF  }
0x2e: {  	p0 =	sne.s32 s0, $0x0;
	_ =	strace $0x9000004A  }
0x2f: {  	s0 =	sadd.s32 @!p0 $0x100000, s1;
	[bflag:$0x2] =	sbarrier.arrive $0xFFFF  }
0x30: {  	[sflag:s0] =	ssyncadd.tile.s32 @!p0 $0x1;
	_ =	shalt  }
.Lfunc_end2:
_tile_overlayer_lowered:
.L_overlay_start_2:
0x31: {  	(tag) =	ssettag $0x2  }
0x32: {  	s0 =	rddreg [dreg:$0x0];
	s2 =	stileid.u32  }
0x33: {  	s1 =	rddreg [dreg:$0x1];
	p0 =	sne.s32 s2, $0x0  }
0x34: {  	s3 =	rddreg [dreg:$0x2];
	[bflag:$0x3] =	sbarrier.arrive $0xFFFF;
	s2 =	simm.s32 @!p0 $0x1C01  }
0x35: {  	[timem:s3], [sflag:s2] =	dma.local @!p0 [hbm:s0], s1  }
0x36: {  	s0 =	simm.s32 @!p0 $0x1  }
0x37: {  	_ =	swait.ge @!p0 [sflag:s0], s1  }
0x38: {  	s1 =	ssub.s32 @!p0 $0x0, s1;
	[sflag:s0] =	ssyncset.done @!p0 $0x0  }
0x39: {  	[sflag:s0] =	ssyncadd.s32 @!p0 s1  }
0x3a: {  	[bflag:$0x3] =	sbarrier.arrive $0xFFFF  }
0x3b: {  	_ =	shalt  }

// kernel: kernel.28.cloned.1.call-start
scs
__scs_entry_jumppad:
0x0: {  	(pc) =	sbr.rel $0x88, $3  }
0x1: {  	(tag) =	ssettag $0x0;
	lr =	simm.s32 $0x1  }
0x2: {  	[smem:$0x3F8A] =	sst lr;
	_ =	strace $0xD0000000  }
0x3: {  	_ = 	snop  }
0x4: {  	_ = 	snop  }
0x5: {  	_ = 	snop  }
0x6: {  	_ = 	snop  }
0x7: {  	_ = 	snop  }
__scs_overlays_trampoline_lowered:
0x8: {  	[smem:$0x3F99] =	sst s0  }
0x9: {  	[smem:$0x3F9A] =	sst s1  }
0xa: {  	[smem:$0x3F9B] =	sst s2  }
0xb: {  	[smem:$0x3F9C] =	sst s3  }
0xc: {  	[smem:$0x3F9D] =	sst s4  }
0xd: {  	[smem:$0x3F9E] =	sst s5  }
0xe: {  	[smem:$0x3F9F] =	sst s6  }
0xf: {  	[smem:$0x3FA0] =	sst s7  }
0x10: {  	[smem:$0x3FA1] =	sst s8  }
0x11: {  	[smem:$0x3FA2] =	sst s9;
	s0 =	simm.s32 @!p0 $0x0  }
0x12: {  	s1 =	sld [smem:$0x3F88];
	s0 =	simm.s32 @p0 $0x1  }
0x13: {  	[smem:$0x3FA3] =	sst s0;
	s0 =	simm.s32 @!p1 $0x0  }
0x14: {  	s2 =	sld [smem:$0x3F87];
	s0 =	simm.s32 @p1 $0x1  }
0x15: {  	[smem:$0x3FA4] =	sst s0;
	s0 =	simm.s32 @!p2 $0x0  }
0x16: {  	s3 =	sld [smem:$0x3FDB];
	s0 =	simm.s32 @p2 $0x1  }
0x17: {  	s4 =	simm.s32 $0x1BF5;
	[smem:$0x3FA6] =	sst s0  }
0x18: {  	s0 =	sld [smem:$0x3F89];
	_ =	swait.ge [sflag:s4], $0x0  }
0x19: {  	s7 =	sld [smem:$0x3F8A]  }
0x1a: {  	s8 =	sadd.s32 $0xFFFFE003, lr  }
0x1b: {  	s9 =	sadd.s32 $0xFFFFFEF7, lr;
	s5 =	simm.s32 $0xFFFFFFFF;
	p2 =	slt.u32 s8, $0xFFFFF086  }
0x1c: {  	p1 =	slt.u32 s9, $0xF7A;
	s5 =	simm.s32 @!p2 $0x0  }
0x1d: {  	s5 =	simm.s32 @p1 $0x1;
	p0 =	seq.s32 s7, s2  }
0x1e: {  	s7 =	smul.u32 @!p0 $0xF7A, s2;
	p2 =	seq.s32 @!p0 s5, $0x0  }
0x1f: {  	s9 =	smul.u32 $0xF7A, s1;
	s8 =	simm.s32 @!p0 $0x1BF5;
	p2 =	por !p2, p0  }
0x20: {  	[sflag:s8] =	ssyncset.s32 @!p0 $0xFFFFF086;
	s6 =	sadd.s32 @!p0 s3, s7;
	s7 =	simm.s32 @!p0 $0x108  }
0x21: {  	s3 =	sadd.s32 s3, s9;
	s6 =	sadd.s32 @!p0 $0x88, s6;
	s7 =	simm.s32 @p2 $0x1082  }
0x22: {  	[simem:s7], [sflag:s8] =	dma.local @!p0 [hbm:s6], $0xF7A  }
0x23: {  	s9 =	sor.u32 $0xD0000000, s2;
	s6 =	simm.s32 $0x108;
	_ =	swait.ge @!p0 [sflag:s8], $0x0  }
0x24: {  	s3 =	sadd.s32 $0x88, s3;
	s6 =	simm.s32 @!p1 $0x1082;
	[sflag:s4] =	ssyncset.s32 $0xFFFFF086  }
0x25: {  	[simem:s6], [sflag:s4] =	dma.local [hbm:s3], $0xF7A  }
0x26: {  	[smem:$0x3F8A] =	sst s1;
	(tag) =	ssettag s2;
	_ =	strace s9  }
0x27: {  	s1 =	sld [smem:$0x3F9A]  }
0x28: {  	s2 =	sld [smem:$0x3F9B]  }
0x29: {  	s4 =	sld [smem:$0x3F9D]  }
0x2a: {  	p0 =	seq.s32 s5, $0x0;
	s5 =	sld [smem:$0x3F9E]  }
0x2b: {  	s6 =	sld [smem:$0x3F9F]  }
0x2c: {  	s7 =	sld [smem:$0x3FA0]  }
0x2d: {  	s3 =	simm.s32 $0x108;
	s8 =	sld [smem:$0x3FA1]  }
0x2e: {  	s3 =	simm.s32 @!p0 $0x1082;
	s9 =	sld [smem:$0x3FA2]  }
0x2f: {  	lr =	sadd.s32 s0, s3;
	s0 =	sld [smem:$0x3F99]  }
0x30: {  	s3 =	sld [smem:$0x3F9C]  }
0x31: {  	[smem:$0x3FA5] =	sst s10  }
0x32: {  	s10 =	sld [smem:$0x3FA3];
	_ =	sdelay $0x3  }
0x33: {  	p0 =	seq.s32 s10, $0x1;
	s10 =	sld [smem:$0x3FA5];
	_ =	sdelay $0x3  }
0x34: {  	[smem:$0x3FA5] =	sst s10  }
0x35: {  	s10 =	sld [smem:$0x3FA4];
	_ =	sdelay $0x3  }
0x36: {  	p1 =	seq.s32 s10, $0x1;
	s10 =	sld [smem:$0x3FA5];
	_ =	sdelay $0x3  }
0x37: {  	[smem:$0x3FA5] =	sst s10  }
0x38: {  	s10 =	sld [smem:$0x3FA6]  }
0x39: {  	_ = 	snop;
	(pc) =	sbr.ind lr, $3  }
0x3a: {  	_ = 	snop  }
0x3b: {  	_ = 	snop  }
0x3c: {  	p2 =	seq.s32 s10, $0x1;
	s10 =	sld [smem:$0x3FA5]  }
0x3d: {  	_ =	shalt  }
0x3e: {  	_ =	shalt  }
0x3f: {  	_ =	shalt  }
0x40: {  	_ =	shalt  }
0x41: {  	_ =	shalt  }
0x42: {  	_ =	shalt  }
0x43: {  	_ =	shalt  }
0x44: {  	_ =	shalt  }
0x45: {  	_ =	shalt  }
0x46: {  	_ =	shalt  }
0x47: {  	_ =	shalt  }
0x48: {  	_ =	shalt  }
0x49: {  	_ =	shalt  }
0x4a: {  	_ =	shalt  }
0x4b: {  	_ =	shalt  }
0x4c: {  	_ =	shalt  }
0x4d: {  	_ =	shalt  }
0x4e: {  	_ =	shalt  }
0x4f: {  	_ =	shalt  }
0x50: {  	_ =	shalt  }
0x51: {  	_ =	shalt  }
0x52: {  	_ =	shalt  }
0x53: {  	_ =	shalt  }
0x54: {  	_ =	shalt  }
0x55: {  	_ =	shalt  }
0x56: {  	_ =	shalt  }
0x57: {  	_ =	shalt  }
0x58: {  	_ =	shalt  }
0x59: {  	_ =	shalt  }
0x5a: {  	_ =	shalt  }
0x5b: {  	_ =	shalt  }
0x5c: {  	_ =	shalt  }
0x5d: {  	_ =	shalt  }
0x5e: {  	_ =	shalt  }
0x5f: {  	_ =	shalt  }
0x60: {  	_ =	shalt  }
0x61: {  	_ =	shalt  }
0x62: {  	_ =	shalt  }
0x63: {  	_ =	shalt  }
0x64: {  	_ =	shalt  }
0x65: {  	_ =	shalt  }
0x66: {  	_ =	shalt  }
0x67: {  	_ =	shalt  }
0x68: {  	_ =	shalt  }
0x69: {  	_ =	shalt  }
0x6a: {  	_ =	shalt  }
0x6b: {  	_ =	shalt  }
0x6c: {  	_ =	shalt  }
0x6d: {  	_ =	shalt  }
0x6e: {  	_ =	shalt  }
0x6f: {  	_ =	shalt  }
0x70: {  	_ =	shalt  }
0x71: {  	_ =	shalt  }
0x72: {  	_ =	shalt  }
0x73: {  	_ =	shalt  }
0x74: {  	_ =	shalt  }
0x75: {  	_ =	shalt  }
0x76: {  	_ =	shalt  }
0x77: {  	_ =	shalt  }
0x78: {  	_ =	shalt  }
0x79: {  	_ =	shalt  }
0x7a: {  	_ =	shalt  }
0x7b: {  	_ =	shalt  }
0x7c: {  	_ =	shalt  }
0x7d: {  	_ =	shalt  }
0x7e: {  	_ =	shalt  }
0x7f: {  	_ =	shalt  }
0x80: {  	_ =	shalt  }
0x81: {  	_ =	shalt  }
0x82: {  	_ =	shalt  }
0x83: {  	_ =	shalt  }
0x84: {  	_ =	shalt  }
0x85: {  	_ =	shalt  }
0x86: {  	_ =	shalt  }
0x87: {  	_ =	shalt  }
.Lfunc_end0:
.L_simem_size_0:
called_computation.3_lowered:
.L_overlay_start_0:
0x88: {  	s2 =	sld [smem:$0x3FD9]  }
0x89: {  	s3 =	sld [smem:$0x3FFE];
	_ =	sdelay $0x1  }
0x8a: {  	s1 =	srdreg.scid  }
0x8b: {  	s0 =	sand.u32 $0x1, s1  }
0x8c: {  	s15 =	sshll.u32 s0, $0xA;
	s2 =	sadd.s32 s3, s2  }
0x8d: {  	s2 =	sadd.s32 s2, s15  }
0x8e: {  	[smem:$0x3FB1] =	sst s2  }
0x8f: {  	_ = 	snop  }
0x90: {  	s2 =	sld [smem:$0x3FD0];
	_ =	sdelay $0x2  }
0x91: {  	s4 =	simm.s32 $0xB;
	s16 =	simm.s32 $0x10  }
0x92: {  	[smem:s16], [sflag:s4] =	dma.local [hbm:s2], $0x1  }
0x93: {  	_ =	swait.eq [sflag:s4], $0x1  }
0x94: {  	[sflag:s4] =	ssyncset.done $0x0  }
0x95: {  	s17 =	sld [smem:$0x14];
	[sflag:s4] =	ssyncadd.s32 $0xFFFFFFFF  }
0x96: {  	s18 =	sld [smem:$0x15];
	(tm) =	ssettm $0x1  }
0x97: {  	s19 =	sld [smem:$0x3FFB];
	_ =	sdelay $0x3  }
0x98: {  	_ =	strace s19  }
0x99: {  	s2 =	sld [smem:$0x3FFC];
	_ =	sdelay $0x3  }
0x9a: {  	_ =	strace s2  }
0x9b: {  	s2 =	sld [smem:$0x3FFD];
	_ =	sdelay $0x3  }
0x9c: {  	_ =	strace s2  }
0x9d: {  	_ =	strace $0x8FFFFFFF  }
0x9e: {  	s20 =	sld [smem:$0x3FDB];
	_ =	sdelay $0x1  }
0x9f: {  	s5 =	simm.s32 $_scs_section_size  }
0xa0: {  	s6 =	simm.s32 $_size__tile_overlayer_lowered;
	s7 =	simm.s32 $_tile_overlayer_lowered  }
0xa1: {  	s8 =	simm.s32 $0x1BFF;
	s21 =	sshll.u32 s7, $0x1;
	s5 =	sadd.s32 s5, s20  }
0xa2: {  	s22 =	simm.s32 $0x0;
	s6 =	sshll.u32 s6, $0x1;
	s7 =	sadd.s32 s21, s5  }
0xa3: {  	[timem:s22], [sflag:s8] =	dma.local [hbm:s7], s6  }
0xa4: {  	_ =	swait.ge [sflag:s8], s6  }
0xa5: {  	s6 =	ssub.s32 $0x0, s6;
	[sflag:s8] =	ssyncset.done $0x0  }
0xa6: {  	[sflag:s8] =	ssyncadd.s32 s6;
	_ =	sdelay $0x1  }
0xa7: {  	s23 =	simm.s32 $0x1B8B  }
0xa8: {  	_ =	swait.ge [sflag:s23], $0x1  }
0xa9: {  	[sflag:s23] =	ssyncset.done $0x0  }
0xaa: {  	[sflag:s23] =	ssyncadd.s32 $0xFFFFFFFF  }
0xab: {  	s6 =	sld [smem:$0x0]  }
0xac: {  	s7 =	sand.u32 $0xFFFFFFFE, s1  }
0xad: {  	p0 =	sne.s32 s1, s7  }
0xae: {  	s7 =	sshll.u32 @p0 s7, $0xE  }
0xaf: {  	s7 =	sadd.s32 @p0 $0x11B8D, s7;
	s8 =	sshll.u32 @p0 s6, $0x11  }
0xb0: {  	s7 =	sor.u32 @p0 s8, s7  }
0xb1: {  	[sflag:s7] =	ssyncadd.remote.s32 @p0 $0x1;
	_ =	sdelay $0x1  }
0xb2: {  	s7 =	simm.s32 @p0 $0x1B8D  }
0xb3: {  	_ =	swait.eq @p0 [sflag:s7], $0x1  }
0xb4: {  	[sflag:s7] =	ssyncadd.s32 @p0 $0xFFFFFFFF  }
0xb5: {  	s8 =	sshll.u32 @!p0 s1, $0xE  }
0xb6: {  	s8 =	sor.u32 @!p0 $0x4000, s8;
	s7 =	simm.s32 @!p0 $0x1B8D  }
0xb7: {  	s6 =	sshll.u32 @!p0 s6, $0x11;
	s8 =	sadd.s32 @!p0 $0x11B8D, s8;
	_ =	swait.eq @!p0 [sflag:s7], $0x1  }
0xb8: {  	s6 =	sor.u32 @!p0 s6, s8;
	[sflag:s7] =	ssyncadd.s32 @!p0 $0xFFFFFFFF  }
0xb9: {  	s25 =	simm.s32 $0x1B8E;
	s24 =	sld [smem:$0x3FFE];
	[sflag:s6] =	ssyncadd.remote.s32 @!p0 $0x1  }
0xba: {  	s26 =	simm.s32 $execute0_lowered;
	[smem:$0x3FD2] =	sst s25  }
0xbb: {  	s7 =	sshll.u32 s26, $0x1;
	_ =	strace $0x8000004C;
	[dreg:$0x1] =	wrdreg $0xFFFFFFFF  }
0xbc: {  	s28 =	simm.s32 $_size_execute0_lowered;
	s5 =	sadd.s32 s5, s7;
	[dreg:$0x0] =	wrdreg $0x0  }
0xbd: {  	s7 =	sshll.u32 s28, $0x1;
	[dreg:$0x2] =	wrdreg s5  }
0xbe: {  	[dreg:$0x3] =	wrdreg s7  }
0xbf: {  	[dreg:$0x4] =	wrdreg $0xC0  }
0xc0: {  	_ =	task [dreg:s22], $0x5FFFF  }
0xc1: {  	[dreg:$0x1] =	wrdreg $0xFFFFFFFF  }
0xc2: {  	[dreg:$0x0] =	wrdreg $0x60  }
0xc3: {  	[dreg:$0x2] =	wrdreg s24  }
0xc4: {  	[dreg:$0x3] =	wrdreg s17  }
0xc5: {  	[dreg:$0x4] =	wrdreg s18  }
0xc6: {  	[dreg:$0x5] =	wrdreg $0x88000  }
0xc7: {  	[dreg:$0x6] =	wrdreg $0xA  }
0xc8: {  	_ =	task.clear_ibuf [dreg:s22], $0x7FFFF;
	_ =	strace $0x9000004C  }
0xc9: {  	s29 =	simm.s32 $0xA;
	_ =	strace $0x8000004E  }
0xca: {  	_ =	swait.ge [sflag:s29], $0x1  }
0xcb: {  	[sflag:s29] =	ssyncadd.s32 $0xFFFFFFFF  }
0xcc: {  	_ =	strace $0x9000004E  }
0xcd: {  	_ =	sfence  }
0xce: {  	s30 =	sld [smem:$0x0];
	_ =	sdelay $0x2  }
0xcf: {  	s31 =	sshll.u32 s1, $0xD;
	s1 =	sshrl.u32 s1, $0x2  }
0xd0: {  	s4 =	sand.u32 $0x4000, s31;
	s1 =	sadd.s32 s1, s30  }
0xd1: {  	s0 =	sor.u32 s4, s0;
	s1 =	sshll.u32 s1, $0x11  }
0xd2: {  	s0 =	sor.u32 s1, s0  }
0xd3: {  	s0 =	sadd.s32 $0x8F2B, s0  }
0xd4: {  	[sflag:s0] =	ssyncadd.remote.s32 $0x1  }
0xd5: {  	_ =	sfence.sel $0xFFFF  }
0xd6: {  	[dreg:$0x0] =	wrdreg $0xFFFFFFFF;
	(pc) =	sbr.abs _section_cstart, $3  }
0xd7: {  	[dreg:$0x1] =	wrdreg $0xFFFFFFFF  }
0xd8: {  	_ =	task.clear_ibuf [dreg:s22], $0x2FFFF;
	_ =	strace $0x9FFFFFFF  }
0xd9: {  	(tm) =	ssettm $0x7FFFFFFF  }
tec
execute0_lowered:
.L_overlay_start_1:
0x0: {  	(tag) =	ssettag $0x1  }
0x1: {  	s0 =	rddreg [dreg:$0x0]  }
0x2: {  	s1 =	rddreg [dreg:$0x1]  }
0x3: {  	s5 =	rddreg [dreg:$0x2]  }
0x4: {  	s2 =	rddreg [dreg:$0x3];
	s13 =	stileid.u32  }
0x5: {  	s3 =	simm.s32 $0x0;
	s4 =	srdreg.scid;
	s14 =	simm.s32 $0x80  }
0x6: {  	s15 =	simm.s32 $0x800;
	s16 =	simm.s32 $0x4800;
	s17 =	simm.s32 $0x1  }
0x7: {  	s18 =	simm.s32 $0x100;
	s19 =	simm.s32 $0x480;
	s6 =	smul.u32 $0x500, s13  }
0x8: {  	s28 =	simm.s32 $0x680;
	s29 =	simm.s32 $0x380;
	s8 =	smul.u32 $0x50000, s13  }
0x9: {  	s30 =	simm.s32 $0x700;
	s31 =	simm.s32 $0x780;
	s22 =	smul.u32 $0x14000, s13  }
0xa: {  	[smem:$0x7FF] =	sst s3;
	s7 =	sand.u32 $0x1, s4;
	s12 =	smul.u32 $0x2800, s13  }
0xb: {  	s4 =	sadd.s32 $0x28B600, s0;
	s24 =	sshll.u32 s13, $0x6;
	s9 =	smul.u32 $0x28000, s7  }
0xc: {  	s13 =	simm.s32 $0x400;
	_ =	strace $0x8000004D;
	s20 =	smul.u32 $0x140000, s7  }
0xd: {  	s21 =	ssub.s32 $0x2, s7;
	s10 =	sadd.s32 s6, s0;
	s0 =	sadd.s32 $0xD600, s0  }
0xe: {  	s11 =	sshrl.u32 s21, $0x1;
	s8 =	sshrl.u32 s8, $0x2;
	[dreg:$0x5] =	wrdreg s0  }
0xf: {  	s0 =	ssub.s32 s21, s11;
	s23 =	sadd.s32 s8, s2;
	s6 =	sadd.s32 s22, s20  }
0x10: {  	s9 =	sadd.s32 s12, s9;
	s12 =	simm.s32 $0x2;
	s20 =	simm.s32 $0x180  }
0x11: {  	s21 =	simm.s32 $0x500;
	s22 =	simm.s32 $0x200;
	s25 =	sshrl.u32 s6, $0x3  }
0x12: {  	s6 =	sor.u32 $0x1C02, s24;
	s26 =	sshrl.u32 s9, $0x3;
	s0 =	smax.u32 s0, $0x1  }
0x13: {  	s9 =	sadd.s32 $0x8600, s10;
	s24 =	simm.s32 $0x280;
	s5 =	sadd.s32 s5, s25  }
0x14: {  	[dreg:$0x7] =	wrdreg s0;
	s10 =	sadd.s32 s26, s1;
	s25 =	simm.s32 $0x600  }
0x15: {  	s26 =	simm.s32 $0x300;
	[dreg:$0x6] =	wrdreg s5;
	s5 =	sshrl.u32 s23, $0x3  }
0x16: {  	s0 =	simm.s32 $0x0;
	s23 =	simm.s32 $0x580;
	[dreg:$0x8] =	wrdreg s5  }
.LBB2_1:
0x17: {  	s1 =	rddreg [dreg:$0x5]  }
0x18: {  	[spmem:s5], [sflag:s6] =	dma.local [hbm:s1], $0x2800  }
0x19: {  	_ =	swait.ge [sflag:s12], $0x2800  }
0x1a: {  	[sflag:s12] =	ssyncset.done $0x0  }
0x1b: {  	[sflag:s12] =	ssyncadd.s32 $0xFFFFD800  }
0x1c: {  	s7 =	sadd.s32 $0x0, s10;
	[bflag:$0x0] =	sbarrier.arrive $0xFFFF  }
0x1d: {  	[tilespmem:s3], [sflag:$0x2] =	stream.linear.gather [hbm4b:s7+s3], $0x400, $0x38;
	[tilespmem:$0x1C800] =	vst v63  }
0x1e: {  	_ =	swait.ge [sflag:s12], $0x400  }
0x1f: {  	[sflag:s12] =	ssyncset.done $0x0  }
0x20: {  	s8 =	sadd.s32 $0x0, s9;
	[sflag:s12] =	ssyncadd.s32 $0xFFFFFC00  }
0x21: {  	[tilespmem:s13], [sflag:$0x2] =	stream.linear.gather [hbm4b:s8+s3], $0x400, $0x38;
	[tilespmem:$0x1C800] =	vst v63  }
0x22: {  	_ =	swait.ge [sflag:s12], $0x400  }
0x23: {  	[sflag:s12] =	ssyncset.done $0x0  }
0x24: {  	[sflag:s12] =	ssyncadd.s32 $0xFFFFFC00  }
0x25: {  	[tilespmem:s15], [sflag:$0x1] =	stream.indirect.gather [hbm4b:s4+s14], $0x80, s3, s14, $0xb8;
	[tilespmem:$0x1C800] =	vst v63  }
0x26: {  	_ = 	snop  }
0x27: {  	[tilespmem:s16], [sflag:$0x1] =	stream.indirect.gather [hbm4b:s4+s14], $0x80, s14, s14, $0xb8;
	[tilespmem:$0x1C800] =	vst v63  }
0x28: {  	_ =	swait.ge [sflag:s17], $0x4000  }
0x29: {  	[sflag:s17] =	ssyncset.done $0x0  }
0x2a: {  	[sflag:s17] =	ssyncadd.s32 $0xFFFFC000  }
0x2b: {  	[spmem:s2] =	stream.indirect.scatter.add.f32 [tilespmem:s15], [sflag:$0x2], $0x80, s13, s14, $0xb8;
	[tilespmem:$0x1C800] =	vst v63  }
0x2c: {  	_ =	swait.ge [sflag:s12], $0x4000  }
0x2d: {  	[sflag:s12] =	ssyncset.done $0x0  }
0x2e: {  	[sflag:s12] =	ssyncadd.s32 $0xFFFFC000  }
0x2f: {  	[tilespmem:s15], [sflag:$0x1] =	stream.indirect.gather [hbm4b:s4+s14], $0x80, s18, s14, $0xb8;
	[tilespmem:$0x1C800] =	vst v63  }
0x30: {  	_ =	swait.ge [sflag:s17], $0x4000  }
0x31: {  	[sflag:s17] =	ssyncset.done $0x0  }
0x32: {  	[sflag:s17] =	ssyncadd.s32 $0xFFFFC000  }
0x33: {  	[spmem:s2] =	stream.indirect.scatter.add.f32 [tilespmem:s16], [sflag:$0x2], $0x80, s19, s14, $0xb8;
	[tilespmem:$0x1C800] =	vst v63  }
0x34: {  	_ =	swait.ge [sflag:s12], $0x4000  }
0x35: {  	[sflag:s12] =	ssyncset.done $0x0  }
0x36: {  	[sflag:s12] =	ssyncadd.s32 $0xFFFFC000  }
0x37: {  	[tilespmem:s16], [sflag:$0x1] =	stream.indirect.gather [hbm4b:s4+s14], $0x80, s20, s14, $0xb8;
	[tilespmem:$0x1C800] =	vst v63  }
0x38: {  	_ =	swait.ge [sflag:s17], $0x4000  }
0x39: {  	[sflag:s17] =	ssyncset.done $0x0  }
0x3a: {  	[sflag:s17] =	ssyncadd.s32 $0xFFFFC000  }
0x3b: {  	[spmem:s2] =	stream.indirect.scatter.add.f32 [tilespmem:s15], [sflag:$0x2], $0x80, s21, s14, $0xb8;
	[tilespmem:$0x1C800] =	vst v63  }
0x3c: {  	_ =	swait.ge [sflag:s12], $0x4000  }
0x3d: {  	[sflag:s12] =	ssyncset.done $0x0  }
0x3e: {  	[sflag:s12] =	ssyncadd.s32 $0xFFFFC000  }
0x3f: {  	[tilespmem:s15], [sflag:$0x1] =	stream.indirect.gather [hbm4b:s4+s14], $0x80, s22, s14, $0xb8;
	[tilespmem:$0x1C800] =	vst v63  }
0x40: {  	_ =	swait.ge [sflag:s17], $0x4000  }
0x41: {  	[sflag:s17] =	ssyncset.done $0x0  }
0x42: {  	[sflag:s17] =	ssyncadd.s32 $0xFFFFC000  }
0x43: {  	[spmem:s2] =	stream.indirect.scatter.add.f32 [tilespmem:s16], [sflag:$0x2], $0x80, s23, s14, $0xb8;
	[tilespmem:$0x1C800] =	vst v63  }
0x44: {  	_ =	swait.ge [sflag:s12], $0x4000  }
0x45: {  	[sflag:s12] =	ssyncset.done $0x0  }
0x46: {  	[sflag:s12] =	ssyncadd.s32 $0xFFFFC000  }
0x47: {  	[tilespmem:s16], [sflag:$0x1] =	stream.indirect.gather [hbm4b:s4+s14], $0x80, s24, s14, $0xb8;
	[tilespmem:$0x1C800] =	vst v63  }
0x48: {  	_ =	swait.ge [sflag:s17], $0x4000  }
0x49: {  	[sflag:s17] =	ssyncset.done $0x0  }
0x4a: {  	[sflag:s17] =	ssyncadd.s32 $0xFFFFC000  }
0x4b: {  	[spmem:s2] =	stream.indirect.scatter.add.f32 [tilespmem:s15], [sflag:$0x2], $0x80, s25, s14, $0xb8;
	[tilespmem:$0x1C800] =	vst v63  }
0x4c: {  	_ =	swait.ge [sflag:s12], $0x4000  }
0x4d: {  	[sflag:s12] =	ssyncset.done $0x0  }
0x4e: {  	[sflag:s12] =	ssyncadd.s32 $0xFFFFC000  }
0x4f: {  	[tilespmem:s15], [sflag:$0x1] =	stream.indirect.gather [hbm4b:s4+s14], $0x80, s26, s14, $0xb8;
	[tilespmem:$0x1C800] =	vst v63  }
0x50: {  	_ =	swait.ge [sflag:s17], $0x4000  }
0x51: {  	[sflag:s17] =	ssyncset.done $0x0  }
0x52: {  	[sflag:s17] =	ssyncadd.s32 $0xFFFFC000  }
0x53: {  	[spmem:s2] =	stream.indirect.scatter.add.f32 [tilespmem:s16], [sflag:$0x2], $0x80, s28, s14, $0xb8;
	[tilespmem:$0x1C800] =	vst v63  }
0x54: {  	_ =	swait.ge [sflag:s12], $0x4000  }
0x55: {  	[sflag:s12] =	ssyncset.done $0x0  }
0x56: {  	[sflag:s12] =	ssyncadd.s32 $0xFFFFC000  }
0x57: {  	[tilespmem:s16], [sflag:$0x1] =	stream.indirect.gather [hbm4b:s4+s14], $0x80, s29, s14, $0xb8;
	[tilespmem:$0x1C800] =	vst v63  }
0x58: {  	_ =	swait.ge [sflag:s17], $0x4000  }
0x59: {  	[sflag:s17] =	ssyncset.done $0x0  }
0x5a: {  	[sflag:s17] =	ssyncadd.s32 $0xFFFFC000  }
0x5b: {  	[spmem:s2] =	stream.indirect.scatter.add.f32 [tilespmem:s15], [sflag:$0x2], $0x80, s30, s14, $0xb8;
	[tilespmem:$0x1C800] =	vst v63  }
0x5c: {  	_ =	swait.ge [sflag:s12], $0x4000  }
0x5d: {  	[sflag:s12] =	ssyncset.done $0x0  }
0x5e: {  	[sflag:s12] =	ssyncadd.s32 $0xFFFFC000  }
0x5f: {  	_ =	swait.ge [sflag:s17], $0x4000  }
0x60: {  	[sflag:s17] =	ssyncset.done $0x0  }
0x61: {  	[sflag:s17] =	ssyncadd.s32 $0xFFFFC000  }
0x62: {  	[spmem:s2] =	stream.indirect.scatter.add.f32 [tilespmem:s16], [sflag:$0x2], $0x80, s31, s14, $0xb8;
	[tilespmem:$0x1C800] =	vst v63  }
0x63: {  	s11 =	smov.u32 s6;
	_ =	swait.ge [sflag:s12], $0x4000  }
0x64: {  	s1 =	simm.s32 $0x80;
	s5 =	simm.s32 $0x100;
	[sflag:s12] =	ssyncset.done $0x0  }
.LBB2_2:
0x65: {  	s8 =	sadd.s32 s1, s10  }
0x66: {  	[sflag:s12] =	ssyncadd.s32 $0xFFFFC000;
	s6 =	smov.u32 s5;
	s7 =	sadd.s32 $0x80, s5  }
0x67: {  	[tilespmem:s3], [sflag:$0x2] =	stream.linear.gather [hbm4b:s8+s3], $0x400, $0x38;
	[tilespmem:$0x1C800] =	vst v63  }
0x68: {  	p0 =	sne.s32 s5, $0x480;
	_ =	swait.ge [sflag:s12], $0x400  }
0x69: {  	[sflag:s12] =	ssyncset.done $0x0  }
0x6a: {  	s5 =	sadd.s32 s1, s9;
	s1 =	smov.u32 s6;
	[sflag:s12] =	ssyncadd.s32 $0xFFFFFC00  }
0x6b: {  	[tilespmem:s13], [sflag:$0x2] =	stream.linear.gather [hbm4b:s5+s3], $0x400, $0x38;
	[tilespmem:$0x1C800] =	vst v63  }
0x6c: {  	_ =	swait.ge [sflag:s12], $0x400  }
0x6d: {  	[sflag:s12] =	ssyncset.done $0x0  }
0x6e: {  	[sflag:s12] =	ssyncadd.s32 $0xFFFFFC00  }
0x6f: {  	[tilespmem:s15], [sflag:$0x1] =	stream.indirect.gather [hbm4b:s4+s14], $0x80, s3, s14, $0xb8;
	[tilespmem:$0x1C800] =	vst v63  }
0x70: {  	_ = 	snop  }
0x71: {  	[tilespmem:s16], [sflag:$0x1] =	stream.indirect.gather [hbm4b:s4+s14], $0x80, s14, s14, $0xb8;
	[tilespmem:$0x1C800] =	vst v63  }
0x72: {  	_ =	swait.ge [sflag:s17], $0x4000  }
0x73: {  	[sflag:s17] =	ssyncset.done $0x0  }
0x74: {  	[sflag:s17] =	ssyncadd.s32 $0xFFFFC000  }
0x75: {  	[spmem:s2] =	stream.indirect.scatter.add.f32 [tilespmem:s15], [sflag:$0x2], $0x80, s13, s14, $0xb8;
	[tilespmem:$0x1C800] =	vst v63  }
0x76: {  	_ =	swait.ge [sflag:s12], $0x4000  }
0x77: {  	[sflag:s12] =	ssyncset.done $0x0  }
0x78: {  	[sflag:s12] =	ssyncadd.s32 $0xFFFFC000  }
0x79: {  	[tilespmem:s15], [sflag:$0x1] =	stream.indirect.gather [hbm4b:s4+s14], $0x80, s18, s14, $0xb8;
	[tilespmem:$0x1C800] =	vst v63  }
0x7a: {  	_ =	swait.ge [sflag:s17], $0x4000  }
0x7b: {  	[sflag:s17] =	ssyncset.done $0x0  }
0x7c: {  	[sflag:s17] =	ssyncadd.s32 $0xFFFFC000  }
0x7d: {  	[spmem:s2] =	stream.indirect.scatter.add.f32 [tilespmem:s16], [sflag:$0x2], $0x80, s19, s14, $0xb8;
	[tilespmem:$0x1C800] =	vst v63  }
0x7e: {  	_ =	swait.ge [sflag:s12], $0x4000  }
0x7f: {  	[sflag:s12] =	ssyncset.done $0x0  }
0x80: {  	[sflag:s12] =	ssyncadd.s32 $0xFFFFC000  }
0x81: {  	[tilespmem:s16], [sflag:$0x1] =	stream.indirect.gather [hbm4b:s4+s14], $0x80, s20, s14, $0xb8;
	[tilespmem:$0x1C800] =	vst v63  }
0x82: {  	_ =	swait.ge [sflag:s17], $0x4000  }
0x83: {  	[sflag:s17] =	ssyncset.done $0x0  }
0x84: {  	[sflag:s17] =	ssyncadd.s32 $0xFFFFC000  }
0x85: {  	[spmem:s2] =	stream.indirect.scatter.add.f32 [tilespmem:s15], [sflag:$0x2], $0x80, s21, s14, $0xb8;
	[tilespmem:$0x1C800] =	vst v63  }
0x86: {  	_ =	swait.ge [sflag:s12], $0x4000  }
0x87: {  	[sflag:s12] =	ssyncset.done $0x0  }
0x88: {  	[sflag:s12] =	ssyncadd.s32 $0xFFFFC000  }
0x89: {  	[tilespmem:s15], [sflag:$0x1] =	stream.indirect.gather [hbm4b:s4+s14], $0x80, s22, s14, $0xb8;
	[tilespmem:$0x1C800] =	vst v63  }
0x8a: {  	_ =	swait.ge [sflag:s17], $0x4000  }
0x8b: {  	[sflag:s17] =	ssyncset.done $0x0  }
0x8c: {  	[sflag:s17] =	ssyncadd.s32 $0xFFFFC000  }
0x8d: {  	[spmem:s2] =	stream.indirect.scatter.add.f32 [tilespmem:s16], [sflag:$0x2], $0x80, s23, s14, $0xb8;
	[tilespmem:$0x1C800] =	vst v63  }
0x8e: {  	_ =	swait.ge [sflag:s12], $0x4000  }
0x8f: {  	[sflag:s12] =	ssyncset.done $0x0  }
0x90: {  	[sflag:s12] =	ssyncadd.s32 $0xFFFFC000  }
0x91: {  	[tilespmem:s16], [sflag:$0x1] =	stream.indirect.gather [hbm4b:s4+s14], $0x80, s24, s14, $0xb8;
	[tilespmem:$0x1C800] =	vst v63  }
0x92: {  	_ =	swait.ge [sflag:s17], $0x4000  }
0x93: {  	[sflag:s17] =	ssyncset.done $0x0  }
0x94: {  	[sflag:s17] =	ssyncadd.s32 $0xFFFFC000  }
0x95: {  	[spmem:s2] =	stream.indirect.scatter.add.f32 [tilespmem:s15], [sflag:$0x2], $0x80, s25, s14, $0xb8;
	[tilespmem:$0x1C800] =	vst v63  }
0x96: {  	_ =	swait.ge [sflag:s12], $0x4000  }
0x97: {  	[sflag:s12] =	ssyncset.done $0x0  }
0x98: {  	[sflag:s12] =	ssyncadd.s32 $0xFFFFC000  }
0x99: {  	[tilespmem:s15], [sflag:$0x1] =	stream.indirect.gather [hbm4b:s4+s14], $0x80, s26, s14, $0xb8;
	[tilespmem:$0x1C800] =	vst v63  }
0x9a: {  	_ =	swait.ge [sflag:s17], $0x4000  }
0x9b: {  	[sflag:s17] =	ssyncset.done $0x0  }
0x9c: {  	[sflag:s17] =	ssyncadd.s32 $0xFFFFC000  }
0x9d: {  	[spmem:s2] =	stream.indirect.scatter.add.f32 [tilespmem:s16], [sflag:$0x2], $0x80, s28, s14, $0xb8;
	[tilespmem:$0x1C800] =	vst v63  }
0x9e: {  	_ =	swait.ge [sflag:s12], $0x4000  }
0x9f: {  	[sflag:s12] =	ssyncset.done $0x0  }
0xa0: {  	[sflag:s12] =	ssyncadd.s32 $0xFFFFC000  }
0xa1: {  	[tilespmem:s16], [sflag:$0x1] =	stream.indirect.gather [hbm4b:s4+s14], $0x80, s29, s14, $0xb8;
	[tilespmem:$0x1C800] =	vst v63  }
0xa2: {  	_ =	swait.ge [sflag:s17], $0x4000  }
0xa3: {  	[sflag:s17] =	ssyncset.done $0x0  }
0xa4: {  	[sflag:s17] =	ssyncadd.s32 $0xFFFFC000  }
0xa5: {  	[spmem:s2] =	stream.indirect.scatter.add.f32 [tilespmem:s15], [sflag:$0x2], $0x80, s30, s14, $0xb8;
	[tilespmem:$0x1C800] =	vst v63  }
0xa6: {  	_ =	swait.ge [sflag:s12], $0x4000  }
0xa7: {  	[sflag:s12] =	ssyncset.done $0x0  }
0xa8: {  	[sflag:s12] =	ssyncadd.s32 $0xFFFFC000  }
0xa9: {  	_ =	swait.ge [sflag:s17], $0x4000  }
.Ltmp0:
0xaa: {  	[sflag:s17] =	ssyncset.done $0x0;
	(pc) =	sbr.rel @p0 .LBB2_2-.Ltmp0, $4  }
0xab: {  	[sflag:s17] =	ssyncadd.s32 $0xFFFFC000  }
0xac: {  	[spmem:s2] =	stream.indirect.scatter.add.f32 [tilespmem:s16], [sflag:$0x2], $0x80, s31, s14, $0xb8;
	[tilespmem:$0x1C800] =	vst v63  }
0xad: {  	_ =	swait.ge [sflag:s12], $0x4000  }
0xae: {  	s5 =	smov.u32 s7;
	[sflag:s12] =	ssyncset.done $0x0  }
0xaf: {  	s5 =	sadd.s32 s1, s10;
	[sflag:s12] =	ssyncadd.s32 $0xFFFFC000  }
0xb0: {  	[tilespmem:s3], [sflag:$0x2] =	stream.linear.gather [hbm4b:s5+s3], $0x400, $0x38;
	[tilespmem:$0x1C800] =	vst v63  }
0xb1: {  	_ =	swait.ge [sflag:s12], $0x400  }
0xb2: {  	[sflag:s12] =	ssyncset.done $0x0  }
0xb3: {  	s7 =	sadd.s32 s1, s9;
	[sflag:s12] =	ssyncadd.s32 $0xFFFFFC00  }
0xb4: {  	[tilespmem:s13], [sflag:$0x2] =	stream.linear.gather [hbm4b:s7+s3], $0x400, $0x38;
	[tilespmem:$0x1C800] =	vst v63  }
0xb5: {  	_ =	swait.ge [sflag:s12], $0x400  }
0xb6: {  	[sflag:s12] =	ssyncset.done $0x0  }
0xb7: {  	[sflag:s12] =	ssyncadd.s32 $0xFFFFFC00  }
0xb8: {  	[tilespmem:s15], [sflag:$0x1] =	stream.indirect.gather [hbm4b:s4+s14], $0x80, s3, s14, $0xb8;
	[tilespmem:$0x1C800] =	vst v63  }
0xb9: {  	_ = 	snop  }
0xba: {  	[tilespmem:s16], [sflag:$0x1] =	stream.indirect.gather [hbm4b:s4+s14], $0x80, s14, s14, $0xb8;
	[tilespmem:$0x1C800] =	vst v63  }
0xbb: {  	_ =	swait.ge [sflag:s17], $0x4000  }
0xbc: {  	[sflag:s17] =	ssyncset.done $0x0  }
0xbd: {  	[sflag:s17] =	ssyncadd.s32 $0xFFFFC000  }
0xbe: {  	[spmem:s2] =	stream.indirect.scatter.add.f32 [tilespmem:s15], [sflag:$0x2], $0x80, s13, s14, $0xb8;
	[tilespmem:$0x1C800] =	vst v63  }
0xbf: {  	_ =	swait.ge [sflag:s12], $0x4000  }
0xc0: {  	[sflag:s12] =	ssyncset.done $0x0  }
0xc1: {  	[sflag:s12] =	ssyncadd.s32 $0xFFFFC000  }
0xc2: {  	[tilespmem:s15], [sflag:$0x1] =	stream.indirect.gather [hbm4b:s4+s14], $0x80, s18, s14, $0xb8;
	[tilespmem:$0x1C800] =	vst v63  }
0xc3: {  	_ =	swait.ge [sflag:s17], $0x4000  }
0xc4: {  	[sflag:s17] =	ssyncset.done $0x0  }
0xc5: {  	[sflag:s17] =	ssyncadd.s32 $0xFFFFC000  }
0xc6: {  	[spmem:s2] =	stream.indirect.scatter.add.f32 [tilespmem:s16], [sflag:$0x2], $0x80, s19, s14, $0xb8;
	[tilespmem:$0x1C800] =	vst v63  }
0xc7: {  	_ =	swait.ge [sflag:s12], $0x4000  }
0xc8: {  	[sflag:s12] =	ssyncset.done $0x0  }
0xc9: {  	[sflag:s12] =	ssyncadd.s32 $0xFFFFC000  }
0xca: {  	[tilespmem:s16], [sflag:$0x1] =	stream.indirect.gather [hbm4b:s4+s14], $0x80, s20, s14, $0xb8;
	[tilespmem:$0x1C800] =	vst v63  }
0xcb: {  	_ =	swait.ge [sflag:s17], $0x4000  }
0xcc: {  	[sflag:s17] =	ssyncset.done $0x0  }
0xcd: {  	[sflag:s17] =	ssyncadd.s32 $0xFFFFC000  }
0xce: {  	[spmem:s2] =	stream.indirect.scatter.add.f32 [tilespmem:s15], [sflag:$0x2], $0x80, s21, s14, $0xb8;
	[tilespmem:$0x1C800] =	vst v63  }
0xcf: {  	_ =	swait.ge [sflag:s12], $0x4000  }
0xd0: {  	[sflag:s12] =	ssyncset.done $0x0  }
0xd1: {  	[sflag:s12] =	ssyncadd.s32 $0xFFFFC000  }
0xd2: {  	[tilespmem:s15], [sflag:$0x1] =	stream.indirect.gather [hbm4b:s4+s14], $0x80, s22, s14, $0xb8;
	[tilespmem:$0x1C800] =	vst v63  }
0xd3: {  	_ =	swait.ge [sflag:s17], $0x4000  }
0xd4: {  	[sflag:s17] =	ssyncset.done $0x0  }
0xd5: {  	[sflag:s17] =	ssyncadd.s32 $0xFFFFC000  }
0xd6: {  	[spmem:s2] =	stream.indirect.scatter.add.f32 [tilespmem:s16], [sflag:$0x2], $0x80, s23, s14, $0xb8;
	[tilespmem:$0x1C800] =	vst v63  }
0xd7: {  	_ =	swait.ge [sflag:s12], $0x4000  }
0xd8: {  	[sflag:s12] =	ssyncset.done $0x0  }
0xd9: {  	[sflag:s12] =	ssyncadd.s32 $0xFFFFC000  }
0xda: {  	[tilespmem:s16], [sflag:$0x1] =	stream.indirect.gather [hbm4b:s4+s14], $0x80, s24, s14, $0xb8;
	[tilespmem:$0x1C800] =	vst v63  }
0xdb: {  	_ =	swait.ge [sflag:s17], $0x4000  }
0xdc: {  	[sflag:s17] =	ssyncset.done $0x0  }
0xdd: {  	[sflag:s17] =	ssyncadd.s32 $0xFFFFC000  }
0xde: {  	[spmem:s2] =	stream.indirect.scatter.add.f32 [tilespmem:s15], [sflag:$0x2], $0x80, s25, s14, $0xb8;
	[tilespmem:$0x1C800] =	vst v63  }
0xdf: {  	_ =	swait.ge [sflag:s12], $0x4000  }
0xe0: {  	[sflag:s12] =	ssyncset.done $0x0  }
0xe1: {  	[sflag:s12] =	ssyncadd.s32 $0xFFFFC000  }
0xe2: {  	[tilespmem:s15], [sflag:$0x1] =	stream.indirect.gather [hbm4b:s4+s14], $0x80, s26, s14, $0xb8;
	[tilespmem:$0x1C800] =	vst v63  }
0xe3: {  	_ =	swait.ge [sflag:s17], $0x4000  }
0xe4: {  	[sflag:s17] =	ssyncset.done $0x0  }
0xe5: {  	[sflag:s17] =	ssyncadd.s32 $0xFFFFC000  }
0xe6: {  	[spmem:s2] =	stream.indirect.scatter.add.f32 [tilespmem:s16], [sflag:$0x2], $0x80, s28, s14, $0xb8;
	[tilespmem:$0x1C800] =	vst v63  }
0xe7: {  	_ =	swait.ge [sflag:s12], $0x4000  }
0xe8: {  	[sflag:s12] =	ssyncset.done $0x0  }
0xe9: {  	[sflag:s12] =	ssyncadd.s32 $0xFFFFC000  }
0xea: {  	[tilespmem:s16], [sflag:$0x1] =	stream.indirect.gather [hbm4b:s4+s14], $0x80, s29, s14, $0xb8;
	[tilespmem:$0x1C800] =	vst v63  }
0xeb: {  	_ =	swait.ge [sflag:s17], $0x4000  }
0xec: {  	[sflag:s17] =	ssyncset.done $0x0  }
0xed: {  	[sflag:s17] =	ssyncadd.s32 $0xFFFFC000  }
0xee: {  	[spmem:s2] =	stream.indirect.scatter.add.f32 [tilespmem:s15], [sflag:$0x2], $0x80, s30, s14, $0xb8;
	[tilespmem:$0x1C800] =	vst v63  }
0xef: {  	_ =	swait.ge [sflag:s12], $0x4000  }
0xf0: {  	[sflag:s12] =	ssyncset.done $0x0  }
0xf1: {  	[sflag:s12] =	ssyncadd.s32 $0xFFFFC000  }
0xf2: {  	_ =	swait.ge [sflag:s17], $0x4000  }
0xf3: {  	[sflag:s17] =	ssyncset.done $0x0  }
0xf4: {  	[sflag:s17] =	ssyncadd.s32 $0xFFFFC000  }
0xf5: {  	[spmem:s2] =	stream.indirect.scatter.add.f32 [tilespmem:s16], [sflag:$0x2], $0x80, s31, s14, $0xb8;
	[tilespmem:$0x1C800] =	vst v63  }
0xf6: {  	_ =	swait.ge [sflag:s12], $0x4000  }
0xf7: {  	[sflag:s12] =	ssyncset.done $0x0  }
0xf8: {  	[sflag:s12] =	ssyncadd.s32 $0xFFFFC000  }
0xf9: {  	[bflag:$0x0] =	sbarrier.arrive $0xFFFF  }
0xfa: {  	s8 =	rddreg [dreg:$0x6]  }
0xfb: {  	s5 =	rddreg [dreg:$0x8]  }
0xfc: {  	[hbm:s8], [sflag:s11] =	dma.local [spmem:s5], $0x2800  }
0xfd: {  	_ =	swait.ge [sflag:s12], $0x2800  }
0xfe: {  	s6 =	smov.u32 s11;
	s0 =	sadd.s32 $0x1, s0;
	s11 =	rddreg [dreg:$0x7]  }
0xff: {  	p0 =	sne.s32 s0, s11  }
.Ltmp1:
0x100: {  	_ = 	snop;
	(pc) =	sbr.rel @p0 .LBB2_1-.Ltmp1, $3  }
0x101: {  	_ =	sdelay $0x1  }
0x102: {  	[sflag:s12] =	ssyncset.done $0x0  }
0x103: {  	[sflag:s12] =	ssyncadd.s32 $0xFFFFD800  }
0x104: {  	_ =	sfence.sel $0x180000  }
0x105: {  	[bflag:$0x0] =	sbarrier.arrive $0xFFFF  }
0x106: {  	_ =	strace $0x9000004D  }
0x107: {  	s0 =	stileid.u32;
	[bflag:$0x2] =	sbarrier.arrive $0xFFFF  }
0x108: {  	p0 =	sne.s32 s0, $0x0;
	s0 =	rddreg [dreg:$0x4]  }
0x109: {  	s0 =	sadd.s32 @!p0 $0x100000, s0  }
0x10a: {  	[sflag:s0] =	ssyncadd.tile.s32 @!p0 $0x1;
	_ =	shalt  }
.Lfunc_end2:
_tile_overlayer_lowered:
.L_overlay_start_2:
0x10b: {  	(tag) =	ssettag $0x2  }
0x10c: {  	s0 =	rddreg [dreg:$0x0];
	s2 =	stileid.u32  }
0x10d: {  	s1 =	rddreg [dreg:$0x1];
	p0 =	sne.s32 s2, $0x0  }
0x10e: {  	s3 =	rddreg [dreg:$0x2];
	[bflag:$0x3] =	sbarrier.arrive $0xFFFF;
	s2 =	simm.s32 @!p0 $0x1C02  }
0x10f: {  	[timem:s3], [sflag:s2] =	dma.local @!p0 [hbm:s0], s1  }
0x110: {  	s0 =	simm.s32 @!p0 $0x2  }
0x111: {  	_ =	swait.ge @!p0 [sflag:s0], s1  }
0x112: {  	s1 =	ssub.s32 @!p0 $0x0, s1;
	[sflag:s0] =	ssyncset.done @!p0 $0x0  }
0x113: {  	[sflag:s0] =	ssyncadd.s32 @!p0 s1  }
0x114: {  	[bflag:$0x3] =	sbarrier.arrive $0xFFFF  }
0x115: {  	_ =	shalt  }

// kernel: kernel.31.cloned.1.call-start
scs
__scs_entry_jumppad:
0x0: {  	(pc) =	sbr.rel $0x88, $3  }
0x1: {  	(tag) =	ssettag $0x0;
	lr =	simm.s32 $0x1  }
0x2: {  	[smem:$0x3F8A] =	sst lr;
	_ =	strace $0xD0000000  }
0x3: {  	_ = 	snop  }
0x4: {  	_ = 	snop  }
0x5: {  	_ = 	snop  }
0x6: {  	_ = 	snop  }
0x7: {  	_ = 	snop  }
__scs_overlays_trampoline_lowered:
0x8: {  	[smem:$0x3F99] =	sst s0  }
0x9: {  	[smem:$0x3F9A] =	sst s1  }
0xa: {  	[smem:$0x3F9B] =	sst s2  }
0xb: {  	[smem:$0x3F9C] =	sst s3  }
0xc: {  	[smem:$0x3F9D] =	sst s4  }
0xd: {  	[smem:$0x3F9E] =	sst s5  }
0xe: {  	[smem:$0x3F9F] =	sst s6  }
0xf: {  	[smem:$0x3FA0] =	sst s7  }
0x10: {  	[smem:$0x3FA1] =	sst s8  }
0x11: {  	[smem:$0x3FA2] =	sst s9;
	s0 =	simm.s32 @!p0 $0x0  }
0x12: {  	s1 =	sld [smem:$0x3F88];
	s0 =	simm.s32 @p0 $0x1  }
0x13: {  	[smem:$0x3FA3] =	sst s0;
	s0 =	simm.s32 @!p1 $0x0  }
0x14: {  	s2 =	sld [smem:$0x3F87];
	s0 =	simm.s32 @p1 $0x1  }
0x15: {  	[smem:$0x3FA4] =	sst s0;
	s0 =	simm.s32 @!p2 $0x0  }
0x16: {  	s3 =	sld [smem:$0x3FDB];
	s0 =	simm.s32 @p2 $0x1  }
0x17: {  	s4 =	simm.s32 $0x1BF5;
	[smem:$0x3FA6] =	sst s0  }
0x18: {  	s0 =	sld [smem:$0x3F89];
	_ =	swait.ge [sflag:s4], $0x0  }
0x19: {  	s7 =	sld [smem:$0x3F8A]  }
0x1a: {  	s8 =	sadd.s32 $0xFFFFE003, lr  }
0x1b: {  	s9 =	sadd.s32 $0xFFFFFEF7, lr;
	s5 =	simm.s32 $0xFFFFFFFF;
	p2 =	slt.u32 s8, $0xFFFFF086  }
0x1c: {  	p1 =	slt.u32 s9, $0xF7A;
	s5 =	simm.s32 @!p2 $0x0  }
0x1d: {  	s5 =	simm.s32 @p1 $0x1;
	p0 =	seq.s32 s7, s2  }
0x1e: {  	s7 =	smul.u32 @!p0 $0xF7A, s2;
	p2 =	seq.s32 @!p0 s5, $0x0  }
0x1f: {  	s9 =	smul.u32 $0xF7A, s1;
	s8 =	simm.s32 @!p0 $0x1BF5;
	p2 =	por !p2, p0  }
0x20: {  	[sflag:s8] =	ssyncset.s32 @!p0 $0xFFFFF086;
	s6 =	sadd.s32 @!p0 s3, s7;
	s7 =	simm.s32 @!p0 $0x108  }
0x21: {  	s3 =	sadd.s32 s3, s9;
	s6 =	sadd.s32 @!p0 $0x88, s6;
	s7 =	simm.s32 @p2 $0x1082  }
0x22: {  	[simem:s7], [sflag:s8] =	dma.local @!p0 [hbm:s6], $0xF7A  }
0x23: {  	s9 =	sor.u32 $0xD0000000, s2;
	s6 =	simm.s32 $0x108;
	_ =	swait.ge @!p0 [sflag:s8], $0x0  }
0x24: {  	s3 =	sadd.s32 $0x88, s3;
	s6 =	simm.s32 @!p1 $0x1082;
	[sflag:s4] =	ssyncset.s32 $0xFFFFF086  }
0x25: {  	[simem:s6], [sflag:s4] =	dma.local [hbm:s3], $0xF7A  }
0x26: {  	[smem:$0x3F8A] =	sst s1;
	(tag) =	ssettag s2;
	_ =	strace s9  }
0x27: {  	s1 =	sld [smem:$0x3F9A]  }
0x28: {  	s2 =	sld [smem:$0x3F9B]  }
0x29: {  	s4 =	sld [smem:$0x3F9D]  }
0x2a: {  	p0 =	seq.s32 s5, $0x0;
	s5 =	sld [smem:$0x3F9E]  }
0x2b: {  	s6 =	sld [smem:$0x3F9F]  }
0x2c: {  	s7 =	sld [smem:$0x3FA0]  }
0x2d: {  	s3 =	simm.s32 $0x108;
	s8 =	sld [smem:$0x3FA1]  }
0x2e: {  	s3 =	simm.s32 @!p0 $0x1082;
	s9 =	sld [smem:$0x3FA2]  }
0x2f: {  	lr =	sadd.s32 s0, s3;
	s0 =	sld [smem:$0x3F99]  }
0x30: {  	s3 =	sld [smem:$0x3F9C]  }
0x31: {  	[smem:$0x3FA5] =	sst s10  }
0x32: {  	s10 =	sld [smem:$0x3FA3];
	_ =	sdelay $0x3  }
0x33: {  	p0 =	seq.s32 s10, $0x1;
	s10 =	sld [smem:$0x3FA5];
	_ =	sdelay $0x3  }
0x34: {  	[smem:$0x3FA5] =	sst s10  }
0x35: {  	s10 =	sld [smem:$0x3FA4];
	_ =	sdelay $0x3  }
0x36: {  	p1 =	seq.s32 s10, $0x1;
	s10 =	sld [smem:$0x3FA5];
	_ =	sdelay $0x3  }
0x37: {  	[smem:$0x3FA5] =	sst s10  }
0x38: {  	s10 =	sld [smem:$0x3FA6]  }
0x39: {  	_ = 	snop;
	(pc) =	sbr.ind lr, $3  }
0x3a: {  	_ = 	snop  }
0x3b: {  	_ = 	snop  }
0x3c: {  	p2 =	seq.s32 s10, $0x1;
	s10 =	sld [smem:$0x3FA5]  }
0x3d: {  	_ =	shalt  }
0x3e: {  	_ =	shalt  }
0x3f: {  	_ =	shalt  }
0x40: {  	_ =	shalt  }
0x41: {  	_ =	shalt  }
0x42: {  	_ =	shalt  }
0x43: {  	_ =	shalt  }
0x44: {  	_ =	shalt  }
0x45: {  	_ =	shalt  }
0x46: {  	_ =	shalt  }
0x47: {  	_ =	shalt  }
0x48: {  	_ =	shalt  }
0x49: {  	_ =	shalt  }
0x4a: {  	_ =	shalt  }
0x4b: {  	_ =	shalt  }
0x4c: {  	_ =	shalt  }
0x4d: {  	_ =	shalt  }
0x4e: {  	_ =	shalt  }
0x4f: {  	_ =	shalt  }
0x50: {  	_ =	shalt  }
0x51: {  	_ =	shalt  }
0x52: {  	_ =	shalt  }
0x53: {  	_ =	shalt  }
0x54: {  	_ =	shalt  }
0x55: {  	_ =	shalt  }
0x56: {  	_ =	shalt  }
0x57: {  	_ =	shalt  }
0x58: {  	_ =	shalt  }
0x59: {  	_ =	shalt  }
0x5a: {  	_ =	shalt  }
0x5b: {  	_ =	shalt  }
0x5c: {  	_ =	shalt  }
0x5d: {  	_ =	shalt  }
0x5e: {  	_ =	shalt  }
0x5f: {  	_ =	shalt  }
0x60: {  	_ =	shalt  }
0x61: {  	_ =	shalt  }
0x62: {  	_ =	shalt  }
0x63: {  	_ =	shalt  }
0x64: {  	_ =	shalt  }
0x65: {  	_ =	shalt  }
0x66: {  	_ =	shalt  }
0x67: {  	_ =	shalt  }
0x68: {  	_ =	shalt  }
0x69: {  	_ =	shalt  }
0x6a: {  	_ =	shalt  }
0x6b: {  	_ =	shalt  }
0x6c: {  	_ =	shalt  }
0x6d: {  	_ =	shalt  }
0x6e: {  	_ =	shalt  }
0x6f: {  	_ =	shalt  }
0x70: {  	_ =	shalt  }
0x71: {  	_ =	shalt  }
0x72: {  	_ =	shalt  }
0x73: {  	_ =	shalt  }
0x74: {  	_ =	shalt  }
0x75: {  	_ =	shalt  }
0x76: {  	_ =	shalt  }
0x77: {  	_ =	shalt  }
0x78: {  	_ =	shalt  }
0x79: {  	_ =	shalt  }
0x7a: {  	_ =	shalt  }
0x7b: {  	_ =	shalt  }
0x7c: {  	_ =	shalt  }
0x7d: {  	_ =	shalt  }
0x7e: {  	_ =	shalt  }
0x7f: {  	_ =	shalt  }
0x80: {  	_ =	shalt  }
0x81: {  	_ =	shalt  }
0x82: {  	_ =	shalt  }
0x83: {  	_ =	shalt  }
0x84: {  	_ =	shalt  }
0x85: {  	_ =	shalt  }
0x86: {  	_ =	shalt  }
0x87: {  	_ =	shalt  }
.Lfunc_end0:
.L_simem_size_0:
called_computation.4_lowered:
.L_overlay_start_0:
0x88: {  	s2 =	sld [smem:$0x3FD9]  }
0x89: {  	s3 =	sld [smem:$0x3FFE];
	_ =	sdelay $0x1  }
0x8a: {  	s1 =	srdreg.scid  }
0x8b: {  	s0 =	sand.u32 $0x1, s1  }
0x8c: {  	s14 =	sshll.u32 s0, $0xA;
	s2 =	sadd.s32 s3, s2  }
0x8d: {  	s2 =	sadd.s32 s2, s14  }
0x8e: {  	[smem:$0x3FB1] =	sst s2  }
0x8f: {  	_ = 	snop  }
0x90: {  	s2 =	sld [smem:$0x3FD0];
	_ =	sdelay $0x2  }
0x91: {  	s15 =	simm.s32 $0xB;
	s4 =	simm.s32 $0x10  }
0x92: {  	[smem:s4], [sflag:s15] =	dma.local [hbm:s2], $0x1  }
0x93: {  	_ =	swait.eq [sflag:s15], $0x1  }
0x94: {  	[sflag:s15] =	ssyncset.done $0x0  }
0x95: {  	s16 =	sld [smem:$0x14];
	[sflag:s15] =	ssyncadd.s32 $0xFFFFFFFF  }
0x96: {  	s17 =	sld [smem:$0x15];
	(tm) =	ssettm $0x1  }
0x97: {  	s18 =	sld [smem:$0x3FFB];
	_ =	sdelay $0x3  }
0x98: {  	_ =	strace s18  }
0x99: {  	s4 =	sld [smem:$0x3FFC];
	_ =	sdelay $0x3  }
0x9a: {  	_ =	strace s4  }
0x9b: {  	s4 =	sld [smem:$0x3FFD];
	_ =	sdelay $0x3  }
0x9c: {  	_ =	strace s4  }
0x9d: {  	_ =	strace $0x8FFFFFFF  }
0x9e: {  	s19 =	sld [smem:$0x3FDB];
	_ =	sdelay $0x1  }
0x9f: {  	s5 =	simm.s32 $_scs_section_size  }
0xa0: {  	s6 =	simm.s32 $_size__tile_overlayer_lowered;
	s7 =	simm.s32 $_tile_overlayer_lowered  }
0xa1: {  	s22 =	simm.s32 $0x1BFF;
	s21 =	sshll.u32 s7, $0x1;
	s4 =	sadd.s32 s5, s19  }
0xa2: {  	s8 =	simm.s32 $0x0;
	s20 =	sshll.u32 s6, $0x1;
	s6 =	sadd.s32 s21, s4  }
0xa3: {  	[timem:s8], [sflag:s22] =	dma.local [hbm:s6], s20  }
0xa4: {  	_ =	swait.ge [sflag:s22], s20  }
0xa5: {  	s5 =	ssub.s32 $0x0, s20;
	[sflag:s22] =	ssyncset.done $0x0  }
0xa6: {  	[sflag:s22] =	ssyncadd.s32 s5;
	_ =	sdelay $0x1  }
0xa7: {  	s23 =	simm.s32 $0x1B8B  }
0xa8: {  	_ =	swait.ge [sflag:s23], $0x1  }
0xa9: {  	[sflag:s23] =	ssyncset.done $0x0  }
0xaa: {  	s25 =	simm.s32 $0x1B8E;
	s24 =	sld [smem:$0x3FFE];
	[sflag:s23] =	ssyncadd.s32 $0xFFFFFFFF  }
0xab: {  	s26 =	simm.s32 $execute0_lowered;
	[smem:$0x3FD2] =	sst s25  }
0xac: {  	s6 =	sshll.u32 s26, $0x1;
	_ =	strace $0x8000004F;
	[dreg:$0x1] =	wrdreg $0xFFFFFFFF  }
0xad: {  	s28 =	simm.s32 $_size_execute0_lowered;
	s4 =	sadd.s32 s4, s6;
	[dreg:$0x0] =	wrdreg $0x0  }
0xae: {  	s6 =	sshll.u32 s28, $0x1;
	[dreg:$0x2] =	wrdreg s4  }
0xaf: {  	[dreg:$0x3] =	wrdreg s6  }
0xb0: {  	[dreg:$0x4] =	wrdreg $0xC0  }
0xb1: {  	_ =	task [dreg:s8], $0x5FFFF  }
0xb2: {  	[dreg:$0x1] =	wrdreg $0xFFFFFFFF  }
0xb3: {  	[dreg:$0x0] =	wrdreg $0x60  }
0xb4: {  	[dreg:$0x2] =	wrdreg s24  }
0xb5: {  	[dreg:$0x3] =	wrdreg s16  }
0xb6: {  	[dreg:$0x4] =	wrdreg s17  }
0xb7: {  	[dreg:$0x5] =	wrdreg $0x88000  }
0xb8: {  	[dreg:$0x6] =	wrdreg $0x9  }
0xb9: {  	_ =	task.clear_ibuf [dreg:s8], $0x7FFFF;
	_ =	strace $0x9000004F  }
0xba: {  	s29 =	simm.s32 $0x9;
	_ =	strace $0x80000051  }
0xbb: {  	_ =	swait.ge [sflag:s29], $0x1  }
0xbc: {  	[sflag:s29] =	ssyncadd.s32 $0xFFFFFFFF  }
0xbd: {  	_ =	strace $0x90000051  }
0xbe: {  	_ =	sfence  }
0xbf: {  	s30 =	sld [smem:$0x0];
	_ =	sdelay $0x2  }
0xc0: {  	s31 =	sshll.u32 s1, $0xD;
	s1 =	sshrl.u32 s1, $0x2  }
0xc1: {  	s3 =	sand.u32 $0x4000, s31;
	s1 =	sadd.s32 s1, s30  }
0xc2: {  	s0 =	sor.u32 s3, s0;
	s1 =	sshll.u32 s1, $0x11  }
0xc3: {  	s0 =	sor.u32 s1, s0  }
0xc4: {  	s0 =	sadd.s32 $0x8F2B, s0  }
0xc5: {  	[sflag:s0] =	ssyncadd.remote.s32 $0x1  }
0xc6: {  	_ =	sfence.sel $0xFFFF  }
0xc7: {  	[dreg:$0x0] =	wrdreg $0xFFFFFFFF;
	(pc) =	sbr.abs _section_cstart, $3  }
0xc8: {  	[dreg:$0x1] =	wrdreg $0xFFFFFFFF  }
0xc9: {  	_ =	task.clear_ibuf [dreg:s8], $0x2FFFF;
	_ =	strace $0x9FFFFFFF  }
0xca: {  	(tm) =	ssettm $0x7FFFFFFF  }
0xcb: {  	_ =	shalt  }
tec
execute0_lowered:
.L_overlay_start_1:
0x0: {  	(tag) =	ssettag $0x1  }
0x1: {  	s0 =	rddreg [dreg:$0x0]  }
0x2: {  	s1 =	rddreg [dreg:$0x1]  }
0x3: {  	s5 =	rddreg [dreg:$0x2]  }
0x4: {  	s2 =	rddreg [dreg:$0x3];
	s13 =	stileid.u32  }
0x5: {  	s3 =	simm.s32 $0x0;
	s4 =	srdreg.scid;
	s14 =	simm.s32 $0x80  }
0x6: {  	s15 =	simm.s32 $0x800;
	s16 =	simm.s32 $0x4800;
	s17 =	simm.s32 $0x1  }
0x7: {  	s18 =	simm.s32 $0x100;
	s19 =	simm.s32 $0x480;
	s6 =	smul.u32 $0x500, s13  }
0x8: {  	s28 =	simm.s32 $0x680;
	s29 =	simm.s32 $0x380;
	s8 =	smul.u32 $0x50000, s13  }
0x9: {  	s30 =	simm.s32 $0x700;
	s31 =	simm.s32 $0x780;
	s22 =	smul.u32 $0x14000, s13  }
0xa: {  	[smem:$0x7FF] =	sst s3;
	s7 =	sand.u32 $0x1, s4;
	s12 =	smul.u32 $0x2800, s13  }
0xb: {  	s4 =	sadd.s32 $0x28B600, s0;
	s24 =	sshll.u32 s13, $0x6;
	s9 =	smul.u32 $0x28000, s7  }
0xc: {  	s13 =	simm.s32 $0x400;
	_ =	strace $0x80000050;
	s20 =	smul.u32 $0x140000, s7  }
0xd: {  	s21 =	ssub.s32 $0x2, s7;
	s10 =	sadd.s32 s6, s0;
	s0 =	sadd.s32 $0xD600, s0  }
0xe: {  	s11 =	sshrl.u32 s21, $0x1;
	s8 =	sshrl.u32 s8, $0x2;
	[dreg:$0x5] =	wrdreg s0  }
0xf: {  	s0 =	ssub.s32 s21, s11;
	s23 =	sadd.s32 s8, s2;
	s6 =	sadd.s32 s22, s20  }
0x10: {  	s9 =	sadd.s32 s12, s9;
	s12 =	simm.s32 $0x2;
	s20 =	simm.s32 $0x180  }
0x11: {  	s21 =	simm.s32 $0x500;
	s22 =	simm.s32 $0x200;
	s25 =	sshrl.u32 s6, $0x3  }
0x12: {  	s6 =	sor.u32 $0x1C02, s24;
	s26 =	sshrl.u32 s9, $0x3;
	s0 =	smax.u32 s0, $0x1  }
0x13: {  	s9 =	sadd.s32 $0x8600, s10;
	s24 =	simm.s32 $0x280;
	s5 =	sadd.s32 s5, s25  }
0x14: {  	[dreg:$0x7] =	wrdreg s0;
	s10 =	sadd.s32 s26, s1;
	s25 =	simm.s32 $0x600  }
0x15: {  	s26 =	simm.s32 $0x300;
	[dreg:$0x6] =	wrdreg s5;
	s5 =	sshrl.u32 s23, $0x3  }
0x16: {  	s0 =	simm.s32 $0x0;
	s23 =	simm.s32 $0x580;
	[dreg:$0x8] =	wrdreg s5  }
.LBB2_1:
0x17: {  	s1 =	rddreg [dreg:$0x5]  }
0x18: {  	[spmem:s5], [sflag:s6] =	dma.local [hbm:s1], $0x2800  }
0x19: {  	_ =	swait.ge [sflag:s12], $0x2800  }
0x1a: {  	[sflag:s12] =	ssyncset.done $0x0  }
0x1b: {  	[sflag:s12] =	ssyncadd.s32 $0xFFFFD800  }
0x1c: {  	s7 =	sadd.s32 $0x0, s10;
	[bflag:$0x0] =	sbarrier.arrive $0xFFFF  }
0x1d: {  	[tilespmem:s3], [sflag:$0x2] =	stream.linear.gather [hbm4b:s7+s3], $0x400, $0x38;
	[tilespmem:$0x1C800] =	vst v63  }
0x1e: {  	_ =	swait.ge [sflag:s12], $0x400  }
0x1f: {  	[sflag:s12] =	ssyncset.done $0x0  }
0x20: {  	s8 =	sadd.s32 $0x0, s9;
	[sflag:s12] =	ssyncadd.s32 $0xFFFFFC00  }
0x21: {  	[tilespmem:s13], [sflag:$0x2] =	stream.linear.gather [hbm4b:s8+s3], $0x400, $0x38;
	[tilespmem:$0x1C800] =	vst v63  }
0x22: {  	_ =	swait.ge [sflag:s12], $0x400  }
0x23: {  	[sflag:s12] =	ssyncset.done $0x0  }
0x24: {  	[sflag:s12] =	ssyncadd.s32 $0xFFFFFC00  }
0x25: {  	[tilespmem:s15], [sflag:$0x1] =	stream.indirect.gather [hbm4b:s4+s14], $0x80, s3, s14, $0xb8;
	[tilespmem:$0x1C800] =	vst v63  }
0x26: {  	_ = 	snop  }
0x27: {  	[tilespmem:s16], [sflag:$0x1] =	stream.indirect.gather [hbm4b:s4+s14], $0x80, s14, s14, $0xb8;
	[tilespmem:$0x1C800] =	vst v63  }
0x28: {  	_ =	swait.ge [sflag:s17], $0x4000  }
0x29: {  	[sflag:s17] =	ssyncset.done $0x0  }
0x2a: {  	[sflag:s17] =	ssyncadd.s32 $0xFFFFC000  }
0x2b: {  	[spmem:s2] =	stream.indirect.scatter.add.f32 [tilespmem:s15], [sflag:$0x2], $0x80, s13, s14, $0xb8;
	[tilespmem:$0x1C800] =	vst v63  }
0x2c: {  	_ =	swait.ge [sflag:s12], $0x4000  }
0x2d: {  	[sflag:s12] =	ssyncset.done $0x0  }
0x2e: {  	[sflag:s12] =	ssyncadd.s32 $0xFFFFC000  }
0x2f: {  	[tilespmem:s15], [sflag:$0x1] =	stream.indirect.gather [hbm4b:s4+s14], $0x80, s18, s14, $0xb8;
	[tilespmem:$0x1C800] =	vst v63  }
0x30: {  	_ =	swait.ge [sflag:s17], $0x4000  }
0x31: {  	[sflag:s17] =	ssyncset.done $0x0  }
0x32: {  	[sflag:s17] =	ssyncadd.s32 $0xFFFFC000  }
0x33: {  	[spmem:s2] =	stream.indirect.scatter.add.f32 [tilespmem:s16], [sflag:$0x2], $0x80, s19, s14, $0xb8;
	[tilespmem:$0x1C800] =	vst v63  }
0x34: {  	_ =	swait.ge [sflag:s12], $0x4000  }
0x35: {  	[sflag:s12] =	ssyncset.done $0x0  }
0x36: {  	[sflag:s12] =	ssyncadd.s32 $0xFFFFC000  }
0x37: {  	[tilespmem:s16], [sflag:$0x1] =	stream.indirect.gather [hbm4b:s4+s14], $0x80, s20, s14, $0xb8;
	[tilespmem:$0x1C800] =	vst v63  }
0x38: {  	_ =	swait.ge [sflag:s17], $0x4000  }
0x39: {  	[sflag:s17] =	ssyncset.done $0x0  }
0x3a: {  	[sflag:s17] =	ssyncadd.s32 $0xFFFFC000  }
0x3b: {  	[spmem:s2] =	stream.indirect.scatter.add.f32 [tilespmem:s15], [sflag:$0x2], $0x80, s21, s14, $0xb8;
	[tilespmem:$0x1C800] =	vst v63  }
0x3c: {  	_ =	swait.ge [sflag:s12], $0x4000  }
0x3d: {  	[sflag:s12] =	ssyncset.done $0x0  }
0x3e: {  	[sflag:s12] =	ssyncadd.s32 $0xFFFFC000  }
0x3f: {  	[tilespmem:s15], [sflag:$0x1] =	stream.indirect.gather [hbm4b:s4+s14], $0x80, s22, s14, $0xb8;
	[tilespmem:$0x1C800] =	vst v63  }
0x40: {  	_ =	swait.ge [sflag:s17], $0x4000  }
0x41: {  	[sflag:s17] =	ssyncset.done $0x0  }
0x42: {  	[sflag:s17] =	ssyncadd.s32 $0xFFFFC000  }
0x43: {  	[spmem:s2] =	stream.indirect.scatter.add.f32 [tilespmem:s16], [sflag:$0x2], $0x80, s23, s14, $0xb8;
	[tilespmem:$0x1C800] =	vst v63  }
0x44: {  	_ =	swait.ge [sflag:s12], $0x4000  }
0x45: {  	[sflag:s12] =	ssyncset.done $0x0  }
0x46: {  	[sflag:s12] =	ssyncadd.s32 $0xFFFFC000  }
0x47: {  	[tilespmem:s16], [sflag:$0x1] =	stream.indirect.gather [hbm4b:s4+s14], $0x80, s24, s14, $0xb8;
	[tilespmem:$0x1C800] =	vst v63  }
0x48: {  	_ =	swait.ge [sflag:s17], $0x4000  }
0x49: {  	[sflag:s17] =	ssyncset.done $0x0  }
0x4a: {  	[sflag:s17] =	ssyncadd.s32 $0xFFFFC000  }
0x4b: {  	[spmem:s2] =	stream.indirect.scatter.add.f32 [tilespmem:s15], [sflag:$0x2], $0x80, s25, s14, $0xb8;
	[tilespmem:$0x1C800] =	vst v63  }
0x4c: {  	_ =	swait.ge [sflag:s12], $0x4000  }
0x4d: {  	[sflag:s12] =	ssyncset.done $0x0  }
0x4e: {  	[sflag:s12] =	ssyncadd.s32 $0xFFFFC000  }
0x4f: {  	[tilespmem:s15], [sflag:$0x1] =	stream.indirect.gather [hbm4b:s4+s14], $0x80, s26, s14, $0xb8;
	[tilespmem:$0x1C800] =	vst v63  }
0x50: {  	_ =	swait.ge [sflag:s17], $0x4000  }
0x51: {  	[sflag:s17] =	ssyncset.done $0x0  }
0x52: {  	[sflag:s17] =	ssyncadd.s32 $0xFFFFC000  }
0x53: {  	[spmem:s2] =	stream.indirect.scatter.add.f32 [tilespmem:s16], [sflag:$0x2], $0x80, s28, s14, $0xb8;
	[tilespmem:$0x1C800] =	vst v63  }
0x54: {  	_ =	swait.ge [sflag:s12], $0x4000  }
0x55: {  	[sflag:s12] =	ssyncset.done $0x0  }
0x56: {  	[sflag:s12] =	ssyncadd.s32 $0xFFFFC000  }
0x57: {  	[tilespmem:s16], [sflag:$0x1] =	stream.indirect.gather [hbm4b:s4+s14], $0x80, s29, s14, $0xb8;
	[tilespmem:$0x1C800] =	vst v63  }
0x58: {  	_ =	swait.ge [sflag:s17], $0x4000  }
0x59: {  	[sflag:s17] =	ssyncset.done $0x0  }
0x5a: {  	[sflag:s17] =	ssyncadd.s32 $0xFFFFC000  }
0x5b: {  	[spmem:s2] =	stream.indirect.scatter.add.f32 [tilespmem:s15], [sflag:$0x2], $0x80, s30, s14, $0xb8;
	[tilespmem:$0x1C800] =	vst v63  }
0x5c: {  	_ =	swait.ge [sflag:s12], $0x4000  }
0x5d: {  	[sflag:s12] =	ssyncset.done $0x0  }
0x5e: {  	[sflag:s12] =	ssyncadd.s32 $0xFFFFC000  }
0x5f: {  	_ =	swait.ge [sflag:s17], $0x4000  }
0x60: {  	[sflag:s17] =	ssyncset.done $0x0  }
0x61: {  	[sflag:s17] =	ssyncadd.s32 $0xFFFFC000  }
0x62: {  	[spmem:s2] =	stream.indirect.scatter.add.f32 [tilespmem:s16], [sflag:$0x2], $0x80, s31, s14, $0xb8;
	[tilespmem:$0x1C800] =	vst v63  }
0x63: {  	s11 =	smov.u32 s6;
	_ =	swait.ge [sflag:s12], $0x4000  }
0x64: {  	s1 =	simm.s32 $0x80;
	s5 =	simm.s32 $0x100;
	[sflag:s12] =	ssyncset.done $0x0  }
.LBB2_2:
0x65: {  	s8 =	sadd.s32 s1, s10  }
0x66: {  	[sflag:s12] =	ssyncadd.s32 $0xFFFFC000;
	s6 =	smov.u32 s5;
	s7 =	sadd.s32 $0x80, s5  }
0x67: {  	[tilespmem:s3], [sflag:$0x2] =	stream.linear.gather [hbm4b:s8+s3], $0x400, $0x38;
	[tilespmem:$0x1C800] =	vst v63  }
0x68: {  	p0 =	sne.s32 s5, $0x480;
	_ =	swait.ge [sflag:s12], $0x400  }
0x69: {  	[sflag:s12] =	ssyncset.done $0x0  }
0x6a: {  	s5 =	sadd.s32 s1, s9;
	s1 =	smov.u32 s6;
	[sflag:s12] =	ssyncadd.s32 $0xFFFFFC00  }
0x6b: {  	[tilespmem:s13], [sflag:$0x2] =	stream.linear.gather [hbm4b:s5+s3], $0x400, $0x38;
	[tilespmem:$0x1C800] =	vst v63  }
0x6c: {  	_ =	swait.ge [sflag:s12], $0x400  }
0x6d: {  	[sflag:s12] =	ssyncset.done $0x0  }
0x6e: {  	[sflag:s12] =	ssyncadd.s32 $0xFFFFFC00  }
0x6f: {  	[tilespmem:s15], [sflag:$0x1] =	stream.indirect.gather [hbm4b:s4+s14], $0x80, s3, s14, $0xb8;
	[tilespmem:$0x1C800] =	vst v63  }
0x70: {  	_ = 	snop  }
0x71: {  	[tilespmem:s16], [sflag:$0x1] =	stream.indirect.gather [hbm4b:s4+s14], $0x80, s14, s14, $0xb8;
	[tilespmem:$0x1C800] =	vst v63  }
0x72: {  	_ =	swait.ge [sflag:s17], $0x4000  }
0x73: {  	[sflag:s17] =	ssyncset.done $0x0  }
0x74: {  	[sflag:s17] =	ssyncadd.s32 $0xFFFFC000  }
0x75: {  	[spmem:s2] =	stream.indirect.scatter.add.f32 [tilespmem:s15], [sflag:$0x2], $0x80, s13, s14, $0xb8;
	[tilespmem:$0x1C800] =	vst v63  }
0x76: {  	_ =	swait.ge [sflag:s12], $0x4000  }
0x77: {  	[sflag:s12] =	ssyncset.done $0x0  }
0x78: {  	[sflag:s12] =	ssyncadd.s32 $0xFFFFC000  }
0x79: {  	[tilespmem:s15], [sflag:$0x1] =	stream.indirect.gather [hbm4b:s4+s14], $0x80, s18, s14, $0xb8;
	[tilespmem:$0x1C800] =	vst v63  }
0x7a: {  	_ =	swait.ge [sflag:s17], $0x4000  }
0x7b: {  	[sflag:s17] =	ssyncset.done $0x0  }
0x7c: {  	[sflag:s17] =	ssyncadd.s32 $0xFFFFC000  }
0x7d: {  	[spmem:s2] =	stream.indirect.scatter.add.f32 [tilespmem:s16], [sflag:$0x2], $0x80, s19, s14, $0xb8;
	[tilespmem:$0x1C800] =	vst v63  }
0x7e: {  	_ =	swait.ge [sflag:s12], $0x4000  }
0x7f: {  	[sflag:s12] =	ssyncset.done $0x0  }
0x80: {  	[sflag:s12] =	ssyncadd.s32 $0xFFFFC000  }
0x81: {  	[tilespmem:s16], [sflag:$0x1] =	stream.indirect.gather [hbm4b:s4+s14], $0x80, s20, s14, $0xb8;
	[tilespmem:$0x1C800] =	vst v63  }
0x82: {  	_ =	swait.ge [sflag:s17], $0x4000  }
0x83: {  	[sflag:s17] =	ssyncset.done $0x0  }
0x84: {  	[sflag:s17] =	ssyncadd.s32 $0xFFFFC000  }
0x85: {  	[spmem:s2] =	stream.indirect.scatter.add.f32 [tilespmem:s15], [sflag:$0x2], $0x80, s21, s14, $0xb8;
	[tilespmem:$0x1C800] =	vst v63  }
0x86: {  	_ =	swait.ge [sflag:s12], $0x4000  }
0x87: {  	[sflag:s12] =	ssyncset.done $0x0  }
0x88: {  	[sflag:s12] =	ssyncadd.s32 $0xFFFFC000  }
0x89: {  	[tilespmem:s15], [sflag:$0x1] =	stream.indirect.gather [hbm4b:s4+s14], $0x80, s22, s14, $0xb8;
	[tilespmem:$0x1C800] =	vst v63  }
0x8a: {  	_ =	swait.ge [sflag:s17], $0x4000  }
0x8b: {  	[sflag:s17] =	ssyncset.done $0x0  }
0x8c: {  	[sflag:s17] =	ssyncadd.s32 $0xFFFFC000  }
0x8d: {  	[spmem:s2] =	stream.indirect.scatter.add.f32 [tilespmem:s16], [sflag:$0x2], $0x80, s23, s14, $0xb8;
	[tilespmem:$0x1C800] =	vst v63  }
0x8e: {  	_ =	swait.ge [sflag:s12], $0x4000  }
0x8f: {  	[sflag:s12] =	ssyncset.done $0x0  }
0x90: {  	[sflag:s12] =	ssyncadd.s32 $0xFFFFC000  }
0x91: {  	[tilespmem:s16], [sflag:$0x1] =	stream.indirect.gather [hbm4b:s4+s14], $0x80, s24, s14, $0xb8;
	[tilespmem:$0x1C800] =	vst v63  }
0x92: {  	_ =	swait.ge [sflag:s17], $0x4000  }
0x93: {  	[sflag:s17] =	ssyncset.done $0x0  }
0x94: {  	[sflag:s17] =	ssyncadd.s32 $0xFFFFC000  }
0x95: {  	[spmem:s2] =	stream.indirect.scatter.add.f32 [tilespmem:s15], [sflag:$0x2], $0x80, s25, s14, $0xb8;
	[tilespmem:$0x1C800] =	vst v63  }
0x96: {  	_ =	swait.ge [sflag:s12], $0x4000  }
0x97: {  	[sflag:s12] =	ssyncset.done $0x0  }
0x98: {  	[sflag:s12] =	ssyncadd.s32 $0xFFFFC000  }
0x99: {  	[tilespmem:s15], [sflag:$0x1] =	stream.indirect.gather [hbm4b:s4+s14], $0x80, s26, s14, $0xb8;
	[tilespmem:$0x1C800] =	vst v63  }
0x9a: {  	_ =	swait.ge [sflag:s17], $0x4000  }
0x9b: {  	[sflag:s17] =	ssyncset.done $0x0  }
0x9c: {  	[sflag:s17] =	ssyncadd.s32 $0xFFFFC000  }
0x9d: {  	[spmem:s2] =	stream.indirect.scatter.add.f32 [tilespmem:s16], [sflag:$0x2], $0x80, s28, s14, $0xb8;
	[tilespmem:$0x1C800] =	vst v63  }
0x9e: {  	_ =	swait.ge [sflag:s12], $0x4000  }
0x9f: {  	[sflag:s12] =	ssyncset.done $0x0  }
0xa0: {  	[sflag:s12] =	ssyncadd.s32 $0xFFFFC000  }
0xa1: {  	[tilespmem:s16], [sflag:$0x1] =	stream.indirect.gather [hbm4b:s4+s14], $0x80, s29, s14, $0xb8;
	[tilespmem:$0x1C800] =	vst v63  }
0xa2: {  	_ =	swait.ge [sflag:s17], $0x4000  }
0xa3: {  	[sflag:s17] =	ssyncset.done $0x0  }
0xa4: {  	[sflag:s17] =	ssyncadd.s32 $0xFFFFC000  }
0xa5: {  	[spmem:s2] =	stream.indirect.scatter.add.f32 [tilespmem:s15], [sflag:$0x2], $0x80, s30, s14, $0xb8;
	[tilespmem:$0x1C800] =	vst v63  }
0xa6: {  	_ =	swait.ge [sflag:s12], $0x4000  }
0xa7: {  	[sflag:s12] =	ssyncset.done $0x0  }
0xa8: {  	[sflag:s12] =	ssyncadd.s32 $0xFFFFC000  }
0xa9: {  	_ =	swait.ge [sflag:s17], $0x4000  }
.Ltmp0:
0xaa: {  	[sflag:s17] =	ssyncset.done $0x0;
	(pc) =	sbr.rel @p0 .LBB2_2-.Ltmp0, $4  }
0xab: {  	[sflag:s17] =	ssyncadd.s32 $0xFFFFC000  }
0xac: {  	[spmem:s2] =	stream.indirect.scatter.add.f32 [tilespmem:s16], [sflag:$0x2], $0x80, s31, s14, $0xb8;
	[tilespmem:$0x1C800] =	vst v63  }
0xad: {  	_ =	swait.ge [sflag:s12], $0x4000  }
0xae: {  	s5 =	smov.u32 s7;
	[sflag:s12] =	ssyncset.done $0x0  }
0xaf: {  	s5 =	sadd.s32 s1, s10;
	[sflag:s12] =	ssyncadd.s32 $0xFFFFC000  }
0xb0: {  	[tilespmem:s3], [sflag:$0x2] =	stream.linear.gather [hbm4b:s5+s3], $0x400, $0x38;
	[tilespmem:$0x1C800] =	vst v63  }
0xb1: {  	_ =	swait.ge [sflag:s12], $0x400  }
0xb2: {  	[sflag:s12] =	ssyncset.done $0x0  }
0xb3: {  	s7 =	sadd.s32 s1, s9;
	[sflag:s12] =	ssyncadd.s32 $0xFFFFFC00  }
0xb4: {  	[tilespmem:s13], [sflag:$0x2] =	stream.linear.gather [hbm4b:s7+s3], $0x400, $0x38;
	[tilespmem:$0x1C800] =	vst v63  }
0xb5: {  	_ =	swait.ge [sflag:s12], $0x400  }
0xb6: {  	[sflag:s12] =	ssyncset.done $0x0  }
0xb7: {  	[sflag:s12] =	ssyncadd.s32 $0xFFFFFC00  }
0xb8: {  	[tilespmem:s15], [sflag:$0x1] =	stream.indirect.gather [hbm4b:s4+s14], $0x80, s3, s14, $0xb8;
	[tilespmem:$0x1C800] =	vst v63  }
0xb9: {  	_ = 	snop  }
0xba: {  	[tilespmem:s16], [sflag:$0x1] =	stream.indirect.gather [hbm4b:s4+s14], $0x80, s14, s14, $0xb8;
	[tilespmem:$0x1C800] =	vst v63  }
0xbb: {  	_ =	swait.ge [sflag:s17], $0x4000  }
0xbc: {  	[sflag:s17] =	ssyncset.done $0x0  }
0xbd: {  	[sflag:s17] =	ssyncadd.s32 $0xFFFFC000  }
0xbe: {  	[spmem:s2] =	stream.indirect.scatter.add.f32 [tilespmem:s15], [sflag:$0x2], $0x80, s13, s14, $0xb8;
	[tilespmem:$0x1C800] =	vst v63  }
0xbf: {  	_ =	swait.ge [sflag:s12], $0x4000  }
0xc0: {  	[sflag:s12] =	ssyncset.done $0x0  }
0xc1: {  	[sflag:s12] =	ssyncadd.s32 $0xFFFFC000  }
0xc2: {  	[tilespmem:s15], [sflag:$0x1] =	stream.indirect.gather [hbm4b:s4+s14], $0x80, s18, s14, $0xb8;
	[tilespmem:$0x1C800] =	vst v63  }
0xc3: {  	_ =	swait.ge [sflag:s17], $0x4000  }
0xc4: {  	[sflag:s17] =	ssyncset.done $0x0  }
0xc5: {  	[sflag:s17] =	ssyncadd.s32 $0xFFFFC000  }
0xc6: {  	[spmem:s2] =	stream.indirect.scatter.add.f32 [tilespmem:s16], [sflag:$0x2], $0x80, s19, s14, $0xb8;
	[tilespmem:$0x1C800] =	vst v63  }
0xc7: {  	_ =	swait.ge [sflag:s12], $0x4000  }
0xc8: {  	[sflag:s12] =	ssyncset.done $0x0  }
0xc9: {  	[sflag:s12] =	ssyncadd.s32 $0xFFFFC000  }
0xca: {  	[tilespmem:s16], [sflag:$0x1] =	stream.indirect.gather [hbm4b:s4+s14], $0x80, s20, s14, $0xb8;
	[tilespmem:$0x1C800] =	vst v63  }
0xcb: {  	_ =	swait.ge [sflag:s17], $0x4000  }
0xcc: {  	[sflag:s17] =	ssyncset.done $0x0  }
0xcd: {  	[sflag:s17] =	ssyncadd.s32 $0xFFFFC000  }
0xce: {  	[spmem:s2] =	stream.indirect.scatter.add.f32 [tilespmem:s15], [sflag:$0x2], $0x80, s21, s14, $0xb8;
	[tilespmem:$0x1C800] =	vst v63  }
0xcf: {  	_ =	swait.ge [sflag:s12], $0x4000  }
0xd0: {  	[sflag:s12] =	ssyncset.done $0x0  }
0xd1: {  	[sflag:s12] =	ssyncadd.s32 $0xFFFFC000  }
0xd2: {  	[tilespmem:s15], [sflag:$0x1] =	stream.indirect.gather [hbm4b:s4+s14], $0x80, s22, s14, $0xb8;
	[tilespmem:$0x1C800] =	vst v63  }
0xd3: {  	_ =	swait.ge [sflag:s17], $0x4000  }
0xd4: {  	[sflag:s17] =	ssyncset.done $0x0  }
0xd5: {  	[sflag:s17] =	ssyncadd.s32 $0xFFFFC000  }
0xd6: {  	[spmem:s2] =	stream.indirect.scatter.add.f32 [tilespmem:s16], [sflag:$0x2], $0x80, s23, s14, $0xb8;
	[tilespmem:$0x1C800] =	vst v63  }
0xd7: {  	_ =	swait.ge [sflag:s12], $0x4000  }
0xd8: {  	[sflag:s12] =	ssyncset.done $0x0  }
0xd9: {  	[sflag:s12] =	ssyncadd.s32 $0xFFFFC000  }
0xda: {  	[tilespmem:s16], [sflag:$0x1] =	stream.indirect.gather [hbm4b:s4+s14], $0x80, s24, s14, $0xb8;
	[tilespmem:$0x1C800] =	vst v63  }
0xdb: {  	_ =	swait.ge [sflag:s17], $0x4000  }
0xdc: {  	[sflag:s17] =	ssyncset.done $0x0  }
0xdd: {  	[sflag:s17] =	ssyncadd.s32 $0xFFFFC000  }
0xde: {  	[spmem:s2] =	stream.indirect.scatter.add.f32 [tilespmem:s15], [sflag:$0x2], $0x80, s25, s14, $0xb8;
	[tilespmem:$0x1C800] =	vst v63  }
0xdf: {  	_ =	swait.ge [sflag:s12], $0x4000  }
0xe0: {  	[sflag:s12] =	ssyncset.done $0x0  }
0xe1: {  	[sflag:s12] =	ssyncadd.s32 $0xFFFFC000  }
0xe2: {  	[tilespmem:s15], [sflag:$0x1] =	stream.indirect.gather [hbm4b:s4+s14], $0x80, s26, s14, $0xb8;
	[tilespmem:$0x1C800] =	vst v63  }
0xe3: {  	_ =	swait.ge [sflag:s17], $0x4000  }
0xe4: {  	[sflag:s17] =	ssyncset.done $0x0  }
0xe5: {  	[sflag:s17] =	ssyncadd.s32 $0xFFFFC000  }
0xe6: {  	[spmem:s2] =	stream.indirect.scatter.add.f32 [tilespmem:s16], [sflag:$0x2], $0x80, s28, s14, $0xb8;
	[tilespmem:$0x1C800] =	vst v63  }
0xe7: {  	_ =	swait.ge [sflag:s12], $0x4000  }
0xe8: {  	[sflag:s12] =	ssyncset.done $0x0  }
0xe9: {  	[sflag:s12] =	ssyncadd.s32 $0xFFFFC000  }
0xea: {  	[tilespmem:s16], [sflag:$0x1] =	stream.indirect.gather [hbm4b:s4+s14], $0x80, s29, s14, $0xb8;
	[tilespmem:$0x1C800] =	vst v63  }
0xeb: {  	_ =	swait.ge [sflag:s17], $0x4000  }
0xec: {  	[sflag:s17] =	ssyncset.done $0x0  }
0xed: {  	[sflag:s17] =	ssyncadd.s32 $0xFFFFC000  }
0xee: {  	[spmem:s2] =	stream.indirect.scatter.add.f32 [tilespmem:s15], [sflag:$0x2], $0x80, s30, s14, $0xb8;
	[tilespmem:$0x1C800] =	vst v63  }
0xef: {  	_ =	swait.ge [sflag:s12], $0x4000  }
0xf0: {  	[sflag:s12] =	ssyncset.done $0x0  }
0xf1: {  	[sflag:s12] =	ssyncadd.s32 $0xFFFFC000  }
0xf2: {  	_ =	swait.ge [sflag:s17], $0x4000  }
0xf3: {  	[sflag:s17] =	ssyncset.done $0x0  }
0xf4: {  	[sflag:s17] =	ssyncadd.s32 $0xFFFFC000  }
0xf5: {  	[spmem:s2] =	stream.indirect.scatter.add.f32 [tilespmem:s16], [sflag:$0x2], $0x80, s31, s14, $0xb8;
	[tilespmem:$0x1C800] =	vst v63  }
0xf6: {  	_ =	swait.ge [sflag:s12], $0x4000  }
0xf7: {  	[sflag:s12] =	ssyncset.done $0x0  }
0xf8: {  	[sflag:s12] =	ssyncadd.s32 $0xFFFFC000  }
0xf9: {  	[bflag:$0x0] =	sbarrier.arrive $0xFFFF  }
0xfa: {  	s8 =	rddreg [dreg:$0x6]  }
0xfb: {  	s5 =	rddreg [dreg:$0x8]  }
0xfc: {  	[hbm:s8], [sflag:s11] =	dma.local [spmem:s5], $0x2800  }
0xfd: {  	_ =	swait.ge [sflag:s12], $0x2800  }
0xfe: {  	s6 =	smov.u32 s11;
	s0 =	sadd.s32 $0x1, s0;
	s11 =	rddreg [dreg:$0x7]  }
0xff: {  	p0 =	sne.s32 s0, s11  }
.Ltmp1:
0x100: {  	_ = 	snop;
	(pc) =	sbr.rel @p0 .LBB2_1-.Ltmp1, $3  }
0x101: {  	_ =	sdelay $0x1  }
0x102: {  	[sflag:s12] =	ssyncset.done $0x0  }
0x103: {  	[sflag:s12] =	ssyncadd.s32 $0xFFFFD800  }
0x104: {  	_ =	sfence.sel $0x180000  }
0x105: {  	[bflag:$0x0] =	sbarrier.arrive $0xFFFF  }
0x106: {  	_ =	strace $0x90000050  }
0x107: {  	s0 =	stileid.u32;
	[bflag:$0x2] =	sbarrier.arrive $0xFFFF  }
0x108: {  	p0 =	sne.s32 s0, $0x0;
	s0 =	rddreg [dreg:$0x4]  }
0x109: {  	s0 =	sadd.s32 @!p0 $0x100000, s0  }
0x10a: {  	[sflag:s0] =	ssyncadd.tile.s32 @!p0 $0x1;
	_ =	shalt  }
.Lfunc_end2:
_tile_overlayer_lowered:
.L_overlay_start_2:
0x10b: {  	(tag) =	ssettag $0x2  }
0x10c: {  	s0 =	rddreg [dreg:$0x0];
	s2 =	stileid.u32  }
0x10d: {  	s1 =	rddreg [dreg:$0x1];
	p0 =	sne.s32 s2, $0x0  }
0x10e: {  	s3 =	rddreg [dreg:$0x2];
	[bflag:$0x3] =	sbarrier.arrive $0xFFFF;
	s2 =	simm.s32 @!p0 $0x1C02  }
0x10f: {  	[timem:s3], [sflag:s2] =	dma.local @!p0 [hbm:s0], s1  }
0x110: {  	s0 =	simm.s32 @!p0 $0x2  }
0x111: {  	_ =	swait.ge @!p0 [sflag:s0], s1  }
0x112: {  	s1 =	ssub.s32 @!p0 $0x0, s1;
	[sflag:s0] =	ssyncset.done @!p0 $0x0  }
0x113: {  	[sflag:s0] =	ssyncadd.s32 @!p0 s1  }
0x114: {  	[bflag:$0x3] =	sbarrier.arrive $0xFFFF  }
0x115: {  	_ =	shalt  }

// kernel: kernel.34.cloned.1.call-start
scs
__scs_entry_jumppad:
0x0: {  	(pc) =	sbr.rel $0x88, $3  }
0x1: {  	(tag) =	ssettag $0x0;
	lr =	simm.s32 $0x1  }
0x2: {  	[smem:$0x3F8A] =	sst lr;
	_ =	strace $0xD0000000  }
0x3: {  	_ = 	snop  }
0x4: {  	_ = 	snop  }
0x5: {  	_ = 	snop  }
0x6: {  	_ = 	snop  }
0x7: {  	_ = 	snop  }
__scs_overlays_trampoline_lowered:
0x8: {  	[smem:$0x3F99] =	sst s0  }
0x9: {  	[smem:$0x3F9A] =	sst s1  }
0xa: {  	[smem:$0x3F9B] =	sst s2  }
0xb: {  	[smem:$0x3F9C] =	sst s3  }
0xc: {  	[smem:$0x3F9D] =	sst s4  }
0xd: {  	[smem:$0x3F9E] =	sst s5  }
0xe: {  	[smem:$0x3F9F] =	sst s6  }
0xf: {  	[smem:$0x3FA0] =	sst s7  }
0x10: {  	[smem:$0x3FA1] =	sst s8  }
0x11: {  	[smem:$0x3FA2] =	sst s9;
	s0 =	simm.s32 @!p0 $0x0  }
0x12: {  	s1 =	sld [smem:$0x3F88];
	s0 =	simm.s32 @p0 $0x1  }
0x13: {  	[smem:$0x3FA3] =	sst s0;
	s0 =	simm.s32 @!p1 $0x0  }
0x14: {  	s2 =	sld [smem:$0x3F87];
	s0 =	simm.s32 @p1 $0x1  }
0x15: {  	[smem:$0x3FA4] =	sst s0;
	s0 =	simm.s32 @!p2 $0x0  }
0x16: {  	s3 =	sld [smem:$0x3FDB];
	s0 =	simm.s32 @p2 $0x1  }
0x17: {  	s4 =	simm.s32 $0x1BF5;
	[smem:$0x3FA6] =	sst s0  }
0x18: {  	s0 =	sld [smem:$0x3F89];
	_ =	swait.ge [sflag:s4], $0x0  }
0x19: {  	s7 =	sld [smem:$0x3F8A]  }
0x1a: {  	s8 =	sadd.s32 $0xFFFFE003, lr  }
0x1b: {  	s9 =	sadd.s32 $0xFFFFFEF7, lr;
	s5 =	simm.s32 $0xFFFFFFFF;
	p2 =	slt.u32 s8, $0xFFFFF086  }
0x1c: {  	p1 =	slt.u32 s9, $0xF7A;
	s5 =	simm.s32 @!p2 $0x0  }
0x1d: {  	s5 =	simm.s32 @p1 $0x1;
	p0 =	seq.s32 s7, s2  }
0x1e: {  	s7 =	smul.u32 @!p0 $0xF7A, s2;
	p2 =	seq.s32 @!p0 s5, $0x0  }
0x1f: {  	s9 =	smul.u32 $0xF7A, s1;
	s8 =	simm.s32 @!p0 $0x1BF5;
	p2 =	por !p2, p0  }
0x20: {  	[sflag:s8] =	ssyncset.s32 @!p0 $0xFFFFF086;
	s6 =	sadd.s32 @!p0 s3, s7;
	s7 =	simm.s32 @!p0 $0x108  }
0x21: {  	s3 =	sadd.s32 s3, s9;
	s6 =	sadd.s32 @!p0 $0x88, s6;
	s7 =	simm.s32 @p2 $0x1082  }
0x22: {  	[simem:s7], [sflag:s8] =	dma.local @!p0 [hbm:s6], $0xF7A  }
0x23: {  	s9 =	sor.u32 $0xD0000000, s2;
	s6 =	simm.s32 $0x108;
	_ =	swait.ge @!p0 [sflag:s8], $0x0  }
0x24: {  	s3 =	sadd.s32 $0x88, s3;
	s6 =	simm.s32 @!p1 $0x1082;
	[sflag:s4] =	ssyncset.s32 $0xFFFFF086  }
0x25: {  	[simem:s6], [sflag:s4] =	dma.local [hbm:s3], $0xF7A  }
0x26: {  	[smem:$0x3F8A] =	sst s1;
	(tag) =	ssettag s2;
	_ =	strace s9  }
0x27: {  	s1 =	sld [smem:$0x3F9A]  }
0x28: {  	s2 =	sld [smem:$0x3F9B]  }
0x29: {  	s4 =	sld [smem:$0x3F9D]  }
0x2a: {  	p0 =	seq.s32 s5, $0x0;
	s5 =	sld [smem:$0x3F9E]  }
0x2b: {  	s6 =	sld [smem:$0x3F9F]  }
0x2c: {  	s7 =	sld [smem:$0x3FA0]  }
0x2d: {  	s3 =	simm.s32 $0x108;
	s8 =	sld [smem:$0x3FA1]  }
0x2e: {  	s3 =	simm.s32 @!p0 $0x1082;
	s9 =	sld [smem:$0x3FA2]  }
0x2f: {  	lr =	sadd.s32 s0, s3;
	s0 =	sld [smem:$0x3F99]  }
0x30: {  	s3 =	sld [smem:$0x3F9C]  }
0x31: {  	[smem:$0x3FA5] =	sst s10  }
0x32: {  	s10 =	sld [smem:$0x3FA3];
	_ =	sdelay $0x3  }
0x33: {  	p0 =	seq.s32 s10, $0x1;
	s10 =	sld [smem:$0x3FA5];
	_ =	sdelay $0x3  }
0x34: {  	[smem:$0x3FA5] =	sst s10  }
0x35: {  	s10 =	sld [smem:$0x3FA4];
	_ =	sdelay $0x3  }
0x36: {  	p1 =	seq.s32 s10, $0x1;
	s10 =	sld [smem:$0x3FA5];
	_ =	sdelay $0x3  }
0x37: {  	[smem:$0x3FA5] =	sst s10  }
0x38: {  	s10 =	sld [smem:$0x3FA6]  }
0x39: {  	_ = 	snop;
	(pc) =	sbr.ind lr, $3  }
0x3a: {  	_ = 	snop  }
0x3b: {  	_ = 	snop  }
0x3c: {  	p2 =	seq.s32 s10, $0x1;
	s10 =	sld [smem:$0x3FA5]  }
0x3d: {  	_ =	shalt  }
0x3e: {  	_ =	shalt  }
0x3f: {  	_ =	shalt  }
0x40: {  	_ =	shalt  }
0x41: {  	_ =	shalt  }
0x42: {  	_ =	shalt  }
0x43: {  	_ =	shalt  }
0x44: {  	_ =	shalt  }
0x45: {  	_ =	shalt  }
0x46: {  	_ =	shalt  }
0x47: {  	_ =	shalt  }
0x48: {  	_ =	shalt  }
0x49: {  	_ =	shalt  }
0x4a: {  	_ =	shalt  }
0x4b: {  	_ =	shalt  }
0x4c: {  	_ =	shalt  }
0x4d: {  	_ =	shalt  }
0x4e: {  	_ =	shalt  }
0x4f: {  	_ =	shalt  }
0x50: {  	_ =	shalt  }
0x51: {  	_ =	shalt  }
0x52: {  	_ =	shalt  }
0x53: {  	_ =	shalt  }
0x54: {  	_ =	shalt  }
0x55: {  	_ =	shalt  }
0x56: {  	_ =	shalt  }
0x57: {  	_ =	shalt  }
0x58: {  	_ =	shalt  }
0x59: {  	_ =	shalt  }
0x5a: {  	_ =	shalt  }
0x5b: {  	_ =	shalt  }
0x5c: {  	_ =	shalt  }
0x5d: {  	_ =	shalt  }
0x5e: {  	_ =	shalt  }
0x5f: {  	_ =	shalt  }
0x60: {  	_ =	shalt  }
0x61: {  	_ =	shalt  }
0x62: {  	_ =	shalt  }
0x63: {  	_ =	shalt  }
0x64: {  	_ =	shalt  }
0x65: {  	_ =	shalt  }
0x66: {  	_ =	shalt  }
0x67: {  	_ =	shalt  }
0x68: {  	_ =	shalt  }
0x69: {  	_ =	shalt  }
0x6a: {  	_ =	shalt  }
0x6b: {  	_ =	shalt  }
0x6c: {  	_ =	shalt  }
0x6d: {  	_ =	shalt  }
0x6e: {  	_ =	shalt  }
0x6f: {  	_ =	shalt  }
0x70: {  	_ =	shalt  }
0x71: {  	_ =	shalt  }
0x72: {  	_ =	shalt  }
0x73: {  	_ =	shalt  }
0x74: {  	_ =	shalt  }
0x75: {  	_ =	shalt  }
0x76: {  	_ =	shalt  }
0x77: {  	_ =	shalt  }
0x78: {  	_ =	shalt  }
0x79: {  	_ =	shalt  }
0x7a: {  	_ =	shalt  }
0x7b: {  	_ =	shalt  }
0x7c: {  	_ =	shalt  }
0x7d: {  	_ =	shalt  }
0x7e: {  	_ =	shalt  }
0x7f: {  	_ =	shalt  }
0x80: {  	_ =	shalt  }
0x81: {  	_ =	shalt  }
0x82: {  	_ =	shalt  }
0x83: {  	_ =	shalt  }
0x84: {  	_ =	shalt  }
0x85: {  	_ =	shalt  }
0x86: {  	_ =	shalt  }
0x87: {  	_ =	shalt  }
.Lfunc_end0:
.L_simem_size_0:
called_computation.5_lowered:
.L_overlay_start_0:
0x88: {  	s2 =	sld [smem:$0x3FD9]  }
0x89: {  	s3 =	sld [smem:$0x3FFE];
	_ =	sdelay $0x1  }
0x8a: {  	s1 =	srdreg.scid  }
0x8b: {  	s0 =	sand.u32 $0x1, s1  }
0x8c: {  	s14 =	sshll.u32 s0, $0xA;
	s2 =	sadd.s32 s3, s2  }
0x8d: {  	s2 =	sadd.s32 s2, s14  }
0x8e: {  	[smem:$0x3FB1] =	sst s2  }
0x8f: {  	_ = 	snop  }
0x90: {  	s2 =	sld [smem:$0x3FD0];
	_ =	sdelay $0x2  }
0x91: {  	s15 =	simm.s32 $0xB;
	s4 =	simm.s32 $0x10  }
0x92: {  	[smem:s4], [sflag:s15] =	dma.local [hbm:s2], $0x1  }
0x93: {  	_ =	swait.eq [sflag:s15], $0x1  }
0x94: {  	[sflag:s15] =	ssyncset.done $0x0  }
0x95: {  	s16 =	sld [smem:$0x14];
	[sflag:s15] =	ssyncadd.s32 $0xFFFFFFFF  }
0x96: {  	s17 =	sld [smem:$0x15];
	(tm) =	ssettm $0x1  }
0x97: {  	s18 =	sld [smem:$0x3FFB];
	_ =	sdelay $0x3  }
0x98: {  	_ =	strace s18  }
0x99: {  	s4 =	sld [smem:$0x3FFC];
	_ =	sdelay $0x3  }
0x9a: {  	_ =	strace s4  }
0x9b: {  	s4 =	sld [smem:$0x3FFD];
	_ =	sdelay $0x3  }
0x9c: {  	_ =	strace s4  }
0x9d: {  	_ =	strace $0x8FFFFFFF  }
0x9e: {  	s19 =	sld [smem:$0x3FDB];
	_ =	sdelay $0x1  }
0x9f: {  	s5 =	simm.s32 $_scs_section_size  }
0xa0: {  	s6 =	simm.s32 $_size__tile_overlayer_lowered;
	s7 =	simm.s32 $_tile_overlayer_lowered  }
0xa1: {  	s22 =	simm.s32 $0x1BFF;
	s21 =	sshll.u32 s7, $0x1;
	s4 =	sadd.s32 s5, s19  }
0xa2: {  	s8 =	simm.s32 $0x0;
	s20 =	sshll.u32 s6, $0x1;
	s6 =	sadd.s32 s21, s4  }
0xa3: {  	[timem:s8], [sflag:s22] =	dma.local [hbm:s6], s20  }
0xa4: {  	_ =	swait.ge [sflag:s22], s20  }
0xa5: {  	s5 =	ssub.s32 $0x0, s20;
	[sflag:s22] =	ssyncset.done $0x0  }
0xa6: {  	[sflag:s22] =	ssyncadd.s32 s5;
	_ =	sdelay $0x1  }
0xa7: {  	s23 =	simm.s32 $0x1B8B  }
0xa8: {  	_ =	swait.ge [sflag:s23], $0x1  }
0xa9: {  	[sflag:s23] =	ssyncset.done $0x0  }
0xaa: {  	s25 =	simm.s32 $0x1B8E;
	s24 =	sld [smem:$0x3FFE];
	[sflag:s23] =	ssyncadd.s32 $0xFFFFFFFF  }
0xab: {  	s26 =	simm.s32 $execute0_lowered;
	[smem:$0x3FD2] =	sst s25  }
0xac: {  	s6 =	sshll.u32 s26, $0x1;
	_ =	strace $0x80000052;
	[dreg:$0x1] =	wrdreg $0xFFFFFFFF  }
0xad: {  	s28 =	simm.s32 $_size_execute0_lowered;
	s4 =	sadd.s32 s4, s6;
	[dreg:$0x0] =	wrdreg $0x0  }
0xae: {  	s6 =	sshll.u32 s28, $0x1;
	[dreg:$0x2] =	wrdreg s4  }
0xaf: {  	[dreg:$0x3] =	wrdreg s6  }
0xb0: {  	[dreg:$0x4] =	wrdreg $0xC0  }
0xb1: {  	_ =	task [dreg:s8], $0x5FFFF  }
0xb2: {  	[dreg:$0x1] =	wrdreg $0xFFFFFFFF  }
0xb3: {  	[dreg:$0x0] =	wrdreg $0x60  }
0xb4: {  	[dreg:$0x2] =	wrdreg s24  }
0xb5: {  	[dreg:$0x3] =	wrdreg s16  }
0xb6: {  	[dreg:$0x4] =	wrdreg s17  }
0xb7: {  	[dreg:$0x5] =	wrdreg $0x88000  }
0xb8: {  	[dreg:$0x6] =	wrdreg $0x9  }
0xb9: {  	_ =	task.clear_ibuf [dreg:s8], $0x7FFFF;
	_ =	strace $0x90000052  }
0xba: {  	s29 =	simm.s32 $0x9;
	_ =	strace $0x80000054  }
0xbb: {  	_ =	swait.ge [sflag:s29], $0x1  }
0xbc: {  	[sflag:s29] =	ssyncadd.s32 $0xFFFFFFFF  }
0xbd: {  	_ =	strace $0x90000054  }
0xbe: {  	_ =	sfence  }
0xbf: {  	s30 =	sld [smem:$0x0];
	_ =	sdelay $0x2  }
0xc0: {  	s31 =	sshll.u32 s1, $0xD;
	s1 =	sshrl.u32 s1, $0x2  }
0xc1: {  	s3 =	sand.u32 $0x4000, s31;
	s1 =	sadd.s32 s1, s30  }
0xc2: {  	s0 =	sor.u32 s3, s0;
	s1 =	sshll.u32 s1, $0x11  }
0xc3: {  	s0 =	sor.u32 s1, s0  }
0xc4: {  	s0 =	sadd.s32 $0x8F2B, s0  }
0xc5: {  	[sflag:s0] =	ssyncadd.remote.s32 $0x1  }
0xc6: {  	_ =	sfence.sel $0xFFFF  }
0xc7: {  	[dreg:$0x0] =	wrdreg $0xFFFFFFFF;
	(pc) =	sbr.abs _section_cstart, $3  }
0xc8: {  	[dreg:$0x1] =	wrdreg $0xFFFFFFFF  }
0xc9: {  	_ =	task.clear_ibuf [dreg:s8], $0x2FFFF;
	_ =	strace $0x9FFFFFFF  }
0xca: {  	(tm) =	ssettm $0x7FFFFFFF  }
0xcb: {  	_ =	shalt  }
tec
execute0_lowered:
.L_overlay_start_1:
0x0: {  	(tag) =	ssettag $0x1  }
0x1: {  	s0 =	rddreg [dreg:$0x0]  }
0x2: {  	s1 =	rddreg [dreg:$0x1]  }
0x3: {  	s5 =	rddreg [dreg:$0x2]  }
0x4: {  	s2 =	rddreg [dreg:$0x3];
	s13 =	stileid.u32  }
0x5: {  	s3 =	simm.s32 $0x0;
	s4 =	srdreg.scid;
	s14 =	simm.s32 $0x80  }
0x6: {  	s15 =	simm.s32 $0x800;
	s16 =	simm.s32 $0x4800;
	s17 =	simm.s32 $0x1  }
0x7: {  	s18 =	simm.s32 $0x100;
	s19 =	simm.s32 $0x480;
	s6 =	smul.u32 $0x500, s13  }
0x8: {  	s28 =	simm.s32 $0x680;
	s29 =	simm.s32 $0x380;
	s8 =	smul.u32 $0x50000, s13  }
0x9: {  	s30 =	simm.s32 $0x700;
	s31 =	simm.s32 $0x780;
	s22 =	smul.u32 $0x14000, s13  }
0xa: {  	[smem:$0x7FF] =	sst s3;
	s7 =	sand.u32 $0x1, s4;
	s12 =	smul.u32 $0x2800, s13  }
0xb: {  	s4 =	sadd.s32 $0x28B600, s0;
	s24 =	sshll.u32 s13, $0x6;
	s9 =	smul.u32 $0x28000, s7  }
0xc: {  	s13 =	simm.s32 $0x400;
	_ =	strace $0x80000053;
	s20 =	smul.u32 $0x140000, s7  }
0xd: {  	s21 =	ssub.s32 $0x2, s7;
	s10 =	sadd.s32 s6, s0;
	s0 =	sadd.s32 $0xD600, s0  }
0xe: {  	s11 =	sshrl.u32 s21, $0x1;
	s8 =	sshrl.u32 s8, $0x2;
	[dreg:$0x5] =	wrdreg s0  }
0xf: {  	s0 =	ssub.s32 s21, s11;
	s23 =	sadd.s32 s8, s2;
	s6 =	sadd.s32 s22, s20  }
0x10: {  	s9 =	sadd.s32 s12, s9;
	s12 =	simm.s32 $0x2;
	s20 =	simm.s32 $0x180  }
0x11: {  	s21 =	simm.s32 $0x500;
	s22 =	simm.s32 $0x200;
	s25 =	sshrl.u32 s6, $0x3  }
0x12: {  	s6 =	sor.u32 $0x1C02, s24;
	s26 =	sshrl.u32 s9, $0x3;
	s0 =	smax.u32 s0, $0x1  }
0x13: {  	s9 =	sadd.s32 $0x8600, s10;
	s24 =	simm.s32 $0x280;
	s5 =	sadd.s32 s5, s25  }
0x14: {  	[dreg:$0x7] =	wrdreg s0;
	s10 =	sadd.s32 s26, s1;
	s25 =	simm.s32 $0x600  }
0x15: {  	s26 =	simm.s32 $0x300;
	[dreg:$0x6] =	wrdreg s5;
	s5 =	sshrl.u32 s23, $0x3  }
0x16: {  	s0 =	simm.s32 $0x0;
	s23 =	simm.s32 $0x580;
	[dreg:$0x8] =	wrdreg s5  }
.LBB2_1:
0x17: {  	s1 =	rddreg [dreg:$0x5]  }
0x18: {  	[spmem:s5], [sflag:s6] =	dma.local [hbm:s1], $0x2800  }
0x19: {  	_ =	swait.ge [sflag:s12], $0x2800  }
0x1a: {  	[sflag:s12] =	ssyncset.done $0x0  }
0x1b: {  	[sflag:s12] =	ssyncadd.s32 $0xFFFFD800  }
0x1c: {  	s7 =	sadd.s32 $0x0, s10;
	[bflag:$0x0] =	sbarrier.arrive $0xFFFF  }
0x1d: {  	[tilespmem:s3], [sflag:$0x2] =	stream.linear.gather [hbm4b:s7+s3], $0x400, $0x38;
	[tilespmem:$0x1C800] =	vst v63  }
0x1e: {  	_ =	swait.ge [sflag:s12], $0x400  }
0x1f: {  	[sflag:s12] =	ssyncset.done $0x0  }
0x20: {  	s8 =	sadd.s32 $0x0, s9;
	[sflag:s12] =	ssyncadd.s32 $0xFFFFFC00  }
0x21: {  	[tilespmem:s13], [sflag:$0x2] =	stream.linear.gather [hbm4b:s8+s3], $0x400, $0x38;
	[tilespmem:$0x1C800] =	vst v63  }
0x22: {  	_ =	swait.ge [sflag:s12], $0x400  }
0x23: {  	[sflag:s12] =	ssyncset.done $0x0  }
0x24: {  	[sflag:s12] =	ssyncadd.s32 $0xFFFFFC00  }
0x25: {  	[tilespmem:s15], [sflag:$0x1] =	stream.indirect.gather [hbm4b:s4+s14], $0x80, s3, s14, $0xb8;
	[tilespmem:$0x1C800] =	vst v63  }
0x26: {  	_ = 	snop  }
0x27: {  	[tilespmem:s16], [sflag:$0x1] =	stream.indirect.gather [hbm4b:s4+s14], $0x80, s14, s14, $0xb8;
	[tilespmem:$0x1C800] =	vst v63  }
0x28: {  	_ =	swait.ge [sflag:s17], $0x4000  }
0x29: {  	[sflag:s17] =	ssyncset.done $0x0  }
0x2a: {  	[sflag:s17] =	ssyncadd.s32 $0xFFFFC000  }
0x2b: {  	[spmem:s2] =	stream.indirect.scatter.add.f32 [tilespmem:s15], [sflag:$0x2], $0x80, s13, s14, $0xb8;
	[tilespmem:$0x1C800] =	vst v63  }
0x2c: {  	_ =	swait.ge [sflag:s12], $0x4000  }
0x2d: {  	[sflag:s12] =	ssyncset.done $0x0  }
0x2e: {  	[sflag:s12] =	ssyncadd.s32 $0xFFFFC000  }
0x2f: {  	[tilespmem:s15], [sflag:$0x1] =	stream.indirect.gather [hbm4b:s4+s14], $0x80, s18, s14, $0xb8;
	[tilespmem:$0x1C800] =	vst v63  }
0x30: {  	_ =	swait.ge [sflag:s17], $0x4000  }
0x31: {  	[sflag:s17] =	ssyncset.done $0x0  }
0x32: {  	[sflag:s17] =	ssyncadd.s32 $0xFFFFC000  }
0x33: {  	[spmem:s2] =	stream.indirect.scatter.add.f32 [tilespmem:s16], [sflag:$0x2], $0x80, s19, s14, $0xb8;
	[tilespmem:$0x1C800] =	vst v63  }
0x34: {  	_ =	swait.ge [sflag:s12], $0x4000  }
0x35: {  	[sflag:s12] =	ssyncset.done $0x0  }
0x36: {  	[sflag:s12] =	ssyncadd.s32 $0xFFFFC000  }
0x37: {  	[tilespmem:s16], [sflag:$0x1] =	stream.indirect.gather [hbm4b:s4+s14], $0x80, s20, s14, $0xb8;
	[tilespmem:$0x1C800] =	vst v63  }
0x38: {  	_ =	swait.ge [sflag:s17], $0x4000  }
0x39: {  	[sflag:s17] =	ssyncset.done $0x0  }
0x3a: {  	[sflag:s17] =	ssyncadd.s32 $0xFFFFC000  }
0x3b: {  	[spmem:s2] =	stream.indirect.scatter.add.f32 [tilespmem:s15], [sflag:$0x2], $0x80, s21, s14, $0xb8;
	[tilespmem:$0x1C800] =	vst v63  }
0x3c: {  	_ =	swait.ge [sflag:s12], $0x4000  }
0x3d: {  	[sflag:s12] =	ssyncset.done $0x0  }
0x3e: {  	[sflag:s12] =	ssyncadd.s32 $0xFFFFC000  }
0x3f: {  	[tilespmem:s15], [sflag:$0x1] =	stream.indirect.gather [hbm4b:s4+s14], $0x80, s22, s14, $0xb8;
	[tilespmem:$0x1C800] =	vst v63  }
0x40: {  	_ =	swait.ge [sflag:s17], $0x4000  }
0x41: {  	[sflag:s17] =	ssyncset.done $0x0  }
0x42: {  	[sflag:s17] =	ssyncadd.s32 $0xFFFFC000  }
0x43: {  	[spmem:s2] =	stream.indirect.scatter.add.f32 [tilespmem:s16], [sflag:$0x2], $0x80, s23, s14, $0xb8;
	[tilespmem:$0x1C800] =	vst v63  }
0x44: {  	_ =	swait.ge [sflag:s12], $0x4000  }
0x45: {  	[sflag:s12] =	ssyncset.done $0x0  }
0x46: {  	[sflag:s12] =	ssyncadd.s32 $0xFFFFC000  }
0x47: {  	[tilespmem:s16], [sflag:$0x1] =	stream.indirect.gather [hbm4b:s4+s14], $0x80, s24, s14, $0xb8;
	[tilespmem:$0x1C800] =	vst v63  }
0x48: {  	_ =	swait.ge [sflag:s17], $0x4000  }
0x49: {  	[sflag:s17] =	ssyncset.done $0x0  }
0x4a: {  	[sflag:s17] =	ssyncadd.s32 $0xFFFFC000  }
0x4b: {  	[spmem:s2] =	stream.indirect.scatter.add.f32 [tilespmem:s15], [sflag:$0x2], $0x80, s25, s14, $0xb8;
	[tilespmem:$0x1C800] =	vst v63  }
0x4c: {  	_ =	swait.ge [sflag:s12], $0x4000  }
0x4d: {  	[sflag:s12] =	ssyncset.done $0x0  }
0x4e: {  	[sflag:s12] =	ssyncadd.s32 $0xFFFFC000  }
0x4f: {  	[tilespmem:s15], [sflag:$0x1] =	stream.indirect.gather [hbm4b:s4+s14], $0x80, s26, s14, $0xb8;
	[tilespmem:$0x1C800] =	vst v63  }
0x50: {  	_ =	swait.ge [sflag:s17], $0x4000  }
0x51: {  	[sflag:s17] =	ssyncset.done $0x0  }
0x52: {  	[sflag:s17] =	ssyncadd.s32 $0xFFFFC000  }
0x53: {  	[spmem:s2] =	stream.indirect.scatter.add.f32 [tilespmem:s16], [sflag:$0x2], $0x80, s28, s14, $0xb8;
	[tilespmem:$0x1C800] =	vst v63  }
0x54: {  	_ =	swait.ge [sflag:s12], $0x4000  }
0x55: {  	[sflag:s12] =	ssyncset.done $0x0  }
0x56: {  	[sflag:s12] =	ssyncadd.s32 $0xFFFFC000  }
0x57: {  	[tilespmem:s16], [sflag:$0x1] =	stream.indirect.gather [hbm4b:s4+s14], $0x80, s29, s14, $0xb8;
	[tilespmem:$0x1C800] =	vst v63  }
0x58: {  	_ =	swait.ge [sflag:s17], $0x4000  }
0x59: {  	[sflag:s17] =	ssyncset.done $0x0  }
0x5a: {  	[sflag:s17] =	ssyncadd.s32 $0xFFFFC000  }
0x5b: {  	[spmem:s2] =	stream.indirect.scatter.add.f32 [tilespmem:s15], [sflag:$0x2], $0x80, s30, s14, $0xb8;
	[tilespmem:$0x1C800] =	vst v63  }
0x5c: {  	_ =	swait.ge [sflag:s12], $0x4000  }
0x5d: {  	[sflag:s12] =	ssyncset.done $0x0  }
0x5e: {  	[sflag:s12] =	ssyncadd.s32 $0xFFFFC000  }
0x5f: {  	_ =	swait.ge [sflag:s17], $0x4000  }
0x60: {  	[sflag:s17] =	ssyncset.done $0x0  }
0x61: {  	[sflag:s17] =	ssyncadd.s32 $0xFFFFC000  }
0x62: {  	[spmem:s2] =	stream.indirect.scatter.add.f32 [tilespmem:s16], [sflag:$0x2], $0x80, s31, s14, $0xb8;
	[tilespmem:$0x1C800] =	vst v63  }
0x63: {  	s11 =	smov.u32 s6;
	_ =	swait.ge [sflag:s12], $0x4000  }
0x64: {  	s1 =	simm.s32 $0x80;
	s5 =	simm.s32 $0x100;
	[sflag:s12] =	ssyncset.done $0x0  }
.LBB2_2:
0x65: {  	s8 =	sadd.s32 s1, s10  }
0x66: {  	[sflag:s12] =	ssyncadd.s32 $0xFFFFC000;
	s6 =	smov.u32 s5;
	s7 =	sadd.s32 $0x80, s5  }
0x67: {  	[tilespmem:s3], [sflag:$0x2] =	stream.linear.gather [hbm4b:s8+s3], $0x400, $0x38;
	[tilespmem:$0x1C800] =	vst v63  }
0x68: {  	p0 =	sne.s32 s5, $0x480;
	_ =	swait.ge [sflag:s12], $0x400  }
0x69: {  	[sflag:s12] =	ssyncset.done $0x0  }
0x6a: {  	s5 =	sadd.s32 s1, s9;
	s1 =	smov.u32 s6;
	[sflag:s12] =	ssyncadd.s32 $0xFFFFFC00  }
0x6b: {  	[tilespmem:s13], [sflag:$0x2] =	stream.linear.gather [hbm4b:s5+s3], $0x400, $0x38;
	[tilespmem:$0x1C800] =	vst v63  }
0x6c: {  	_ =	swait.ge [sflag:s12], $0x400  }
0x6d: {  	[sflag:s12] =	ssyncset.done $0x0  }
0x6e: {  	[sflag:s12] =	ssyncadd.s32 $0xFFFFFC00  }
0x6f: {  	[tilespmem:s15], [sflag:$0x1] =	stream.indirect.gather [hbm4b:s4+s14], $0x80, s3, s14, $0xb8;
	[tilespmem:$0x1C800] =	vst v63  }
0x70: {  	_ = 	snop  }
0x71: {  	[tilespmem:s16], [sflag:$0x1] =	stream.indirect.gather [hbm4b:s4+s14], $0x80, s14, s14, $0xb8;
	[tilespmem:$0x1C800] =	vst v63  }
0x72: {  	_ =	swait.ge [sflag:s17], $0x4000  }
0x73: {  	[sflag:s17] =	ssyncset.done $0x0  }
0x74: {  	[sflag:s17] =	ssyncadd.s32 $0xFFFFC000  }
0x75: {  	[spmem:s2] =	stream.indirect.scatter.add.f32 [tilespmem:s15], [sflag:$0x2], $0x80, s13, s14, $0xb8;
	[tilespmem:$0x1C800] =	vst v63  }
0x76: {  	_ =	swait.ge [sflag:s12], $0x4000  }
0x77: {  	[sflag:s12] =	ssyncset.done $0x0  }
0x78: {  	[sflag:s12] =	ssyncadd.s32 $0xFFFFC000  }
0x79: {  	[tilespmem:s15], [sflag:$0x1] =	stream.indirect.gather [hbm4b:s4+s14], $0x80, s18, s14, $0xb8;
	[tilespmem:$0x1C800] =	vst v63  }
0x7a: {  	_ =	swait.ge [sflag:s17], $0x4000  }
0x7b: {  	[sflag:s17] =	ssyncset.done $0x0  }
0x7c: {  	[sflag:s17] =	ssyncadd.s32 $0xFFFFC000  }
0x7d: {  	[spmem:s2] =	stream.indirect.scatter.add.f32 [tilespmem:s16], [sflag:$0x2], $0x80, s19, s14, $0xb8;
	[tilespmem:$0x1C800] =	vst v63  }
0x7e: {  	_ =	swait.ge [sflag:s12], $0x4000  }
0x7f: {  	[sflag:s12] =	ssyncset.done $0x0  }
0x80: {  	[sflag:s12] =	ssyncadd.s32 $0xFFFFC000  }
0x81: {  	[tilespmem:s16], [sflag:$0x1] =	stream.indirect.gather [hbm4b:s4+s14], $0x80, s20, s14, $0xb8;
	[tilespmem:$0x1C800] =	vst v63  }
0x82: {  	_ =	swait.ge [sflag:s17], $0x4000  }
0x83: {  	[sflag:s17] =	ssyncset.done $0x0  }
0x84: {  	[sflag:s17] =	ssyncadd.s32 $0xFFFFC000  }
0x85: {  	[spmem:s2] =	stream.indirect.scatter.add.f32 [tilespmem:s15], [sflag:$0x2], $0x80, s21, s14, $0xb8;
	[tilespmem:$0x1C800] =	vst v63  }
0x86: {  	_ =	swait.ge [sflag:s12], $0x4000  }
0x87: {  	[sflag:s12] =	ssyncset.done $0x0  }
0x88: {  	[sflag:s12] =	ssyncadd.s32 $0xFFFFC000  }
0x89: {  	[tilespmem:s15], [sflag:$0x1] =	stream.indirect.gather [hbm4b:s4+s14], $0x80, s22, s14, $0xb8;
	[tilespmem:$0x1C800] =	vst v63  }
0x8a: {  	_ =	swait.ge [sflag:s17], $0x4000  }
0x8b: {  	[sflag:s17] =	ssyncset.done $0x0  }
0x8c: {  	[sflag:s17] =	ssyncadd.s32 $0xFFFFC000  }
0x8d: {  	[spmem:s2] =	stream.indirect.scatter.add.f32 [tilespmem:s16], [sflag:$0x2], $0x80, s23, s14, $0xb8;
	[tilespmem:$0x1C800] =	vst v63  }
0x8e: {  	_ =	swait.ge [sflag:s12], $0x4000  }
0x8f: {  	[sflag:s12] =	ssyncset.done $0x0  }
0x90: {  	[sflag:s12] =	ssyncadd.s32 $0xFFFFC000  }
0x91: {  	[tilespmem:s16], [sflag:$0x1] =	stream.indirect.gather [hbm4b:s4+s14], $0x80, s24, s14, $0xb8;
	[tilespmem:$0x1C800] =	vst v63  }
0x92: {  	_ =	swait.ge [sflag:s17], $0x4000  }
0x93: {  	[sflag:s17] =	ssyncset.done $0x0  }
0x94: {  	[sflag:s17] =	ssyncadd.s32 $0xFFFFC000  }
0x95: {  	[spmem:s2] =	stream.indirect.scatter.add.f32 [tilespmem:s15], [sflag:$0x2], $0x80, s25, s14, $0xb8;
	[tilespmem:$0x1C800] =	vst v63  }
0x96: {  	_ =	swait.ge [sflag:s12], $0x4000  }
0x97: {  	[sflag:s12] =	ssyncset.done $0x0  }
0x98: {  	[sflag:s12] =	ssyncadd.s32 $0xFFFFC000  }
0x99: {  	[tilespmem:s15], [sflag:$0x1] =	stream.indirect.gather [hbm4b:s4+s14], $0x80, s26, s14, $0xb8;
	[tilespmem:$0x1C800] =	vst v63  }
0x9a: {  	_ =	swait.ge [sflag:s17], $0x4000  }
0x9b: {  	[sflag:s17] =	ssyncset.done $0x0  }
0x9c: {  	[sflag:s17] =	ssyncadd.s32 $0xFFFFC000  }
0x9d: {  	[spmem:s2] =	stream.indirect.scatter.add.f32 [tilespmem:s16], [sflag:$0x2], $0x80, s28, s14, $0xb8;
	[tilespmem:$0x1C800] =	vst v63  }
0x9e: {  	_ =	swait.ge [sflag:s12], $0x4000  }
0x9f: {  	[sflag:s12] =	ssyncset.done $0x0  }
0xa0: {  	[sflag:s12] =	ssyncadd.s32 $0xFFFFC000  }
0xa1: {  	[tilespmem:s16], [sflag:$0x1] =	stream.indirect.gather [hbm4b:s4+s14], $0x80, s29, s14, $0xb8;
	[tilespmem:$0x1C800] =	vst v63  }
0xa2: {  	_ =	swait.ge [sflag:s17], $0x4000  }
0xa3: {  	[sflag:s17] =	ssyncset.done $0x0  }
0xa4: {  	[sflag:s17] =	ssyncadd.s32 $0xFFFFC000  }
0xa5: {  	[spmem:s2] =	stream.indirect.scatter.add.f32 [tilespmem:s15], [sflag:$0x2], $0x80, s30, s14, $0xb8;
	[tilespmem:$0x1C800] =	vst v63  }
0xa6: {  	_ =	swait.ge [sflag:s12], $0x4000  }
0xa7: {  	[sflag:s12] =	ssyncset.done $0x0  }
0xa8: {  	[sflag:s12] =	ssyncadd.s32 $0xFFFFC000  }
0xa9: {  	_ =	swait.ge [sflag:s17], $0x4000  }
.Ltmp0:
0xaa: {  	[sflag:s17] =	ssyncset.done $0x0;
	(pc) =	sbr.rel @p0 .LBB2_2-.Ltmp0, $4  }
0xab: {  	[sflag:s17] =	ssyncadd.s32 $0xFFFFC000  }
0xac: {  	[spmem:s2] =	stream.indirect.scatter.add.f32 [tilespmem:s16], [sflag:$0x2], $0x80, s31, s14, $0xb8;
	[tilespmem:$0x1C800] =	vst v63  }
0xad: {  	_ =	swait.ge [sflag:s12], $0x4000  }
0xae: {  	s5 =	smov.u32 s7;
	[sflag:s12] =	ssyncset.done $0x0  }
0xaf: {  	s5 =	sadd.s32 s1, s10;
	[sflag:s12] =	ssyncadd.s32 $0xFFFFC000  }
0xb0: {  	[tilespmem:s3], [sflag:$0x2] =	stream.linear.gather [hbm4b:s5+s3], $0x400, $0x38;
	[tilespmem:$0x1C800] =	vst v63  }
0xb1: {  	_ =	swait.ge [sflag:s12], $0x400  }
0xb2: {  	[sflag:s12] =	ssyncset.done $0x0  }
0xb3: {  	s7 =	sadd.s32 s1, s9;
	[sflag:s12] =	ssyncadd.s32 $0xFFFFFC00  }
0xb4: {  	[tilespmem:s13], [sflag:$0x2] =	stream.linear.gather [hbm4b:s7+s3], $0x400, $0x38;
	[tilespmem:$0x1C800] =	vst v63  }
0xb5: {  	_ =	swait.ge [sflag:s12], $0x400  }
0xb6: {  	[sflag:s12] =	ssyncset.done $0x0  }
0xb7: {  	[sflag:s12] =	ssyncadd.s32 $0xFFFFFC00  }
0xb8: {  	[tilespmem:s15], [sflag:$0x1] =	stream.indirect.gather [hbm4b:s4+s14], $0x80, s3, s14, $0xb8;
	[tilespmem:$0x1C800] =	vst v63  }
0xb9: {  	_ = 	snop  }
0xba: {  	[tilespmem:s16], [sflag:$0x1] =	stream.indirect.gather [hbm4b:s4+s14], $0x80, s14, s14, $0xb8;
	[tilespmem:$0x1C800] =	vst v63  }
0xbb: {  	_ =	swait.ge [sflag:s17], $0x4000  }
0xbc: {  	[sflag:s17] =	ssyncset.done $0x0  }
0xbd: {  	[sflag:s17] =	ssyncadd.s32 $0xFFFFC000  }
0xbe: {  	[spmem:s2] =	stream.indirect.scatter.add.f32 [tilespmem:s15], [sflag:$0x2], $0x80, s13, s14, $0xb8;
	[tilespmem:$0x1C800] =	vst v63  }
0xbf: {  	_ =	swait.ge [sflag:s12], $0x4000  }
0xc0: {  	[sflag:s12] =	ssyncset.done $0x0  }
0xc1: {  	[sflag:s12] =	ssyncadd.s32 $0xFFFFC000  }
0xc2: {  	[tilespmem:s15], [sflag:$0x1] =	stream.indirect.gather [hbm4b:s4+s14], $0x80, s18, s14, $0xb8;
	[tilespmem:$0x1C800] =	vst v63  }
0xc3: {  	_ =	swait.ge [sflag:s17], $0x4000  }
0xc4: {  	[sflag:s17] =	ssyncset.done $0x0  }
0xc5: {  	[sflag:s17] =	ssyncadd.s32 $0xFFFFC000  }
0xc6: {  	[spmem:s2] =	stream.indirect.scatter.add.f32 [tilespmem:s16], [sflag:$0x2], $0x80, s19, s14, $0xb8;
	[tilespmem:$0x1C800] =	vst v63  }
0xc7: {  	_ =	swait.ge [sflag:s12], $0x4000  }
0xc8: {  	[sflag:s12] =	ssyncset.done $0x0  }
0xc9: {  	[sflag:s12] =	ssyncadd.s32 $0xFFFFC000  }
0xca: {  	[tilespmem:s16], [sflag:$0x1] =	stream.indirect.gather [hbm4b:s4+s14], $0x80, s20, s14, $0xb8;
	[tilespmem:$0x1C800] =	vst v63  }
0xcb: {  	_ =	swait.ge [sflag:s17], $0x4000  }
0xcc: {  	[sflag:s17] =	ssyncset.done $0x0  }
0xcd: {  	[sflag:s17] =	ssyncadd.s32 $0xFFFFC000  }
0xce: {  	[spmem:s2] =	stream.indirect.scatter.add.f32 [tilespmem:s15], [sflag:$0x2], $0x80, s21, s14, $0xb8;
	[tilespmem:$0x1C800] =	vst v63  }
0xcf: {  	_ =	swait.ge [sflag:s12], $0x4000  }
0xd0: {  	[sflag:s12] =	ssyncset.done $0x0  }
0xd1: {  	[sflag:s12] =	ssyncadd.s32 $0xFFFFC000  }
0xd2: {  	[tilespmem:s15], [sflag:$0x1] =	stream.indirect.gather [hbm4b:s4+s14], $0x80, s22, s14, $0xb8;
	[tilespmem:$0x1C800] =	vst v63  }
0xd3: {  	_ =	swait.ge [sflag:s17], $0x4000  }
0xd4: {  	[sflag:s17] =	ssyncset.done $0x0  }
0xd5: {  	[sflag:s17] =	ssyncadd.s32 $0xFFFFC000  }
0xd6: {  	[spmem:s2] =	stream.indirect.scatter.add.f32 [tilespmem:s16], [sflag:$0x2], $0x80, s23, s14, $0xb8;
	[tilespmem:$0x1C800] =	vst v63  }
0xd7: {  	_ =	swait.ge [sflag:s12], $0x4000  }
0xd8: {  	[sflag:s12] =	ssyncset.done $0x0  }
0xd9: {  	[sflag:s12] =	ssyncadd.s32 $0xFFFFC000  }
0xda: {  	[tilespmem:s16], [sflag:$0x1] =	stream.indirect.gather [hbm4b:s4+s14], $0x80, s24, s14, $0xb8;
	[tilespmem:$0x1C800] =	vst v63  }
0xdb: {  	_ =	swait.ge [sflag:s17], $0x4000  }
0xdc: {  	[sflag:s17] =	ssyncset.done $0x0  }
0xdd: {  	[sflag:s17] =	ssyncadd.s32 $0xFFFFC000  }
0xde: {  	[spmem:s2] =	stream.indirect.scatter.add.f32 [tilespmem:s15], [sflag:$0x2], $0x80, s25, s14, $0xb8;
	[tilespmem:$0x1C800] =	vst v63  }
0xdf: {  	_ =	swait.ge [sflag:s12], $0x4000  }
0xe0: {  	[sflag:s12] =	ssyncset.done $0x0  }
0xe1: {  	[sflag:s12] =	ssyncadd.s32 $0xFFFFC000  }
0xe2: {  	[tilespmem:s15], [sflag:$0x1] =	stream.indirect.gather [hbm4b:s4+s14], $0x80, s26, s14, $0xb8;
	[tilespmem:$0x1C800] =	vst v63  }
0xe3: {  	_ =	swait.ge [sflag:s17], $0x4000  }
0xe4: {  	[sflag:s17] =	ssyncset.done $0x0  }
0xe5: {  	[sflag:s17] =	ssyncadd.s32 $0xFFFFC000  }
0xe6: {  	[spmem:s2] =	stream.indirect.scatter.add.f32 [tilespmem:s16], [sflag:$0x2], $0x80, s28, s14, $0xb8;
	[tilespmem:$0x1C800] =	vst v63  }
0xe7: {  	_ =	swait.ge [sflag:s12], $0x4000  }
0xe8: {  	[sflag:s12] =	ssyncset.done $0x0  }
0xe9: {  	[sflag:s12] =	ssyncadd.s32 $0xFFFFC000  }
0xea: {  	[tilespmem:s16], [sflag:$0x1] =	stream.indirect.gather [hbm4b:s4+s14], $0x80, s29, s14, $0xb8;
	[tilespmem:$0x1C800] =	vst v63  }
0xeb: {  	_ =	swait.ge [sflag:s17], $0x4000  }
0xec: {  	[sflag:s17] =	ssyncset.done $0x0  }
0xed: {  	[sflag:s17] =	ssyncadd.s32 $0xFFFFC000  }
0xee: {  	[spmem:s2] =	stream.indirect.scatter.add.f32 [tilespmem:s15], [sflag:$0x2], $0x80, s30, s14, $0xb8;
	[tilespmem:$0x1C800] =	vst v63  }
0xef: {  	_ =	swait.ge [sflag:s12], $0x4000  }
0xf0: {  	[sflag:s12] =	ssyncset.done $0x0  }
0xf1: {  	[sflag:s12] =	ssyncadd.s32 $0xFFFFC000  }
0xf2: {  	_ =	swait.ge [sflag:s17], $0x4000  }
0xf3: {  	[sflag:s17] =	ssyncset.done $0x0  }
0xf4: {  	[sflag:s17] =	ssyncadd.s32 $0xFFFFC000  }
0xf5: {  	[spmem:s2] =	stream.indirect.scatter.add.f32 [tilespmem:s16], [sflag:$0x2], $0x80, s31, s14, $0xb8;
	[tilespmem:$0x1C800] =	vst v63  }
0xf6: {  	_ =	swait.ge [sflag:s12], $0x4000  }
0xf7: {  	[sflag:s12] =	ssyncset.done $0x0  }
0xf8: {  	[sflag:s12] =	ssyncadd.s32 $0xFFFFC000  }
0xf9: {  	[bflag:$0x0] =	sbarrier.arrive $0xFFFF  }
0xfa: {  	s8 =	rddreg [dreg:$0x6]  }
0xfb: {  	s5 =	rddreg [dreg:$0x8]  }
0xfc: {  	[hbm:s8], [sflag:s11] =	dma.local [spmem:s5], $0x2800  }
0xfd: {  	_ =	swait.ge [sflag:s12], $0x2800  }
0xfe: {  	s6 =	smov.u32 s11;
	s0 =	sadd.s32 $0x1, s0;
	s11 =	rddreg [dreg:$0x7]  }
0xff: {  	p0 =	sne.s32 s0, s11  }
.Ltmp1:
0x100: {  	_ = 	snop;
	(pc) =	sbr.rel @p0 .LBB2_1-.Ltmp1, $3  }
0x101: {  	_ =	sdelay $0x1  }
0x102: {  	[sflag:s12] =	ssyncset.done $0x0  }
0x103: {  	[sflag:s12] =	ssyncadd.s32 $0xFFFFD800  }
0x104: {  	_ =	sfence.sel $0x180000  }
0x105: {  	[bflag:$0x0] =	sbarrier.arrive $0xFFFF  }
0x106: {  	_ =	strace $0x90000053  }
0x107: {  	s0 =	stileid.u32;
	[bflag:$0x2] =	sbarrier.arrive $0xFFFF  }
0x108: {  	p0 =	sne.s32 s0, $0x0;
	s0 =	rddreg [dreg:$0x4]  }
0x109: {  	s0 =	sadd.s32 @!p0 $0x100000, s0  }
0x10a: {  	[sflag:s0] =	ssyncadd.tile.s32 @!p0 $0x1;
	_ =	shalt  }
.Lfunc_end2:
_tile_overlayer_lowered:
.L_overlay_start_2:
0x10b: {  	(tag) =	ssettag $0x2  }
0x10c: {  	s0 =	rddreg [dreg:$0x0];
	s2 =	stileid.u32  }
0x10d: {  	s1 =	rddreg [dreg:$0x1];
	p0 =	sne.s32 s2, $0x0  }
0x10e: {  	s3 =	rddreg [dreg:$0x2];
	[bflag:$0x3] =	sbarrier.arrive $0xFFFF;
	s2 =	simm.s32 @!p0 $0x1C02  }
0x10f: {  	[timem:s3], [sflag:s2] =	dma.local @!p0 [hbm:s0], s1  }
0x110: {  	s0 =	simm.s32 @!p0 $0x2  }
0x111: {  	_ =	swait.ge @!p0 [sflag:s0], s1  }
0x112: {  	s1 =	ssub.s32 @!p0 $0x0, s1;
	[sflag:s0] =	ssyncset.done @!p0 $0x0  }
0x113: {  	[sflag:s0] =	ssyncadd.s32 @!p0 s1  }
0x114: {  	[bflag:$0x3] =	sbarrier.arrive $0xFFFF  }
0x115: {  	_ =	shalt  }

// kernel: kernel.37.cloned.1.call-start
scs
__scs_entry_jumppad:
0x0: {  	(pc) =	sbr.rel $0x88, $3  }
0x1: {  	(tag) =	ssettag $0x0;
	lr =	simm.s32 $0x1  }
0x2: {  	[smem:$0x3F8A] =	sst lr;
	_ =	strace $0xD0000000  }
0x3: {  	_ = 	snop  }
0x4: {  	_ = 	snop  }
0x5: {  	_ = 	snop  }
0x6: {  	_ = 	snop  }
0x7: {  	_ = 	snop  }
__scs_overlays_trampoline_lowered:
0x8: {  	[smem:$0x3F99] =	sst s0  }
0x9: {  	[smem:$0x3F9A] =	sst s1  }
0xa: {  	[smem:$0x3F9B] =	sst s2  }
0xb: {  	[smem:$0x3F9C] =	sst s3  }
0xc: {  	[smem:$0x3F9D] =	sst s4  }
0xd: {  	[smem:$0x3F9E] =	sst s5  }
0xe: {  	[smem:$0x3F9F] =	sst s6  }
0xf: {  	[smem:$0x3FA0] =	sst s7  }
0x10: {  	[smem:$0x3FA1] =	sst s8  }
0x11: {  	[smem:$0x3FA2] =	sst s9;
	s0 =	simm.s32 @!p0 $0x0  }
0x12: {  	s1 =	sld [smem:$0x3F88];
	s0 =	simm.s32 @p0 $0x1  }
0x13: {  	[smem:$0x3FA3] =	sst s0;
	s0 =	simm.s32 @!p1 $0x0  }
0x14: {  	s2 =	sld [smem:$0x3F87];
	s0 =	simm.s32 @p1 $0x1  }
0x15: {  	[smem:$0x3FA4] =	sst s0;
	s0 =	simm.s32 @!p2 $0x0  }
0x16: {  	s3 =	sld [smem:$0x3FDB];
	s0 =	simm.s32 @p2 $0x1  }
0x17: {  	s4 =	simm.s32 $0x1BF5;
	[smem:$0x3FA6] =	sst s0  }
0x18: {  	s0 =	sld [smem:$0x3F89];
	_ =	swait.ge [sflag:s4], $0x0  }
0x19: {  	s7 =	sld [smem:$0x3F8A]  }
0x1a: {  	s8 =	sadd.s32 $0xFFFFE003, lr  }
0x1b: {  	s9 =	sadd.s32 $0xFFFFFEF7, lr;
	s5 =	simm.s32 $0xFFFFFFFF;
	p2 =	slt.u32 s8, $0xFFFFF086  }
0x1c: {  	p1 =	slt.u32 s9, $0xF7A;
	s5 =	simm.s32 @!p2 $0x0  }
0x1d: {  	s5 =	simm.s32 @p1 $0x1;
	p0 =	seq.s32 s7, s2  }
0x1e: {  	s7 =	smul.u32 @!p0 $0xF7A, s2;
	p2 =	seq.s32 @!p0 s5, $0x0  }
0x1f: {  	s9 =	smul.u32 $0xF7A, s1;
	s8 =	simm.s32 @!p0 $0x1BF5;
	p2 =	por !p2, p0  }
0x20: {  	[sflag:s8] =	ssyncset.s32 @!p0 $0xFFFFF086;
	s6 =	sadd.s32 @!p0 s3, s7;
	s7 =	simm.s32 @!p0 $0x108  }
0x21: {  	s3 =	sadd.s32 s3, s9;
	s6 =	sadd.s32 @!p0 $0x88, s6;
	s7 =	simm.s32 @p2 $0x1082  }
0x22: {  	[simem:s7], [sflag:s8] =	dma.local @!p0 [hbm:s6], $0xF7A  }
0x23: {  	s9 =	sor.u32 $0xD0000000, s2;
	s6 =	simm.s32 $0x108;
	_ =	swait.ge @!p0 [sflag:s8], $0x0  }
0x24: {  	s3 =	sadd.s32 $0x88, s3;
	s6 =	simm.s32 @!p1 $0x1082;
	[sflag:s4] =	ssyncset.s32 $0xFFFFF086  }
0x25: {  	[simem:s6], [sflag:s4] =	dma.local [hbm:s3], $0xF7A  }
0x26: {  	[smem:$0x3F8A] =	sst s1;
	(tag) =	ssettag s2;
	_ =	strace s9  }
0x27: {  	s1 =	sld [smem:$0x3F9A]  }
0x28: {  	s2 =	sld [smem:$0x3F9B]  }
0x29: {  	s4 =	sld [smem:$0x3F9D]  }
0x2a: {  	p0 =	seq.s32 s5, $0x0;
	s5 =	sld [smem:$0x3F9E]  }
0x2b: {  	s6 =	sld [smem:$0x3F9F]  }
0x2c: {  	s7 =	sld [smem:$0x3FA0]  }
0x2d: {  	s3 =	simm.s32 $0x108;
	s8 =	sld [smem:$0x3FA1]  }
0x2e: {  	s3 =	simm.s32 @!p0 $0x1082;
	s9 =	sld [smem:$0x3FA2]  }
0x2f: {  	lr =	sadd.s32 s0, s3;
	s0 =	sld [smem:$0x3F99]  }
0x30: {  	s3 =	sld [smem:$0x3F9C]  }
0x31: {  	[smem:$0x3FA5] =	sst s10  }
0x32: {  	s10 =	sld [smem:$0x3FA3];
	_ =	sdelay $0x3  }
0x33: {  	p0 =	seq.s32 s10, $0x1;
	s10 =	sld [smem:$0x3FA5];
	_ =	sdelay $0x3  }
0x34: {  	[smem:$0x3FA5] =	sst s10  }
0x35: {  	s10 =	sld [smem:$0x3FA4];
	_ =	sdelay $0x3  }
0x36: {  	p1 =	seq.s32 s10, $0x1;
	s10 =	sld [smem:$0x3FA5];
	_ =	sdelay $0x3  }
0x37: {  	[smem:$0x3FA5] =	sst s10  }
0x38: {  	s10 =	sld [smem:$0x3FA6]  }
0x39: {  	_ = 	snop;
	(pc) =	sbr.ind lr, $3  }
0x3a: {  	_ = 	snop  }
0x3b: {  	_ = 	snop  }
0x3c: {  	p2 =	seq.s32 s10, $0x1;
	s10 =	sld [smem:$0x3FA5]  }
0x3d: {  	_ =	shalt  }
0x3e: {  	_ =	shalt  }
0x3f: {  	_ =	shalt  }
0x40: {  	_ =	shalt  }
0x41: {  	_ =	shalt  }
0x42: {  	_ =	shalt  }
0x43: {  	_ =	shalt  }
0x44: {  	_ =	shalt  }
0x45: {  	_ =	shalt  }
0x46: {  	_ =	shalt  }
0x47: {  	_ =	shalt  }
0x48: {  	_ =	shalt  }
0x49: {  	_ =	shalt  }
0x4a: {  	_ =	shalt  }
0x4b: {  	_ =	shalt  }
0x4c: {  	_ =	shalt  }
0x4d: {  	_ =	shalt  }
0x4e: {  	_ =	shalt  }
0x4f: {  	_ =	shalt  }
0x50: {  	_ =	shalt  }
0x51: {  	_ =	shalt  }
0x52: {  	_ =	shalt  }
0x53: {  	_ =	shalt  }
0x54: {  	_ =	shalt  }
0x55: {  	_ =	shalt  }
0x56: {  	_ =	shalt  }
0x57: {  	_ =	shalt  }
0x58: {  	_ =	shalt  }
0x59: {  	_ =	shalt  }
0x5a: {  	_ =	shalt  }
0x5b: {  	_ =	shalt  }
0x5c: {  	_ =	shalt  }
0x5d: {  	_ =	shalt  }
0x5e: {  	_ =	shalt  }
0x5f: {  	_ =	shalt  }
0x60: {  	_ =	shalt  }
0x61: {  	_ =	shalt  }
0x62: {  	_ =	shalt  }
0x63: {  	_ =	shalt  }
0x64: {  	_ =	shalt  }
0x65: {  	_ =	shalt  }
0x66: {  	_ =	shalt  }
0x67: {  	_ =	shalt  }
0x68: {  	_ =	shalt  }
0x69: {  	_ =	shalt  }
0x6a: {  	_ =	shalt  }
0x6b: {  	_ =	shalt  }
0x6c: {  	_ =	shalt  }
0x6d: {  	_ =	shalt  }
0x6e: {  	_ =	shalt  }
0x6f: {  	_ =	shalt  }
0x70: {  	_ =	shalt  }
0x71: {  	_ =	shalt  }
0x72: {  	_ =	shalt  }
0x73: {  	_ =	shalt  }
0x74: {  	_ =	shalt  }
0x75: {  	_ =	shalt  }
0x76: {  	_ =	shalt  }
0x77: {  	_ =	shalt  }
0x78: {  	_ =	shalt  }
0x79: {  	_ =	shalt  }
0x7a: {  	_ =	shalt  }
0x7b: {  	_ =	shalt  }
0x7c: {  	_ =	shalt  }
0x7d: {  	_ =	shalt  }
0x7e: {  	_ =	shalt  }
0x7f: {  	_ =	shalt  }
0x80: {  	_ =	shalt  }
0x81: {  	_ =	shalt  }
0x82: {  	_ =	shalt  }
0x83: {  	_ =	shalt  }
0x84: {  	_ =	shalt  }
0x85: {  	_ =	shalt  }
0x86: {  	_ =	shalt  }
0x87: {  	_ =	shalt  }
.Lfunc_end0:
.L_simem_size_0:
called_computation.6_lowered:
.L_overlay_start_0:
0x88: {  	s2 =	sld [smem:$0x3FD9]  }
0x89: {  	s3 =	sld [smem:$0x3FFE];
	_ =	sdelay $0x1  }
0x8a: {  	s1 =	srdreg.scid  }
0x8b: {  	s0 =	sand.u32 $0x1, s1  }
0x8c: {  	s14 =	sshll.u32 s0, $0xA;
	s2 =	sadd.s32 s3, s2  }
0x8d: {  	s2 =	sadd.s32 s2, s14  }
0x8e: {  	[smem:$0x3FB1] =	sst s2  }
0x8f: {  	_ = 	snop  }
0x90: {  	s2 =	sld [smem:$0x3FD0];
	_ =	sdelay $0x2  }
0x91: {  	s15 =	simm.s32 $0xB;
	s4 =	simm.s32 $0x10  }
0x92: {  	[smem:s4], [sflag:s15] =	dma.local [hbm:s2], $0x1  }
0x93: {  	_ =	swait.eq [sflag:s15], $0x1  }
0x94: {  	[sflag:s15] =	ssyncset.done $0x0  }
0x95: {  	[sflag:s15] =	ssyncadd.s32 $0xFFFFFFFF  }
0x96: {  	s16 =	sld [smem:$0x14];
	(tm) =	ssettm $0x1  }
0x97: {  	s17 =	sld [smem:$0x3FFB];
	_ =	sdelay $0x3  }
0x98: {  	_ =	strace s17  }
0x99: {  	s3 =	sld [smem:$0x3FFC];
	_ =	sdelay $0x3  }
0x9a: {  	_ =	strace s3  }
0x9b: {  	s3 =	sld [smem:$0x3FFD];
	_ =	sdelay $0x3  }
0x9c: {  	_ =	strace s3  }
0x9d: {  	_ =	strace $0x8FFFFFFF  }
0x9e: {  	s18 =	sld [smem:$0x3FDB];
	_ =	sdelay $0x1  }
0x9f: {  	s19 =	simm.s32 $_scs_section_size  }
0xa0: {  	s5 =	simm.s32 $_size__tile_overlayer_lowered;
	s6 =	simm.s32 $_tile_overlayer_lowered  }
0xa1: {  	s22 =	simm.s32 $0x1BFF;
	s21 =	sshll.u32 s6, $0x1;
	s3 =	sadd.s32 s19, s18  }
0xa2: {  	s7 =	simm.s32 $0x0;
	s20 =	sshll.u32 s5, $0x1;
	s5 =	sadd.s32 s21, s3  }
0xa3: {  	[timem:s7], [sflag:s22] =	dma.local [hbm:s5], s20  }
0xa4: {  	_ =	swait.ge [sflag:s22], s20  }
0xa5: {  	s4 =	ssub.s32 $0x0, s20;
	[sflag:s22] =	ssyncset.done $0x0  }
0xa6: {  	[sflag:s22] =	ssyncadd.s32 s4;
	_ =	sdelay $0x1  }
0xa7: {  	s23 =	simm.s32 $0x1B8B  }
0xa8: {  	_ =	swait.ge [sflag:s23], $0x1  }
0xa9: {  	[sflag:s23] =	ssyncset.done $0x0  }
0xaa: {  	s25 =	simm.s32 $0x1B8E;
	s24 =	sld [smem:$0x3FFE];
	[sflag:s23] =	ssyncadd.s32 $0xFFFFFFFF  }
0xab: {  	s26 =	simm.s32 $execute0_lowered;
	[smem:$0x3FD2] =	sst s25  }
0xac: {  	s5 =	sshll.u32 s26, $0x1;
	_ =	strace $0x80000055;
	[dreg:$0x1] =	wrdreg $0xFFFFFFFF  }
0xad: {  	s28 =	simm.s32 $_size_execute0_lowered;
	s3 =	sadd.s32 s3, s5;
	[dreg:$0x0] =	wrdreg $0x0  }
0xae: {  	s5 =	sshll.u32 s28, $0x1;
	[dreg:$0x2] =	wrdreg s3  }
0xaf: {  	[dreg:$0x3] =	wrdreg s5  }
0xb0: {  	[dreg:$0x4] =	wrdreg $0xC0  }
0xb1: {  	_ =	task [dreg:s7], $0x5FFFF  }
0xb2: {  	[dreg:$0x1] =	wrdreg $0xFFFFFFFF  }
0xb3: {  	[dreg:$0x0] =	wrdreg $0x60  }
0xb4: {  	[dreg:$0x2] =	wrdreg s16  }
0xb5: {  	[dreg:$0x3] =	wrdreg s24  }
0xb6: {  	[dreg:$0x4] =	wrdreg $0xA  }
0xb7: {  	_ =	task.clear_ibuf [dreg:s7], $0x5FFFF;
	_ =	strace $0x90000055  }
0xb8: {  	s29 =	simm.s32 $0xA;
	_ =	strace $0x80000057  }
0xb9: {  	_ =	swait.ge [sflag:s29], $0x1  }
0xba: {  	[sflag:s29] =	ssyncadd.s32 $0xFFFFFFFF  }
0xbb: {  	_ =	strace $0x90000057  }
0xbc: {  	_ =	sfence  }
0xbd: {  	s30 =	sld [smem:$0x0];
	_ =	sdelay $0x2  }
0xbe: {  	s31 =	sshll.u32 s1, $0xD;
	s1 =	sshrl.u32 s1, $0x2  }
0xbf: {  	s3 =	sand.u32 $0x4000, s31;
	s1 =	sadd.s32 s1, s30  }
0xc0: {  	s0 =	sor.u32 s3, s0;
	s1 =	sshll.u32 s1, $0x11  }
0xc1: {  	s0 =	sor.u32 s1, s0  }
0xc2: {  	s0 =	sadd.s32 $0x8F2B, s0  }
0xc3: {  	[sflag:s0] =	ssyncadd.remote.s32 $0x1  }
0xc4: {  	_ =	sfence.sel $0xFFFF  }
0xc5: {  	[dreg:$0x0] =	wrdreg $0xFFFFFFFF;
	(pc) =	sbr.abs _section_cstart, $3  }
0xc6: {  	[dreg:$0x1] =	wrdreg $0xFFFFFFFF  }
0xc7: {  	_ =	task.clear_ibuf [dreg:s7], $0x2FFFF;
	_ =	strace $0x9FFFFFFF  }
0xc8: {  	(tm) =	ssettm $0x7FFFFFFF  }
0xc9: {  	_ =	shalt  }
tec
execute0_lowered:
.L_overlay_start_1:
0x0: {  	(tag) =	ssettag $0x1  }
0x1: {  	s2 =	rddreg [dreg:$0x0];
	s1 =	srdreg.scid  }
0x2: {  	s0 =	stileid.u32;
	s4 =	rddreg [dreg:$0x1]  }
0x3: {  	s3 =	simm.s32 $0x0;
	s9 =	simm.s32 $0x100;
	s10 =	simm.s32 $0xA800  }
0x4: {  	s11 =	simm.s32 $0x200;
	s12 =	simm.s32 $0x12800;
	s13 =	simm.s32 $0x1  }
0x5: {  	s14 =	simm.s32 $0x1A800;
	s5 =	sand.u32 $0x1, s1;
	s6 =	sshll.u32 s0, $0x1  }
0x6: {  	s15 =	simm.s32 $0x0;
	s1 =	rddreg [dreg:$0x2];
	s6 =	sor.u32 s5, s6  }
0x7: {  	[smem:$0x7FF] =	sst s3;
	s5 =	ssub.s32 $0x2, s5;
	s7 =	smul.u32 $0x500, s6  }
0x8: {  	_ =	strace $0x80000056;
	s8 =	sshrl.u32 s5, $0x1;
	s6 =	smul.u32 $0xA0000, s6  }
0x9: {  	s8 =	ssub.s32 s5, s8;
	s7 =	sadd.s32 s7, s4;
	s4 =	sadd.s32 $0x19E00, s4  }
0xa: {  	s5 =	sadd.s32 $0xFE00, s7;
	s7 =	smax.u32 s8, $0x1;
	s8 =	simm.s32 $0x2  }
.LBB2_1:
0xb: {  	[tilespmem:s3], [sflag:$0x2] =	stream.linear.gather [hbm4b:s5+s3], $0x2800, $0x38;
	[tilespmem:$0x1E800] =	vst v63  }
0xc: {  	_ =	swait.ge [sflag:s8], $0x2800  }
0xd: {  	[sflag:s8] =	ssyncset.done $0x0  }
0xe: {  	s16 =	simm.s32 $0x2800;
	[sflag:s8] =	ssyncadd.s32 $0xFFFFD800  }
0xf: {  	[tilespmem:s16], [sflag:$0x1] =	stream.indirect.gather [hbm4b:s2+s9], $0x80, s3, s9, $0xb8;
	[tilespmem:$0x1E800] =	vst v63  }
0x10: {  	_ = 	snop  }
0x11: {  	[tilespmem:s10], [sflag:$0x1] =	stream.indirect.gather [hbm4b:s2+s9], $0x80, s9, s9, $0xb8;
	[tilespmem:$0x1E800] =	vst v63  }
0x12: {  	s17 =	simm.s32 $0x0  }
0x13: {  	[tilespmem:s12], [sflag:$0x1] =	stream.indirect.gather [hbm4b:s2+s9], $0x80, s11, s9, $0xb8;
	[tilespmem:$0x1E800] =	vst v63  }
.LBB2_2:
0x14: {  	s18 =	smulhi.u32 $0xAAAAAAAB, s17;
	_ =	sdelay $0x1  }
0x15: {  	s19 =	smul.u32 $0xAB, s17;
	s18 =	sshrl.u32 s18, $0x1  }
0x16: {  	s18 =	smul.u32 $0xFFFA0000, s18;
	_ =	sdelay $0x1  }
0x17: {  	s19 =	sshrl.u32 s19, $0x9;
	s18 =	sshra.s32 s18, $0x2  }
0x18: {  	s19 =	sand.u32 $0x7F, s19;
	s18 =	sadd.s32 s18, s16  }
0x19: {  	s19 =	smul.u32 $0x3, s19;
	v0 =	vmov s18;
	_ =	sdelay $0x1  }
0x1a: {  	_ =	swait.ge [sflag:s13], $0x8000;
	s31 =	ssub.s32 s17, s19  }
0x1b: {  	[sflag:s13] =	ssyncset.done $0x0;
	s18 =	sand.u32 $0xFF, s31  }
0x1c: {  	[sflag:s13] =	ssyncadd.s32 $0xFFFF8000;
	s19 =	simm.s32 $0x0;
	s18 =	sshll.u32 s18, $0xF  }
0x1d: {  	s20 =	simm.s32 $0x200;
	s18 =	sor.u32 $0x2800, s18;
	v1 =	vld.idx.msk [tilespmem:v0+s19+$0x4010 ss:$0x1], $0xffff  }
.LBB2_3:
0x1e: {  	p0 =	sne.s32 s20, $0xFE00;
	v2 =	vld.idx.msk [tilespmem:v0+s19+$0x0 ss:$0x1], $0xffff;
	_ =	sdelay $0x4  }
.Ltmp0:
0x1f: {  	(pc) =	sbr.rel @p0 .LBB2_3-.Ltmp0, $3  }
0x20: {  	v1 =	vadd.f32 v1, v2;
	_ =	sdelay $0x1  }
0x21: {  	[tilespmem:s19+$0x1A800] =	vst v1;
	s19 =	sshra.s32 s20, $0x2  }
0x22: {  	s20 =	sadd.s32 $0x200, s20;
	v1 =	vld.idx.msk [tilespmem:v0+s19+$0x4010 ss:$0x1], $0xffff  }
0x23: {  	_ =	sdelay $0x3  }
0x24: {  	v0 =	vld.idx.msk [tilespmem:v0+s19+$0x0 ss:$0x1], $0xffff;
	_ =	sdelay $0x3  }
0x25: {  	p0 =	sgt.u32 s17, $0x24  }
0x26: {  	s20 =	sshll.u32 @!p0 s17, $0x8;
	v0 =	vadd.f32 v1, v0  }
0x27: {  	s20 =	sand.u32 @!p0 $0x3FFFFF00, s20  }
0x28: {  	s31 =	sshll.u32 s17, $0xE;
	[tilespmem:s19+$0x1A800] =	vst v0;
	s19 =	sadd.s32 @!p0 $0x300, s20;
	s20 =	simm.s32 @!p0 $0x100  }
0x29: {  	[tilespmem:s18], [sflag:$0x1] =	stream.indirect.gather @!p0 [hbm4b:s2+s20], $0x80, s19, s20, $0xb8;
	[tilespmem:$0x1E800] =	vst v63  }
0x2a: {  	s17 =	sadd.s32 $0x1, s17;
	s18 =	sadd.s32 s6, s31  }
0x2b: {  	p0 =	sne.s32 s17, $0x28;
	s18 =	sshrl.u32 s18, $0x3  }
.Ltmp1:
0x2c: {  	s18 =	sadd.s32 s4, s18;
	(pc) =	sbr.rel @p0 .LBB2_2-.Ltmp1, $4  }
0x2d: {  	[hbm4b:s18+s3] =	stream.linear.scatter [tilespmem:s14], [sflag:$0x2], $0x4000, $0x38;
	[tilespmem:$0x1E800] =	vst v63  }
0x2e: {  	_ =	swait.ge [sflag:s8], $0x4000  }
0x2f: {  	[sflag:s8] =	ssyncset.done $0x0  }
0x30: {  	s16 =	sadd.s32 $0x8000, s16;
	[sflag:s8] =	ssyncadd.s32 $0xFFFFC000  }
0x31: {  	s15 =	sadd.s32 $0x1, s15  }
0x32: {  	p0 =	sne.s32 s15, s7  }
.Ltmp2:
0x33: {  	_ = 	snop;
	(pc) =	sbr.rel @p0 .LBB2_1-.Ltmp2, $1  }
0x34: {  	_ =	sdelay $0x3  }
0x35: {  	_ =	sfence.sel $0x180000  }
0x36: {  	[bflag:$0x0] =	sbarrier.arrive $0xFFFF  }
0x37: {  	p0 =	sne.s32 s0, $0x0;
	_ =	strace $0x90000056  }
0x38: {  	s0 =	sadd.s32 @!p0 $0x100000, s1;
	[bflag:$0x2] =	sbarrier.arrive $0xFFFF  }
0x39: {  	[sflag:s0] =	ssyncadd.tile.s32 @!p0 $0x1;
	_ =	shalt  }
.Lfunc_end2:
_tile_overlayer_lowered:
.L_overlay_start_2:
0x3a: {  	(tag) =	ssettag $0x2  }
0x3b: {  	s0 =	rddreg [dreg:$0x0];
	s2 =	stileid.u32  }
0x3c: {  	s1 =	rddreg [dreg:$0x1];
	p0 =	sne.s32 s2, $0x0  }
0x3d: {  	s3 =	rddreg [dreg:$0x2];
	[bflag:$0x3] =	sbarrier.arrive $0xFFFF;
	s2 =	simm.s32 @!p0 $0x1C02  }
0x3e: {  	[timem:s3], [sflag:s2] =	dma.local @!p0 [hbm:s0], s1  }
0x3f: {  	s0 =	simm.s32 @!p0 $0x2  }
0x40: {  	_ =	swait.ge @!p0 [sflag:s0], s1  }
0x41: {  	s1 =	ssub.s32 @!p0 $0x0, s1;
	[sflag:s0] =	ssyncset.done @!p0 $0x0  }
0x42: {  	[sflag:s0] =	ssyncadd.s32 @!p0 s1  }
0x43: {  	[bflag:$0x3] =	sbarrier.arrive $0xFFFF  }
0x44: {  	_ =	shalt  }

</sc_bundles>
